<compile_context>
chip_gen: v7x
topology: tpu7x:2x2x1
jax: 0.10.2.dev20260603
libtpu: 0.0.44.dev20260713+nightly
codegen_flags: <defaults>
</compile_context>

<pallas_src>
import functools

import numpy as np
import jax
import jax.numpy as jnp
from jax import lax
from jax.experimental import pallas as pl
from jax.experimental.pallas import tpu as pltpu
from jax.experimental.pallas import tpu_sc as plsc

_SCALING = float(np.power(2.0, np.random.default_rng(seed=42).uniform(-1, 1)))
_L = 220500
_OUTPUT_SIZE = int(_L * _SCALING)
_OFFSET = (_OUTPUT_SIZE - _L) // 2
_SCALING_F32 = np.float32(_SCALING)

_NC, _NS = 2, 16
_NW = _NC * _NS
_ROWS = 16
_C = 6912
_PAD = _C * _NW
_ITERS = _C // 16
_W0 = 34560
_WSTRIDE = 4736
_WIN = 5120


def _interp_body(wav_hbm, out_hbm, win_v, out_v, src_v, sin, sout):
    wid = lax.axis_index("s") * _NC + lax.axis_index("c")
    start = _W0 + wid * _WSTRIDE
    jbase0 = wid * _C
    lane = lax.iota(jnp.int32, 16)

    def win_copy(b, buf):
        return pltpu.async_copy(
            wav_hbm.at[1, b, :, pl.ds(start, _WIN)], win_v.at[buf], sin.at[buf]
        )

    in_dma = [win_copy(0, 0), win_copy(1, 1)]

    @plsc.parallel_loop(0, _C, 16, unroll=4)
    def _pre(i):
        jv = jbase0 + i + lane
        src_v[pl.ds(i, 16)] = (jv + _OFFSET).astype(jnp.float32) / _SCALING_F32

    out_dma = [None, None]
    for b in range(8):
        in_dma[b % 2].wait()
        if out_dma[b % 2] is not None:
            out_dma[b % 2].wait()
        for ch in range(2):
            chs = jnp.full((16,), ch, jnp.int32)

            @plsc.parallel_loop(0, _C, 16, unroll=4)
            def _body(i, ch=ch, chs=chs, b2=b % 2):
                src = src_v[pl.ds(i, 16)]
                i0 = src.astype(jnp.int32)
                r = src - i0.astype(jnp.float32)
                li0 = i0 - start
                x0 = plsc.load_gather(win_v.at[b2], [chs, li0])
                x1 = plsc.load_gather(win_v.at[b2], [chs, li0 + 1])
                out_v[b % 2, ch, pl.ds(i, 16)] = x0 + r * (x1 - x0)

        if b + 2 < 8:
            in_dma[b % 2] = win_copy(b + 2, b % 2)
        out_dma[b % 2] = pltpu.async_copy(
            out_v.at[b % 2], out_hbm.at[b, :, pl.ds(jbase0, _C)], sout.at[b % 2]
        )
    out_dma[0].wait()
    out_dma[1].wait()


@jax.jit
def _sc_interp(wav):
    mesh = plsc.VectorSubcoreMesh(core_axis_name="c", subcore_axis_name="s")
    f = functools.partial(
        pl.kernel,
        mesh=mesh,
        out_type=jax.ShapeDtypeStruct((8, 2, _PAD), jnp.float32),
        scratch_types=[
            pltpu.VMEM((2, 2, _WIN), jnp.float32),
            pltpu.VMEM((2, 2, _C), jnp.float32),
            pltpu.VMEM((_C,), jnp.float32),
            pltpu.SemaphoreType.DMA((2,)),
            pltpu.SemaphoreType.DMA((2,)),
        ],
        compiler_params=pltpu.CompilerParams(needs_layout_passes=False),
    )(_interp_body)
    return f(wav)


def _copy023_body(wav_ref, out_ref):
    out_ref[...] = wav_ref[...]


@jax.jit
def _copy023(wav):
    return pl.pallas_call(
        _copy023_body,
        out_shape=jax.ShapeDtypeStruct((4, 8, 2, _L), jnp.float32),
        grid=(3, 8),
        in_specs=[
            pl.BlockSpec((1, 1, 2, _L), lambda t, b: (t + (t >= 1), b, 0, 0)),
        ],
        out_specs=pl.BlockSpec((1, 1, 2, _L), lambda t, b: (t + (t >= 1), b, 0, 0)),
    )(wav)


def _insert_body(base_ref, scaled_ref, out_ref):
    out_ref[0] = scaled_ref[:, :, :_L]


@jax.jit
def _insert(base, scaled):
    return pl.pallas_call(
        _insert_body,
        out_shape=jax.ShapeDtypeStruct((4, 8, 2, _L), jnp.float32),
        grid=(8,),
        in_specs=[
            pl.BlockSpec(memory_space=pl.ANY),
            pl.BlockSpec((1, 2, _PAD), lambda b: (b, 0, 0)),
        ],
        out_specs=pl.BlockSpec((1, 1, 2, _L), lambda b: (1, b, 0, 0)),
        input_output_aliases={0: 0},
    )(base, scaled)


def kernel(wav):
    scaled = _sc_interp(wav)
    return _insert(_copy023(wav), scaled)

# --- scband reference (transcript-rebuilt; emitter-appended) ---
"""Pipeline reference for scband-time-scale-68152541052966 (READ-ONLY COPY).

The authoritative reference and input builder live on the scoring server;
editing this copy changes nothing except your own understanding.
"""

import jax, jax.numpy as jnp
import numpy as np

SCALE = 2.0
TARGET = 1
SEED = 42


def setup_inputs(seed: int = 0) -> dict:
    key = jax.random.key(seed)
    wav = jax.random.normal(key, (4, 8, 2, 220500), dtype=jnp.float32)
    return {"wav": wav}


def reference(wav):
    # Replicate the module's numpy RNG (fresh default_rng(seed=42) at __init__).
    rngnp = np.random.default_rng(seed=SEED)
    length = wav.shape[-1]
    targets = [TARGET]
    for t in targets:
        signal = wav[t]  # [batch, channels, length]
        scaling = float(np.power(SCALE, rngnp.uniform(-1, 1)))
        output_size = int(length * scaling)
        ref = jnp.arange(output_size, dtype=signal.dtype) / scaling
        ref1 = ref.astype(jnp.int32)
        ref2 = jnp.minimum(ref1 + 1, length - 1)
        r = ref - ref1.astype(ref.dtype)
        scaled_signal = jnp.take(signal, ref1, axis=-1) * (1 - r) + jnp.take(signal, ref2, axis=-1) * r
        if output_size > length:
            nframes_offset = (output_size - length) // 2
            scaled_signal = scaled_signal[..., nframes_offset:nframes_offset + length]
        else:
            nframes_diff = length - output_size
            pad_left = int(np.random.uniform() * nframes_diff)
            pad_right = nframes_diff - pad_left
            scaled_signal = jnp.pad(scaled_signal, ((0, 0), (0, 0), (pad_left, pad_right)))
        wav = wav.at[t].set(scaled_signal)
    return wav

if __name__ == "__main__":
    import jax
    _d = setup_inputs()
    print(jax.jit(kernel)(*tuple(_d.values())))

</pallas_src>

<mosaic_0001>
#map = affine_map<(d0, d1) -> (0, 0, 0, 0)>
#map1 = affine_map<(d0, d1) -> (0, 0, 0)>
module attributes {stable_mosaic.version = 14 : i64} {
  func.func @_interp_body(%arg0: i32, %arg1: i32, %arg2: memref<4x8x2x220500xf32, #tpu.memory_space<hbm>>, %arg3: memref<8x2x221184xf32, #tpu.memory_space<hbm>>, %arg4: memref<2x2x5120xf32, #tpu.memory_space<vmem>>, %arg5: memref<2x2x6912xf32, #tpu.memory_space<vmem>>, %arg6: memref<6912xf32, #tpu.memory_space<vmem>>, %arg7: memref<2x!tpu.dma_semaphore, #tpu.memory_space<semaphore_mem>>, %arg8: memref<2x!tpu.dma_semaphore, #tpu.memory_space<semaphore_mem>>) attributes {dimension_semantics = [#tpu.dimension_semantics<core_parallel>, #tpu.dimension_semantics<subcore_parallel>], iteration_bounds = array<i64: 2, 16>, scalar_prefetch = 0 : i64, scratch_operands = 5 : i64, tpu.core_type = #tpu.core_type<sc_vector_subcore>, window_params = [{transform_indices = #map}, {transform_indices = #map1}]} {
    %mul3A = arith.constant 2 : i32
    %mul3A_0 = arith.muli %arg1, %mul3A : i32
    %add3A = arith.addi %mul3A_0, %arg0 : i32
    %mul3A_1 = arith.constant 4736 : i32
    %mul3A_2 = arith.muli %add3A, %mul3A_1 : i32
    %add3A_3 = arith.constant 34560 : i32
    %add3A_4 = arith.addi %add3A_3, %mul3A_2 : i32
    %mul3A_5 = arith.constant 6912 : i32
    %mul3A_6 = arith.muli %add3A, %mul3A_5 : i32
    %iota3A = tpu.iota {dimensions = array<i32: 0>} : vector<16xi32>
    %dma_start3A = arith.constant 1 : i32
    %dma_start3A_7 = arith.constant 0 : i32
    %dma_start3A_8 = arith.constant 0 : i32
    %dma_start3A_9 = arith.constant 0 : i32
    %dma_start3A_10 = arith.constant 0 : i32
    %dma_start3A_11 = arith.constant 0 : i32
    %dma_start3A_12 = tpu.memref_slice %arg4[%dma_start3A_8, %dma_start3A_10, %dma_start3A_11] : memref<2x2x5120xf32, #tpu.memory_space<vmem>> -> memref<1x2x5120xf32, #tpu.memory_space<vmem>>
    %dma_start3A_13 = tpu.memref_squeeze %dma_start3A_12 : memref<1x2x5120xf32, #tpu.memory_space<vmem>> -> memref<2x5120xf32, #tpu.memory_space<vmem>>
    %dma_start3A_14 = arith.constant 0 : i32
    %dma_start3A_15 = tpu.memref_slice %arg2[%dma_start3A, %dma_start3A_7, %dma_start3A_14, %add3A_4] : memref<4x8x2x220500xf32, #tpu.memory_space<hbm>> -> memref<1x1x2x5120xf32, #tpu.memory_space<hbm>>
    %dma_start3A_16 = tpu.memref_squeeze %dma_start3A_15 : memref<1x1x2x5120xf32, #tpu.memory_space<hbm>> -> memref<2x5120xf32, #tpu.memory_space<hbm>>
    %dma_start3A_17 = tpu.memref_slice %arg7[%dma_start3A_9] : memref<2x!tpu.dma_semaphore, #tpu.memory_space<semaphore_mem>> -> memref<1x!tpu.dma_semaphore, #tpu.memory_space<semaphore_mem>>
    %dma_start3A_18 = tpu.memref_squeeze %dma_start3A_17 : memref<1x!tpu.dma_semaphore, #tpu.memory_space<semaphore_mem>> -> memref<!tpu.dma_semaphore, #tpu.memory_space<semaphore_mem>>
    %dma_start3A_19 = arith.constant 0 : i32
    %dma_start3A_20 = arith.constant 0 : i32
    %dma_start3A_21 = tpu.memref_slice %arg4[%dma_start3A_8, %dma_start3A_19, %dma_start3A_20] : memref<2x2x5120xf32, #tpu.memory_space<vmem>> -> memref<1x2x5120xf32, #tpu.memory_space<vmem>>
    %dma_start3A_22 = tpu.memref_squeeze %dma_start3A_21 : memref<1x2x5120xf32, #tpu.memory_space<vmem>> -> memref<2x5120xf32, #tpu.memory_space<vmem>>
    %dma_start3A_23 = arith.constant 0 : i32
    %dma_start3A_24 = tpu.memref_slice %arg2[%dma_start3A, %dma_start3A_7, %dma_start3A_23, %add3A_4] : memref<4x8x2x220500xf32, #tpu.memory_space<hbm>> -> memref<1x1x2x5120xf32, #tpu.memory_space<hbm>>
    %dma_start3A_25 = tpu.memref_squeeze %dma_start3A_24 : memref<1x1x2x5120xf32, #tpu.memory_space<hbm>> -> memref<2x5120xf32, #tpu.memory_space<hbm>>
    tpu.enqueue_dma source(%dma_start3A_25 : memref<2x5120xf32, #tpu.memory_space<hbm>>) target(%dma_start3A_22 : memref<2x5120xf32, #tpu.memory_space<vmem>>) target_semaphore(%dma_start3A_18 : memref<!tpu.dma_semaphore, #tpu.memory_space<semaphore_mem>>)
    %dma_start3A_26 = arith.constant 1 : i32
    %dma_start3A_27 = arith.constant 1 : i32
    %dma_start3A_28 = arith.constant 1 : i32
    %dma_start3A_29 = arith.constant 1 : i32
    %dma_start3A_30 = arith.constant 0 : i32
    %dma_start3A_31 = arith.constant 0 : i32
    %dma_start3A_32 = tpu.memref_slice %arg4[%dma_start3A_28, %dma_start3A_30, %dma_start3A_31] : memref<2x2x5120xf32, #tpu.memory_space<vmem>> -> memref<1x2x5120xf32, #tpu.memory_space<vmem>>
    %dma_start3A_33 = tpu.memref_squeeze %dma_start3A_32 : memref<1x2x5120xf32, #tpu.memory_space<vmem>> -> memref<2x5120xf32, #tpu.memory_space<vmem>>
    %dma_start3A_34 = arith.constant 0 : i32
    %dma_start3A_35 = tpu.memref_slice %arg2[%dma_start3A_26, %dma_start3A_27, %dma_start3A_34, %add3A_4] : memref<4x8x2x220500xf32, #tpu.memory_space<hbm>> -> memref<1x1x2x5120xf32, #tpu.memory_space<hbm>>
    %dma_start3A_36 = tpu.memref_squeeze %dma_start3A_35 : memref<1x1x2x5120xf32, #tpu.memory_space<hbm>> -> memref<2x5120xf32, #tpu.memory_space<hbm>>
    %dma_start3A_37 = tpu.memref_slice %arg7[%dma_start3A_29] : memref<2x!tpu.dma_semaphore, #tpu.memory_space<semaphore_mem>> -> memref<1x!tpu.dma_semaphore, #tpu.memory_space<semaphore_mem>>
    %dma_start3A_38 = tpu.memref_squeeze %dma_start3A_37 : memref<1x!tpu.dma_semaphore, #tpu.memory_space<semaphore_mem>> -> memref<!tpu.dma_semaphore, #tpu.memory_space<semaphore_mem>>
    %dma_start3A_39 = arith.constant 0 : i32
    %dma_start3A_40 = arith.constant 0 : i32
    %dma_start3A_41 = tpu.memref_slice %arg4[%dma_start3A_28, %dma_start3A_39, %dma_start3A_40] : memref<2x2x5120xf32, #tpu.memory_space<vmem>> -> memref<1x2x5120xf32, #tpu.memory_space<vmem>>
    %dma_start3A_42 = tpu.memref_squeeze %dma_start3A_41 : memref<1x2x5120xf32, #tpu.memory_space<vmem>> -> memref<2x5120xf32, #tpu.memory_space<vmem>>
    %dma_start3A_43 = arith.constant 0 : i32
    %dma_start3A_44 = tpu.memref_slice %arg2[%dma_start3A_26, %dma_start3A_27, %dma_start3A_43, %add3A_4] : memref<4x8x2x220500xf32, #tpu.memory_space<hbm>> -> memref<1x1x2x5120xf32, #tpu.memory_space<hbm>>
    %dma_start3A_45 = tpu.memref_squeeze %dma_start3A_44 : memref<1x1x2x5120xf32, #tpu.memory_space<hbm>> -> memref<2x5120xf32, #tpu.memory_space<hbm>>
    tpu.enqueue_dma source(%dma_start3A_45 : memref<2x5120xf32, #tpu.memory_space<hbm>>) target(%dma_start3A_42 : memref<2x5120xf32, #tpu.memory_space<vmem>>) target_semaphore(%dma_start3A_38 : memref<!tpu.dma_semaphore, #tpu.memory_space<semaphore_mem>>)
    %parallel_loop3A = arith.constant 0 : i32
    %parallel_loop3A_46 = arith.constant 6912 : i32
    %parallel_loop3A_47 = arith.constant 16 : i32
    scf.for %parallel_loop3A_710 = %parallel_loop3A to %parallel_loop3A_46 step %parallel_loop3A_47  : i32 {
      %parallel_loop3A_711 = arith.addi %mul3A_6, %parallel_loop3A_710 : i32
      %parallel_loop3A_712 = vector.broadcast %parallel_loop3A_711 : i32 to vector<16xi32>
      %parallel_loop3A_713 = arith.addi %parallel_loop3A_712, %iota3A : vector<16xi32>
      %parallel_loop3A_714 = arith.constant 50932 : i32
      %parallel_loop3A_715 = vector.broadcast %parallel_loop3A_714 : i32 to vector<16xi32>
      %parallel_loop3A_716 = arith.addi %parallel_loop3A_713, %parallel_loop3A_715 : vector<16xi32>
      %parallel_loop3A_717 = arith.sitofp %parallel_loop3A_716 : vector<16xi32> to vector<16xf32>
      %parallel_loop3A_718 = arith.constant 1.46196842 : f32
      %parallel_loop3A_719 = vector.broadcast %parallel_loop3A_718 : f32 to vector<16xf32>
      %parallel_loop3A_720 = arith.divf %parallel_loop3A_717, %parallel_loop3A_719 : vector<16xf32>
      %parallel_loop3A_721 = arith.index_cast %parallel_loop3A_710 : i32 to index
      %parallel_loop3A_722 = tpu.vector_load %arg6[%parallel_loop3A_721] {strides = array<i32>} : memref<6912xf32, #tpu.memory_space<vmem>>, vector<16xf32>,
      tpu.vector_store %arg6[%parallel_loop3A_721], %parallel_loop3A_720 {strides = array<i32>} : memref<6912xf32, #tpu.memory_space<vmem>>, vector<16xf32>,
    } {sc.loop_unroll_factor = 4 : i64, sc.parallel_access}
    %dma_wait3A = arith.constant 1 : i32
    %dma_wait3A_48 = arith.constant 0 : i32
    %dma_wait3A_49 = arith.constant 0 : i32
    %dma_wait3A_50 = arith.constant 0 : i32
    %dma_wait3A_51 = arith.constant 0 : i32
    %dma_wait3A_52 = arith.constant 0 : i32
    %dma_wait3A_53 = tpu.memref_slice %arg4[%dma_wait3A_49, %dma_wait3A_51, %dma_wait3A_52] : memref<2x2x5120xf32, #tpu.memory_space<vmem>> -> memref<1x2x5120xf32, #tpu.memory_space<vmem>>
    %dma_wait3A_54 = tpu.memref_squeeze %dma_wait3A_53 : memref<1x2x5120xf32, #tpu.memory_space<vmem>> -> memref<2x5120xf32, #tpu.memory_space<vmem>>
    %dma_wait3A_55 = arith.constant 0 : i32
    %dma_wait3A_56 = tpu.memref_slice %arg2[%dma_wait3A, %dma_wait3A_48, %dma_wait3A_55, %add3A_4] : memref<4x8x2x220500xf32, #tpu.memory_space<hbm>> -> memref<1x1x2x5120xf32, #tpu.memory_space<hbm>>
    %dma_wait3A_57 = tpu.memref_squeeze %dma_wait3A_56 : memref<1x1x2x5120xf32, #tpu.memory_space<hbm>> -> memref<2x5120xf32, #tpu.memory_space<hbm>>
    %dma_wait3A_58 = tpu.memref_slice %arg7[%dma_wait3A_50] : memref<2x!tpu.dma_semaphore, #tpu.memory_space<semaphore_mem>> -> memref<1x!tpu.dma_semaphore, #tpu.memory_space<semaphore_mem>>
    %dma_wait3A_59 = tpu.memref_squeeze %dma_wait3A_58 : memref<1x!tpu.dma_semaphore, #tpu.memory_space<semaphore_mem>> -> memref<!tpu.dma_semaphore, #tpu.memory_space<semaphore_mem>>
    %dma_wait3A_60 = arith.constant 0 : i32
    %dma_wait3A_61 = arith.constant 0 : i32
    %dma_wait3A_62 = tpu.memref_slice %arg4[%dma_wait3A_49, %dma_wait3A_60, %dma_wait3A_61] : memref<2x2x5120xf32, #tpu.memory_space<vmem>> -> memref<1x2x5120xf32, #tpu.memory_space<vmem>>
    %dma_wait3A_63 = tpu.memref_squeeze %dma_wait3A_62 : memref<1x2x5120xf32, #tpu.memory_space<vmem>> -> memref<2x5120xf32, #tpu.memory_space<vmem>>
    %dma_wait3A_64 = arith.constant 0 : i32
    %dma_wait3A_65 = tpu.memref_slice %arg2[%dma_wait3A, %dma_wait3A_48, %dma_wait3A_64, %add3A_4] : memref<4x8x2x220500xf32, #tpu.memory_space<hbm>> -> memref<1x1x2x5120xf32, #tpu.memory_space<hbm>>
    %dma_wait3A_66 = tpu.memref_squeeze %dma_wait3A_65 : memref<1x1x2x5120xf32, #tpu.memory_space<hbm>> -> memref<2x5120xf32, #tpu.memory_space<hbm>>
    tpu.wait_dma2 semaphore(%dma_wait3A_59 : memref<!tpu.dma_semaphore, #tpu.memory_space<semaphore_mem>>) src(%dma_wait3A_66 : memref<2x5120xf32, #tpu.memory_space<hbm>>) dst(%dma_wait3A_63 : memref<2x5120xf32, #tpu.memory_space<vmem>>)
    %broadcast_in_dim3A = arith.constant 0 : i32
    %broadcast_in_dim3A_67 = vector.broadcast %broadcast_in_dim3A : i32 to vector<16xi32>
    %parallel_loop3A_68 = arith.constant 0 : i32
    %parallel_loop3A_69 = arith.constant 6912 : i32
    %parallel_loop3A_70 = arith.constant 16 : i32
    scf.for %parallel_loop3A_710 = %parallel_loop3A_68 to %parallel_loop3A_69 step %parallel_loop3A_70  : i32 {
      %parallel_loop3A_711 = arith.index_cast %parallel_loop3A_710 : i32 to index
      %parallel_loop3A_712 = tpu.vector_load %arg6[%parallel_loop3A_711] {strides = array<i32>} : memref<6912xf32, #tpu.memory_space<vmem>>, vector<16xf32>,
      %parallel_loop3A_713 = arith.fptosi %parallel_loop3A_712 : vector<16xf32> to vector<16xi32>
      %parallel_loop3A_714 = arith.sitofp %parallel_loop3A_713 : vector<16xi32> to vector<16xf32>
      %parallel_loop3A_715 = arith.subf %parallel_loop3A_712, %parallel_loop3A_714 : vector<16xf32>
      %parallel_loop3A_716 = vector.broadcast %add3A_4 : i32 to vector<16xi32>
      %parallel_loop3A_717 = arith.subi %parallel_loop3A_713, %parallel_loop3A_716 : vector<16xi32>
      %parallel_loop3A_718 = arith.constant 0 : i32
      %parallel_loop3A_719 = arith.constant 0 : i32
      %parallel_loop3A_720 = arith.constant 0 : i32
      %parallel_loop3A_721 = tpu.memref_slice %arg4[%parallel_loop3A_718, %parallel_loop3A_719, %parallel_loop3A_720] : memref<2x2x5120xf32, #tpu.memory_space<vmem>> -> memref<1x2x5120xf32, #tpu.memory_space<vmem>>
      %parallel_loop3A_722 = tpu.memref_squeeze %parallel_loop3A_721 : memref<1x2x5120xf32, #tpu.memory_space<vmem>> -> memref<2x5120xf32, #tpu.memory_space<vmem>>
      %parallel_loop3A_723 = tpu.vector_load_idx %parallel_loop3A_722[%broadcast_in_dim3A_67, %parallel_loop3A_717] : memref<2x5120xf32, #tpu.memory_space<vmem>>[vector<16xi32>, vector<16xi32>], vector<16xf32>,
      %parallel_loop3A_724 = arith.constant 1 : i32
      %parallel_loop3A_725 = vector.broadcast %parallel_loop3A_724 : i32 to vector<16xi32>
      %parallel_loop3A_726 = arith.addi %parallel_loop3A_717, %parallel_loop3A_725 : vector<16xi32>
      %parallel_loop3A_727 = arith.constant 0 : i32
      %parallel_loop3A_728 = arith.constant 0 : i32
      %parallel_loop3A_729 = arith.constant 0 : i32
      %parallel_loop3A_730 = tpu.memref_slice %arg4[%parallel_loop3A_727, %parallel_loop3A_728, %parallel_loop3A_729] : memref<2x2x5120xf32, #tpu.memory_space<vmem>> -> memref<1x2x5120xf32, #tpu.memory_space<vmem>>
      %parallel_loop3A_731 = tpu.memref_squeeze %parallel_loop3A_730 : memref<1x2x5120xf32, #tpu.memory_space<vmem>> -> memref<2x5120xf32, #tpu.memory_space<vmem>>
      %parallel_loop3A_732 = tpu.vector_load_idx %parallel_loop3A_731[%broadcast_in_dim3A_67, %parallel_loop3A_726] : memref<2x5120xf32, #tpu.memory_space<vmem>>[vector<16xi32>, vector<16xi32>], vector<16xf32>,
      %parallel_loop3A_733 = arith.subf %parallel_loop3A_732, %parallel_loop3A_723 : vector<16xf32>
      %parallel_loop3A_734 = arith.mulf %parallel_loop3A_715, %parallel_loop3A_733 : vector<16xf32>
      %parallel_loop3A_735 = arith.addf %parallel_loop3A_723, %parallel_loop3A_734 : vector<16xf32>
      %parallel_loop3A_736 = arith.constant 0 : i32
      %parallel_loop3A_737 = arith.constant 0 : i32
      %parallel_loop3A_738 = arith.index_cast %parallel_loop3A_736 : i32 to index
      %parallel_loop3A_739 = arith.index_cast %parallel_loop3A_737 : i32 to index
      %parallel_loop3A_740 = arith.index_cast %parallel_loop3A_710 : i32 to index
      %parallel_loop3A_741 = tpu.vector_load %arg5[%parallel_loop3A_738, %parallel_loop3A_739, %parallel_loop3A_740] {strides = array<i32>} : memref<2x2x6912xf32, #tpu.memory_space<vmem>>, vector<16xf32>,
      tpu.vector_store %arg5[%parallel_loop3A_738, %parallel_loop3A_739, %parallel_loop3A_740], %parallel_loop3A_735 {strides = array<i32>} : memref<2x2x6912xf32, #tpu.memory_space<vmem>>, vector<16xf32>,
    } {sc.loop_unroll_factor = 4 : i64, sc.parallel_access}
    %broadcast_in_dim3A_71 = arith.constant 1 : i32
    %broadcast_in_dim3A_72 = vector.broadcast %broadcast_in_dim3A_71 : i32 to vector<16xi32>
    %parallel_loop3A_73 = arith.constant 0 : i32
    %parallel_loop3A_74 = arith.constant 6912 : i32
    %parallel_loop3A_75 = arith.constant 16 : i32
    scf.for %parallel_loop3A_710 = %parallel_loop3A_73 to %parallel_loop3A_74 step %parallel_loop3A_75  : i32 {
      %parallel_loop3A_711 = arith.index_cast %parallel_loop3A_710 : i32 to index
      %parallel_loop3A_712 = tpu.vector_load %arg6[%parallel_loop3A_711] {strides = array<i32>} : memref<6912xf32, #tpu.memory_space<vmem>>, vector<16xf32>,
      %parallel_loop3A_713 = arith.fptosi %parallel_loop3A_712 : vector<16xf32> to vector<16xi32>
      %parallel_loop3A_714 = arith.sitofp %parallel_loop3A_713 : vector<16xi32> to vector<16xf32>
      %parallel_loop3A_715 = arith.subf %parallel_loop3A_712, %parallel_loop3A_714 : vector<16xf32>
      %parallel_loop3A_716 = vector.broadcast %add3A_4 : i32 to vector<16xi32>
      %parallel_loop3A_717 = arith.subi %parallel_loop3A_713, %parallel_loop3A_716 : vector<16xi32>
      %parallel_loop3A_718 = arith.constant 0 : i32
      %parallel_loop3A_719 = arith.constant 0 : i32
      %parallel_loop3A_720 = arith.constant 0 : i32
      %parallel_loop3A_721 = tpu.memref_slice %arg4[%parallel_loop3A_718, %parallel_loop3A_719, %parallel_loop3A_720] : memref<2x2x5120xf32, #tpu.memory_space<vmem>> -> memref<1x2x5120xf32, #tpu.memory_space<vmem>>
      %parallel_loop3A_722 = tpu.memref_squeeze %parallel_loop3A_721 : memref<1x2x5120xf32, #tpu.memory_space<vmem>> -> memref<2x5120xf32, #tpu.memory_space<vmem>>
      %parallel_loop3A_723 = tpu.vector_load_idx %parallel_loop3A_722[%broadcast_in_dim3A_72, %parallel_loop3A_717] : memref<2x5120xf32, #tpu.memory_space<vmem>>[vector<16xi32>, vector<16xi32>], vector<16xf32>,
      %parallel_loop3A_724 = arith.constant 1 : i32
      %parallel_loop3A_725 = vector.broadcast %parallel_loop3A_724 : i32 to vector<16xi32>
      %parallel_loop3A_726 = arith.addi %parallel_loop3A_717, %parallel_loop3A_725 : vector<16xi32>
      %parallel_loop3A_727 = arith.constant 0 : i32
      %parallel_loop3A_728 = arith.constant 0 : i32
      %parallel_loop3A_729 = arith.constant 0 : i32
      %parallel_loop3A_730 = tpu.memref_slice %arg4[%parallel_loop3A_727, %parallel_loop3A_728, %parallel_loop3A_729] : memref<2x2x5120xf32, #tpu.memory_space<vmem>> -> memref<1x2x5120xf32, #tpu.memory_space<vmem>>
      %parallel_loop3A_731 = tpu.memref_squeeze %parallel_loop3A_730 : memref<1x2x5120xf32, #tpu.memory_space<vmem>> -> memref<2x5120xf32, #tpu.memory_space<vmem>>
      %parallel_loop3A_732 = tpu.vector_load_idx %parallel_loop3A_731[%broadcast_in_dim3A_72, %parallel_loop3A_726] : memref<2x5120xf32, #tpu.memory_space<vmem>>[vector<16xi32>, vector<16xi32>], vector<16xf32>,
      %parallel_loop3A_733 = arith.subf %parallel_loop3A_732, %parallel_loop3A_723 : vector<16xf32>
      %parallel_loop3A_734 = arith.mulf %parallel_loop3A_715, %parallel_loop3A_733 : vector<16xf32>
      %parallel_loop3A_735 = arith.addf %parallel_loop3A_723, %parallel_loop3A_734 : vector<16xf32>
      %parallel_loop3A_736 = arith.constant 0 : i32
      %parallel_loop3A_737 = arith.constant 1 : i32
      %parallel_loop3A_738 = arith.index_cast %parallel_loop3A_736 : i32 to index
      %parallel_loop3A_739 = arith.index_cast %parallel_loop3A_737 : i32 to index
      %parallel_loop3A_740 = arith.index_cast %parallel_loop3A_710 : i32 to index
      %parallel_loop3A_741 = tpu.vector_load %arg5[%parallel_loop3A_738, %parallel_loop3A_739, %parallel_loop3A_740] {strides = array<i32>} : memref<2x2x6912xf32, #tpu.memory_space<vmem>>, vector<16xf32>,
      tpu.vector_store %arg5[%parallel_loop3A_738, %parallel_loop3A_739, %parallel_loop3A_740], %parallel_loop3A_735 {strides = array<i32>} : memref<2x2x6912xf32, #tpu.memory_space<vmem>>, vector<16xf32>,
    } {sc.loop_unroll_factor = 4 : i64, sc.parallel_access}
    %dma_start3A_76 = arith.constant 1 : i32
    %dma_start3A_77 = arith.constant 2 : i32
    %dma_start3A_78 = arith.constant 0 : i32
    %dma_start3A_79 = arith.constant 0 : i32
    %dma_start3A_80 = arith.constant 0 : i32
    %dma_start3A_81 = arith.constant 0 : i32
    %dma_start3A_82 = tpu.memref_slice %arg4[%dma_start3A_78, %dma_start3A_80, %dma_start3A_81] : memref<2x2x5120xf32, #tpu.memory_space<vmem>> -> memref<1x2x5120xf32, #tpu.memory_space<vmem>>
    %dma_start3A_83 = tpu.memref_squeeze %dma_start3A_82 : memref<1x2x5120xf32, #tpu.memory_space<vmem>> -> memref<2x5120xf32, #tpu.memory_space<vmem>>
    %dma_start3A_84 = arith.constant 0 : i32
    %dma_start3A_85 = tpu.memref_slice %arg2[%dma_start3A_76, %dma_start3A_77, %dma_start3A_84, %add3A_4] : memref<4x8x2x220500xf32, #tpu.memory_space<hbm>> -> memref<1x1x2x5120xf32, #tpu.memory_space<hbm>>
    %dma_start3A_86 = tpu.memref_squeeze %dma_start3A_85 : memref<1x1x2x5120xf32, #tpu.memory_space<hbm>> -> memref<2x5120xf32, #tpu.memory_space<hbm>>
    %dma_start3A_87 = tpu.memref_slice %arg7[%dma_start3A_79] : memref<2x!tpu.dma_semaphore, #tpu.memory_space<semaphore_mem>> -> memref<1x!tpu.dma_semaphore, #tpu.memory_space<semaphore_mem>>
    %dma_start3A_88 = tpu.memref_squeeze %dma_start3A_87 : memref<1x!tpu.dma_semaphore, #tpu.memory_space<semaphore_mem>> -> memref<!tpu.dma_semaphore, #tpu.memory_space<semaphore_mem>>
    %dma_start3A_89 = arith.constant 0 : i32
    %dma_start3A_90 = arith.constant 0 : i32
    %dma_start3A_91 = tpu.memref_slice %arg4[%dma_start3A_78, %dma_start3A_89, %dma_start3A_90] : memref<2x2x5120xf32, #tpu.memory_space<vmem>> -> memref<1x2x5120xf32, #tpu.memory_space<vmem>>
    %dma_start3A_92 = tpu.memref_squeeze %dma_start3A_91 : memref<1x2x5120xf32, #tpu.memory_space<vmem>> -> memref<2x5120xf32, #tpu.memory_space<vmem>>
    %dma_start3A_93 = arith.constant 0 : i32
    %dma_start3A_94 = tpu.memref_slice %arg2[%dma_start3A_76, %dma_start3A_77, %dma_start3A_93, %add3A_4] : memref<4x8x2x220500xf32, #tpu.memory_space<hbm>> -> memref<1x1x2x5120xf32, #tpu.memory_space<hbm>>
    %dma_start3A_95 = tpu.memref_squeeze %dma_start3A_94 : memref<1x1x2x5120xf32, #tpu.memory_space<hbm>> -> memref<2x5120xf32, #tpu.memory_space<hbm>>
    tpu.enqueue_dma source(%dma_start3A_95 : memref<2x5120xf32, #tpu.memory_space<hbm>>) target(%dma_start3A_92 : memref<2x5120xf32, #tpu.memory_space<vmem>>) target_semaphore(%dma_start3A_88 : memref<!tpu.dma_semaphore, #tpu.memory_space<semaphore_mem>>)
    %dma_start3A_96 = arith.constant 0 : i32
    %dma_start3A_97 = arith.constant 0 : i32
    %dma_start3A_98 = arith.constant 0 : i32
    %dma_start3A_99 = arith.constant 0 : i32
    %dma_start3A_100 = arith.constant 0 : i32
    %dma_start3A_101 = tpu.memref_slice %arg5[%dma_start3A_96, %dma_start3A_99, %dma_start3A_100] : memref<2x2x6912xf32, #tpu.memory_space<vmem>> -> memref<1x2x6912xf32, #tpu.memory_space<vmem>>
    %dma_start3A_102 = tpu.memref_squeeze %dma_start3A_101 : memref<1x2x6912xf32, #tpu.memory_space<vmem>> -> memref<2x6912xf32, #tpu.memory_space<vmem>>
    %dma_start3A_103 = arith.constant 0 : i32
    %dma_start3A_104 = tpu.memref_slice %arg3[%dma_start3A_97, %dma_start3A_103, %mul3A_6] : memref<8x2x221184xf32, #tpu.memory_space<hbm>> -> memref<1x2x6912xf32, #tpu.memory_space<hbm>>
    %dma_start3A_105 = tpu.memref_squeeze %dma_start3A_104 : memref<1x2x6912xf32, #tpu.memory_space<hbm>> -> memref<2x6912xf32, #tpu.memory_space<hbm>>
    %dma_start3A_106 = tpu.memref_slice %arg8[%dma_start3A_98] : memref<2x!tpu.dma_semaphore, #tpu.memory_space<semaphore_mem>> -> memref<1x!tpu.dma_semaphore, #tpu.memory_space<semaphore_mem>>
    %dma_start3A_107 = tpu.memref_squeeze %dma_start3A_106 : memref<1x!tpu.dma_semaphore, #tpu.memory_space<semaphore_mem>> -> memref<!tpu.dma_semaphore, #tpu.memory_space<semaphore_mem>>
    %dma_start3A_108 = arith.constant 0 : i32
    %dma_start3A_109 = tpu.memref_slice %arg3[%dma_start3A_97, %dma_start3A_108, %mul3A_6] : memref<8x2x221184xf32, #tpu.memory_space<hbm>> -> memref<1x2x6912xf32, #tpu.memory_space<hbm>>
    %dma_start3A_110 = tpu.memref_squeeze %dma_start3A_109 : memref<1x2x6912xf32, #tpu.memory_space<hbm>> -> memref<2x6912xf32, #tpu.memory_space<hbm>>
    %dma_start3A_111 = arith.constant 0 : i32
    %dma_start3A_112 = arith.constant 0 : i32
    %dma_start3A_113 = tpu.memref_slice %arg5[%dma_start3A_96, %dma_start3A_111, %dma_start3A_112] : memref<2x2x6912xf32, #tpu.memory_space<vmem>> -> memref<1x2x6912xf32, #tpu.memory_space<vmem>>
    %dma_start3A_114 = tpu.memref_squeeze %dma_start3A_113 : memref<1x2x6912xf32, #tpu.memory_space<vmem>> -> memref<2x6912xf32, #tpu.memory_space<vmem>>
    tpu.enqueue_dma source(%dma_start3A_114 : memref<2x6912xf32, #tpu.memory_space<vmem>>) target(%dma_start3A_110 : memref<2x6912xf32, #tpu.memory_space<hbm>>) target_semaphore(%dma_start3A_107 : memref<!tpu.dma_semaphore, #tpu.memory_space<semaphore_mem>>)
    %dma_wait3A_115 = arith.constant 1 : i32
    %dma_wait3A_116 = arith.constant 1 : i32
    %dma_wait3A_117 = arith.constant 1 : i32
    %dma_wait3A_118 = arith.constant 1 : i32
    %dma_wait3A_119 = arith.constant 0 : i32
    %dma_wait3A_120 = arith.constant 0 : i32
    %dma_wait3A_121 = tpu.memref_slice %arg4[%dma_wait3A_117, %dma_wait3A_119, %dma_wait3A_120] : memref<2x2x5120xf32, #tpu.memory_space<vmem>> -> memref<1x2x5120xf32, #tpu.memory_space<vmem>>
    %dma_wait3A_122 = tpu.memref_squeeze %dma_wait3A_121 : memref<1x2x5120xf32, #tpu.memory_space<vmem>> -> memref<2x5120xf32, #tpu.memory_space<vmem>>
    %dma_wait3A_123 = arith.constant 0 : i32
    %dma_wait3A_124 = tpu.memref_slice %arg2[%dma_wait3A_115, %dma_wait3A_116, %dma_wait3A_123, %add3A_4] : memref<4x8x2x220500xf32, #tpu.memory_space<hbm>> -> memref<1x1x2x5120xf32, #tpu.memory_space<hbm>>
    %dma_wait3A_125 = tpu.memref_squeeze %dma_wait3A_124 : memref<1x1x2x5120xf32, #tpu.memory_space<hbm>> -> memref<2x5120xf32, #tpu.memory_space<hbm>>
    %dma_wait3A_126 = tpu.memref_slice %arg7[%dma_wait3A_118] : memref<2x!tpu.dma_semaphore, #tpu.memory_space<semaphore_mem>> -> memref<1x!tpu.dma_semaphore, #tpu.memory_space<semaphore_mem>>
    %dma_wait3A_127 = tpu.memref_squeeze %dma_wait3A_126 : memref<1x!tpu.dma_semaphore, #tpu.memory_space<semaphore_mem>> -> memref<!tpu.dma_semaphore, #tpu.memory_space<semaphore_mem>>
    %dma_wait3A_128 = arith.constant 0 : i32
    %dma_wait3A_129 = arith.constant 0 : i32
    %dma_wait3A_130 = tpu.memref_slice %arg4[%dma_wait3A_117, %dma_wait3A_128, %dma_wait3A_129] : memref<2x2x5120xf32, #tpu.memory_space<vmem>> -> memref<1x2x5120xf32, #tpu.memory_space<vmem>>
    %dma_wait3A_131 = tpu.memref_squeeze %dma_wait3A_130 : memref<1x2x5120xf32, #tpu.memory_space<vmem>> -> memref<2x5120xf32, #tpu.memory_space<vmem>>
    %dma_wait3A_132 = arith.constant 0 : i32
    %dma_wait3A_133 = tpu.memref_slice %arg2[%dma_wait3A_115, %dma_wait3A_116, %dma_wait3A_132, %add3A_4] : memref<4x8x2x220500xf32, #tpu.memory_space<hbm>> -> memref<1x1x2x5120xf32, #tpu.memory_space<hbm>>
    %dma_wait3A_134 = tpu.memref_squeeze %dma_wait3A_133 : memref<1x1x2x5120xf32, #tpu.memory_space<hbm>> -> memref<2x5120xf32, #tpu.memory_space<hbm>>
    tpu.wait_dma2 semaphore(%dma_wait3A_127 : memref<!tpu.dma_semaphore, #tpu.memory_space<semaphore_mem>>) src(%dma_wait3A_134 : memref<2x5120xf32, #tpu.memory_space<hbm>>) dst(%dma_wait3A_131 : memref<2x5120xf32, #tpu.memory_space<vmem>>)
    %broadcast_in_dim3A_135 = arith.constant 0 : i32
    %broadcast_in_dim3A_136 = vector.broadcast %broadcast_in_dim3A_135 : i32 to vector<16xi32>
    %parallel_loop3A_137 = arith.constant 0 : i32
    %parallel_loop3A_138 = arith.constant 6912 : i32
    %parallel_loop3A_139 = arith.constant 16 : i32
    scf.for %parallel_loop3A_710 = %parallel_loop3A_137 to %parallel_loop3A_138 step %parallel_loop3A_139  : i32 {
      %parallel_loop3A_711 = arith.index_cast %parallel_loop3A_710 : i32 to index
      %parallel_loop3A_712 = tpu.vector_load %arg6[%parallel_loop3A_711] {strides = array<i32>} : memref<6912xf32, #tpu.memory_space<vmem>>, vector<16xf32>,
      %parallel_loop3A_713 = arith.fptosi %parallel_loop3A_712 : vector<16xf32> to vector<16xi32>
      %parallel_loop3A_714 = arith.sitofp %parallel_loop3A_713 : vector<16xi32> to vector<16xf32>
      %parallel_loop3A_715 = arith.subf %parallel_loop3A_712, %parallel_loop3A_714 : vector<16xf32>
      %parallel_loop3A_716 = vector.broadcast %add3A_4 : i32 to vector<16xi32>
      %parallel_loop3A_717 = arith.subi %parallel_loop3A_713, %parallel_loop3A_716 : vector<16xi32>
      %parallel_loop3A_718 = arith.constant 1 : i32
      %parallel_loop3A_719 = arith.constant 0 : i32
      %parallel_loop3A_720 = arith.constant 0 : i32
      %parallel_loop3A_721 = tpu.memref_slice %arg4[%parallel_loop3A_718, %parallel_loop3A_719, %parallel_loop3A_720] : memref<2x2x5120xf32, #tpu.memory_space<vmem>> -> memref<1x2x5120xf32, #tpu.memory_space<vmem>>
      %parallel_loop3A_722 = tpu.memref_squeeze %parallel_loop3A_721 : memref<1x2x5120xf32, #tpu.memory_space<vmem>> -> memref<2x5120xf32, #tpu.memory_space<vmem>>
      %parallel_loop3A_723 = tpu.vector_load_idx %parallel_loop3A_722[%broadcast_in_dim3A_136, %parallel_loop3A_717] : memref<2x5120xf32, #tpu.memory_space<vmem>>[vector<16xi32>, vector<16xi32>], vector<16xf32>,
      %parallel_loop3A_724 = arith.constant 1 : i32
      %parallel_loop3A_725 = vector.broadcast %parallel_loop3A_724 : i32 to vector<16xi32>
      %parallel_loop3A_726 = arith.addi %parallel_loop3A_717, %parallel_loop3A_725 : vector<16xi32>
      %parallel_loop3A_727 = arith.constant 1 : i32
      %parallel_loop3A_728 = arith.constant 0 : i32
      %parallel_loop3A_729 = arith.constant 0 : i32
      %parallel_loop3A_730 = tpu.memref_slice %arg4[%parallel_loop3A_727, %parallel_loop3A_728, %parallel_loop3A_729] : memref<2x2x5120xf32, #tpu.memory_space<vmem>> -> memref<1x2x5120xf32, #tpu.memory_space<vmem>>
      %parallel_loop3A_731 = tpu.memref_squeeze %parallel_loop3A_730 : memref<1x2x5120xf32, #tpu.memory_space<vmem>> -> memref<2x5120xf32, #tpu.memory_space<vmem>>
      %parallel_loop3A_732 = tpu.vector_load_idx %parallel_loop3A_731[%broadcast_in_dim3A_136, %parallel_loop3A_726] : memref<2x5120xf32, #tpu.memory_space<vmem>>[vector<16xi32>, vector<16xi32>], vector<16xf32>,
      %parallel_loop3A_733 = arith.subf %parallel_loop3A_732, %parallel_loop3A_723 : vector<16xf32>
      %parallel_loop3A_734 = arith.mulf %parallel_loop3A_715, %parallel_loop3A_733 : vector<16xf32>
      %parallel_loop3A_735 = arith.addf %parallel_loop3A_723, %parallel_loop3A_734 : vector<16xf32>
      %parallel_loop3A_736 = arith.constant 1 : i32
      %parallel_loop3A_737 = arith.constant 0 : i32
      %parallel_loop3A_738 = arith.index_cast %parallel_loop3A_736 : i32 to index
      %parallel_loop3A_739 = arith.index_cast %parallel_loop3A_737 : i32 to index
      %parallel_loop3A_740 = arith.index_cast %parallel_loop3A_710 : i32 to index
      %parallel_loop3A_741 = tpu.vector_load %arg5[%parallel_loop3A_738, %parallel_loop3A_739, %parallel_loop3A_740] {strides = array<i32>} : memref<2x2x6912xf32, #tpu.memory_space<vmem>>, vector<16xf32>,
      tpu.vector_store %arg5[%parallel_loop3A_738, %parallel_loop3A_739, %parallel_loop3A_740], %parallel_loop3A_735 {strides = array<i32>} : memref<2x2x6912xf32, #tpu.memory_space<vmem>>, vector<16xf32>,
    } {sc.loop_unroll_factor = 4 : i64, sc.parallel_access}
    %broadcast_in_dim3A_140 = arith.constant 1 : i32
    %broadcast_in_dim3A_141 = vector.broadcast %broadcast_in_dim3A_140 : i32 to vector<16xi32>
    %parallel_loop3A_142 = arith.constant 0 : i32
    %parallel_loop3A_143 = arith.constant 6912 : i32
    %parallel_loop3A_144 = arith.constant 16 : i32
    scf.for %parallel_loop3A_710 = %parallel_loop3A_142 to %parallel_loop3A_143 step %parallel_loop3A_144  : i32 {
      %parallel_loop3A_711 = arith.index_cast %parallel_loop3A_710 : i32 to index
      %parallel_loop3A_712 = tpu.vector_load %arg6[%parallel_loop3A_711] {strides = array<i32>} : memref<6912xf32, #tpu.memory_space<vmem>>, vector<16xf32>,
      %parallel_loop3A_713 = arith.fptosi %parallel_loop3A_712 : vector<16xf32> to vector<16xi32>
      %parallel_loop3A_714 = arith.sitofp %parallel_loop3A_713 : vector<16xi32> to vector<16xf32>
      %parallel_loop3A_715 = arith.subf %parallel_loop3A_712, %parallel_loop3A_714 : vector<16xf32>
      %parallel_loop3A_716 = vector.broadcast %add3A_4 : i32 to vector<16xi32>
      %parallel_loop3A_717 = arith.subi %parallel_loop3A_713, %parallel_loop3A_716 : vector<16xi32>
      %parallel_loop3A_718 = arith.constant 1 : i32
      %parallel_loop3A_719 = arith.constant 0 : i32
      %parallel_loop3A_720 = arith.constant 0 : i32
      %parallel_loop3A_721 = tpu.memref_slice %arg4[%parallel_loop3A_718, %parallel_loop3A_719, %parallel_loop3A_720] : memref<2x2x5120xf32, #tpu.memory_space<vmem>> -> memref<1x2x5120xf32, #tpu.memory_space<vmem>>
      %parallel_loop3A_722 = tpu.memref_squeeze %parallel_loop3A_721 : memref<1x2x5120xf32, #tpu.memory_space<vmem>> -> memref<2x5120xf32, #tpu.memory_space<vmem>>
      %parallel_loop3A_723 = tpu.vector_load_idx %parallel_loop3A_722[%broadcast_in_dim3A_141, %parallel_loop3A_717] : memref<2x5120xf32, #tpu.memory_space<vmem>>[vector<16xi32>, vector<16xi32>], vector<16xf32>,
      %parallel_loop3A_724 = arith.constant 1 : i32
      %parallel_loop3A_725 = vector.broadcast %parallel_loop3A_724 : i32 to vector<16xi32>
      %parallel_loop3A_726 = arith.addi %parallel_loop3A_717, %parallel_loop3A_725 : vector<16xi32>
      %parallel_loop3A_727 = arith.constant 1 : i32
      %parallel_loop3A_728 = arith.constant 0 : i32
      %parallel_loop3A_729 = arith.constant 0 : i32
      %parallel_loop3A_730 = tpu.memref_slice %arg4[%parallel_loop3A_727, %parallel_loop3A_728, %parallel_loop3A_729] : memref<2x2x5120xf32, #tpu.memory_space<vmem>> -> memref<1x2x5120xf32, #tpu.memory_space<vmem>>
      %parallel_loop3A_731 = tpu.memref_squeeze %parallel_loop3A_730 : memref<1x2x5120xf32, #tpu.memory_space<vmem>> -> memref<2x5120xf32, #tpu.memory_space<vmem>>
      %parallel_loop3A_732 = tpu.vector_load_idx %parallel_loop3A_731[%broadcast_in_dim3A_141, %parallel_loop3A_726] : memref<2x5120xf32, #tpu.memory_space<vmem>>[vector<16xi32>, vector<16xi32>], vector<16xf32>,
      %parallel_loop3A_733 = arith.subf %parallel_loop3A_732, %parallel_loop3A_723 : vector<16xf32>
      %parallel_loop3A_734 = arith.mulf %parallel_loop3A_715, %parallel_loop3A_733 : vector<16xf32>
      %parallel_loop3A_735 = arith.addf %parallel_loop3A_723, %parallel_loop3A_734 : vector<16xf32>
      %parallel_loop3A_736 = arith.constant 1 : i32
      %parallel_loop3A_737 = arith.constant 1 : i32
      %parallel_loop3A_738 = arith.index_cast %parallel_loop3A_736 : i32 to index
      %parallel_loop3A_739 = arith.index_cast %parallel_loop3A_737 : i32 to index
      %parallel_loop3A_740 = arith.index_cast %parallel_loop3A_710 : i32 to index
      %parallel_loop3A_741 = tpu.vector_load %arg5[%parallel_loop3A_738, %parallel_loop3A_739, %parallel_loop3A_740] {strides = array<i32>} : memref<2x2x6912xf32, #tpu.memory_space<vmem>>, vector<16xf32>,
      tpu.vector_store %arg5[%parallel_loop3A_738, %parallel_loop3A_739, %parallel_loop3A_740], %parallel_loop3A_735 {strides = array<i32>} : memref<2x2x6912xf32, #tpu.memory_space<vmem>>, vector<16xf32>,
    } {sc.loop_unroll_factor = 4 : i64, sc.parallel_access}
    %dma_start3A_145 = arith.constant 1 : i32
    %dma_start3A_146 = arith.constant 3 : i32
    %dma_start3A_147 = arith.constant 1 : i32
    %dma_start3A_148 = arith.constant 1 : i32
    %dma_start3A_149 = arith.constant 0 : i32
    %dma_start3A_150 = arith.constant 0 : i32
    %dma_start3A_151 = tpu.memref_slice %arg4[%dma_start3A_147, %dma_start3A_149, %dma_start3A_150] : memref<2x2x5120xf32, #tpu.memory_space<vmem>> -> memref<1x2x5120xf32, #tpu.memory_space<vmem>>
    %dma_start3A_152 = tpu.memref_squeeze %dma_start3A_151 : memref<1x2x5120xf32, #tpu.memory_space<vmem>> -> memref<2x5120xf32, #tpu.memory_space<vmem>>
    %dma_start3A_153 = arith.constant 0 : i32
    %dma_start3A_154 = tpu.memref_slice %arg2[%dma_start3A_145, %dma_start3A_146, %dma_start3A_153, %add3A_4] : memref<4x8x2x220500xf32, #tpu.memory_space<hbm>> -> memref<1x1x2x5120xf32, #tpu.memory_space<hbm>>
    %dma_start3A_155 = tpu.memref_squeeze %dma_start3A_154 : memref<1x1x2x5120xf32, #tpu.memory_space<hbm>> -> memref<2x5120xf32, #tpu.memory_space<hbm>>
    %dma_start3A_156 = tpu.memref_slice %arg7[%dma_start3A_148] : memref<2x!tpu.dma_semaphore, #tpu.memory_space<semaphore_mem>> -> memref<1x!tpu.dma_semaphore, #tpu.memory_space<semaphore_mem>>
    %dma_start3A_157 = tpu.memref_squeeze %dma_start3A_156 : memref<1x!tpu.dma_semaphore, #tpu.memory_space<semaphore_mem>> -> memref<!tpu.dma_semaphore, #tpu.memory_space<semaphore_mem>>
    %dma_start3A_158 = arith.constant 0 : i32
    %dma_start3A_159 = arith.constant 0 : i32
    %dma_start3A_160 = tpu.memref_slice %arg4[%dma_start3A_147, %dma_start3A_158, %dma_start3A_159] : memref<2x2x5120xf32, #tpu.memory_space<vmem>> -> memref<1x2x5120xf32, #tpu.memory_space<vmem>>
    %dma_start3A_161 = tpu.memref_squeeze %dma_start3A_160 : memref<1x2x5120xf32, #tpu.memory_space<vmem>> -> memref<2x5120xf32, #tpu.memory_space<vmem>>
    %dma_start3A_162 = arith.constant 0 : i32
    %dma_start3A_163 = tpu.memref_slice %arg2[%dma_start3A_145, %dma_start3A_146, %dma_start3A_162, %add3A_4] : memref<4x8x2x220500xf32, #tpu.memory_space<hbm>> -> memref<1x1x2x5120xf32, #tpu.memory_space<hbm>>
    %dma_start3A_164 = tpu.memref_squeeze %dma_start3A_163 : memref<1x1x2x5120xf32, #tpu.memory_space<hbm>> -> memref<2x5120xf32, #tpu.memory_space<hbm>>
    tpu.enqueue_dma source(%dma_start3A_164 : memref<2x5120xf32, #tpu.memory_space<hbm>>) target(%dma_start3A_161 : memref<2x5120xf32, #tpu.memory_space<vmem>>) target_semaphore(%dma_start3A_157 : memref<!tpu.dma_semaphore, #tpu.memory_space<semaphore_mem>>)
    %dma_start3A_165 = arith.constant 1 : i32
    %dma_start3A_166 = arith.constant 1 : i32
    %dma_start3A_167 = arith.constant 1 : i32
    %dma_start3A_168 = arith.constant 0 : i32
    %dma_start3A_169 = arith.constant 0 : i32
    %dma_start3A_170 = tpu.memref_slice %arg5[%dma_start3A_165, %dma_start3A_168, %dma_start3A_169] : memref<2x2x6912xf32, #tpu.memory_space<vmem>> -> memref<1x2x6912xf32, #tpu.memory_space<vmem>>
    %dma_start3A_171 = tpu.memref_squeeze %dma_start3A_170 : memref<1x2x6912xf32, #tpu.memory_space<vmem>> -> memref<2x6912xf32, #tpu.memory_space<vmem>>
    %dma_start3A_172 = arith.constant 0 : i32
    %dma_start3A_173 = tpu.memref_slice %arg3[%dma_start3A_166, %dma_start3A_172, %mul3A_6] : memref<8x2x221184xf32, #tpu.memory_space<hbm>> -> memref<1x2x6912xf32, #tpu.memory_space<hbm>>
    %dma_start3A_174 = tpu.memref_squeeze %dma_start3A_173 : memref<1x2x6912xf32, #tpu.memory_space<hbm>> -> memref<2x6912xf32, #tpu.memory_space<hbm>>
    %dma_start3A_175 = tpu.memref_slice %arg8[%dma_start3A_167] : memref<2x!tpu.dma_semaphore, #tpu.memory_space<semaphore_mem>> -> memref<1x!tpu.dma_semaphore, #tpu.memory_space<semaphore_mem>>
    %dma_start3A_176 = tpu.memref_squeeze %dma_start3A_175 : memref<1x!tpu.dma_semaphore, #tpu.memory_space<semaphore_mem>> -> memref<!tpu.dma_semaphore, #tpu.memory_space<semaphore_mem>>
    %dma_start3A_177 = arith.constant 0 : i32
    %dma_start3A_178 = tpu.memref_slice %arg3[%dma_start3A_166, %dma_start3A_177, %mul3A_6] : memref<8x2x221184xf32, #tpu.memory_space<hbm>> -> memref<1x2x6912xf32, #tpu.memory_space<hbm>>
    %dma_start3A_179 = tpu.memref_squeeze %dma_start3A_178 : memref<1x2x6912xf32, #tpu.memory_space<hbm>> -> memref<2x6912xf32, #tpu.memory_space<hbm>>
    %dma_start3A_180 = arith.constant 0 : i32
    %dma_start3A_181 = arith.constant 0 : i32
    %dma_start3A_182 = tpu.memref_slice %arg5[%dma_start3A_165, %dma_start3A_180, %dma_start3A_181] : memref<2x2x6912xf32, #tpu.memory_space<vmem>> -> memref<1x2x6912xf32, #tpu.memory_space<vmem>>
    %dma_start3A_183 = tpu.memref_squeeze %dma_start3A_182 : memref<1x2x6912xf32, #tpu.memory_space<vmem>> -> memref<2x6912xf32, #tpu.memory_space<vmem>>
    tpu.enqueue_dma source(%dma_start3A_183 : memref<2x6912xf32, #tpu.memory_space<vmem>>) target(%dma_start3A_179 : memref<2x6912xf32, #tpu.memory_space<hbm>>) target_semaphore(%dma_start3A_176 : memref<!tpu.dma_semaphore, #tpu.memory_space<semaphore_mem>>)
    %dma_wait3A_184 = arith.constant 1 : i32
    %dma_wait3A_185 = arith.constant 2 : i32
    %dma_wait3A_186 = arith.constant 0 : i32
    %dma_wait3A_187 = arith.constant 0 : i32
    %dma_wait3A_188 = arith.constant 0 : i32
    %dma_wait3A_189 = arith.constant 0 : i32
    %dma_wait3A_190 = tpu.memref_slice %arg4[%dma_wait3A_186, %dma_wait3A_188, %dma_wait3A_189] : memref<2x2x5120xf32, #tpu.memory_space<vmem>> -> memref<1x2x5120xf32, #tpu.memory_space<vmem>>
    %dma_wait3A_191 = tpu.memref_squeeze %dma_wait3A_190 : memref<1x2x5120xf32, #tpu.memory_space<vmem>> -> memref<2x5120xf32, #tpu.memory_space<vmem>>
    %dma_wait3A_192 = arith.constant 0 : i32
    %dma_wait3A_193 = tpu.memref_slice %arg2[%dma_wait3A_184, %dma_wait3A_185, %dma_wait3A_192, %add3A_4] : memref<4x8x2x220500xf32, #tpu.memory_space<hbm>> -> memref<1x1x2x5120xf32, #tpu.memory_space<hbm>>
    %dma_wait3A_194 = tpu.memref_squeeze %dma_wait3A_193 : memref<1x1x2x5120xf32, #tpu.memory_space<hbm>> -> memref<2x5120xf32, #tpu.memory_space<hbm>>
    %dma_wait3A_195 = tpu.memref_slice %arg7[%dma_wait3A_187] : memref<2x!tpu.dma_semaphore, #tpu.memory_space<semaphore_mem>> -> memref<1x!tpu.dma_semaphore, #tpu.memory_space<semaphore_mem>>
    %dma_wait3A_196 = tpu.memref_squeeze %dma_wait3A_195 : memref<1x!tpu.dma_semaphore, #tpu.memory_space<semaphore_mem>> -> memref<!tpu.dma_semaphore, #tpu.memory_space<semaphore_mem>>
    %dma_wait3A_197 = arith.constant 0 : i32
    %dma_wait3A_198 = arith.constant 0 : i32
    %dma_wait3A_199 = tpu.memref_slice %arg4[%dma_wait3A_186, %dma_wait3A_197, %dma_wait3A_198] : memref<2x2x5120xf32, #tpu.memory_space<vmem>> -> memref<1x2x5120xf32, #tpu.memory_space<vmem>>
    %dma_wait3A_200 = tpu.memref_squeeze %dma_wait3A_199 : memref<1x2x5120xf32, #tpu.memory_space<vmem>> -> memref<2x5120xf32, #tpu.memory_space<vmem>>
    %dma_wait3A_201 = arith.constant 0 : i32
    %dma_wait3A_202 = tpu.memref_slice %arg2[%dma_wait3A_184, %dma_wait3A_185, %dma_wait3A_201, %add3A_4] : memref<4x8x2x220500xf32, #tpu.memory_space<hbm>> -> memref<1x1x2x5120xf32, #tpu.memory_space<hbm>>
    %dma_wait3A_203 = tpu.memref_squeeze %dma_wait3A_202 : memref<1x1x2x5120xf32, #tpu.memory_space<hbm>> -> memref<2x5120xf32, #tpu.memory_space<hbm>>
    tpu.wait_dma2 semaphore(%dma_wait3A_196 : memref<!tpu.dma_semaphore, #tpu.memory_space<semaphore_mem>>) src(%dma_wait3A_203 : memref<2x5120xf32, #tpu.memory_space<hbm>>) dst(%dma_wait3A_200 : memref<2x5120xf32, #tpu.memory_space<vmem>>)
    %dma_wait3A_204 = arith.constant 0 : i32
    %dma_wait3A_205 = arith.constant 0 : i32
    %dma_wait3A_206 = arith.constant 0 : i32
    %dma_wait3A_207 = arith.constant 0 : i32
    %dma_wait3A_208 = arith.constant 0 : i32
    %dma_wait3A_209 = tpu.memref_slice %arg5[%dma_wait3A_204, %dma_wait3A_207, %dma_wait3A_208] : memref<2x2x6912xf32, #tpu.memory_space<vmem>> -> memref<1x2x6912xf32, #tpu.memory_space<vmem>>
    %dma_wait3A_210 = tpu.memref_squeeze %dma_wait3A_209 : memref<1x2x6912xf32, #tpu.memory_space<vmem>> -> memref<2x6912xf32, #tpu.memory_space<vmem>>
    %dma_wait3A_211 = arith.constant 0 : i32
    %dma_wait3A_212 = tpu.memref_slice %arg3[%dma_wait3A_205, %dma_wait3A_211, %mul3A_6] : memref<8x2x221184xf32, #tpu.memory_space<hbm>> -> memref<1x2x6912xf32, #tpu.memory_space<hbm>>
    %dma_wait3A_213 = tpu.memref_squeeze %dma_wait3A_212 : memref<1x2x6912xf32, #tpu.memory_space<hbm>> -> memref<2x6912xf32, #tpu.memory_space<hbm>>
    %dma_wait3A_214 = tpu.memref_slice %arg8[%dma_wait3A_206] : memref<2x!tpu.dma_semaphore, #tpu.memory_space<semaphore_mem>> -> memref<1x!tpu.dma_semaphore, #tpu.memory_space<semaphore_mem>>
    %dma_wait3A_215 = tpu.memref_squeeze %dma_wait3A_214 : memref<1x!tpu.dma_semaphore, #tpu.memory_space<semaphore_mem>> -> memref<!tpu.dma_semaphore, #tpu.memory_space<semaphore_mem>>
    %dma_wait3A_216 = arith.constant 0 : i32
    %dma_wait3A_217 = tpu.memref_slice %arg3[%dma_wait3A_205, %dma_wait3A_216, %mul3A_6] : memref<8x2x221184xf32, #tpu.memory_space<hbm>> -> memref<1x2x6912xf32, #tpu.memory_space<hbm>>
    %dma_wait3A_218 = tpu.memref_squeeze %dma_wait3A_217 : memref<1x2x6912xf32, #tpu.memory_space<hbm>> -> memref<2x6912xf32, #tpu.memory_space<hbm>>
    %dma_wait3A_219 = arith.constant 0 : i32
    %dma_wait3A_220 = arith.constant 0 : i32
    %dma_wait3A_221 = tpu.memref_slice %arg5[%dma_wait3A_204, %dma_wait3A_219, %dma_wait3A_220] : memref<2x2x6912xf32, #tpu.memory_space<vmem>> -> memref<1x2x6912xf32, #tpu.memory_space<vmem>>
    %dma_wait3A_222 = tpu.memref_squeeze %dma_wait3A_221 : memref<1x2x6912xf32, #tpu.memory_space<vmem>> -> memref<2x6912xf32, #tpu.memory_space<vmem>>
    tpu.wait_dma2 semaphore(%dma_wait3A_215 : memref<!tpu.dma_semaphore, #tpu.memory_space<semaphore_mem>>) src(%dma_wait3A_222 : memref<2x6912xf32, #tpu.memory_space<vmem>>) dst(%dma_wait3A_218 : memref<2x6912xf32, #tpu.memory_space<hbm>>)
    %broadcast_in_dim3A_223 = arith.constant 0 : i32
    %broadcast_in_dim3A_224 = vector.broadcast %broadcast_in_dim3A_223 : i32 to vector<16xi32>
    %parallel_loop3A_225 = arith.constant 0 : i32
    %parallel_loop3A_226 = arith.constant 6912 : i32
    %parallel_loop3A_227 = arith.constant 16 : i32
    scf.for %parallel_loop3A_710 = %parallel_loop3A_225 to %parallel_loop3A_226 step %parallel_loop3A_227  : i32 {
      %parallel_loop3A_711 = arith.index_cast %parallel_loop3A_710 : i32 to index
      %parallel_loop3A_712 = tpu.vector_load %arg6[%parallel_loop3A_711] {strides = array<i32>} : memref<6912xf32, #tpu.memory_space<vmem>>, vector<16xf32>,
      %parallel_loop3A_713 = arith.fptosi %parallel_loop3A_712 : vector<16xf32> to vector<16xi32>
      %parallel_loop3A_714 = arith.sitofp %parallel_loop3A_713 : vector<16xi32> to vector<16xf32>
      %parallel_loop3A_715 = arith.subf %parallel_loop3A_712, %parallel_loop3A_714 : vector<16xf32>
      %parallel_loop3A_716 = vector.broadcast %add3A_4 : i32 to vector<16xi32>
      %parallel_loop3A_717 = arith.subi %parallel_loop3A_713, %parallel_loop3A_716 : vector<16xi32>
      %parallel_loop3A_718 = arith.constant 0 : i32
      %parallel_loop3A_719 = arith.constant 0 : i32
      %parallel_loop3A_720 = arith.constant 0 : i32
      %parallel_loop3A_721 = tpu.memref_slice %arg4[%parallel_loop3A_718, %parallel_loop3A_719, %parallel_loop3A_720] : memref<2x2x5120xf32, #tpu.memory_space<vmem>> -> memref<1x2x5120xf32, #tpu.memory_space<vmem>>
      %parallel_loop3A_722 = tpu.memref_squeeze %parallel_loop3A_721 : memref<1x2x5120xf32, #tpu.memory_space<vmem>> -> memref<2x5120xf32, #tpu.memory_space<vmem>>
      %parallel_loop3A_723 = tpu.vector_load_idx %parallel_loop3A_722[%broadcast_in_dim3A_224, %parallel_loop3A_717] : memref<2x5120xf32, #tpu.memory_space<vmem>>[vector<16xi32>, vector<16xi32>], vector<16xf32>,
      %parallel_loop3A_724 = arith.constant 1 : i32
      %parallel_loop3A_725 = vector.broadcast %parallel_loop3A_724 : i32 to vector<16xi32>
      %parallel_loop3A_726 = arith.addi %parallel_loop3A_717, %parallel_loop3A_725 : vector<16xi32>
      %parallel_loop3A_727 = arith.constant 0 : i32
      %parallel_loop3A_728 = arith.constant 0 : i32
      %parallel_loop3A_729 = arith.constant 0 : i32
      %parallel_loop3A_730 = tpu.memref_slice %arg4[%parallel_loop3A_727, %parallel_loop3A_728, %parallel_loop3A_729] : memref<2x2x5120xf32, #tpu.memory_space<vmem>> -> memref<1x2x5120xf32, #tpu.memory_space<vmem>>
      %parallel_loop3A_731 = tpu.memref_squeeze %parallel_loop3A_730 : memref<1x2x5120xf32, #tpu.memory_space<vmem>> -> memref<2x5120xf32, #tpu.memory_space<vmem>>
      %parallel_loop3A_732 = tpu.vector_load_idx %parallel_loop3A_731[%broadcast_in_dim3A_224, %parallel_loop3A_726] : memref<2x5120xf32, #tpu.memory_space<vmem>>[vector<16xi32>, vector<16xi32>], vector<16xf32>,
      %parallel_loop3A_733 = arith.subf %parallel_loop3A_732, %parallel_loop3A_723 : vector<16xf32>
      %parallel_loop3A_734 = arith.mulf %parallel_loop3A_715, %parallel_loop3A_733 : vector<16xf32>
      %parallel_loop3A_735 = arith.addf %parallel_loop3A_723, %parallel_loop3A_734 : vector<16xf32>
      %parallel_loop3A_736 = arith.constant 0 : i32
      %parallel_loop3A_737 = arith.constant 0 : i32
      %parallel_loop3A_738 = arith.index_cast %parallel_loop3A_736 : i32 to index
      %parallel_loop3A_739 = arith.index_cast %parallel_loop3A_737 : i32 to index
      %parallel_loop3A_740 = arith.index_cast %parallel_loop3A_710 : i32 to index
      %parallel_loop3A_741 = tpu.vector_load %arg5[%parallel_loop3A_738, %parallel_loop3A_739, %parallel_loop3A_740] {strides = array<i32>} : memref<2x2x6912xf32, #tpu.memory_space<vmem>>, vector<16xf32>,
      tpu.vector_store %arg5[%parallel_loop3A_738, %parallel_loop3A_739, %parallel_loop3A_740], %parallel_loop3A_735 {strides = array<i32>} : memref<2x2x6912xf32, #tpu.memory_space<vmem>>, vector<16xf32>,
    } {sc.loop_unroll_factor = 4 : i64, sc.parallel_access}
    %broadcast_in_dim3A_228 = arith.constant 1 : i32
    %broadcast_in_dim3A_229 = vector.broadcast %broadcast_in_dim3A_228 : i32 to vector<16xi32>
    %parallel_loop3A_230 = arith.constant 0 : i32
    %parallel_loop3A_231 = arith.constant 6912 : i32
    %parallel_loop3A_232 = arith.constant 16 : i32
    scf.for %parallel_loop3A_710 = %parallel_loop3A_230 to %parallel_loop3A_231 step %parallel_loop3A_232  : i32 {
      %parallel_loop3A_711 = arith.index_cast %parallel_loop3A_710 : i32 to index
      %parallel_loop3A_712 = tpu.vector_load %arg6[%parallel_loop3A_711] {strides = array<i32>} : memref<6912xf32, #tpu.memory_space<vmem>>, vector<16xf32>,
      %parallel_loop3A_713 = arith.fptosi %parallel_loop3A_712 : vector<16xf32> to vector<16xi32>
      %parallel_loop3A_714 = arith.sitofp %parallel_loop3A_713 : vector<16xi32> to vector<16xf32>
      %parallel_loop3A_715 = arith.subf %parallel_loop3A_712, %parallel_loop3A_714 : vector<16xf32>
      %parallel_loop3A_716 = vector.broadcast %add3A_4 : i32 to vector<16xi32>
      %parallel_loop3A_717 = arith.subi %parallel_loop3A_713, %parallel_loop3A_716 : vector<16xi32>
      %parallel_loop3A_718 = arith.constant 0 : i32
      %parallel_loop3A_719 = arith.constant 0 : i32
      %parallel_loop3A_720 = arith.constant 0 : i32
      %parallel_loop3A_721 = tpu.memref_slice %arg4[%parallel_loop3A_718, %parallel_loop3A_719, %parallel_loop3A_720] : memref<2x2x5120xf32, #tpu.memory_space<vmem>> -> memref<1x2x5120xf32, #tpu.memory_space<vmem>>
      %parallel_loop3A_722 = tpu.memref_squeeze %parallel_loop3A_721 : memref<1x2x5120xf32, #tpu.memory_space<vmem>> -> memref<2x5120xf32, #tpu.memory_space<vmem>>
      %parallel_loop3A_723 = tpu.vector_load_idx %parallel_loop3A_722[%broadcast_in_dim3A_229, %parallel_loop3A_717] : memref<2x5120xf32, #tpu.memory_space<vmem>>[vector<16xi32>, vector<16xi32>], vector<16xf32>,
      %parallel_loop3A_724 = arith.constant 1 : i32
      %parallel_loop3A_725 = vector.broadcast %parallel_loop3A_724 : i32 to vector<16xi32>
      %parallel_loop3A_726 = arith.addi %parallel_loop3A_717, %parallel_loop3A_725 : vector<16xi32>
      %parallel_loop3A_727 = arith.constant 0 : i32
      %parallel_loop3A_728 = arith.constant 0 : i32
      %parallel_loop3A_729 = arith.constant 0 : i32
      %parallel_loop3A_730 = tpu.memref_slice %arg4[%parallel_loop3A_727, %parallel_loop3A_728, %parallel_loop3A_729] : memref<2x2x5120xf32, #tpu.memory_space<vmem>> -> memref<1x2x5120xf32, #tpu.memory_space<vmem>>
      %parallel_loop3A_731 = tpu.memref_squeeze %parallel_loop3A_730 : memref<1x2x5120xf32, #tpu.memory_space<vmem>> -> memref<2x5120xf32, #tpu.memory_space<vmem>>
      %parallel_loop3A_732 = tpu.vector_load_idx %parallel_loop3A_731[%broadcast_in_dim3A_229, %parallel_loop3A_726] : memref<2x5120xf32, #tpu.memory_space<vmem>>[vector<16xi32>, vector<16xi32>], vector<16xf32>,
      %parallel_loop3A_733 = arith.subf %parallel_loop3A_732, %parallel_loop3A_723 : vector<16xf32>
      %parallel_loop3A_734 = arith.mulf %parallel_loop3A_715, %parallel_loop3A_733 : vector<16xf32>
      %parallel_loop3A_735 = arith.addf %parallel_loop3A_723, %parallel_loop3A_734 : vector<16xf32>
      %parallel_loop3A_736 = arith.constant 0 : i32
      %parallel_loop3A_737 = arith.constant 1 : i32
      %parallel_loop3A_738 = arith.index_cast %parallel_loop3A_736 : i32 to index
      %parallel_loop3A_739 = arith.index_cast %parallel_loop3A_737 : i32 to index
      %parallel_loop3A_740 = arith.index_cast %parallel_loop3A_710 : i32 to index
      %parallel_loop3A_741 = tpu.vector_load %arg5[%parallel_loop3A_738, %parallel_loop3A_739, %parallel_loop3A_740] {strides = array<i32>} : memref<2x2x6912xf32, #tpu.memory_space<vmem>>, vector<16xf32>,
      tpu.vector_store %arg5[%parallel_loop3A_738, %parallel_loop3A_739, %parallel_loop3A_740], %parallel_loop3A_735 {strides = array<i32>} : memref<2x2x6912xf32, #tpu.memory_space<vmem>>, vector<16xf32>,
    } {sc.loop_unroll_factor = 4 : i64, sc.parallel_access}
    %dma_start3A_233 = arith.constant 1 : i32
    %dma_start3A_234 = arith.constant 4 : i32
    %dma_start3A_235 = arith.constant 0 : i32
    %dma_start3A_236 = arith.constant 0 : i32
    %dma_start3A_237 = arith.constant 0 : i32
    %dma_start3A_238 = arith.constant 0 : i32
    %dma_start3A_239 = tpu.memref_slice %arg4[%dma_start3A_235, %dma_start3A_237, %dma_start3A_238] : memref<2x2x5120xf32, #tpu.memory_space<vmem>> -> memref<1x2x5120xf32, #tpu.memory_space<vmem>>
    %dma_start3A_240 = tpu.memref_squeeze %dma_start3A_239 : memref<1x2x5120xf32, #tpu.memory_space<vmem>> -> memref<2x5120xf32, #tpu.memory_space<vmem>>
    %dma_start3A_241 = arith.constant 0 : i32
    %dma_start3A_242 = tpu.memref_slice %arg2[%dma_start3A_233, %dma_start3A_234, %dma_start3A_241, %add3A_4] : memref<4x8x2x220500xf32, #tpu.memory_space<hbm>> -> memref<1x1x2x5120xf32, #tpu.memory_space<hbm>>
    %dma_start3A_243 = tpu.memref_squeeze %dma_start3A_242 : memref<1x1x2x5120xf32, #tpu.memory_space<hbm>> -> memref<2x5120xf32, #tpu.memory_space<hbm>>
    %dma_start3A_244 = tpu.memref_slice %arg7[%dma_start3A_236] : memref<2x!tpu.dma_semaphore, #tpu.memory_space<semaphore_mem>> -> memref<1x!tpu.dma_semaphore, #tpu.memory_space<semaphore_mem>>
    %dma_start3A_245 = tpu.memref_squeeze %dma_start3A_244 : memref<1x!tpu.dma_semaphore, #tpu.memory_space<semaphore_mem>> -> memref<!tpu.dma_semaphore, #tpu.memory_space<semaphore_mem>>
    %dma_start3A_246 = arith.constant 0 : i32
    %dma_start3A_247 = arith.constant 0 : i32
    %dma_start3A_248 = tpu.memref_slice %arg4[%dma_start3A_235, %dma_start3A_246, %dma_start3A_247] : memref<2x2x5120xf32, #tpu.memory_space<vmem>> -> memref<1x2x5120xf32, #tpu.memory_space<vmem>>
    %dma_start3A_249 = tpu.memref_squeeze %dma_start3A_248 : memref<1x2x5120xf32, #tpu.memory_space<vmem>> -> memref<2x5120xf32, #tpu.memory_space<vmem>>
    %dma_start3A_250 = arith.constant 0 : i32
    %dma_start3A_251 = tpu.memref_slice %arg2[%dma_start3A_233, %dma_start3A_234, %dma_start3A_250, %add3A_4] : memref<4x8x2x220500xf32, #tpu.memory_space<hbm>> -> memref<1x1x2x5120xf32, #tpu.memory_space<hbm>>
    %dma_start3A_252 = tpu.memref_squeeze %dma_start3A_251 : memref<1x1x2x5120xf32, #tpu.memory_space<hbm>> -> memref<2x5120xf32, #tpu.memory_space<hbm>>
    tpu.enqueue_dma source(%dma_start3A_252 : memref<2x5120xf32, #tpu.memory_space<hbm>>) target(%dma_start3A_249 : memref<2x5120xf32, #tpu.memory_space<vmem>>) target_semaphore(%dma_start3A_245 : memref<!tpu.dma_semaphore, #tpu.memory_space<semaphore_mem>>)
    %dma_start3A_253 = arith.constant 0 : i32
    %dma_start3A_254 = arith.constant 2 : i32
    %dma_start3A_255 = arith.constant 0 : i32
    %dma_start3A_256 = arith.constant 0 : i32
    %dma_start3A_257 = arith.constant 0 : i32
    %dma_start3A_258 = tpu.memref_slice %arg5[%dma_start3A_253, %dma_start3A_256, %dma_start3A_257] : memref<2x2x6912xf32, #tpu.memory_space<vmem>> -> memref<1x2x6912xf32, #tpu.memory_space<vmem>>
    %dma_start3A_259 = tpu.memref_squeeze %dma_start3A_258 : memref<1x2x6912xf32, #tpu.memory_space<vmem>> -> memref<2x6912xf32, #tpu.memory_space<vmem>>
    %dma_start3A_260 = arith.constant 0 : i32
    %dma_start3A_261 = tpu.memref_slice %arg3[%dma_start3A_254, %dma_start3A_260, %mul3A_6] : memref<8x2x221184xf32, #tpu.memory_space<hbm>> -> memref<1x2x6912xf32, #tpu.memory_space<hbm>>
    %dma_start3A_262 = tpu.memref_squeeze %dma_start3A_261 : memref<1x2x6912xf32, #tpu.memory_space<hbm>> -> memref<2x6912xf32, #tpu.memory_space<hbm>>
    %dma_start3A_263 = tpu.memref_slice %arg8[%dma_start3A_255] : memref<2x!tpu.dma_semaphore, #tpu.memory_space<semaphore_mem>> -> memref<1x!tpu.dma_semaphore, #tpu.memory_space<semaphore_mem>>
    %dma_start3A_264 = tpu.memref_squeeze %dma_start3A_263 : memref<1x!tpu.dma_semaphore, #tpu.memory_space<semaphore_mem>> -> memref<!tpu.dma_semaphore, #tpu.memory_space<semaphore_mem>>
    %dma_start3A_265 = arith.constant 0 : i32
    %dma_start3A_266 = tpu.memref_slice %arg3[%dma_start3A_254, %dma_start3A_265, %mul3A_6] : memref<8x2x221184xf32, #tpu.memory_space<hbm>> -> memref<1x2x6912xf32, #tpu.memory_space<hbm>>
    %dma_start3A_267 = tpu.memref_squeeze %dma_start3A_266 : memref<1x2x6912xf32, #tpu.memory_space<hbm>> -> memref<2x6912xf32, #tpu.memory_space<hbm>>
    %dma_start3A_268 = arith.constant 0 : i32
    %dma_start3A_269 = arith.constant 0 : i32
    %dma_start3A_270 = tpu.memref_slice %arg5[%dma_start3A_253, %dma_start3A_268, %dma_start3A_269] : memref<2x2x6912xf32, #tpu.memory_space<vmem>> -> memref<1x2x6912xf32, #tpu.memory_space<vmem>>
    %dma_start3A_271 = tpu.memref_squeeze %dma_start3A_270 : memref<1x2x6912xf32, #tpu.memory_space<vmem>> -> memref<2x6912xf32, #tpu.memory_space<vmem>>
    tpu.enqueue_dma source(%dma_start3A_271 : memref<2x6912xf32, #tpu.memory_space<vmem>>) target(%dma_start3A_267 : memref<2x6912xf32, #tpu.memory_space<hbm>>) target_semaphore(%dma_start3A_264 : memref<!tpu.dma_semaphore, #tpu.memory_space<semaphore_mem>>)
    %dma_wait3A_272 = arith.constant 1 : i32
    %dma_wait3A_273 = arith.constant 3 : i32
    %dma_wait3A_274 = arith.constant 1 : i32
    %dma_wait3A_275 = arith.constant 1 : i32
    %dma_wait3A_276 = arith.constant 0 : i32
    %dma_wait3A_277 = arith.constant 0 : i32
    %dma_wait3A_278 = tpu.memref_slice %arg4[%dma_wait3A_274, %dma_wait3A_276, %dma_wait3A_277] : memref<2x2x5120xf32, #tpu.memory_space<vmem>> -> memref<1x2x5120xf32, #tpu.memory_space<vmem>>
    %dma_wait3A_279 = tpu.memref_squeeze %dma_wait3A_278 : memref<1x2x5120xf32, #tpu.memory_space<vmem>> -> memref<2x5120xf32, #tpu.memory_space<vmem>>
    %dma_wait3A_280 = arith.constant 0 : i32
    %dma_wait3A_281 = tpu.memref_slice %arg2[%dma_wait3A_272, %dma_wait3A_273, %dma_wait3A_280, %add3A_4] : memref<4x8x2x220500xf32, #tpu.memory_space<hbm>> -> memref<1x1x2x5120xf32, #tpu.memory_space<hbm>>
    %dma_wait3A_282 = tpu.memref_squeeze %dma_wait3A_281 : memref<1x1x2x5120xf32, #tpu.memory_space<hbm>> -> memref<2x5120xf32, #tpu.memory_space<hbm>>
    %dma_wait3A_283 = tpu.memref_slice %arg7[%dma_wait3A_275] : memref<2x!tpu.dma_semaphore, #tpu.memory_space<semaphore_mem>> -> memref<1x!tpu.dma_semaphore, #tpu.memory_space<semaphore_mem>>
    %dma_wait3A_284 = tpu.memref_squeeze %dma_wait3A_283 : memref<1x!tpu.dma_semaphore, #tpu.memory_space<semaphore_mem>> -> memref<!tpu.dma_semaphore, #tpu.memory_space<semaphore_mem>>
    %dma_wait3A_285 = arith.constant 0 : i32
    %dma_wait3A_286 = arith.constant 0 : i32
    %dma_wait3A_287 = tpu.memref_slice %arg4[%dma_wait3A_274, %dma_wait3A_285, %dma_wait3A_286] : memref<2x2x5120xf32, #tpu.memory_space<vmem>> -> memref<1x2x5120xf32, #tpu.memory_space<vmem>>
    %dma_wait3A_288 = tpu.memref_squeeze %dma_wait3A_287 : memref<1x2x5120xf32, #tpu.memory_space<vmem>> -> memref<2x5120xf32, #tpu.memory_space<vmem>>
    %dma_wait3A_289 = arith.constant 0 : i32
    %dma_wait3A_290 = tpu.memref_slice %arg2[%dma_wait3A_272, %dma_wait3A_273, %dma_wait3A_289, %add3A_4] : memref<4x8x2x220500xf32, #tpu.memory_space<hbm>> -> memref<1x1x2x5120xf32, #tpu.memory_space<hbm>>
    %dma_wait3A_291 = tpu.memref_squeeze %dma_wait3A_290 : memref<1x1x2x5120xf32, #tpu.memory_space<hbm>> -> memref<2x5120xf32, #tpu.memory_space<hbm>>
    tpu.wait_dma2 semaphore(%dma_wait3A_284 : memref<!tpu.dma_semaphore, #tpu.memory_space<semaphore_mem>>) src(%dma_wait3A_291 : memref<2x5120xf32, #tpu.memory_space<hbm>>) dst(%dma_wait3A_288 : memref<2x5120xf32, #tpu.memory_space<vmem>>)
    %dma_wait3A_292 = arith.constant 1 : i32
    %dma_wait3A_293 = arith.constant 1 : i32
    %dma_wait3A_294 = arith.constant 1 : i32
    %dma_wait3A_295 = arith.constant 0 : i32
    %dma_wait3A_296 = arith.constant 0 : i32
    %dma_wait3A_297 = tpu.memref_slice %arg5[%dma_wait3A_292, %dma_wait3A_295, %dma_wait3A_296] : memref<2x2x6912xf32, #tpu.memory_space<vmem>> -> memref<1x2x6912xf32, #tpu.memory_space<vmem>>
    %dma_wait3A_298 = tpu.memref_squeeze %dma_wait3A_297 : memref<1x2x6912xf32, #tpu.memory_space<vmem>> -> memref<2x6912xf32, #tpu.memory_space<vmem>>
    %dma_wait3A_299 = arith.constant 0 : i32
    %dma_wait3A_300 = tpu.memref_slice %arg3[%dma_wait3A_293, %dma_wait3A_299, %mul3A_6] : memref<8x2x221184xf32, #tpu.memory_space<hbm>> -> memref<1x2x6912xf32, #tpu.memory_space<hbm>>
    %dma_wait3A_301 = tpu.memref_squeeze %dma_wait3A_300 : memref<1x2x6912xf32, #tpu.memory_space<hbm>> -> memref<2x6912xf32, #tpu.memory_space<hbm>>
    %dma_wait3A_302 = tpu.memref_slice %arg8[%dma_wait3A_294] : memref<2x!tpu.dma_semaphore, #tpu.memory_space<semaphore_mem>> -> memref<1x!tpu.dma_semaphore, #tpu.memory_space<semaphore_mem>>
    %dma_wait3A_303 = tpu.memref_squeeze %dma_wait3A_302 : memref<1x!tpu.dma_semaphore, #tpu.memory_space<semaphore_mem>> -> memref<!tpu.dma_semaphore, #tpu.memory_space<semaphore_mem>>
    %dma_wait3A_304 = arith.constant 0 : i32
    %dma_wait3A_305 = tpu.memref_slice %arg3[%dma_wait3A_293, %dma_wait3A_304, %mul3A_6] : memref<8x2x221184xf32, #tpu.memory_space<hbm>> -> memref<1x2x6912xf32, #tpu.memory_space<hbm>>
    %dma_wait3A_306 = tpu.memref_squeeze %dma_wait3A_305 : memref<1x2x6912xf32, #tpu.memory_space<hbm>> -> memref<2x6912xf32, #tpu.memory_space<hbm>>
    %dma_wait3A_307 = arith.constant 0 : i32
    %dma_wait3A_308 = arith.constant 0 : i32
    %dma_wait3A_309 = tpu.memref_slice %arg5[%dma_wait3A_292, %dma_wait3A_307, %dma_wait3A_308] : memref<2x2x6912xf32, #tpu.memory_space<vmem>> -> memref<1x2x6912xf32, #tpu.memory_space<vmem>>
    %dma_wait3A_310 = tpu.memref_squeeze %dma_wait3A_309 : memref<1x2x6912xf32, #tpu.memory_space<vmem>> -> memref<2x6912xf32, #tpu.memory_space<vmem>>
    tpu.wait_dma2 semaphore(%dma_wait3A_303 : memref<!tpu.dma_semaphore, #tpu.memory_space<semaphore_mem>>) src(%dma_wait3A_310 : memref<2x6912xf32, #tpu.memory_space<vmem>>) dst(%dma_wait3A_306 : memref<2x6912xf32, #tpu.memory_space<hbm>>)
    %broadcast_in_dim3A_311 = arith.constant 0 : i32
    %broadcast_in_dim3A_312 = vector.broadcast %broadcast_in_dim3A_311 : i32 to vector<16xi32>
    %parallel_loop3A_313 = arith.constant 0 : i32
    %parallel_loop3A_314 = arith.constant 6912 : i32
    %parallel_loop3A_315 = arith.constant 16 : i32
    scf.for %parallel_loop3A_710 = %parallel_loop3A_313 to %parallel_loop3A_314 step %parallel_loop3A_315  : i32 {
      %parallel_loop3A_711 = arith.index_cast %parallel_loop3A_710 : i32 to index
      %parallel_loop3A_712 = tpu.vector_load %arg6[%parallel_loop3A_711] {strides = array<i32>} : memref<6912xf32, #tpu.memory_space<vmem>>, vector<16xf32>,
      %parallel_loop3A_713 = arith.fptosi %parallel_loop3A_712 : vector<16xf32> to vector<16xi32>
      %parallel_loop3A_714 = arith.sitofp %parallel_loop3A_713 : vector<16xi32> to vector<16xf32>
      %parallel_loop3A_715 = arith.subf %parallel_loop3A_712, %parallel_loop3A_714 : vector<16xf32>
      %parallel_loop3A_716 = vector.broadcast %add3A_4 : i32 to vector<16xi32>
      %parallel_loop3A_717 = arith.subi %parallel_loop3A_713, %parallel_loop3A_716 : vector<16xi32>
      %parallel_loop3A_718 = arith.constant 1 : i32
      %parallel_loop3A_719 = arith.constant 0 : i32
      %parallel_loop3A_720 = arith.constant 0 : i32
      %parallel_loop3A_721 = tpu.memref_slice %arg4[%parallel_loop3A_718, %parallel_loop3A_719, %parallel_loop3A_720] : memref<2x2x5120xf32, #tpu.memory_space<vmem>> -> memref<1x2x5120xf32, #tpu.memory_space<vmem>>
      %parallel_loop3A_722 = tpu.memref_squeeze %parallel_loop3A_721 : memref<1x2x5120xf32, #tpu.memory_space<vmem>> -> memref<2x5120xf32, #tpu.memory_space<vmem>>
      %parallel_loop3A_723 = tpu.vector_load_idx %parallel_loop3A_722[%broadcast_in_dim3A_312, %parallel_loop3A_717] : memref<2x5120xf32, #tpu.memory_space<vmem>>[vector<16xi32>, vector<16xi32>], vector<16xf32>,
      %parallel_loop3A_724 = arith.constant 1 : i32
      %parallel_loop3A_725 = vector.broadcast %parallel_loop3A_724 : i32 to vector<16xi32>
      %parallel_loop3A_726 = arith.addi %parallel_loop3A_717, %parallel_loop3A_725 : vector<16xi32>
      %parallel_loop3A_727 = arith.constant 1 : i32
      %parallel_loop3A_728 = arith.constant 0 : i32
      %parallel_loop3A_729 = arith.constant 0 : i32
      %parallel_loop3A_730 = tpu.memref_slice %arg4[%parallel_loop3A_727, %parallel_loop3A_728, %parallel_loop3A_729] : memref<2x2x5120xf32, #tpu.memory_space<vmem>> -> memref<1x2x5120xf32, #tpu.memory_space<vmem>>
      %parallel_loop3A_731 = tpu.memref_squeeze %parallel_loop3A_730 : memref<1x2x5120xf32, #tpu.memory_space<vmem>> -> memref<2x5120xf32, #tpu.memory_space<vmem>>
      %parallel_loop3A_732 = tpu.vector_load_idx %parallel_loop3A_731[%broadcast_in_dim3A_312, %parallel_loop3A_726] : memref<2x5120xf32, #tpu.memory_space<vmem>>[vector<16xi32>, vector<16xi32>], vector<16xf32>,
      %parallel_loop3A_733 = arith.subf %parallel_loop3A_732, %parallel_loop3A_723 : vector<16xf32>
      %parallel_loop3A_734 = arith.mulf %parallel_loop3A_715, %parallel_loop3A_733 : vector<16xf32>
      %parallel_loop3A_735 = arith.addf %parallel_loop3A_723, %parallel_loop3A_734 : vector<16xf32>
      %parallel_loop3A_736 = arith.constant 1 : i32
      %parallel_loop3A_737 = arith.constant 0 : i32
      %parallel_loop3A_738 = arith.index_cast %parallel_loop3A_736 : i32 to index
      %parallel_loop3A_739 = arith.index_cast %parallel_loop3A_737 : i32 to index
      %parallel_loop3A_740 = arith.index_cast %parallel_loop3A_710 : i32 to index
      %parallel_loop3A_741 = tpu.vector_load %arg5[%parallel_loop3A_738, %parallel_loop3A_739, %parallel_loop3A_740] {strides = array<i32>} : memref<2x2x6912xf32, #tpu.memory_space<vmem>>, vector<16xf32>,
      tpu.vector_store %arg5[%parallel_loop3A_738, %parallel_loop3A_739, %parallel_loop3A_740], %parallel_loop3A_735 {strides = array<i32>} : memref<2x2x6912xf32, #tpu.memory_space<vmem>>, vector<16xf32>,
    } {sc.loop_unroll_factor = 4 : i64, sc.parallel_access}
    %broadcast_in_dim3A_316 = arith.constant 1 : i32
    %broadcast_in_dim3A_317 = vector.broadcast %broadcast_in_dim3A_316 : i32 to vector<16xi32>
    %parallel_loop3A_318 = arith.constant 0 : i32
    %parallel_loop3A_319 = arith.constant 6912 : i32
    %parallel_loop3A_320 = arith.constant 16 : i32
    scf.for %parallel_loop3A_710 = %parallel_loop3A_318 to %parallel_loop3A_319 step %parallel_loop3A_320  : i32 {
      %parallel_loop3A_711 = arith.index_cast %parallel_loop3A_710 : i32 to index
      %parallel_loop3A_712 = tpu.vector_load %arg6[%parallel_loop3A_711] {strides = array<i32>} : memref<6912xf32, #tpu.memory_space<vmem>>, vector<16xf32>,
      %parallel_loop3A_713 = arith.fptosi %parallel_loop3A_712 : vector<16xf32> to vector<16xi32>
      %parallel_loop3A_714 = arith.sitofp %parallel_loop3A_713 : vector<16xi32> to vector<16xf32>
      %parallel_loop3A_715 = arith.subf %parallel_loop3A_712, %parallel_loop3A_714 : vector<16xf32>
      %parallel_loop3A_716 = vector.broadcast %add3A_4 : i32 to vector<16xi32>
      %parallel_loop3A_717 = arith.subi %parallel_loop3A_713, %parallel_loop3A_716 : vector<16xi32>
      %parallel_loop3A_718 = arith.constant 1 : i32
      %parallel_loop3A_719 = arith.constant 0 : i32
      %parallel_loop3A_720 = arith.constant 0 : i32
      %parallel_loop3A_721 = tpu.memref_slice %arg4[%parallel_loop3A_718, %parallel_loop3A_719, %parallel_loop3A_720] : memref<2x2x5120xf32, #tpu.memory_space<vmem>> -> memref<1x2x5120xf32, #tpu.memory_space<vmem>>
      %parallel_loop3A_722 = tpu.memref_squeeze %parallel_loop3A_721 : memref<1x2x5120xf32, #tpu.memory_space<vmem>> -> memref<2x5120xf32, #tpu.memory_space<vmem>>
      %parallel_loop3A_723 = tpu.vector_load_idx %parallel_loop3A_722[%broadcast_in_dim3A_317, %parallel_loop3A_717] : memref<2x5120xf32, #tpu.memory_space<vmem>>[vector<16xi32>, vector<16xi32>], vector<16xf32>,
      %parallel_loop3A_724 = arith.constant 1 : i32
      %parallel_loop3A_725 = vector.broadcast %parallel_loop3A_724 : i32 to vector<16xi32>
      %parallel_loop3A_726 = arith.addi %parallel_loop3A_717, %parallel_loop3A_725 : vector<16xi32>
      %parallel_loop3A_727 = arith.constant 1 : i32
      %parallel_loop3A_728 = arith.constant 0 : i32
      %parallel_loop3A_729 = arith.constant 0 : i32
      %parallel_loop3A_730 = tpu.memref_slice %arg4[%parallel_loop3A_727, %parallel_loop3A_728, %parallel_loop3A_729] : memref<2x2x5120xf32, #tpu.memory_space<vmem>> -> memref<1x2x5120xf32, #tpu.memory_space<vmem>>
      %parallel_loop3A_731 = tpu.memref_squeeze %parallel_loop3A_730 : memref<1x2x5120xf32, #tpu.memory_space<vmem>> -> memref<2x5120xf32, #tpu.memory_space<vmem>>
      %parallel_loop3A_732 = tpu.vector_load_idx %parallel_loop3A_731[%broadcast_in_dim3A_317, %parallel_loop3A_726] : memref<2x5120xf32, #tpu.memory_space<vmem>>[vector<16xi32>, vector<16xi32>], vector<16xf32>,
      %parallel_loop3A_733 = arith.subf %parallel_loop3A_732, %parallel_loop3A_723 : vector<16xf32>
      %parallel_loop3A_734 = arith.mulf %parallel_loop3A_715, %parallel_loop3A_733 : vector<16xf32>
      %parallel_loop3A_735 = arith.addf %parallel_loop3A_723, %parallel_loop3A_734 : vector<16xf32>
      %parallel_loop3A_736 = arith.constant 1 : i32
      %parallel_loop3A_737 = arith.constant 1 : i32
      %parallel_loop3A_738 = arith.index_cast %parallel_loop3A_736 : i32 to index
      %parallel_loop3A_739 = arith.index_cast %parallel_loop3A_737 : i32 to index
      %parallel_loop3A_740 = arith.index_cast %parallel_loop3A_710 : i32 to index
      %parallel_loop3A_741 = tpu.vector_load %arg5[%parallel_loop3A_738, %parallel_loop3A_739, %parallel_loop3A_740] {strides = array<i32>} : memref<2x2x6912xf32, #tpu.memory_space<vmem>>, vector<16xf32>,
      tpu.vector_store %arg5[%parallel_loop3A_738, %parallel_loop3A_739, %parallel_loop3A_740], %parallel_loop3A_735 {strides = array<i32>} : memref<2x2x6912xf32, #tpu.memory_space<vmem>>, vector<16xf32>,
    } {sc.loop_unroll_factor = 4 : i64, sc.parallel_access}
    %dma_start3A_321 = arith.constant 1 : i32
    %dma_start3A_322 = arith.constant 5 : i32
    %dma_start3A_323 = arith.constant 1 : i32
    %dma_start3A_324 = arith.constant 1 : i32
    %dma_start3A_325 = arith.constant 0 : i32
    %dma_start3A_326 = arith.constant 0 : i32
    %dma_start3A_327 = tpu.memref_slice %arg4[%dma_start3A_323, %dma_start3A_325, %dma_start3A_326] : memref<2x2x5120xf32, #tpu.memory_space<vmem>> -> memref<1x2x5120xf32, #tpu.memory_space<vmem>>
    %dma_start3A_328 = tpu.memref_squeeze %dma_start3A_327 : memref<1x2x5120xf32, #tpu.memory_space<vmem>> -> memref<2x5120xf32, #tpu.memory_space<vmem>>
    %dma_start3A_329 = arith.constant 0 : i32
    %dma_start3A_330 = tpu.memref_slice %arg2[%dma_start3A_321, %dma_start3A_322, %dma_start3A_329, %add3A_4] : memref<4x8x2x220500xf32, #tpu.memory_space<hbm>> -> memref<1x1x2x5120xf32, #tpu.memory_space<hbm>>
    %dma_start3A_331 = tpu.memref_squeeze %dma_start3A_330 : memref<1x1x2x5120xf32, #tpu.memory_space<hbm>> -> memref<2x5120xf32, #tpu.memory_space<hbm>>
    %dma_start3A_332 = tpu.memref_slice %arg7[%dma_start3A_324] : memref<2x!tpu.dma_semaphore, #tpu.memory_space<semaphore_mem>> -> memref<1x!tpu.dma_semaphore, #tpu.memory_space<semaphore_mem>>
    %dma_start3A_333 = tpu.memref_squeeze %dma_start3A_332 : memref<1x!tpu.dma_semaphore, #tpu.memory_space<semaphore_mem>> -> memref<!tpu.dma_semaphore, #tpu.memory_space<semaphore_mem>>
    %dma_start3A_334 = arith.constant 0 : i32
    %dma_start3A_335 = arith.constant 0 : i32
    %dma_start3A_336 = tpu.memref_slice %arg4[%dma_start3A_323, %dma_start3A_334, %dma_start3A_335] : memref<2x2x5120xf32, #tpu.memory_space<vmem>> -> memref<1x2x5120xf32, #tpu.memory_space<vmem>>
    %dma_start3A_337 = tpu.memref_squeeze %dma_start3A_336 : memref<1x2x5120xf32, #tpu.memory_space<vmem>> -> memref<2x5120xf32, #tpu.memory_space<vmem>>
    %dma_start3A_338 = arith.constant 0 : i32
    %dma_start3A_339 = tpu.memref_slice %arg2[%dma_start3A_321, %dma_start3A_322, %dma_start3A_338, %add3A_4] : memref<4x8x2x220500xf32, #tpu.memory_space<hbm>> -> memref<1x1x2x5120xf32, #tpu.memory_space<hbm>>
    %dma_start3A_340 = tpu.memref_squeeze %dma_start3A_339 : memref<1x1x2x5120xf32, #tpu.memory_space<hbm>> -> memref<2x5120xf32, #tpu.memory_space<hbm>>
    tpu.enqueue_dma source(%dma_start3A_340 : memref<2x5120xf32, #tpu.memory_space<hbm>>) target(%dma_start3A_337 : memref<2x5120xf32, #tpu.memory_space<vmem>>) target_semaphore(%dma_start3A_333 : memref<!tpu.dma_semaphore, #tpu.memory_space<semaphore_mem>>)
    %dma_start3A_341 = arith.constant 1 : i32
    %dma_start3A_342 = arith.constant 3 : i32
    %dma_start3A_343 = arith.constant 1 : i32
    %dma_start3A_344 = arith.constant 0 : i32
    %dma_start3A_345 = arith.constant 0 : i32
    %dma_start3A_346 = tpu.memref_slice %arg5[%dma_start3A_341, %dma_start3A_344, %dma_start3A_345] : memref<2x2x6912xf32, #tpu.memory_space<vmem>> -> memref<1x2x6912xf32, #tpu.memory_space<vmem>>
    %dma_start3A_347 = tpu.memref_squeeze %dma_start3A_346 : memref<1x2x6912xf32, #tpu.memory_space<vmem>> -> memref<2x6912xf32, #tpu.memory_space<vmem>>
    %dma_start3A_348 = arith.constant 0 : i32
    %dma_start3A_349 = tpu.memref_slice %arg3[%dma_start3A_342, %dma_start3A_348, %mul3A_6] : memref<8x2x221184xf32, #tpu.memory_space<hbm>> -> memref<1x2x6912xf32, #tpu.memory_space<hbm>>
    %dma_start3A_350 = tpu.memref_squeeze %dma_start3A_349 : memref<1x2x6912xf32, #tpu.memory_space<hbm>> -> memref<2x6912xf32, #tpu.memory_space<hbm>>
    %dma_start3A_351 = tpu.memref_slice %arg8[%dma_start3A_343] : memref<2x!tpu.dma_semaphore, #tpu.memory_space<semaphore_mem>> -> memref<1x!tpu.dma_semaphore, #tpu.memory_space<semaphore_mem>>
    %dma_start3A_352 = tpu.memref_squeeze %dma_start3A_351 : memref<1x!tpu.dma_semaphore, #tpu.memory_space<semaphore_mem>> -> memref<!tpu.dma_semaphore, #tpu.memory_space<semaphore_mem>>
    %dma_start3A_353 = arith.constant 0 : i32
    %dma_start3A_354 = tpu.memref_slice %arg3[%dma_start3A_342, %dma_start3A_353, %mul3A_6] : memref<8x2x221184xf32, #tpu.memory_space<hbm>> -> memref<1x2x6912xf32, #tpu.memory_space<hbm>>
    %dma_start3A_355 = tpu.memref_squeeze %dma_start3A_354 : memref<1x2x6912xf32, #tpu.memory_space<hbm>> -> memref<2x6912xf32, #tpu.memory_space<hbm>>
    %dma_start3A_356 = arith.constant 0 : i32
    %dma_start3A_357 = arith.constant 0 : i32
    %dma_start3A_358 = tpu.memref_slice %arg5[%dma_start3A_341, %dma_start3A_356, %dma_start3A_357] : memref<2x2x6912xf32, #tpu.memory_space<vmem>> -> memref<1x2x6912xf32, #tpu.memory_space<vmem>>
    %dma_start3A_359 = tpu.memref_squeeze %dma_start3A_358 : memref<1x2x6912xf32, #tpu.memory_space<vmem>> -> memref<2x6912xf32, #tpu.memory_space<vmem>>
    tpu.enqueue_dma source(%dma_start3A_359 : memref<2x6912xf32, #tpu.memory_space<vmem>>) target(%dma_start3A_355 : memref<2x6912xf32, #tpu.memory_space<hbm>>) target_semaphore(%dma_start3A_352 : memref<!tpu.dma_semaphore, #tpu.memory_space<semaphore_mem>>)
    %dma_wait3A_360 = arith.constant 1 : i32
    %dma_wait3A_361 = arith.constant 4 : i32
    %dma_wait3A_362 = arith.constant 0 : i32
    %dma_wait3A_363 = arith.constant 0 : i32
    %dma_wait3A_364 = arith.constant 0 : i32
    %dma_wait3A_365 = arith.constant 0 : i32
    %dma_wait3A_366 = tpu.memref_slice %arg4[%dma_wait3A_362, %dma_wait3A_364, %dma_wait3A_365] : memref<2x2x5120xf32, #tpu.memory_space<vmem>> -> memref<1x2x5120xf32, #tpu.memory_space<vmem>>
    %dma_wait3A_367 = tpu.memref_squeeze %dma_wait3A_366 : memref<1x2x5120xf32, #tpu.memory_space<vmem>> -> memref<2x5120xf32, #tpu.memory_space<vmem>>
    %dma_wait3A_368 = arith.constant 0 : i32
    %dma_wait3A_369 = tpu.memref_slice %arg2[%dma_wait3A_360, %dma_wait3A_361, %dma_wait3A_368, %add3A_4] : memref<4x8x2x220500xf32, #tpu.memory_space<hbm>> -> memref<1x1x2x5120xf32, #tpu.memory_space<hbm>>
    %dma_wait3A_370 = tpu.memref_squeeze %dma_wait3A_369 : memref<1x1x2x5120xf32, #tpu.memory_space<hbm>> -> memref<2x5120xf32, #tpu.memory_space<hbm>>
    %dma_wait3A_371 = tpu.memref_slice %arg7[%dma_wait3A_363] : memref<2x!tpu.dma_semaphore, #tpu.memory_space<semaphore_mem>> -> memref<1x!tpu.dma_semaphore, #tpu.memory_space<semaphore_mem>>
    %dma_wait3A_372 = tpu.memref_squeeze %dma_wait3A_371 : memref<1x!tpu.dma_semaphore, #tpu.memory_space<semaphore_mem>> -> memref<!tpu.dma_semaphore, #tpu.memory_space<semaphore_mem>>
    %dma_wait3A_373 = arith.constant 0 : i32
    %dma_wait3A_374 = arith.constant 0 : i32
    %dma_wait3A_375 = tpu.memref_slice %arg4[%dma_wait3A_362, %dma_wait3A_373, %dma_wait3A_374] : memref<2x2x5120xf32, #tpu.memory_space<vmem>> -> memref<1x2x5120xf32, #tpu.memory_space<vmem>>
    %dma_wait3A_376 = tpu.memref_squeeze %dma_wait3A_375 : memref<1x2x5120xf32, #tpu.memory_space<vmem>> -> memref<2x5120xf32, #tpu.memory_space<vmem>>
    %dma_wait3A_377 = arith.constant 0 : i32
    %dma_wait3A_378 = tpu.memref_slice %arg2[%dma_wait3A_360, %dma_wait3A_361, %dma_wait3A_377, %add3A_4] : memref<4x8x2x220500xf32, #tpu.memory_space<hbm>> -> memref<1x1x2x5120xf32, #tpu.memory_space<hbm>>
    %dma_wait3A_379 = tpu.memref_squeeze %dma_wait3A_378 : memref<1x1x2x5120xf32, #tpu.memory_space<hbm>> -> memref<2x5120xf32, #tpu.memory_space<hbm>>
    tpu.wait_dma2 semaphore(%dma_wait3A_372 : memref<!tpu.dma_semaphore, #tpu.memory_space<semaphore_mem>>) src(%dma_wait3A_379 : memref<2x5120xf32, #tpu.memory_space<hbm>>) dst(%dma_wait3A_376 : memref<2x5120xf32, #tpu.memory_space<vmem>>)
    %dma_wait3A_380 = arith.constant 0 : i32
    %dma_wait3A_381 = arith.constant 2 : i32
    %dma_wait3A_382 = arith.constant 0 : i32
    %dma_wait3A_383 = arith.constant 0 : i32
    %dma_wait3A_384 = arith.constant 0 : i32
    %dma_wait3A_385 = tpu.memref_slice %arg5[%dma_wait3A_380, %dma_wait3A_383, %dma_wait3A_384] : memref<2x2x6912xf32, #tpu.memory_space<vmem>> -> memref<1x2x6912xf32, #tpu.memory_space<vmem>>
    %dma_wait3A_386 = tpu.memref_squeeze %dma_wait3A_385 : memref<1x2x6912xf32, #tpu.memory_space<vmem>> -> memref<2x6912xf32, #tpu.memory_space<vmem>>
    %dma_wait3A_387 = arith.constant 0 : i32
    %dma_wait3A_388 = tpu.memref_slice %arg3[%dma_wait3A_381, %dma_wait3A_387, %mul3A_6] : memref<8x2x221184xf32, #tpu.memory_space<hbm>> -> memref<1x2x6912xf32, #tpu.memory_space<hbm>>
    %dma_wait3A_389 = tpu.memref_squeeze %dma_wait3A_388 : memref<1x2x6912xf32, #tpu.memory_space<hbm>> -> memref<2x6912xf32, #tpu.memory_space<hbm>>
    %dma_wait3A_390 = tpu.memref_slice %arg8[%dma_wait3A_382] : memref<2x!tpu.dma_semaphore, #tpu.memory_space<semaphore_mem>> -> memref<1x!tpu.dma_semaphore, #tpu.memory_space<semaphore_mem>>
    %dma_wait3A_391 = tpu.memref_squeeze %dma_wait3A_390 : memref<1x!tpu.dma_semaphore, #tpu.memory_space<semaphore_mem>> -> memref<!tpu.dma_semaphore, #tpu.memory_space<semaphore_mem>>
    %dma_wait3A_392 = arith.constant 0 : i32
    %dma_wait3A_393 = tpu.memref_slice %arg3[%dma_wait3A_381, %dma_wait3A_392, %mul3A_6] : memref<8x2x221184xf32, #tpu.memory_space<hbm>> -> memref<1x2x6912xf32, #tpu.memory_space<hbm>>
    %dma_wait3A_394 = tpu.memref_squeeze %dma_wait3A_393 : memref<1x2x6912xf32, #tpu.memory_space<hbm>> -> memref<2x6912xf32, #tpu.memory_space<hbm>>
    %dma_wait3A_395 = arith.constant 0 : i32
    %dma_wait3A_396 = arith.constant 0 : i32
    %dma_wait3A_397 = tpu.memref_slice %arg5[%dma_wait3A_380, %dma_wait3A_395, %dma_wait3A_396] : memref<2x2x6912xf32, #tpu.memory_space<vmem>> -> memref<1x2x6912xf32, #tpu.memory_space<vmem>>
    %dma_wait3A_398 = tpu.memref_squeeze %dma_wait3A_397 : memref<1x2x6912xf32, #tpu.memory_space<vmem>> -> memref<2x6912xf32, #tpu.memory_space<vmem>>
    tpu.wait_dma2 semaphore(%dma_wait3A_391 : memref<!tpu.dma_semaphore, #tpu.memory_space<semaphore_mem>>) src(%dma_wait3A_398 : memref<2x6912xf32, #tpu.memory_space<vmem>>) dst(%dma_wait3A_394 : memref<2x6912xf32, #tpu.memory_space<hbm>>)
    %broadcast_in_dim3A_399 = arith.constant 0 : i32
    %broadcast_in_dim3A_400 = vector.broadcast %broadcast_in_dim3A_399 : i32 to vector<16xi32>
    %parallel_loop3A_401 = arith.constant 0 : i32
    %parallel_loop3A_402 = arith.constant 6912 : i32
    %parallel_loop3A_403 = arith.constant 16 : i32
    scf.for %parallel_loop3A_710 = %parallel_loop3A_401 to %parallel_loop3A_402 step %parallel_loop3A_403  : i32 {
      %parallel_loop3A_711 = arith.index_cast %parallel_loop3A_710 : i32 to index
      %parallel_loop3A_712 = tpu.vector_load %arg6[%parallel_loop3A_711] {strides = array<i32>} : memref<6912xf32, #tpu.memory_space<vmem>>, vector<16xf32>,
      %parallel_loop3A_713 = arith.fptosi %parallel_loop3A_712 : vector<16xf32> to vector<16xi32>
      %parallel_loop3A_714 = arith.sitofp %parallel_loop3A_713 : vector<16xi32> to vector<16xf32>
      %parallel_loop3A_715 = arith.subf %parallel_loop3A_712, %parallel_loop3A_714 : vector<16xf32>
      %parallel_loop3A_716 = vector.broadcast %add3A_4 : i32 to vector<16xi32>
      %parallel_loop3A_717 = arith.subi %parallel_loop3A_713, %parallel_loop3A_716 : vector<16xi32>
      %parallel_loop3A_718 = arith.constant 0 : i32
      %parallel_loop3A_719 = arith.constant 0 : i32
      %parallel_loop3A_720 = arith.constant 0 : i32
      %parallel_loop3A_721 = tpu.memref_slice %arg4[%parallel_loop3A_718, %parallel_loop3A_719, %parallel_loop3A_720] : memref<2x2x5120xf32, #tpu.memory_space<vmem>> -> memref<1x2x5120xf32, #tpu.memory_space<vmem>>
      %parallel_loop3A_722 = tpu.memref_squeeze %parallel_loop3A_721 : memref<1x2x5120xf32, #tpu.memory_space<vmem>> -> memref<2x5120xf32, #tpu.memory_space<vmem>>
      %parallel_loop3A_723 = tpu.vector_load_idx %parallel_loop3A_722[%broadcast_in_dim3A_400, %parallel_loop3A_717] : memref<2x5120xf32, #tpu.memory_space<vmem>>[vector<16xi32>, vector<16xi32>], vector<16xf32>,
      %parallel_loop3A_724 = arith.constant 1 : i32
      %parallel_loop3A_725 = vector.broadcast %parallel_loop3A_724 : i32 to vector<16xi32>
      %parallel_loop3A_726 = arith.addi %parallel_loop3A_717, %parallel_loop3A_725 : vector<16xi32>
      %parallel_loop3A_727 = arith.constant 0 : i32
      %parallel_loop3A_728 = arith.constant 0 : i32
      %parallel_loop3A_729 = arith.constant 0 : i32
      %parallel_loop3A_730 = tpu.memref_slice %arg4[%parallel_loop3A_727, %parallel_loop3A_728, %parallel_loop3A_729] : memref<2x2x5120xf32, #tpu.memory_space<vmem>> -> memref<1x2x5120xf32, #tpu.memory_space<vmem>>
      %parallel_loop3A_731 = tpu.memref_squeeze %parallel_loop3A_730 : memref<1x2x5120xf32, #tpu.memory_space<vmem>> -> memref<2x5120xf32, #tpu.memory_space<vmem>>
      %parallel_loop3A_732 = tpu.vector_load_idx %parallel_loop3A_731[%broadcast_in_dim3A_400, %parallel_loop3A_726] : memref<2x5120xf32, #tpu.memory_space<vmem>>[vector<16xi32>, vector<16xi32>], vector<16xf32>,
      %parallel_loop3A_733 = arith.subf %parallel_loop3A_732, %parallel_loop3A_723 : vector<16xf32>
      %parallel_loop3A_734 = arith.mulf %parallel_loop3A_715, %parallel_loop3A_733 : vector<16xf32>
      %parallel_loop3A_735 = arith.addf %parallel_loop3A_723, %parallel_loop3A_734 : vector<16xf32>
      %parallel_loop3A_736 = arith.constant 0 : i32
      %parallel_loop3A_737 = arith.constant 0 : i32
      %parallel_loop3A_738 = arith.index_cast %parallel_loop3A_736 : i32 to index
      %parallel_loop3A_739 = arith.index_cast %parallel_loop3A_737 : i32 to index
      %parallel_loop3A_740 = arith.index_cast %parallel_loop3A_710 : i32 to index
      %parallel_loop3A_741 = tpu.vector_load %arg5[%parallel_loop3A_738, %parallel_loop3A_739, %parallel_loop3A_740] {strides = array<i32>} : memref<2x2x6912xf32, #tpu.memory_space<vmem>>, vector<16xf32>,
      tpu.vector_store %arg5[%parallel_loop3A_738, %parallel_loop3A_739, %parallel_loop3A_740], %parallel_loop3A_735 {strides = array<i32>} : memref<2x2x6912xf32, #tpu.memory_space<vmem>>, vector<16xf32>,
    } {sc.loop_unroll_factor = 4 : i64, sc.parallel_access}
    %broadcast_in_dim3A_404 = arith.constant 1 : i32
    %broadcast_in_dim3A_405 = vector.broadcast %broadcast_in_dim3A_404 : i32 to vector<16xi32>
    %parallel_loop3A_406 = arith.constant 0 : i32
    %parallel_loop3A_407 = arith.constant 6912 : i32
    %parallel_loop3A_408 = arith.constant 16 : i32
    scf.for %parallel_loop3A_710 = %parallel_loop3A_406 to %parallel_loop3A_407 step %parallel_loop3A_408  : i32 {
      %parallel_loop3A_711 = arith.index_cast %parallel_loop3A_710 : i32 to index
      %parallel_loop3A_712 = tpu.vector_load %arg6[%parallel_loop3A_711] {strides = array<i32>} : memref<6912xf32, #tpu.memory_space<vmem>>, vector<16xf32>,
      %parallel_loop3A_713 = arith.fptosi %parallel_loop3A_712 : vector<16xf32> to vector<16xi32>
      %parallel_loop3A_714 = arith.sitofp %parallel_loop3A_713 : vector<16xi32> to vector<16xf32>
      %parallel_loop3A_715 = arith.subf %parallel_loop3A_712, %parallel_loop3A_714 : vector<16xf32>
      %parallel_loop3A_716 = vector.broadcast %add3A_4 : i32 to vector<16xi32>
      %parallel_loop3A_717 = arith.subi %parallel_loop3A_713, %parallel_loop3A_716 : vector<16xi32>
      %parallel_loop3A_718 = arith.constant 0 : i32
      %parallel_loop3A_719 = arith.constant 0 : i32
      %parallel_loop3A_720 = arith.constant 0 : i32
      %parallel_loop3A_721 = tpu.memref_slice %arg4[%parallel_loop3A_718, %parallel_loop3A_719, %parallel_loop3A_720] : memref<2x2x5120xf32, #tpu.memory_space<vmem>> -> memref<1x2x5120xf32, #tpu.memory_space<vmem>>
      %parallel_loop3A_722 = tpu.memref_squeeze %parallel_loop3A_721 : memref<1x2x5120xf32, #tpu.memory_space<vmem>> -> memref<2x5120xf32, #tpu.memory_space<vmem>>
      %parallel_loop3A_723 = tpu.vector_load_idx %parallel_loop3A_722[%broadcast_in_dim3A_405, %parallel_loop3A_717] : memref<2x5120xf32, #tpu.memory_space<vmem>>[vector<16xi32>, vector<16xi32>], vector<16xf32>,
      %parallel_loop3A_724 = arith.constant 1 : i32
      %parallel_loop3A_725 = vector.broadcast %parallel_loop3A_724 : i32 to vector<16xi32>
      %parallel_loop3A_726 = arith.addi %parallel_loop3A_717, %parallel_loop3A_725 : vector<16xi32>
      %parallel_loop3A_727 = arith.constant 0 : i32
      %parallel_loop3A_728 = arith.constant 0 : i32
      %parallel_loop3A_729 = arith.constant 0 : i32
      %parallel_loop3A_730 = tpu.memref_slice %arg4[%parallel_loop3A_727, %parallel_loop3A_728, %parallel_loop3A_729] : memref<2x2x5120xf32, #tpu.memory_space<vmem>> -> memref<1x2x5120xf32, #tpu.memory_space<vmem>>
      %parallel_loop3A_731 = tpu.memref_squeeze %parallel_loop3A_730 : memref<1x2x5120xf32, #tpu.memory_space<vmem>> -> memref<2x5120xf32, #tpu.memory_space<vmem>>
      %parallel_loop3A_732 = tpu.vector_load_idx %parallel_loop3A_731[%broadcast_in_dim3A_405, %parallel_loop3A_726] : memref<2x5120xf32, #tpu.memory_space<vmem>>[vector<16xi32>, vector<16xi32>], vector<16xf32>,
      %parallel_loop3A_733 = arith.subf %parallel_loop3A_732, %parallel_loop3A_723 : vector<16xf32>
      %parallel_loop3A_734 = arith.mulf %parallel_loop3A_715, %parallel_loop3A_733 : vector<16xf32>
      %parallel_loop3A_735 = arith.addf %parallel_loop3A_723, %parallel_loop3A_734 : vector<16xf32>
      %parallel_loop3A_736 = arith.constant 0 : i32
      %parallel_loop3A_737 = arith.constant 1 : i32
      %parallel_loop3A_738 = arith.index_cast %parallel_loop3A_736 : i32 to index
      %parallel_loop3A_739 = arith.index_cast %parallel_loop3A_737 : i32 to index
      %parallel_loop3A_740 = arith.index_cast %parallel_loop3A_710 : i32 to index
      %parallel_loop3A_741 = tpu.vector_load %arg5[%parallel_loop3A_738, %parallel_loop3A_739, %parallel_loop3A_740] {strides = array<i32>} : memref<2x2x6912xf32, #tpu.memory_space<vmem>>, vector<16xf32>,
      tpu.vector_store %arg5[%parallel_loop3A_738, %parallel_loop3A_739, %parallel_loop3A_740], %parallel_loop3A_735 {strides = array<i32>} : memref<2x2x6912xf32, #tpu.memory_space<vmem>>, vector<16xf32>,
    } {sc.loop_unroll_factor = 4 : i64, sc.parallel_access}
    %dma_start3A_409 = arith.constant 1 : i32
    %dma_start3A_410 = arith.constant 6 : i32
    %dma_start3A_411 = arith.constant 0 : i32
    %dma_start3A_412 = arith.constant 0 : i32
    %dma_start3A_413 = arith.constant 0 : i32
    %dma_start3A_414 = arith.constant 0 : i32
    %dma_start3A_415 = tpu.memref_slice %arg4[%dma_start3A_411, %dma_start3A_413, %dma_start3A_414] : memref<2x2x5120xf32, #tpu.memory_space<vmem>> -> memref<1x2x5120xf32, #tpu.memory_space<vmem>>
    %dma_start3A_416 = tpu.memref_squeeze %dma_start3A_415 : memref<1x2x5120xf32, #tpu.memory_space<vmem>> -> memref<2x5120xf32, #tpu.memory_space<vmem>>
    %dma_start3A_417 = arith.constant 0 : i32
    %dma_start3A_418 = tpu.memref_slice %arg2[%dma_start3A_409, %dma_start3A_410, %dma_start3A_417, %add3A_4] : memref<4x8x2x220500xf32, #tpu.memory_space<hbm>> -> memref<1x1x2x5120xf32, #tpu.memory_space<hbm>>
    %dma_start3A_419 = tpu.memref_squeeze %dma_start3A_418 : memref<1x1x2x5120xf32, #tpu.memory_space<hbm>> -> memref<2x5120xf32, #tpu.memory_space<hbm>>
    %dma_start3A_420 = tpu.memref_slice %arg7[%dma_start3A_412] : memref<2x!tpu.dma_semaphore, #tpu.memory_space<semaphore_mem>> -> memref<1x!tpu.dma_semaphore, #tpu.memory_space<semaphore_mem>>
    %dma_start3A_421 = tpu.memref_squeeze %dma_start3A_420 : memref<1x!tpu.dma_semaphore, #tpu.memory_space<semaphore_mem>> -> memref<!tpu.dma_semaphore, #tpu.memory_space<semaphore_mem>>
    %dma_start3A_422 = arith.constant 0 : i32
    %dma_start3A_423 = arith.constant 0 : i32
    %dma_start3A_424 = tpu.memref_slice %arg4[%dma_start3A_411, %dma_start3A_422, %dma_start3A_423] : memref<2x2x5120xf32, #tpu.memory_space<vmem>> -> memref<1x2x5120xf32, #tpu.memory_space<vmem>>
    %dma_start3A_425 = tpu.memref_squeeze %dma_start3A_424 : memref<1x2x5120xf32, #tpu.memory_space<vmem>> -> memref<2x5120xf32, #tpu.memory_space<vmem>>
    %dma_start3A_426 = arith.constant 0 : i32
    %dma_start3A_427 = tpu.memref_slice %arg2[%dma_start3A_409, %dma_start3A_410, %dma_start3A_426, %add3A_4] : memref<4x8x2x220500xf32, #tpu.memory_space<hbm>> -> memref<1x1x2x5120xf32, #tpu.memory_space<hbm>>
    %dma_start3A_428 = tpu.memref_squeeze %dma_start3A_427 : memref<1x1x2x5120xf32, #tpu.memory_space<hbm>> -> memref<2x5120xf32, #tpu.memory_space<hbm>>
    tpu.enqueue_dma source(%dma_start3A_428 : memref<2x5120xf32, #tpu.memory_space<hbm>>) target(%dma_start3A_425 : memref<2x5120xf32, #tpu.memory_space<vmem>>) target_semaphore(%dma_start3A_421 : memref<!tpu.dma_semaphore, #tpu.memory_space<semaphore_mem>>)
    %dma_start3A_429 = arith.constant 0 : i32
    %dma_start3A_430 = arith.constant 4 : i32
    %dma_start3A_431 = arith.constant 0 : i32
    %dma_start3A_432 = arith.constant 0 : i32
    %dma_start3A_433 = arith.constant 0 : i32
    %dma_start3A_434 = tpu.memref_slice %arg5[%dma_start3A_429, %dma_start3A_432, %dma_start3A_433] : memref<2x2x6912xf32, #tpu.memory_space<vmem>> -> memref<1x2x6912xf32, #tpu.memory_space<vmem>>
    %dma_start3A_435 = tpu.memref_squeeze %dma_start3A_434 : memref<1x2x6912xf32, #tpu.memory_space<vmem>> -> memref<2x6912xf32, #tpu.memory_space<vmem>>
    %dma_start3A_436 = arith.constant 0 : i32
    %dma_start3A_437 = tpu.memref_slice %arg3[%dma_start3A_430, %dma_start3A_436, %mul3A_6] : memref<8x2x221184xf32, #tpu.memory_space<hbm>> -> memref<1x2x6912xf32, #tpu.memory_space<hbm>>
    %dma_start3A_438 = tpu.memref_squeeze %dma_start3A_437 : memref<1x2x6912xf32, #tpu.memory_space<hbm>> -> memref<2x6912xf32, #tpu.memory_space<hbm>>
    %dma_start3A_439 = tpu.memref_slice %arg8[%dma_start3A_431] : memref<2x!tpu.dma_semaphore, #tpu.memory_space<semaphore_mem>> -> memref<1x!tpu.dma_semaphore, #tpu.memory_space<semaphore_mem>>
    %dma_start3A_440 = tpu.memref_squeeze %dma_start3A_439 : memref<1x!tpu.dma_semaphore, #tpu.memory_space<semaphore_mem>> -> memref<!tpu.dma_semaphore, #tpu.memory_space<semaphore_mem>>
    %dma_start3A_441 = arith.constant 0 : i32
    %dma_start3A_442 = tpu.memref_slice %arg3[%dma_start3A_430, %dma_start3A_441, %mul3A_6] : memref<8x2x221184xf32, #tpu.memory_space<hbm>> -> memref<1x2x6912xf32, #tpu.memory_space<hbm>>
    %dma_start3A_443 = tpu.memref_squeeze %dma_start3A_442 : memref<1x2x6912xf32, #tpu.memory_space<hbm>> -> memref<2x6912xf32, #tpu.memory_space<hbm>>
    %dma_start3A_444 = arith.constant 0 : i32
    %dma_start3A_445 = arith.constant 0 : i32
    %dma_start3A_446 = tpu.memref_slice %arg5[%dma_start3A_429, %dma_start3A_444, %dma_start3A_445] : memref<2x2x6912xf32, #tpu.memory_space<vmem>> -> memref<1x2x6912xf32, #tpu.memory_space<vmem>>
    %dma_start3A_447 = tpu.memref_squeeze %dma_start3A_446 : memref<1x2x6912xf32, #tpu.memory_space<vmem>> -> memref<2x6912xf32, #tpu.memory_space<vmem>>
    tpu.enqueue_dma source(%dma_start3A_447 : memref<2x6912xf32, #tpu.memory_space<vmem>>) target(%dma_start3A_443 : memref<2x6912xf32, #tpu.memory_space<hbm>>) target_semaphore(%dma_start3A_440 : memref<!tpu.dma_semaphore, #tpu.memory_space<semaphore_mem>>)
    %dma_wait3A_448 = arith.constant 1 : i32
    %dma_wait3A_449 = arith.constant 5 : i32
    %dma_wait3A_450 = arith.constant 1 : i32
    %dma_wait3A_451 = arith.constant 1 : i32
    %dma_wait3A_452 = arith.constant 0 : i32
    %dma_wait3A_453 = arith.constant 0 : i32
    %dma_wait3A_454 = tpu.memref_slice %arg4[%dma_wait3A_450, %dma_wait3A_452, %dma_wait3A_453] : memref<2x2x5120xf32, #tpu.memory_space<vmem>> -> memref<1x2x5120xf32, #tpu.memory_space<vmem>>
    %dma_wait3A_455 = tpu.memref_squeeze %dma_wait3A_454 : memref<1x2x5120xf32, #tpu.memory_space<vmem>> -> memref<2x5120xf32, #tpu.memory_space<vmem>>
    %dma_wait3A_456 = arith.constant 0 : i32
    %dma_wait3A_457 = tpu.memref_slice %arg2[%dma_wait3A_448, %dma_wait3A_449, %dma_wait3A_456, %add3A_4] : memref<4x8x2x220500xf32, #tpu.memory_space<hbm>> -> memref<1x1x2x5120xf32, #tpu.memory_space<hbm>>
    %dma_wait3A_458 = tpu.memref_squeeze %dma_wait3A_457 : memref<1x1x2x5120xf32, #tpu.memory_space<hbm>> -> memref<2x5120xf32, #tpu.memory_space<hbm>>
    %dma_wait3A_459 = tpu.memref_slice %arg7[%dma_wait3A_451] : memref<2x!tpu.dma_semaphore, #tpu.memory_space<semaphore_mem>> -> memref<1x!tpu.dma_semaphore, #tpu.memory_space<semaphore_mem>>
    %dma_wait3A_460 = tpu.memref_squeeze %dma_wait3A_459 : memref<1x!tpu.dma_semaphore, #tpu.memory_space<semaphore_mem>> -> memref<!tpu.dma_semaphore, #tpu.memory_space<semaphore_mem>>
    %dma_wait3A_461 = arith.constant 0 : i32
    %dma_wait3A_462 = arith.constant 0 : i32
    %dma_wait3A_463 = tpu.memref_slice %arg4[%dma_wait3A_450, %dma_wait3A_461, %dma_wait3A_462] : memref<2x2x5120xf32, #tpu.memory_space<vmem>> -> memref<1x2x5120xf32, #tpu.memory_space<vmem>>
    %dma_wait3A_464 = tpu.memref_squeeze %dma_wait3A_463 : memref<1x2x5120xf32, #tpu.memory_space<vmem>> -> memref<2x5120xf32, #tpu.memory_space<vmem>>
    %dma_wait3A_465 = arith.constant 0 : i32
    %dma_wait3A_466 = tpu.memref_slice %arg2[%dma_wait3A_448, %dma_wait3A_449, %dma_wait3A_465, %add3A_4] : memref<4x8x2x220500xf32, #tpu.memory_space<hbm>> -> memref<1x1x2x5120xf32, #tpu.memory_space<hbm>>
    %dma_wait3A_467 = tpu.memref_squeeze %dma_wait3A_466 : memref<1x1x2x5120xf32, #tpu.memory_space<hbm>> -> memref<2x5120xf32, #tpu.memory_space<hbm>>
    tpu.wait_dma2 semaphore(%dma_wait3A_460 : memref<!tpu.dma_semaphore, #tpu.memory_space<semaphore_mem>>) src(%dma_wait3A_467 : memref<2x5120xf32, #tpu.memory_space<hbm>>) dst(%dma_wait3A_464 : memref<2x5120xf32, #tpu.memory_space<vmem>>)
    %dma_wait3A_468 = arith.constant 1 : i32
    %dma_wait3A_469 = arith.constant 3 : i32
    %dma_wait3A_470 = arith.constant 1 : i32
    %dma_wait3A_471 = arith.constant 0 : i32
    %dma_wait3A_472 = arith.constant 0 : i32
    %dma_wait3A_473 = tpu.memref_slice %arg5[%dma_wait3A_468, %dma_wait3A_471, %dma_wait3A_472] : memref<2x2x6912xf32, #tpu.memory_space<vmem>> -> memref<1x2x6912xf32, #tpu.memory_space<vmem>>
    %dma_wait3A_474 = tpu.memref_squeeze %dma_wait3A_473 : memref<1x2x6912xf32, #tpu.memory_space<vmem>> -> memref<2x6912xf32, #tpu.memory_space<vmem>>
    %dma_wait3A_475 = arith.constant 0 : i32
    %dma_wait3A_476 = tpu.memref_slice %arg3[%dma_wait3A_469, %dma_wait3A_475, %mul3A_6] : memref<8x2x221184xf32, #tpu.memory_space<hbm>> -> memref<1x2x6912xf32, #tpu.memory_space<hbm>>
    %dma_wait3A_477 = tpu.memref_squeeze %dma_wait3A_476 : memref<1x2x6912xf32, #tpu.memory_space<hbm>> -> memref<2x6912xf32, #tpu.memory_space<hbm>>
    %dma_wait3A_478 = tpu.memref_slice %arg8[%dma_wait3A_470] : memref<2x!tpu.dma_semaphore, #tpu.memory_space<semaphore_mem>> -> memref<1x!tpu.dma_semaphore, #tpu.memory_space<semaphore_mem>>
    %dma_wait3A_479 = tpu.memref_squeeze %dma_wait3A_478 : memref<1x!tpu.dma_semaphore, #tpu.memory_space<semaphore_mem>> -> memref<!tpu.dma_semaphore, #tpu.memory_space<semaphore_mem>>
    %dma_wait3A_480 = arith.constant 0 : i32
    %dma_wait3A_481 = tpu.memref_slice %arg3[%dma_wait3A_469, %dma_wait3A_480, %mul3A_6] : memref<8x2x221184xf32, #tpu.memory_space<hbm>> -> memref<1x2x6912xf32, #tpu.memory_space<hbm>>
    %dma_wait3A_482 = tpu.memref_squeeze %dma_wait3A_481 : memref<1x2x6912xf32, #tpu.memory_space<hbm>> -> memref<2x6912xf32, #tpu.memory_space<hbm>>
    %dma_wait3A_483 = arith.constant 0 : i32
    %dma_wait3A_484 = arith.constant 0 : i32
    %dma_wait3A_485 = tpu.memref_slice %arg5[%dma_wait3A_468, %dma_wait3A_483, %dma_wait3A_484] : memref<2x2x6912xf32, #tpu.memory_space<vmem>> -> memref<1x2x6912xf32, #tpu.memory_space<vmem>>
    %dma_wait3A_486 = tpu.memref_squeeze %dma_wait3A_485 : memref<1x2x6912xf32, #tpu.memory_space<vmem>> -> memref<2x6912xf32, #tpu.memory_space<vmem>>
    tpu.wait_dma2 semaphore(%dma_wait3A_479 : memref<!tpu.dma_semaphore, #tpu.memory_space<semaphore_mem>>) src(%dma_wait3A_486 : memref<2x6912xf32, #tpu.memory_space<vmem>>) dst(%dma_wait3A_482 : memref<2x6912xf32, #tpu.memory_space<hbm>>)
    %broadcast_in_dim3A_487 = arith.constant 0 : i32
    %broadcast_in_dim3A_488 = vector.broadcast %broadcast_in_dim3A_487 : i32 to vector<16xi32>
    %parallel_loop3A_489 = arith.constant 0 : i32
    %parallel_loop3A_490 = arith.constant 6912 : i32
    %parallel_loop3A_491 = arith.constant 16 : i32
    scf.for %parallel_loop3A_710 = %parallel_loop3A_489 to %parallel_loop3A_490 step %parallel_loop3A_491  : i32 {
      %parallel_loop3A_711 = arith.index_cast %parallel_loop3A_710 : i32 to index
      %parallel_loop3A_712 = tpu.vector_load %arg6[%parallel_loop3A_711] {strides = array<i32>} : memref<6912xf32, #tpu.memory_space<vmem>>, vector<16xf32>,
      %parallel_loop3A_713 = arith.fptosi %parallel_loop3A_712 : vector<16xf32> to vector<16xi32>
      %parallel_loop3A_714 = arith.sitofp %parallel_loop3A_713 : vector<16xi32> to vector<16xf32>
      %parallel_loop3A_715 = arith.subf %parallel_loop3A_712, %parallel_loop3A_714 : vector<16xf32>
      %parallel_loop3A_716 = vector.broadcast %add3A_4 : i32 to vector<16xi32>
      %parallel_loop3A_717 = arith.subi %parallel_loop3A_713, %parallel_loop3A_716 : vector<16xi32>
      %parallel_loop3A_718 = arith.constant 1 : i32
      %parallel_loop3A_719 = arith.constant 0 : i32
      %parallel_loop3A_720 = arith.constant 0 : i32
      %parallel_loop3A_721 = tpu.memref_slice %arg4[%parallel_loop3A_718, %parallel_loop3A_719, %parallel_loop3A_720] : memref<2x2x5120xf32, #tpu.memory_space<vmem>> -> memref<1x2x5120xf32, #tpu.memory_space<vmem>>
      %parallel_loop3A_722 = tpu.memref_squeeze %parallel_loop3A_721 : memref<1x2x5120xf32, #tpu.memory_space<vmem>> -> memref<2x5120xf32, #tpu.memory_space<vmem>>
      %parallel_loop3A_723 = tpu.vector_load_idx %parallel_loop3A_722[%broadcast_in_dim3A_488, %parallel_loop3A_717] : memref<2x5120xf32, #tpu.memory_space<vmem>>[vector<16xi32>, vector<16xi32>], vector<16xf32>,
      %parallel_loop3A_724 = arith.constant 1 : i32
      %parallel_loop3A_725 = vector.broadcast %parallel_loop3A_724 : i32 to vector<16xi32>
      %parallel_loop3A_726 = arith.addi %parallel_loop3A_717, %parallel_loop3A_725 : vector<16xi32>
      %parallel_loop3A_727 = arith.constant 1 : i32
      %parallel_loop3A_728 = arith.constant 0 : i32
      %parallel_loop3A_729 = arith.constant 0 : i32
      %parallel_loop3A_730 = tpu.memref_slice %arg4[%parallel_loop3A_727, %parallel_loop3A_728, %parallel_loop3A_729] : memref<2x2x5120xf32, #tpu.memory_space<vmem>> -> memref<1x2x5120xf32, #tpu.memory_space<vmem>>
      %parallel_loop3A_731 = tpu.memref_squeeze %parallel_loop3A_730 : memref<1x2x5120xf32, #tpu.memory_space<vmem>> -> memref<2x5120xf32, #tpu.memory_space<vmem>>
      %parallel_loop3A_732 = tpu.vector_load_idx %parallel_loop3A_731[%broadcast_in_dim3A_488, %parallel_loop3A_726] : memref<2x5120xf32, #tpu.memory_space<vmem>>[vector<16xi32>, vector<16xi32>], vector<16xf32>,
      %parallel_loop3A_733 = arith.subf %parallel_loop3A_732, %parallel_loop3A_723 : vector<16xf32>
      %parallel_loop3A_734 = arith.mulf %parallel_loop3A_715, %parallel_loop3A_733 : vector<16xf32>
      %parallel_loop3A_735 = arith.addf %parallel_loop3A_723, %parallel_loop3A_734 : vector<16xf32>
      %parallel_loop3A_736 = arith.constant 1 : i32
      %parallel_loop3A_737 = arith.constant 0 : i32
      %parallel_loop3A_738 = arith.index_cast %parallel_loop3A_736 : i32 to index
      %parallel_loop3A_739 = arith.index_cast %parallel_loop3A_737 : i32 to index
      %parallel_loop3A_740 = arith.index_cast %parallel_loop3A_710 : i32 to index
      %parallel_loop3A_741 = tpu.vector_load %arg5[%parallel_loop3A_738, %parallel_loop3A_739, %parallel_loop3A_740] {strides = array<i32>} : memref<2x2x6912xf32, #tpu.memory_space<vmem>>, vector<16xf32>,
      tpu.vector_store %arg5[%parallel_loop3A_738, %parallel_loop3A_739, %parallel_loop3A_740], %parallel_loop3A_735 {strides = array<i32>} : memref<2x2x6912xf32, #tpu.memory_space<vmem>>, vector<16xf32>,
    } {sc.loop_unroll_factor = 4 : i64, sc.parallel_access}
    %broadcast_in_dim3A_492 = arith.constant 1 : i32
    %broadcast_in_dim3A_493 = vector.broadcast %broadcast_in_dim3A_492 : i32 to vector<16xi32>
    %parallel_loop3A_494 = arith.constant 0 : i32
    %parallel_loop3A_495 = arith.constant 6912 : i32
    %parallel_loop3A_496 = arith.constant 16 : i32
    scf.for %parallel_loop3A_710 = %parallel_loop3A_494 to %parallel_loop3A_495 step %parallel_loop3A_496  : i32 {
      %parallel_loop3A_711 = arith.index_cast %parallel_loop3A_710 : i32 to index
      %parallel_loop3A_712 = tpu.vector_load %arg6[%parallel_loop3A_711] {strides = array<i32>} : memref<6912xf32, #tpu.memory_space<vmem>>, vector<16xf32>,
      %parallel_loop3A_713 = arith.fptosi %parallel_loop3A_712 : vector<16xf32> to vector<16xi32>
      %parallel_loop3A_714 = arith.sitofp %parallel_loop3A_713 : vector<16xi32> to vector<16xf32>
      %parallel_loop3A_715 = arith.subf %parallel_loop3A_712, %parallel_loop3A_714 : vector<16xf32>
      %parallel_loop3A_716 = vector.broadcast %add3A_4 : i32 to vector<16xi32>
      %parallel_loop3A_717 = arith.subi %parallel_loop3A_713, %parallel_loop3A_716 : vector<16xi32>
      %parallel_loop3A_718 = arith.constant 1 : i32
      %parallel_loop3A_719 = arith.constant 0 : i32
      %parallel_loop3A_720 = arith.constant 0 : i32
      %parallel_loop3A_721 = tpu.memref_slice %arg4[%parallel_loop3A_718, %parallel_loop3A_719, %parallel_loop3A_720] : memref<2x2x5120xf32, #tpu.memory_space<vmem>> -> memref<1x2x5120xf32, #tpu.memory_space<vmem>>
      %parallel_loop3A_722 = tpu.memref_squeeze %parallel_loop3A_721 : memref<1x2x5120xf32, #tpu.memory_space<vmem>> -> memref<2x5120xf32, #tpu.memory_space<vmem>>
      %parallel_loop3A_723 = tpu.vector_load_idx %parallel_loop3A_722[%broadcast_in_dim3A_493, %parallel_loop3A_717] : memref<2x5120xf32, #tpu.memory_space<vmem>>[vector<16xi32>, vector<16xi32>], vector<16xf32>,
      %parallel_loop3A_724 = arith.constant 1 : i32
      %parallel_loop3A_725 = vector.broadcast %parallel_loop3A_724 : i32 to vector<16xi32>
      %parallel_loop3A_726 = arith.addi %parallel_loop3A_717, %parallel_loop3A_725 : vector<16xi32>
      %parallel_loop3A_727 = arith.constant 1 : i32
      %parallel_loop3A_728 = arith.constant 0 : i32
      %parallel_loop3A_729 = arith.constant 0 : i32
      %parallel_loop3A_730 = tpu.memref_slice %arg4[%parallel_loop3A_727, %parallel_loop3A_728, %parallel_loop3A_729] : memref<2x2x5120xf32, #tpu.memory_space<vmem>> -> memref<1x2x5120xf32, #tpu.memory_space<vmem>>
      %parallel_loop3A_731 = tpu.memref_squeeze %parallel_loop3A_730 : memref<1x2x5120xf32, #tpu.memory_space<vmem>> -> memref<2x5120xf32, #tpu.memory_space<vmem>>
      %parallel_loop3A_732 = tpu.vector_load_idx %parallel_loop3A_731[%broadcast_in_dim3A_493, %parallel_loop3A_726] : memref<2x5120xf32, #tpu.memory_space<vmem>>[vector<16xi32>, vector<16xi32>], vector<16xf32>,
      %parallel_loop3A_733 = arith.subf %parallel_loop3A_732, %parallel_loop3A_723 : vector<16xf32>
      %parallel_loop3A_734 = arith.mulf %parallel_loop3A_715, %parallel_loop3A_733 : vector<16xf32>
      %parallel_loop3A_735 = arith.addf %parallel_loop3A_723, %parallel_loop3A_734 : vector<16xf32>
      %parallel_loop3A_736 = arith.constant 1 : i32
      %parallel_loop3A_737 = arith.constant 1 : i32
      %parallel_loop3A_738 = arith.index_cast %parallel_loop3A_736 : i32 to index
      %parallel_loop3A_739 = arith.index_cast %parallel_loop3A_737 : i32 to index
      %parallel_loop3A_740 = arith.index_cast %parallel_loop3A_710 : i32 to index
      %parallel_loop3A_741 = tpu.vector_load %arg5[%parallel_loop3A_738, %parallel_loop3A_739, %parallel_loop3A_740] {strides = array<i32>} : memref<2x2x6912xf32, #tpu.memory_space<vmem>>, vector<16xf32>,
      tpu.vector_store %arg5[%parallel_loop3A_738, %parallel_loop3A_739, %parallel_loop3A_740], %parallel_loop3A_735 {strides = array<i32>} : memref<2x2x6912xf32, #tpu.memory_space<vmem>>, vector<16xf32>,
    } {sc.loop_unroll_factor = 4 : i64, sc.parallel_access}
    %dma_start3A_497 = arith.constant 1 : i32
    %dma_start3A_498 = arith.constant 7 : i32
    %dma_start3A_499 = arith.constant 1 : i32
    %dma_start3A_500 = arith.constant 1 : i32
    %dma_start3A_501 = arith.constant 0 : i32
    %dma_start3A_502 = arith.constant 0 : i32
    %dma_start3A_503 = tpu.memref_slice %arg4[%dma_start3A_499, %dma_start3A_501, %dma_start3A_502] : memref<2x2x5120xf32, #tpu.memory_space<vmem>> -> memref<1x2x5120xf32, #tpu.memory_space<vmem>>
    %dma_start3A_504 = tpu.memref_squeeze %dma_start3A_503 : memref<1x2x5120xf32, #tpu.memory_space<vmem>> -> memref<2x5120xf32, #tpu.memory_space<vmem>>
    %dma_start3A_505 = arith.constant 0 : i32
    %dma_start3A_506 = tpu.memref_slice %arg2[%dma_start3A_497, %dma_start3A_498, %dma_start3A_505, %add3A_4] : memref<4x8x2x220500xf32, #tpu.memory_space<hbm>> -> memref<1x1x2x5120xf32, #tpu.memory_space<hbm>>
    %dma_start3A_507 = tpu.memref_squeeze %dma_start3A_506 : memref<1x1x2x5120xf32, #tpu.memory_space<hbm>> -> memref<2x5120xf32, #tpu.memory_space<hbm>>
    %dma_start3A_508 = tpu.memref_slice %arg7[%dma_start3A_500] : memref<2x!tpu.dma_semaphore, #tpu.memory_space<semaphore_mem>> -> memref<1x!tpu.dma_semaphore, #tpu.memory_space<semaphore_mem>>
    %dma_start3A_509 = tpu.memref_squeeze %dma_start3A_508 : memref<1x!tpu.dma_semaphore, #tpu.memory_space<semaphore_mem>> -> memref<!tpu.dma_semaphore, #tpu.memory_space<semaphore_mem>>
    %dma_start3A_510 = arith.constant 0 : i32
    %dma_start3A_511 = arith.constant 0 : i32
    %dma_start3A_512 = tpu.memref_slice %arg4[%dma_start3A_499, %dma_start3A_510, %dma_start3A_511] : memref<2x2x5120xf32, #tpu.memory_space<vmem>> -> memref<1x2x5120xf32, #tpu.memory_space<vmem>>
    %dma_start3A_513 = tpu.memref_squeeze %dma_start3A_512 : memref<1x2x5120xf32, #tpu.memory_space<vmem>> -> memref<2x5120xf32, #tpu.memory_space<vmem>>
    %dma_start3A_514 = arith.constant 0 : i32
    %dma_start3A_515 = tpu.memref_slice %arg2[%dma_start3A_497, %dma_start3A_498, %dma_start3A_514, %add3A_4] : memref<4x8x2x220500xf32, #tpu.memory_space<hbm>> -> memref<1x1x2x5120xf32, #tpu.memory_space<hbm>>
    %dma_start3A_516 = tpu.memref_squeeze %dma_start3A_515 : memref<1x1x2x5120xf32, #tpu.memory_space<hbm>> -> memref<2x5120xf32, #tpu.memory_space<hbm>>
    tpu.enqueue_dma source(%dma_start3A_516 : memref<2x5120xf32, #tpu.memory_space<hbm>>) target(%dma_start3A_513 : memref<2x5120xf32, #tpu.memory_space<vmem>>) target_semaphore(%dma_start3A_509 : memref<!tpu.dma_semaphore, #tpu.memory_space<semaphore_mem>>)
    %dma_start3A_517 = arith.constant 1 : i32
    %dma_start3A_518 = arith.constant 5 : i32
    %dma_start3A_519 = arith.constant 1 : i32
    %dma_start3A_520 = arith.constant 0 : i32
    %dma_start3A_521 = arith.constant 0 : i32
    %dma_start3A_522 = tpu.memref_slice %arg5[%dma_start3A_517, %dma_start3A_520, %dma_start3A_521] : memref<2x2x6912xf32, #tpu.memory_space<vmem>> -> memref<1x2x6912xf32, #tpu.memory_space<vmem>>
    %dma_start3A_523 = tpu.memref_squeeze %dma_start3A_522 : memref<1x2x6912xf32, #tpu.memory_space<vmem>> -> memref<2x6912xf32, #tpu.memory_space<vmem>>
    %dma_start3A_524 = arith.constant 0 : i32
    %dma_start3A_525 = tpu.memref_slice %arg3[%dma_start3A_518, %dma_start3A_524, %mul3A_6] : memref<8x2x221184xf32, #tpu.memory_space<hbm>> -> memref<1x2x6912xf32, #tpu.memory_space<hbm>>
    %dma_start3A_526 = tpu.memref_squeeze %dma_start3A_525 : memref<1x2x6912xf32, #tpu.memory_space<hbm>> -> memref<2x6912xf32, #tpu.memory_space<hbm>>
    %dma_start3A_527 = tpu.memref_slice %arg8[%dma_start3A_519] : memref<2x!tpu.dma_semaphore, #tpu.memory_space<semaphore_mem>> -> memref<1x!tpu.dma_semaphore, #tpu.memory_space<semaphore_mem>>
    %dma_start3A_528 = tpu.memref_squeeze %dma_start3A_527 : memref<1x!tpu.dma_semaphore, #tpu.memory_space<semaphore_mem>> -> memref<!tpu.dma_semaphore, #tpu.memory_space<semaphore_mem>>
    %dma_start3A_529 = arith.constant 0 : i32
    %dma_start3A_530 = tpu.memref_slice %arg3[%dma_start3A_518, %dma_start3A_529, %mul3A_6] : memref<8x2x221184xf32, #tpu.memory_space<hbm>> -> memref<1x2x6912xf32, #tpu.memory_space<hbm>>
    %dma_start3A_531 = tpu.memref_squeeze %dma_start3A_530 : memref<1x2x6912xf32, #tpu.memory_space<hbm>> -> memref<2x6912xf32, #tpu.memory_space<hbm>>
    %dma_start3A_532 = arith.constant 0 : i32
    %dma_start3A_533 = arith.constant 0 : i32
    %dma_start3A_534 = tpu.memref_slice %arg5[%dma_start3A_517, %dma_start3A_532, %dma_start3A_533] : memref<2x2x6912xf32, #tpu.memory_space<vmem>> -> memref<1x2x6912xf32, #tpu.memory_space<vmem>>
    %dma_start3A_535 = tpu.memref_squeeze %dma_start3A_534 : memref<1x2x6912xf32, #tpu.memory_space<vmem>> -> memref<2x6912xf32, #tpu.memory_space<vmem>>
    tpu.enqueue_dma source(%dma_start3A_535 : memref<2x6912xf32, #tpu.memory_space<vmem>>) target(%dma_start3A_531 : memref<2x6912xf32, #tpu.memory_space<hbm>>) target_semaphore(%dma_start3A_528 : memref<!tpu.dma_semaphore, #tpu.memory_space<semaphore_mem>>)
    %dma_wait3A_536 = arith.constant 1 : i32
    %dma_wait3A_537 = arith.constant 6 : i32
    %dma_wait3A_538 = arith.constant 0 : i32
    %dma_wait3A_539 = arith.constant 0 : i32
    %dma_wait3A_540 = arith.constant 0 : i32
    %dma_wait3A_541 = arith.constant 0 : i32
    %dma_wait3A_542 = tpu.memref_slice %arg4[%dma_wait3A_538, %dma_wait3A_540, %dma_wait3A_541] : memref<2x2x5120xf32, #tpu.memory_space<vmem>> -> memref<1x2x5120xf32, #tpu.memory_space<vmem>>
    %dma_wait3A_543 = tpu.memref_squeeze %dma_wait3A_542 : memref<1x2x5120xf32, #tpu.memory_space<vmem>> -> memref<2x5120xf32, #tpu.memory_space<vmem>>
    %dma_wait3A_544 = arith.constant 0 : i32
    %dma_wait3A_545 = tpu.memref_slice %arg2[%dma_wait3A_536, %dma_wait3A_537, %dma_wait3A_544, %add3A_4] : memref<4x8x2x220500xf32, #tpu.memory_space<hbm>> -> memref<1x1x2x5120xf32, #tpu.memory_space<hbm>>
    %dma_wait3A_546 = tpu.memref_squeeze %dma_wait3A_545 : memref<1x1x2x5120xf32, #tpu.memory_space<hbm>> -> memref<2x5120xf32, #tpu.memory_space<hbm>>
    %dma_wait3A_547 = tpu.memref_slice %arg7[%dma_wait3A_539] : memref<2x!tpu.dma_semaphore, #tpu.memory_space<semaphore_mem>> -> memref<1x!tpu.dma_semaphore, #tpu.memory_space<semaphore_mem>>
    %dma_wait3A_548 = tpu.memref_squeeze %dma_wait3A_547 : memref<1x!tpu.dma_semaphore, #tpu.memory_space<semaphore_mem>> -> memref<!tpu.dma_semaphore, #tpu.memory_space<semaphore_mem>>
    %dma_wait3A_549 = arith.constant 0 : i32
    %dma_wait3A_550 = arith.constant 0 : i32
    %dma_wait3A_551 = tpu.memref_slice %arg4[%dma_wait3A_538, %dma_wait3A_549, %dma_wait3A_550] : memref<2x2x5120xf32, #tpu.memory_space<vmem>> -> memref<1x2x5120xf32, #tpu.memory_space<vmem>>
    %dma_wait3A_552 = tpu.memref_squeeze %dma_wait3A_551 : memref<1x2x5120xf32, #tpu.memory_space<vmem>> -> memref<2x5120xf32, #tpu.memory_space<vmem>>
    %dma_wait3A_553 = arith.constant 0 : i32
    %dma_wait3A_554 = tpu.memref_slice %arg2[%dma_wait3A_536, %dma_wait3A_537, %dma_wait3A_553, %add3A_4] : memref<4x8x2x220500xf32, #tpu.memory_space<hbm>> -> memref<1x1x2x5120xf32, #tpu.memory_space<hbm>>
    %dma_wait3A_555 = tpu.memref_squeeze %dma_wait3A_554 : memref<1x1x2x5120xf32, #tpu.memory_space<hbm>> -> memref<2x5120xf32, #tpu.memory_space<hbm>>
    tpu.wait_dma2 semaphore(%dma_wait3A_548 : memref<!tpu.dma_semaphore, #tpu.memory_space<semaphore_mem>>) src(%dma_wait3A_555 : memref<2x5120xf32, #tpu.memory_space<hbm>>) dst(%dma_wait3A_552 : memref<2x5120xf32, #tpu.memory_space<vmem>>)
    %dma_wait3A_556 = arith.constant 0 : i32
    %dma_wait3A_557 = arith.constant 4 : i32
    %dma_wait3A_558 = arith.constant 0 : i32
    %dma_wait3A_559 = arith.constant 0 : i32
    %dma_wait3A_560 = arith.constant 0 : i32
    %dma_wait3A_561 = tpu.memref_slice %arg5[%dma_wait3A_556, %dma_wait3A_559, %dma_wait3A_560] : memref<2x2x6912xf32, #tpu.memory_space<vmem>> -> memref<1x2x6912xf32, #tpu.memory_space<vmem>>
    %dma_wait3A_562 = tpu.memref_squeeze %dma_wait3A_561 : memref<1x2x6912xf32, #tpu.memory_space<vmem>> -> memref<2x6912xf32, #tpu.memory_space<vmem>>
    %dma_wait3A_563 = arith.constant 0 : i32
    %dma_wait3A_564 = tpu.memref_slice %arg3[%dma_wait3A_557, %dma_wait3A_563, %mul3A_6] : memref<8x2x221184xf32, #tpu.memory_space<hbm>> -> memref<1x2x6912xf32, #tpu.memory_space<hbm>>
    %dma_wait3A_565 = tpu.memref_squeeze %dma_wait3A_564 : memref<1x2x6912xf32, #tpu.memory_space<hbm>> -> memref<2x6912xf32, #tpu.memory_space<hbm>>
    %dma_wait3A_566 = tpu.memref_slice %arg8[%dma_wait3A_558] : memref<2x!tpu.dma_semaphore, #tpu.memory_space<semaphore_mem>> -> memref<1x!tpu.dma_semaphore, #tpu.memory_space<semaphore_mem>>
    %dma_wait3A_567 = tpu.memref_squeeze %dma_wait3A_566 : memref<1x!tpu.dma_semaphore, #tpu.memory_space<semaphore_mem>> -> memref<!tpu.dma_semaphore, #tpu.memory_space<semaphore_mem>>
    %dma_wait3A_568 = arith.constant 0 : i32
    %dma_wait3A_569 = tpu.memref_slice %arg3[%dma_wait3A_557, %dma_wait3A_568, %mul3A_6] : memref<8x2x221184xf32, #tpu.memory_space<hbm>> -> memref<1x2x6912xf32, #tpu.memory_space<hbm>>
    %dma_wait3A_570 = tpu.memref_squeeze %dma_wait3A_569 : memref<1x2x6912xf32, #tpu.memory_space<hbm>> -> memref<2x6912xf32, #tpu.memory_space<hbm>>
    %dma_wait3A_571 = arith.constant 0 : i32
    %dma_wait3A_572 = arith.constant 0 : i32
    %dma_wait3A_573 = tpu.memref_slice %arg5[%dma_wait3A_556, %dma_wait3A_571, %dma_wait3A_572] : memref<2x2x6912xf32, #tpu.memory_space<vmem>> -> memref<1x2x6912xf32, #tpu.memory_space<vmem>>
    %dma_wait3A_574 = tpu.memref_squeeze %dma_wait3A_573 : memref<1x2x6912xf32, #tpu.memory_space<vmem>> -> memref<2x6912xf32, #tpu.memory_space<vmem>>
    tpu.wait_dma2 semaphore(%dma_wait3A_567 : memref<!tpu.dma_semaphore, #tpu.memory_space<semaphore_mem>>) src(%dma_wait3A_574 : memref<2x6912xf32, #tpu.memory_space<vmem>>) dst(%dma_wait3A_570 : memref<2x6912xf32, #tpu.memory_space<hbm>>)
    %broadcast_in_dim3A_575 = arith.constant 0 : i32
    %broadcast_in_dim3A_576 = vector.broadcast %broadcast_in_dim3A_575 : i32 to vector<16xi32>
    %parallel_loop3A_577 = arith.constant 0 : i32
    %parallel_loop3A_578 = arith.constant 6912 : i32
    %parallel_loop3A_579 = arith.constant 16 : i32
    scf.for %parallel_loop3A_710 = %parallel_loop3A_577 to %parallel_loop3A_578 step %parallel_loop3A_579  : i32 {
      %parallel_loop3A_711 = arith.index_cast %parallel_loop3A_710 : i32 to index
      %parallel_loop3A_712 = tpu.vector_load %arg6[%parallel_loop3A_711] {strides = array<i32>} : memref<6912xf32, #tpu.memory_space<vmem>>, vector<16xf32>,
      %parallel_loop3A_713 = arith.fptosi %parallel_loop3A_712 : vector<16xf32> to vector<16xi32>
      %parallel_loop3A_714 = arith.sitofp %parallel_loop3A_713 : vector<16xi32> to vector<16xf32>
      %parallel_loop3A_715 = arith.subf %parallel_loop3A_712, %parallel_loop3A_714 : vector<16xf32>
      %parallel_loop3A_716 = vector.broadcast %add3A_4 : i32 to vector<16xi32>
      %parallel_loop3A_717 = arith.subi %parallel_loop3A_713, %parallel_loop3A_716 : vector<16xi32>
      %parallel_loop3A_718 = arith.constant 0 : i32
      %parallel_loop3A_719 = arith.constant 0 : i32
      %parallel_loop3A_720 = arith.constant 0 : i32
      %parallel_loop3A_721 = tpu.memref_slice %arg4[%parallel_loop3A_718, %parallel_loop3A_719, %parallel_loop3A_720] : memref<2x2x5120xf32, #tpu.memory_space<vmem>> -> memref<1x2x5120xf32, #tpu.memory_space<vmem>>
      %parallel_loop3A_722 = tpu.memref_squeeze %parallel_loop3A_721 : memref<1x2x5120xf32, #tpu.memory_space<vmem>> -> memref<2x5120xf32, #tpu.memory_space<vmem>>
      %parallel_loop3A_723 = tpu.vector_load_idx %parallel_loop3A_722[%broadcast_in_dim3A_576, %parallel_loop3A_717] : memref<2x5120xf32, #tpu.memory_space<vmem>>[vector<16xi32>, vector<16xi32>], vector<16xf32>,
      %parallel_loop3A_724 = arith.constant 1 : i32
      %parallel_loop3A_725 = vector.broadcast %parallel_loop3A_724 : i32 to vector<16xi32>
      %parallel_loop3A_726 = arith.addi %parallel_loop3A_717, %parallel_loop3A_725 : vector<16xi32>
      %parallel_loop3A_727 = arith.constant 0 : i32
      %parallel_loop3A_728 = arith.constant 0 : i32
      %parallel_loop3A_729 = arith.constant 0 : i32
      %parallel_loop3A_730 = tpu.memref_slice %arg4[%parallel_loop3A_727, %parallel_loop3A_728, %parallel_loop3A_729] : memref<2x2x5120xf32, #tpu.memory_space<vmem>> -> memref<1x2x5120xf32, #tpu.memory_space<vmem>>
      %parallel_loop3A_731 = tpu.memref_squeeze %parallel_loop3A_730 : memref<1x2x5120xf32, #tpu.memory_space<vmem>> -> memref<2x5120xf32, #tpu.memory_space<vmem>>
      %parallel_loop3A_732 = tpu.vector_load_idx %parallel_loop3A_731[%broadcast_in_dim3A_576, %parallel_loop3A_726] : memref<2x5120xf32, #tpu.memory_space<vmem>>[vector<16xi32>, vector<16xi32>], vector<16xf32>,
      %parallel_loop3A_733 = arith.subf %parallel_loop3A_732, %parallel_loop3A_723 : vector<16xf32>
      %parallel_loop3A_734 = arith.mulf %parallel_loop3A_715, %parallel_loop3A_733 : vector<16xf32>
      %parallel_loop3A_735 = arith.addf %parallel_loop3A_723, %parallel_loop3A_734 : vector<16xf32>
      %parallel_loop3A_736 = arith.constant 0 : i32
      %parallel_loop3A_737 = arith.constant 0 : i32
      %parallel_loop3A_738 = arith.index_cast %parallel_loop3A_736 : i32 to index
      %parallel_loop3A_739 = arith.index_cast %parallel_loop3A_737 : i32 to index
      %parallel_loop3A_740 = arith.index_cast %parallel_loop3A_710 : i32 to index
      %parallel_loop3A_741 = tpu.vector_load %arg5[%parallel_loop3A_738, %parallel_loop3A_739, %parallel_loop3A_740] {strides = array<i32>} : memref<2x2x6912xf32, #tpu.memory_space<vmem>>, vector<16xf32>,
      tpu.vector_store %arg5[%parallel_loop3A_738, %parallel_loop3A_739, %parallel_loop3A_740], %parallel_loop3A_735 {strides = array<i32>} : memref<2x2x6912xf32, #tpu.memory_space<vmem>>, vector<16xf32>,
    } {sc.loop_unroll_factor = 4 : i64, sc.parallel_access}
    %broadcast_in_dim3A_580 = arith.constant 1 : i32
    %broadcast_in_dim3A_581 = vector.broadcast %broadcast_in_dim3A_580 : i32 to vector<16xi32>
    %parallel_loop3A_582 = arith.constant 0 : i32
    %parallel_loop3A_583 = arith.constant 6912 : i32
    %parallel_loop3A_584 = arith.constant 16 : i32
    scf.for %parallel_loop3A_710 = %parallel_loop3A_582 to %parallel_loop3A_583 step %parallel_loop3A_584  : i32 {
      %parallel_loop3A_711 = arith.index_cast %parallel_loop3A_710 : i32 to index
      %parallel_loop3A_712 = tpu.vector_load %arg6[%parallel_loop3A_711] {strides = array<i32>} : memref<6912xf32, #tpu.memory_space<vmem>>, vector<16xf32>,
      %parallel_loop3A_713 = arith.fptosi %parallel_loop3A_712 : vector<16xf32> to vector<16xi32>
      %parallel_loop3A_714 = arith.sitofp %parallel_loop3A_713 : vector<16xi32> to vector<16xf32>
      %parallel_loop3A_715 = arith.subf %parallel_loop3A_712, %parallel_loop3A_714 : vector<16xf32>
      %parallel_loop3A_716 = vector.broadcast %add3A_4 : i32 to vector<16xi32>
      %parallel_loop3A_717 = arith.subi %parallel_loop3A_713, %parallel_loop3A_716 : vector<16xi32>
      %parallel_loop3A_718 = arith.constant 0 : i32
      %parallel_loop3A_719 = arith.constant 0 : i32
      %parallel_loop3A_720 = arith.constant 0 : i32
      %parallel_loop3A_721 = tpu.memref_slice %arg4[%parallel_loop3A_718, %parallel_loop3A_719, %parallel_loop3A_720] : memref<2x2x5120xf32, #tpu.memory_space<vmem>> -> memref<1x2x5120xf32, #tpu.memory_space<vmem>>
      %parallel_loop3A_722 = tpu.memref_squeeze %parallel_loop3A_721 : memref<1x2x5120xf32, #tpu.memory_space<vmem>> -> memref<2x5120xf32, #tpu.memory_space<vmem>>
      %parallel_loop3A_723 = tpu.vector_load_idx %parallel_loop3A_722[%broadcast_in_dim3A_581, %parallel_loop3A_717] : memref<2x5120xf32, #tpu.memory_space<vmem>>[vector<16xi32>, vector<16xi32>], vector<16xf32>,
      %parallel_loop3A_724 = arith.constant 1 : i32
      %parallel_loop3A_725 = vector.broadcast %parallel_loop3A_724 : i32 to vector<16xi32>
      %parallel_loop3A_726 = arith.addi %parallel_loop3A_717, %parallel_loop3A_725 : vector<16xi32>
      %parallel_loop3A_727 = arith.constant 0 : i32
      %parallel_loop3A_728 = arith.constant 0 : i32
      %parallel_loop3A_729 = arith.constant 0 : i32
      %parallel_loop3A_730 = tpu.memref_slice %arg4[%parallel_loop3A_727, %parallel_loop3A_728, %parallel_loop3A_729] : memref<2x2x5120xf32, #tpu.memory_space<vmem>> -> memref<1x2x5120xf32, #tpu.memory_space<vmem>>
      %parallel_loop3A_731 = tpu.memref_squeeze %parallel_loop3A_730 : memref<1x2x5120xf32, #tpu.memory_space<vmem>> -> memref<2x5120xf32, #tpu.memory_space<vmem>>
      %parallel_loop3A_732 = tpu.vector_load_idx %parallel_loop3A_731[%broadcast_in_dim3A_581, %parallel_loop3A_726] : memref<2x5120xf32, #tpu.memory_space<vmem>>[vector<16xi32>, vector<16xi32>], vector<16xf32>,
      %parallel_loop3A_733 = arith.subf %parallel_loop3A_732, %parallel_loop3A_723 : vector<16xf32>
      %parallel_loop3A_734 = arith.mulf %parallel_loop3A_715, %parallel_loop3A_733 : vector<16xf32>
      %parallel_loop3A_735 = arith.addf %parallel_loop3A_723, %parallel_loop3A_734 : vector<16xf32>
      %parallel_loop3A_736 = arith.constant 0 : i32
      %parallel_loop3A_737 = arith.constant 1 : i32
      %parallel_loop3A_738 = arith.index_cast %parallel_loop3A_736 : i32 to index
      %parallel_loop3A_739 = arith.index_cast %parallel_loop3A_737 : i32 to index
      %parallel_loop3A_740 = arith.index_cast %parallel_loop3A_710 : i32 to index
      %parallel_loop3A_741 = tpu.vector_load %arg5[%parallel_loop3A_738, %parallel_loop3A_739, %parallel_loop3A_740] {strides = array<i32>} : memref<2x2x6912xf32, #tpu.memory_space<vmem>>, vector<16xf32>,
      tpu.vector_store %arg5[%parallel_loop3A_738, %parallel_loop3A_739, %parallel_loop3A_740], %parallel_loop3A_735 {strides = array<i32>} : memref<2x2x6912xf32, #tpu.memory_space<vmem>>, vector<16xf32>,
    } {sc.loop_unroll_factor = 4 : i64, sc.parallel_access}
    %dma_start3A_585 = arith.constant 0 : i32
    %dma_start3A_586 = arith.constant 6 : i32
    %dma_start3A_587 = arith.constant 0 : i32
    %dma_start3A_588 = arith.constant 0 : i32
    %dma_start3A_589 = arith.constant 0 : i32
    %dma_start3A_590 = tpu.memref_slice %arg5[%dma_start3A_585, %dma_start3A_588, %dma_start3A_589] : memref<2x2x6912xf32, #tpu.memory_space<vmem>> -> memref<1x2x6912xf32, #tpu.memory_space<vmem>>
    %dma_start3A_591 = tpu.memref_squeeze %dma_start3A_590 : memref<1x2x6912xf32, #tpu.memory_space<vmem>> -> memref<2x6912xf32, #tpu.memory_space<vmem>>
    %dma_start3A_592 = arith.constant 0 : i32
    %dma_start3A_593 = tpu.memref_slice %arg3[%dma_start3A_586, %dma_start3A_592, %mul3A_6] : memref<8x2x221184xf32, #tpu.memory_space<hbm>> -> memref<1x2x6912xf32, #tpu.memory_space<hbm>>
    %dma_start3A_594 = tpu.memref_squeeze %dma_start3A_593 : memref<1x2x6912xf32, #tpu.memory_space<hbm>> -> memref<2x6912xf32, #tpu.memory_space<hbm>>
    %dma_start3A_595 = tpu.memref_slice %arg8[%dma_start3A_587] : memref<2x!tpu.dma_semaphore, #tpu.memory_space<semaphore_mem>> -> memref<1x!tpu.dma_semaphore, #tpu.memory_space<semaphore_mem>>
    %dma_start3A_596 = tpu.memref_squeeze %dma_start3A_595 : memref<1x!tpu.dma_semaphore, #tpu.memory_space<semaphore_mem>> -> memref<!tpu.dma_semaphore, #tpu.memory_space<semaphore_mem>>
    %dma_start3A_597 = arith.constant 0 : i32
    %dma_start3A_598 = tpu.memref_slice %arg3[%dma_start3A_586, %dma_start3A_597, %mul3A_6] : memref<8x2x221184xf32, #tpu.memory_space<hbm>> -> memref<1x2x6912xf32, #tpu.memory_space<hbm>>
    %dma_start3A_599 = tpu.memref_squeeze %dma_start3A_598 : memref<1x2x6912xf32, #tpu.memory_space<hbm>> -> memref<2x6912xf32, #tpu.memory_space<hbm>>
    %dma_start3A_600 = arith.constant 0 : i32
    %dma_start3A_601 = arith.constant 0 : i32
    %dma_start3A_602 = tpu.memref_slice %arg5[%dma_start3A_585, %dma_start3A_600, %dma_start3A_601] : memref<2x2x6912xf32, #tpu.memory_space<vmem>> -> memref<1x2x6912xf32, #tpu.memory_space<vmem>>
    %dma_start3A_603 = tpu.memref_squeeze %dma_start3A_602 : memref<1x2x6912xf32, #tpu.memory_space<vmem>> -> memref<2x6912xf32, #tpu.memory_space<vmem>>
    tpu.enqueue_dma source(%dma_start3A_603 : memref<2x6912xf32, #tpu.memory_space<vmem>>) target(%dma_start3A_599 : memref<2x6912xf32, #tpu.memory_space<hbm>>) target_semaphore(%dma_start3A_596 : memref<!tpu.dma_semaphore, #tpu.memory_space<semaphore_mem>>)
    %dma_wait3A_604 = arith.constant 1 : i32
    %dma_wait3A_605 = arith.constant 7 : i32
    %dma_wait3A_606 = arith.constant 1 : i32
    %dma_wait3A_607 = arith.constant 1 : i32
    %dma_wait3A_608 = arith.constant 0 : i32
    %dma_wait3A_609 = arith.constant 0 : i32
    %dma_wait3A_610 = tpu.memref_slice %arg4[%dma_wait3A_606, %dma_wait3A_608, %dma_wait3A_609] : memref<2x2x5120xf32, #tpu.memory_space<vmem>> -> memref<1x2x5120xf32, #tpu.memory_space<vmem>>
    %dma_wait3A_611 = tpu.memref_squeeze %dma_wait3A_610 : memref<1x2x5120xf32, #tpu.memory_space<vmem>> -> memref<2x5120xf32, #tpu.memory_space<vmem>>
    %dma_wait3A_612 = arith.constant 0 : i32
    %dma_wait3A_613 = tpu.memref_slice %arg2[%dma_wait3A_604, %dma_wait3A_605, %dma_wait3A_612, %add3A_4] : memref<4x8x2x220500xf32, #tpu.memory_space<hbm>> -> memref<1x1x2x5120xf32, #tpu.memory_space<hbm>>
    %dma_wait3A_614 = tpu.memref_squeeze %dma_wait3A_613 : memref<1x1x2x5120xf32, #tpu.memory_space<hbm>> -> memref<2x5120xf32, #tpu.memory_space<hbm>>
    %dma_wait3A_615 = tpu.memref_slice %arg7[%dma_wait3A_607] : memref<2x!tpu.dma_semaphore, #tpu.memory_space<semaphore_mem>> -> memref<1x!tpu.dma_semaphore, #tpu.memory_space<semaphore_mem>>
    %dma_wait3A_616 = tpu.memref_squeeze %dma_wait3A_615 : memref<1x!tpu.dma_semaphore, #tpu.memory_space<semaphore_mem>> -> memref<!tpu.dma_semaphore, #tpu.memory_space<semaphore_mem>>
    %dma_wait3A_617 = arith.constant 0 : i32
    %dma_wait3A_618 = arith.constant 0 : i32
    %dma_wait3A_619 = tpu.memref_slice %arg4[%dma_wait3A_606, %dma_wait3A_617, %dma_wait3A_618] : memref<2x2x5120xf32, #tpu.memory_space<vmem>> -> memref<1x2x5120xf32, #tpu.memory_space<vmem>>
    %dma_wait3A_620 = tpu.memref_squeeze %dma_wait3A_619 : memref<1x2x5120xf32, #tpu.memory_space<vmem>> -> memref<2x5120xf32, #tpu.memory_space<vmem>>
    %dma_wait3A_621 = arith.constant 0 : i32
    %dma_wait3A_622 = tpu.memref_slice %arg2[%dma_wait3A_604, %dma_wait3A_605, %dma_wait3A_621, %add3A_4] : memref<4x8x2x220500xf32, #tpu.memory_space<hbm>> -> memref<1x1x2x5120xf32, #tpu.memory_space<hbm>>
    %dma_wait3A_623 = tpu.memref_squeeze %dma_wait3A_622 : memref<1x1x2x5120xf32, #tpu.memory_space<hbm>> -> memref<2x5120xf32, #tpu.memory_space<hbm>>
    tpu.wait_dma2 semaphore(%dma_wait3A_616 : memref<!tpu.dma_semaphore, #tpu.memory_space<semaphore_mem>>) src(%dma_wait3A_623 : memref<2x5120xf32, #tpu.memory_space<hbm>>) dst(%dma_wait3A_620 : memref<2x5120xf32, #tpu.memory_space<vmem>>)
    %dma_wait3A_624 = arith.constant 1 : i32
    %dma_wait3A_625 = arith.constant 5 : i32
    %dma_wait3A_626 = arith.constant 1 : i32
    %dma_wait3A_627 = arith.constant 0 : i32
    %dma_wait3A_628 = arith.constant 0 : i32
    %dma_wait3A_629 = tpu.memref_slice %arg5[%dma_wait3A_624, %dma_wait3A_627, %dma_wait3A_628] : memref<2x2x6912xf32, #tpu.memory_space<vmem>> -> memref<1x2x6912xf32, #tpu.memory_space<vmem>>
    %dma_wait3A_630 = tpu.memref_squeeze %dma_wait3A_629 : memref<1x2x6912xf32, #tpu.memory_space<vmem>> -> memref<2x6912xf32, #tpu.memory_space<vmem>>
    %dma_wait3A_631 = arith.constant 0 : i32
    %dma_wait3A_632 = tpu.memref_slice %arg3[%dma_wait3A_625, %dma_wait3A_631, %mul3A_6] : memref<8x2x221184xf32, #tpu.memory_space<hbm>> -> memref<1x2x6912xf32, #tpu.memory_space<hbm>>
    %dma_wait3A_633 = tpu.memref_squeeze %dma_wait3A_632 : memref<1x2x6912xf32, #tpu.memory_space<hbm>> -> memref<2x6912xf32, #tpu.memory_space<hbm>>
    %dma_wait3A_634 = tpu.memref_slice %arg8[%dma_wait3A_626] : memref<2x!tpu.dma_semaphore, #tpu.memory_space<semaphore_mem>> -> memref<1x!tpu.dma_semaphore, #tpu.memory_space<semaphore_mem>>
    %dma_wait3A_635 = tpu.memref_squeeze %dma_wait3A_634 : memref<1x!tpu.dma_semaphore, #tpu.memory_space<semaphore_mem>> -> memref<!tpu.dma_semaphore, #tpu.memory_space<semaphore_mem>>
    %dma_wait3A_636 = arith.constant 0 : i32
    %dma_wait3A_637 = tpu.memref_slice %arg3[%dma_wait3A_625, %dma_wait3A_636, %mul3A_6] : memref<8x2x221184xf32, #tpu.memory_space<hbm>> -> memref<1x2x6912xf32, #tpu.memory_space<hbm>>
    %dma_wait3A_638 = tpu.memref_squeeze %dma_wait3A_637 : memref<1x2x6912xf32, #tpu.memory_space<hbm>> -> memref<2x6912xf32, #tpu.memory_space<hbm>>
    %dma_wait3A_639 = arith.constant 0 : i32
    %dma_wait3A_640 = arith.constant 0 : i32
    %dma_wait3A_641 = tpu.memref_slice %arg5[%dma_wait3A_624, %dma_wait3A_639, %dma_wait3A_640] : memref<2x2x6912xf32, #tpu.memory_space<vmem>> -> memref<1x2x6912xf32, #tpu.memory_space<vmem>>
    %dma_wait3A_642 = tpu.memref_squeeze %dma_wait3A_641 : memref<1x2x6912xf32, #tpu.memory_space<vmem>> -> memref<2x6912xf32, #tpu.memory_space<vmem>>
    tpu.wait_dma2 semaphore(%dma_wait3A_635 : memref<!tpu.dma_semaphore, #tpu.memory_space<semaphore_mem>>) src(%dma_wait3A_642 : memref<2x6912xf32, #tpu.memory_space<vmem>>) dst(%dma_wait3A_638 : memref<2x6912xf32, #tpu.memory_space<hbm>>)
    %broadcast_in_dim3A_643 = arith.constant 0 : i32
    %broadcast_in_dim3A_644 = vector.broadcast %broadcast_in_dim3A_643 : i32 to vector<16xi32>
    %parallel_loop3A_645 = arith.constant 0 : i32
    %parallel_loop3A_646 = arith.constant 6912 : i32
    %parallel_loop3A_647 = arith.constant 16 : i32
    scf.for %parallel_loop3A_710 = %parallel_loop3A_645 to %parallel_loop3A_646 step %parallel_loop3A_647  : i32 {
      %parallel_loop3A_711 = arith.index_cast %parallel_loop3A_710 : i32 to index
      %parallel_loop3A_712 = tpu.vector_load %arg6[%parallel_loop3A_711] {strides = array<i32>} : memref<6912xf32, #tpu.memory_space<vmem>>, vector<16xf32>,
      %parallel_loop3A_713 = arith.fptosi %parallel_loop3A_712 : vector<16xf32> to vector<16xi32>
      %parallel_loop3A_714 = arith.sitofp %parallel_loop3A_713 : vector<16xi32> to vector<16xf32>
      %parallel_loop3A_715 = arith.subf %parallel_loop3A_712, %parallel_loop3A_714 : vector<16xf32>
      %parallel_loop3A_716 = vector.broadcast %add3A_4 : i32 to vector<16xi32>
      %parallel_loop3A_717 = arith.subi %parallel_loop3A_713, %parallel_loop3A_716 : vector<16xi32>
      %parallel_loop3A_718 = arith.constant 1 : i32
      %parallel_loop3A_719 = arith.constant 0 : i32
      %parallel_loop3A_720 = arith.constant 0 : i32
      %parallel_loop3A_721 = tpu.memref_slice %arg4[%parallel_loop3A_718, %parallel_loop3A_719, %parallel_loop3A_720] : memref<2x2x5120xf32, #tpu.memory_space<vmem>> -> memref<1x2x5120xf32, #tpu.memory_space<vmem>>
      %parallel_loop3A_722 = tpu.memref_squeeze %parallel_loop3A_721 : memref<1x2x5120xf32, #tpu.memory_space<vmem>> -> memref<2x5120xf32, #tpu.memory_space<vmem>>
      %parallel_loop3A_723 = tpu.vector_load_idx %parallel_loop3A_722[%broadcast_in_dim3A_644, %parallel_loop3A_717] : memref<2x5120xf32, #tpu.memory_space<vmem>>[vector<16xi32>, vector<16xi32>], vector<16xf32>,
      %parallel_loop3A_724 = arith.constant 1 : i32
      %parallel_loop3A_725 = vector.broadcast %parallel_loop3A_724 : i32 to vector<16xi32>
      %parallel_loop3A_726 = arith.addi %parallel_loop3A_717, %parallel_loop3A_725 : vector<16xi32>
      %parallel_loop3A_727 = arith.constant 1 : i32
      %parallel_loop3A_728 = arith.constant 0 : i32
      %parallel_loop3A_729 = arith.constant 0 : i32
      %parallel_loop3A_730 = tpu.memref_slice %arg4[%parallel_loop3A_727, %parallel_loop3A_728, %parallel_loop3A_729] : memref<2x2x5120xf32, #tpu.memory_space<vmem>> -> memref<1x2x5120xf32, #tpu.memory_space<vmem>>
      %parallel_loop3A_731 = tpu.memref_squeeze %parallel_loop3A_730 : memref<1x2x5120xf32, #tpu.memory_space<vmem>> -> memref<2x5120xf32, #tpu.memory_space<vmem>>
      %parallel_loop3A_732 = tpu.vector_load_idx %parallel_loop3A_731[%broadcast_in_dim3A_644, %parallel_loop3A_726] : memref<2x5120xf32, #tpu.memory_space<vmem>>[vector<16xi32>, vector<16xi32>], vector<16xf32>,
      %parallel_loop3A_733 = arith.subf %parallel_loop3A_732, %parallel_loop3A_723 : vector<16xf32>
      %parallel_loop3A_734 = arith.mulf %parallel_loop3A_715, %parallel_loop3A_733 : vector<16xf32>
      %parallel_loop3A_735 = arith.addf %parallel_loop3A_723, %parallel_loop3A_734 : vector<16xf32>
      %parallel_loop3A_736 = arith.constant 1 : i32
      %parallel_loop3A_737 = arith.constant 0 : i32
      %parallel_loop3A_738 = arith.index_cast %parallel_loop3A_736 : i32 to index
      %parallel_loop3A_739 = arith.index_cast %parallel_loop3A_737 : i32 to index
      %parallel_loop3A_740 = arith.index_cast %parallel_loop3A_710 : i32 to index
      %parallel_loop3A_741 = tpu.vector_load %arg5[%parallel_loop3A_738, %parallel_loop3A_739, %parallel_loop3A_740] {strides = array<i32>} : memref<2x2x6912xf32, #tpu.memory_space<vmem>>, vector<16xf32>,
      tpu.vector_store %arg5[%parallel_loop3A_738, %parallel_loop3A_739, %parallel_loop3A_740], %parallel_loop3A_735 {strides = array<i32>} : memref<2x2x6912xf32, #tpu.memory_space<vmem>>, vector<16xf32>,
    } {sc.loop_unroll_factor = 4 : i64, sc.parallel_access}
    %broadcast_in_dim3A_648 = arith.constant 1 : i32
    %broadcast_in_dim3A_649 = vector.broadcast %broadcast_in_dim3A_648 : i32 to vector<16xi32>
    %parallel_loop3A_650 = arith.constant 0 : i32
    %parallel_loop3A_651 = arith.constant 6912 : i32
    %parallel_loop3A_652 = arith.constant 16 : i32
    scf.for %parallel_loop3A_710 = %parallel_loop3A_650 to %parallel_loop3A_651 step %parallel_loop3A_652  : i32 {
      %parallel_loop3A_711 = arith.index_cast %parallel_loop3A_710 : i32 to index
      %parallel_loop3A_712 = tpu.vector_load %arg6[%parallel_loop3A_711] {strides = array<i32>} : memref<6912xf32, #tpu.memory_space<vmem>>, vector<16xf32>,
      %parallel_loop3A_713 = arith.fptosi %parallel_loop3A_712 : vector<16xf32> to vector<16xi32>
      %parallel_loop3A_714 = arith.sitofp %parallel_loop3A_713 : vector<16xi32> to vector<16xf32>
      %parallel_loop3A_715 = arith.subf %parallel_loop3A_712, %parallel_loop3A_714 : vector<16xf32>
      %parallel_loop3A_716 = vector.broadcast %add3A_4 : i32 to vector<16xi32>
      %parallel_loop3A_717 = arith.subi %parallel_loop3A_713, %parallel_loop3A_716 : vector<16xi32>
      %parallel_loop3A_718 = arith.constant 1 : i32
      %parallel_loop3A_719 = arith.constant 0 : i32
      %parallel_loop3A_720 = arith.constant 0 : i32
      %parallel_loop3A_721 = tpu.memref_slice %arg4[%parallel_loop3A_718, %parallel_loop3A_719, %parallel_loop3A_720] : memref<2x2x5120xf32, #tpu.memory_space<vmem>> -> memref<1x2x5120xf32, #tpu.memory_space<vmem>>
      %parallel_loop3A_722 = tpu.memref_squeeze %parallel_loop3A_721 : memref<1x2x5120xf32, #tpu.memory_space<vmem>> -> memref<2x5120xf32, #tpu.memory_space<vmem>>
      %parallel_loop3A_723 = tpu.vector_load_idx %parallel_loop3A_722[%broadcast_in_dim3A_649, %parallel_loop3A_717] : memref<2x5120xf32, #tpu.memory_space<vmem>>[vector<16xi32>, vector<16xi32>], vector<16xf32>,
      %parallel_loop3A_724 = arith.constant 1 : i32
      %parallel_loop3A_725 = vector.broadcast %parallel_loop3A_724 : i32 to vector<16xi32>
      %parallel_loop3A_726 = arith.addi %parallel_loop3A_717, %parallel_loop3A_725 : vector<16xi32>
      %parallel_loop3A_727 = arith.constant 1 : i32
      %parallel_loop3A_728 = arith.constant 0 : i32
      %parallel_loop3A_729 = arith.constant 0 : i32
      %parallel_loop3A_730 = tpu.memref_slice %arg4[%parallel_loop3A_727, %parallel_loop3A_728, %parallel_loop3A_729] : memref<2x2x5120xf32, #tpu.memory_space<vmem>> -> memref<1x2x5120xf32, #tpu.memory_space<vmem>>
      %parallel_loop3A_731 = tpu.memref_squeeze %parallel_loop3A_730 : memref<1x2x5120xf32, #tpu.memory_space<vmem>> -> memref<2x5120xf32, #tpu.memory_space<vmem>>
      %parallel_loop3A_732 = tpu.vector_load_idx %parallel_loop3A_731[%broadcast_in_dim3A_649, %parallel_loop3A_726] : memref<2x5120xf32, #tpu.memory_space<vmem>>[vector<16xi32>, vector<16xi32>], vector<16xf32>,
      %parallel_loop3A_733 = arith.subf %parallel_loop3A_732, %parallel_loop3A_723 : vector<16xf32>
      %parallel_loop3A_734 = arith.mulf %parallel_loop3A_715, %parallel_loop3A_733 : vector<16xf32>
      %parallel_loop3A_735 = arith.addf %parallel_loop3A_723, %parallel_loop3A_734 : vector<16xf32>
      %parallel_loop3A_736 = arith.constant 1 : i32
      %parallel_loop3A_737 = arith.constant 1 : i32
      %parallel_loop3A_738 = arith.index_cast %parallel_loop3A_736 : i32 to index
      %parallel_loop3A_739 = arith.index_cast %parallel_loop3A_737 : i32 to index
      %parallel_loop3A_740 = arith.index_cast %parallel_loop3A_710 : i32 to index
      %parallel_loop3A_741 = tpu.vector_load %arg5[%parallel_loop3A_738, %parallel_loop3A_739, %parallel_loop3A_740] {strides = array<i32>} : memref<2x2x6912xf32, #tpu.memory_space<vmem>>, vector<16xf32>,
      tpu.vector_store %arg5[%parallel_loop3A_738, %parallel_loop3A_739, %parallel_loop3A_740], %parallel_loop3A_735 {strides = array<i32>} : memref<2x2x6912xf32, #tpu.memory_space<vmem>>, vector<16xf32>,
    } {sc.loop_unroll_factor = 4 : i64, sc.parallel_access}
    %dma_start3A_653 = arith.constant 1 : i32
    %dma_start3A_654 = arith.constant 7 : i32
    %dma_start3A_655 = arith.constant 1 : i32
    %dma_start3A_656 = arith.constant 0 : i32
    %dma_start3A_657 = arith.constant 0 : i32
    %dma_start3A_658 = tpu.memref_slice %arg5[%dma_start3A_653, %dma_start3A_656, %dma_start3A_657] : memref<2x2x6912xf32, #tpu.memory_space<vmem>> -> memref<1x2x6912xf32, #tpu.memory_space<vmem>>
    %dma_start3A_659 = tpu.memref_squeeze %dma_start3A_658 : memref<1x2x6912xf32, #tpu.memory_space<vmem>> -> memref<2x6912xf32, #tpu.memory_space<vmem>>
    %dma_start3A_660 = arith.constant 0 : i32
    %dma_start3A_661 = tpu.memref_slice %arg3[%dma_start3A_654, %dma_start3A_660, %mul3A_6] : memref<8x2x221184xf32, #tpu.memory_space<hbm>> -> memref<1x2x6912xf32, #tpu.memory_space<hbm>>
    %dma_start3A_662 = tpu.memref_squeeze %dma_start3A_661 : memref<1x2x6912xf32, #tpu.memory_space<hbm>> -> memref<2x6912xf32, #tpu.memory_space<hbm>>
    %dma_start3A_663 = tpu.memref_slice %arg8[%dma_start3A_655] : memref<2x!tpu.dma_semaphore, #tpu.memory_space<semaphore_mem>> -> memref<1x!tpu.dma_semaphore, #tpu.memory_space<semaphore_mem>>
    %dma_start3A_664 = tpu.memref_squeeze %dma_start3A_663 : memref<1x!tpu.dma_semaphore, #tpu.memory_space<semaphore_mem>> -> memref<!tpu.dma_semaphore, #tpu.memory_space<semaphore_mem>>
    %dma_start3A_665 = arith.constant 0 : i32
    %dma_start3A_666 = tpu.memref_slice %arg3[%dma_start3A_654, %dma_start3A_665, %mul3A_6] : memref<8x2x221184xf32, #tpu.memory_space<hbm>> -> memref<1x2x6912xf32, #tpu.memory_space<hbm>>
    %dma_start3A_667 = tpu.memref_squeeze %dma_start3A_666 : memref<1x2x6912xf32, #tpu.memory_space<hbm>> -> memref<2x6912xf32, #tpu.memory_space<hbm>>
    %dma_start3A_668 = arith.constant 0 : i32
    %dma_start3A_669 = arith.constant 0 : i32
    %dma_start3A_670 = tpu.memref_slice %arg5[%dma_start3A_653, %dma_start3A_668, %dma_start3A_669] : memref<2x2x6912xf32, #tpu.memory_space<vmem>> -> memref<1x2x6912xf32, #tpu.memory_space<vmem>>
    %dma_start3A_671 = tpu.memref_squeeze %dma_start3A_670 : memref<1x2x6912xf32, #tpu.memory_space<vmem>> -> memref<2x6912xf32, #tpu.memory_space<vmem>>
    tpu.enqueue_dma source(%dma_start3A_671 : memref<2x6912xf32, #tpu.memory_space<vmem>>) target(%dma_start3A_667 : memref<2x6912xf32, #tpu.memory_space<hbm>>) target_semaphore(%dma_start3A_664 : memref<!tpu.dma_semaphore, #tpu.memory_space<semaphore_mem>>)
    %dma_wait3A_672 = arith.constant 0 : i32
    %dma_wait3A_673 = arith.constant 6 : i32
    %dma_wait3A_674 = arith.constant 0 : i32
    %dma_wait3A_675 = arith.constant 0 : i32
    %dma_wait3A_676 = arith.constant 0 : i32
    %dma_wait3A_677 = tpu.memref_slice %arg5[%dma_wait3A_672, %dma_wait3A_675, %dma_wait3A_676] : memref<2x2x6912xf32, #tpu.memory_space<vmem>> -> memref<1x2x6912xf32, #tpu.memory_space<vmem>>
    %dma_wait3A_678 = tpu.memref_squeeze %dma_wait3A_677 : memref<1x2x6912xf32, #tpu.memory_space<vmem>> -> memref<2x6912xf32, #tpu.memory_space<vmem>>
    %dma_wait3A_679 = arith.constant 0 : i32
    %dma_wait3A_680 = tpu.memref_slice %arg3[%dma_wait3A_673, %dma_wait3A_679, %mul3A_6] : memref<8x2x221184xf32, #tpu.memory_space<hbm>> -> memref<1x2x6912xf32, #tpu.memory_space<hbm>>
    %dma_wait3A_681 = tpu.memref_squeeze %dma_wait3A_680 : memref<1x2x6912xf32, #tpu.memory_space<hbm>> -> memref<2x6912xf32, #tpu.memory_space<hbm>>
    %dma_wait3A_682 = tpu.memref_slice %arg8[%dma_wait3A_674] : memref<2x!tpu.dma_semaphore, #tpu.memory_space<semaphore_mem>> -> memref<1x!tpu.dma_semaphore, #tpu.memory_space<semaphore_mem>>
    %dma_wait3A_683 = tpu.memref_squeeze %dma_wait3A_682 : memref<1x!tpu.dma_semaphore, #tpu.memory_space<semaphore_mem>> -> memref<!tpu.dma_semaphore, #tpu.memory_space<semaphore_mem>>
    %dma_wait3A_684 = arith.constant 0 : i32
    %dma_wait3A_685 = tpu.memref_slice %arg3[%dma_wait3A_673, %dma_wait3A_684, %mul3A_6] : memref<8x2x221184xf32, #tpu.memory_space<hbm>> -> memref<1x2x6912xf32, #tpu.memory_space<hbm>>
    %dma_wait3A_686 = tpu.memref_squeeze %dma_wait3A_685 : memref<1x2x6912xf32, #tpu.memory_space<hbm>> -> memref<2x6912xf32, #tpu.memory_space<hbm>>
    %dma_wait3A_687 = arith.constant 0 : i32
    %dma_wait3A_688 = arith.constant 0 : i32
    %dma_wait3A_689 = tpu.memref_slice %arg5[%dma_wait3A_672, %dma_wait3A_687, %dma_wait3A_688] : memref<2x2x6912xf32, #tpu.memory_space<vmem>> -> memref<1x2x6912xf32, #tpu.memory_space<vmem>>
    %dma_wait3A_690 = tpu.memref_squeeze %dma_wait3A_689 : memref<1x2x6912xf32, #tpu.memory_space<vmem>> -> memref<2x6912xf32, #tpu.memory_space<vmem>>
    tpu.wait_dma2 semaphore(%dma_wait3A_683 : memref<!tpu.dma_semaphore, #tpu.memory_space<semaphore_mem>>) src(%dma_wait3A_690 : memref<2x6912xf32, #tpu.memory_space<vmem>>) dst(%dma_wait3A_686 : memref<2x6912xf32, #tpu.memory_space<hbm>>)
    %dma_wait3A_691 = arith.constant 1 : i32
    %dma_wait3A_692 = arith.constant 7 : i32
    %dma_wait3A_693 = arith.constant 1 : i32
    %dma_wait3A_694 = arith.constant 0 : i32
    %dma_wait3A_695 = arith.constant 0 : i32
    %dma_wait3A_696 = tpu.memref_slice %arg5[%dma_wait3A_691, %dma_wait3A_694, %dma_wait3A_695] : memref<2x2x6912xf32, #tpu.memory_space<vmem>> -> memref<1x2x6912xf32, #tpu.memory_space<vmem>>
    %dma_wait3A_697 = tpu.memref_squeeze %dma_wait3A_696 : memref<1x2x6912xf32, #tpu.memory_space<vmem>> -> memref<2x6912xf32, #tpu.memory_space<vmem>>
    %dma_wait3A_698 = arith.constant 0 : i32
    %dma_wait3A_699 = tpu.memref_slice %arg3[%dma_wait3A_692, %dma_wait3A_698, %mul3A_6] : memref<8x2x221184xf32, #tpu.memory_space<hbm>> -> memref<1x2x6912xf32, #tpu.memory_space<hbm>>
    %dma_wait3A_700 = tpu.memref_squeeze %dma_wait3A_699 : memref<1x2x6912xf32, #tpu.memory_space<hbm>> -> memref<2x6912xf32, #tpu.memory_space<hbm>>
    %dma_wait3A_701 = tpu.memref_slice %arg8[%dma_wait3A_693] : memref<2x!tpu.dma_semaphore, #tpu.memory_space<semaphore_mem>> -> memref<1x!tpu.dma_semaphore, #tpu.memory_space<semaphore_mem>>
    %dma_wait3A_702 = tpu.memref_squeeze %dma_wait3A_701 : memref<1x!tpu.dma_semaphore, #tpu.memory_space<semaphore_mem>> -> memref<!tpu.dma_semaphore, #tpu.memory_space<semaphore_mem>>
    %dma_wait3A_703 = arith.constant 0 : i32
    %dma_wait3A_704 = tpu.memref_slice %arg3[%dma_wait3A_692, %dma_wait3A_703, %mul3A_6] : memref<8x2x221184xf32, #tpu.memory_space<hbm>> -> memref<1x2x6912xf32, #tpu.memory_space<hbm>>
    %dma_wait3A_705 = tpu.memref_squeeze %dma_wait3A_704 : memref<1x2x6912xf32, #tpu.memory_space<hbm>> -> memref<2x6912xf32, #tpu.memory_space<hbm>>
    %dma_wait3A_706 = arith.constant 0 : i32
    %dma_wait3A_707 = arith.constant 0 : i32
    %dma_wait3A_708 = tpu.memref_slice %arg5[%dma_wait3A_691, %dma_wait3A_706, %dma_wait3A_707] : memref<2x2x6912xf32, #tpu.memory_space<vmem>> -> memref<1x2x6912xf32, #tpu.memory_space<vmem>>
    %dma_wait3A_709 = tpu.memref_squeeze %dma_wait3A_708 : memref<1x2x6912xf32, #tpu.memory_space<vmem>> -> memref<2x6912xf32, #tpu.memory_space<vmem>>
    tpu.wait_dma2 semaphore(%dma_wait3A_702 : memref<!tpu.dma_semaphore, #tpu.memory_space<semaphore_mem>>) src(%dma_wait3A_709 : memref<2x6912xf32, #tpu.memory_space<vmem>>) dst(%dma_wait3A_705 : memref<2x6912xf32, #tpu.memory_space<hbm>>)
    return
  }
}

</mosaic_0001>

<sc_bundles>
// kernel: _sc_interp.3.cloned.1.call-start
scs
__scs_entry_jumppad:
0x0: {  	(pc) =	sbr.rel $0x88, $3  }
0x1: {  	(tag) =	ssettag $0x0;
	lr =	simm.s32 $0x1  }
0x2: {  	[smem:$0x3FA0] =	sst lr;
	_ =	strace $0xD0000000  }
0x3: {  	_ = 	snop  }
0x4: {  	_ = 	snop  }
0x5: {  	_ = 	snop  }
0x6: {  	_ = 	snop  }
0x7: {  	_ = 	snop  }
__scs_overlays_trampoline_lowered:
0x8: {  	[smem:$0x3FAF] =	sst s0  }
0x9: {  	[smem:$0x3FB0] =	sst s1  }
0xa: {  	[smem:$0x3FB1] =	sst s2  }
0xb: {  	[smem:$0x3FB2] =	sst s3  }
0xc: {  	[smem:$0x3FB3] =	sst s4  }
0xd: {  	[smem:$0x3FB4] =	sst s5  }
0xe: {  	[smem:$0x3FB5] =	sst s6  }
0xf: {  	[smem:$0x3FB6] =	sst s7  }
0x10: {  	[smem:$0x3FB7] =	sst s8  }
0x11: {  	[smem:$0x3FB8] =	sst s9;
	s0 =	simm.s32 @!p0 $0x0  }
0x12: {  	s1 =	sld [smem:$0x3F9E];
	s0 =	simm.s32 @p0 $0x1  }
0x13: {  	[smem:$0x3FB9] =	sst s0;
	s0 =	simm.s32 @!p1 $0x0  }
0x14: {  	s2 =	sld [smem:$0x3F9D];
	s0 =	simm.s32 @p1 $0x1  }
0x15: {  	[smem:$0x3FBA] =	sst s0;
	s0 =	simm.s32 @!p2 $0x0  }
0x16: {  	s3 =	sld [smem:$0x3FDB];
	s0 =	simm.s32 @p2 $0x1  }
0x17: {  	s4 =	simm.s32 $0x1BF5;
	[smem:$0x3FBC] =	sst s0  }
0x18: {  	s0 =	sld [smem:$0x3F9F];
	_ =	swait.ge [sflag:s4], $0x0  }
0x19: {  	s7 =	sld [smem:$0x3FA0]  }
0x1a: {  	s8 =	sadd.s32 $0xFFFFE003, lr  }
0x1b: {  	s9 =	sadd.s32 $0xFFFFFEF7, lr;
	s5 =	simm.s32 $0xFFFFFFFF;
	p2 =	slt.u32 s8, $0xFFFFF086  }
0x1c: {  	p1 =	slt.u32 s9, $0xF7A;
	s5 =	simm.s32 @!p2 $0x0  }
0x1d: {  	s5 =	simm.s32 @p1 $0x1;
	p0 =	seq.s32 s7, s2  }
0x1e: {  	s7 =	smul.u32 @!p0 $0xF7A, s2;
	p2 =	seq.s32 @!p0 s5, $0x0  }
0x1f: {  	s9 =	smul.u32 $0xF7A, s1;
	s8 =	simm.s32 @!p0 $0x1BF5;
	p2 =	por !p2, p0  }
0x20: {  	[sflag:s8] =	ssyncset.s32 @!p0 $0xFFFFF086;
	s6 =	sadd.s32 @!p0 s3, s7;
	s7 =	simm.s32 @!p0 $0x108  }
0x21: {  	s3 =	sadd.s32 s3, s9;
	s6 =	sadd.s32 @!p0 $0x88, s6;
	s7 =	simm.s32 @p2 $0x1082  }
0x22: {  	[simem:s7], [sflag:s8] =	dma.local @!p0 [hbm:s6], $0xF7A  }
0x23: {  	s9 =	sor.u32 $0xD0000000, s2;
	s6 =	simm.s32 $0x108;
	_ =	swait.ge @!p0 [sflag:s8], $0x0  }
0x24: {  	s3 =	sadd.s32 $0x88, s3;
	s6 =	simm.s32 @!p1 $0x1082;
	[sflag:s4] =	ssyncset.s32 $0xFFFFF086  }
0x25: {  	[simem:s6], [sflag:s4] =	dma.local [hbm:s3], $0xF7A  }
0x26: {  	[smem:$0x3FA0] =	sst s1;
	(tag) =	ssettag s2;
	_ =	strace s9  }
0x27: {  	s1 =	sld [smem:$0x3FB0]  }
0x28: {  	s2 =	sld [smem:$0x3FB1]  }
0x29: {  	s4 =	sld [smem:$0x3FB3]  }
0x2a: {  	p0 =	seq.s32 s5, $0x0;
	s5 =	sld [smem:$0x3FB4]  }
0x2b: {  	s6 =	sld [smem:$0x3FB5]  }
0x2c: {  	s7 =	sld [smem:$0x3FB6]  }
0x2d: {  	s3 =	simm.s32 $0x108;
	s8 =	sld [smem:$0x3FB7]  }
0x2e: {  	s3 =	simm.s32 @!p0 $0x1082;
	s9 =	sld [smem:$0x3FB8]  }
0x2f: {  	lr =	sadd.s32 s0, s3;
	s0 =	sld [smem:$0x3FAF]  }
0x30: {  	s3 =	sld [smem:$0x3FB2]  }
0x31: {  	[smem:$0x3FBB] =	sst s10  }
0x32: {  	s10 =	sld [smem:$0x3FB9];
	_ =	sdelay $0x3  }
0x33: {  	p0 =	seq.s32 s10, $0x1;
	s10 =	sld [smem:$0x3FBB];
	_ =	sdelay $0x3  }
0x34: {  	[smem:$0x3FBB] =	sst s10  }
0x35: {  	s10 =	sld [smem:$0x3FBA];
	_ =	sdelay $0x3  }
0x36: {  	p1 =	seq.s32 s10, $0x1;
	s10 =	sld [smem:$0x3FBB];
	_ =	sdelay $0x3  }
0x37: {  	[smem:$0x3FBB] =	sst s10  }
0x38: {  	s10 =	sld [smem:$0x3FBC]  }
0x39: {  	_ = 	snop;
	(pc) =	sbr.ind lr, $3  }
0x3a: {  	_ = 	snop  }
0x3b: {  	_ = 	snop  }
0x3c: {  	p2 =	seq.s32 s10, $0x1;
	s10 =	sld [smem:$0x3FBB]  }
0x3d: {  	_ =	shalt  }
0x3e: {  	_ =	shalt  }
0x3f: {  	_ =	shalt  }
0x40: {  	_ =	shalt  }
0x41: {  	_ =	shalt  }
0x42: {  	_ =	shalt  }
0x43: {  	_ =	shalt  }
0x44: {  	_ =	shalt  }
0x45: {  	_ =	shalt  }
0x46: {  	_ =	shalt  }
0x47: {  	_ =	shalt  }
0x48: {  	_ =	shalt  }
0x49: {  	_ =	shalt  }
0x4a: {  	_ =	shalt  }
0x4b: {  	_ =	shalt  }
0x4c: {  	_ =	shalt  }
0x4d: {  	_ =	shalt  }
0x4e: {  	_ =	shalt  }
0x4f: {  	_ =	shalt  }
0x50: {  	_ =	shalt  }
0x51: {  	_ =	shalt  }
0x52: {  	_ =	shalt  }
0x53: {  	_ =	shalt  }
0x54: {  	_ =	shalt  }
0x55: {  	_ =	shalt  }
0x56: {  	_ =	shalt  }
0x57: {  	_ =	shalt  }
0x58: {  	_ =	shalt  }
0x59: {  	_ =	shalt  }
0x5a: {  	_ =	shalt  }
0x5b: {  	_ =	shalt  }
0x5c: {  	_ =	shalt  }
0x5d: {  	_ =	shalt  }
0x5e: {  	_ =	shalt  }
0x5f: {  	_ =	shalt  }
0x60: {  	_ =	shalt  }
0x61: {  	_ =	shalt  }
0x62: {  	_ =	shalt  }
0x63: {  	_ =	shalt  }
0x64: {  	_ =	shalt  }
0x65: {  	_ =	shalt  }
0x66: {  	_ =	shalt  }
0x67: {  	_ =	shalt  }
0x68: {  	_ =	shalt  }
0x69: {  	_ =	shalt  }
0x6a: {  	_ =	shalt  }
0x6b: {  	_ =	shalt  }
0x6c: {  	_ =	shalt  }
0x6d: {  	_ =	shalt  }
0x6e: {  	_ =	shalt  }
0x6f: {  	_ =	shalt  }
0x70: {  	_ =	shalt  }
0x71: {  	_ =	shalt  }
0x72: {  	_ =	shalt  }
0x73: {  	_ =	shalt  }
0x74: {  	_ =	shalt  }
0x75: {  	_ =	shalt  }
0x76: {  	_ =	shalt  }
0x77: {  	_ =	shalt  }
0x78: {  	_ =	shalt  }
0x79: {  	_ =	shalt  }
0x7a: {  	_ =	shalt  }
0x7b: {  	_ =	shalt  }
0x7c: {  	_ =	shalt  }
0x7d: {  	_ =	shalt  }
0x7e: {  	_ =	shalt  }
0x7f: {  	_ =	shalt  }
0x80: {  	_ =	shalt  }
0x81: {  	_ =	shalt  }
0x82: {  	_ =	shalt  }
0x83: {  	_ =	shalt  }
0x84: {  	_ =	shalt  }
0x85: {  	_ =	shalt  }
0x86: {  	_ =	shalt  }
0x87: {  	_ =	shalt  }
.Lfunc_end0:
.L_simem_size_0:
called_computation_lowered:
.L_overlay_start_0:
0x88: {  	s2 =	sld [smem:$0x3FD9]  }
0x89: {  	s3 =	sld [smem:$0x3FFE];
	_ =	sdelay $0x1  }
0x8a: {  	s1 =	srdreg.scid  }
0x8b: {  	s0 =	sand.u32 $0x1, s1  }
0x8c: {  	s18 =	sshll.u32 s0, $0xA;
	s2 =	sadd.s32 s3, s2  }
0x8d: {  	s2 =	sadd.s32 s2, s18  }
0x8e: {  	[smem:$0x3FC7] =	sst s2  }
0x8f: {  	_ = 	snop  }
0x90: {  	s2 =	sld [smem:$0x3FC9]  }
0x91: {  	s19 =	sld [smem:$0x3FD0];
	(tm) =	ssettm $0x1  }
0x92: {  	s4 =	sld [smem:$0x3FFB];
	_ =	sdelay $0x3  }
0x93: {  	_ =	strace s4  }
0x94: {  	s4 =	sld [smem:$0x3FFC];
	_ =	sdelay $0x3  }
0x95: {  	_ =	strace s4  }
0x96: {  	s4 =	sld [smem:$0x3FFD];
	_ =	sdelay $0x3  }
0x97: {  	_ =	strace s4  }
0x98: {  	_ =	strace $0x8FFFFFFF  }
0x99: {  	s20 =	sld [smem:$0x3FDB];
	_ =	sdelay $0x1  }
0x9a: {  	s5 =	simm.s32 $_scs_section_size  }
0x9b: {  	s6 =	simm.s32 $_size__tile_overlayer_lowered;
	s7 =	simm.s32 $_tile_overlayer_lowered  }
0x9c: {  	s23 =	simm.s32 $0x1BFF;
	s22 =	sshll.u32 s7, $0x1;
	s4 =	sadd.s32 s5, s20  }
0x9d: {  	s8 =	simm.s32 $0x0;
	s21 =	sshll.u32 s6, $0x1;
	s6 =	sadd.s32 s22, s4  }
0x9e: {  	[timem:s8], [sflag:s23] =	dma.local [hbm:s6], s21  }
0x9f: {  	_ =	swait.ge [sflag:s23], s21  }
0xa0: {  	s5 =	ssub.s32 $0x0, s21;
	[sflag:s23] =	ssyncset.done $0x0  }
0xa1: {  	[sflag:s23] =	ssyncadd.s32 s5;
	_ =	sdelay $0x1  }
0xa2: {  	s24 =	simm.s32 $0x1B8B  }
0xa3: {  	_ =	swait.ge [sflag:s24], $0x1  }
0xa4: {  	[sflag:s24] =	ssyncset.done $0x0  }
0xa5: {  	s25 =	simm.s32 $0x1B8E;
	[sflag:s24] =	ssyncadd.s32 $0xFFFFFFFF  }
0xa6: {  	s26 =	simm.s32 $execute0_lowered;
	[smem:$0x3FD2] =	sst s25  }
0xa7: {  	s5 =	sshll.u32 s26, $0x1;
	_ =	strace $0x80000046;
	[dreg:$0x1] =	wrdreg $0xFFFFFFFF  }
0xa8: {  	s28 =	simm.s32 $_size_execute0_lowered;
	s4 =	sadd.s32 s4, s5;
	[dreg:$0x0] =	wrdreg $0x0  }
0xa9: {  	s5 =	sshll.u32 s28, $0x1;
	[dreg:$0x2] =	wrdreg s4  }
0xaa: {  	[dreg:$0x3] =	wrdreg s5  }
0xab: {  	[dreg:$0x4] =	wrdreg $0xC0  }
0xac: {  	_ =	task [dreg:s8], $0x5FFFF  }
0xad: {  	[dreg:$0x1] =	wrdreg $0xFFFFFFFF  }
0xae: {  	[dreg:$0x0] =	wrdreg $0x60  }
0xaf: {  	[dreg:$0x2] =	wrdreg s2  }
0xb0: {  	[dreg:$0x3] =	wrdreg s19  }
0xb1: {  	[dreg:$0x4] =	wrdreg $0x9  }
0xb2: {  	_ =	task.clear_ibuf [dreg:s8], $0x5FFFF;
	_ =	strace $0x90000046  }
0xb3: {  	s29 =	simm.s32 $0x9;
	_ =	strace $0x80000048  }
0xb4: {  	_ =	swait.ge [sflag:s29], $0x1  }
0xb5: {  	[sflag:s29] =	ssyncadd.s32 $0xFFFFFFFF  }
0xb6: {  	_ =	strace $0x90000048  }
0xb7: {  	_ =	sfence  }
0xb8: {  	s30 =	sld [smem:$0x0];
	_ =	sdelay $0x2  }
0xb9: {  	s31 =	sshll.u32 s1, $0xD;
	s1 =	sshrl.u32 s1, $0x2  }
0xba: {  	s3 =	sand.u32 $0x4000, s31;
	s1 =	sadd.s32 s1, s30  }
0xbb: {  	s0 =	sor.u32 s3, s0;
	s1 =	sshll.u32 s1, $0x11  }
0xbc: {  	s0 =	sor.u32 s1, s0  }
0xbd: {  	s0 =	sadd.s32 $0x8F2B, s0  }
0xbe: {  	[sflag:s0] =	ssyncadd.remote.s32 $0x1  }
0xbf: {  	_ =	sfence.sel $0xFFFF  }
0xc0: {  	[dreg:$0x0] =	wrdreg $0xFFFFFFFF;
	(pc) =	sbr.abs _section_cstart, $3  }
0xc1: {  	[dreg:$0x1] =	wrdreg $0xFFFFFFFF  }
0xc2: {  	_ =	task.clear_ibuf [dreg:s8], $0x2FFFF;
	_ =	strace $0x9FFFFFFF  }
0xc3: {  	(tm) =	ssettm $0x7FFFFFFF  }
tec
execute0_lowered:
.L_overlay_start_1:
0x0: {  	(tag) =	ssettag $0x1  }
0x1: {  	s0 =	srdreg.scid;
	s9 =	stileid.u32  }
0x2: {  	s0 =	sand.u32 $0x1, s0;
	s1 =	sshll.u32 s9, $0x1  }
0x3: {  	s1 =	sor.u32 s0, s1  }
0x4: {  	s6 =	ssub.s32 $0x2, s0;
	s5 =	smul.u32 $0x1280, s1  }
0x5: {  	s3 =	rddreg [dreg:$0x0];
	s1 =	smul.u32 $0x3600, s1;
	s8 =	sshrl.u32 s6, $0x1  }
0x6: {  	s4 =	rddreg [dreg:$0x1];
	s2 =	simm.s32 $0x0;
	s6 =	ssub.s32 s6, s8  }
0x7: {  	[smem:$0x7FF] =	sst s2;
	s1 =	sshrl.u32 s1, $0x3;
	s31 =	smax.u32 s6, $0x1  }
0x8: {  	_ =	strace $0x80000047;
	s4 =	sadd.s32 s4, s1;
	[dreg:$0x13] =	wrdreg s31  }
0x9: {  	s18 =	sadd.s32 $0xD800, s4;
	[dreg:$0x6] =	wrdreg s4  }
0xa: {  	s20 =	sadd.s32 $0x1B000, s4;
	[dreg:$0x8] =	wrdreg s18  }
0xb: {  	s22 =	sadd.s32 $0x28800, s4;
	[dreg:$0xa] =	wrdreg s20  }
0xc: {  	s24 =	sadd.s32 $0x36000, s4;
	[dreg:$0xc] =	wrdreg s22  }
0xd: {  	s5 =	sadd.s32 $0x8700, s5;
	s26 =	sadd.s32 $0x43800, s4;
	[dreg:$0xe] =	wrdreg s24  }
0xe: {  	v0 =	vimm.f32 $1.461968420e+00;
	s7 =	sshrl.u32 s5, $0x2;
	s28 =	sadd.s32 $0x51000, s4;
	[dreg:$0x10] =	wrdreg s26  }
0xf: {  	(erf) = vrcp.f32 v0;
	s3 =	sadd.s32 s3, s7;
	s30 =	sadd.s32 $0x5E800, s4;
	[dreg:$0x11] =	wrdreg s28  }
0x10: {  	s7 =	sadd.s32 $0x6BB00, s3;
	[dreg:$0x12] =	wrdreg s30  }
0x11: {  	s15 =	sadd.s32 $0x79260, s3;
	[dreg:$0x3] =	wrdreg s7  }
0x12: {  	s16 =	sadd.s32 $0x869C0, s3;
	[dreg:$0x4] =	wrdreg s15  }
0x13: {  	s17 =	sadd.s32 $0x94120, s3;
	[dreg:$0x5] =	wrdreg s16  }
0x14: {  	s19 =	sadd.s32 $0xA1880, s3;
	[dreg:$0x7] =	wrdreg s17  }
0x15: {  	s25 =	smul.u32 $0x3600, s9;
	s21 =	sadd.s32 $0xAEFE0, s3;
	[dreg:$0x9] =	wrdreg s19  }
0x16: {  	s0 =	smul.u32 $0x1B00, s0;
	s23 =	sadd.s32 $0xBC740, s3;
	[dreg:$0xb] =	wrdreg s21  }
0x17: {  	v2 =	vlaneseq.u32;
	s29 =	simm.s32 $0x0;
	s3 =	sadd.s32 $0xC9EA0, s3;
	[dreg:$0xd] =	wrdreg s23  }
0x18: {  	v2 =	vadd.s32 $0xC6F4, v2;
	v0 =	vmov s5;
	s20 =	sadd.s32 s0, s25;
	[dreg:$0xf] =	wrdreg s3;
	s21 =	simm.s32 $0x2800;
	v1 =	vpop (erf)  }
.LBB2_1:
0x19: {  	s0 =	rddreg [dreg:$0x3];
	s30 =	sadd.s32 $0xFFFFFFC0, s20  }
0x1a: {  	[tilespmem:s2], [sflag:$0x1] =	stream.linear.gather [hbm4b:s0+s2], $0x2800, $0x38;
	[tilespmem:$0xD700] =	vst v63  }
0x1b: {  	s1 =	sadd.s32 $0x40, s30;
	s3 =	sadd.s32 $0x50, s30;
	s4 =	sadd.s32 $0x60, s30  }
0x1c: {  	s0 =	sadd.s32 $0x70, s30;
	v3 =	vadd.s32 s1, v2;
	v4 =	vadd.s32 s3, v2;
	v5 =	vadd.s32 s4, v2  }
0x1d: {  	v6 =	vadd.s32 s0, v2;
	v3 =	vcvt.s32.f32 v3;
	v4 =	vcvt.s32.f32 v4  }
0x1e: {  	s31 =	rddreg [dreg:$0x4];
	s1 =	simm.s32 $0xBC20;
	v7 =	vcvt.s32.f32 v5;
	v8 =	vcvt.s32.f32 v6  }
0x1f: {  	s3 =	simm.s32 $0x40;
	s4 =	sadd.s32 $0x0, s20;
	s0 =	simm.s32 $0xBC60;
	v6 =	vmul.f32 v3, v1;
	v5 =	vmul.f32 v4, v1  }
0x20: {  	[tilespmem:s21], [sflag:$0x2] =	stream.linear.gather [hbm4b:s31+s2], $0x2800, $0x38;
	v4 =	vmul.f32 v7, v1;
	v3 =	vmul.f32 v8, v1;
	[tilespmem:$0xD700] =	vst v63  }
.LBB2_2:
0x21: {  	s5 =	sadd.s32 $0x40, s4;
	s8 =	smov.u32 s3;
	s3 =	sadd.s32 $0x40, s3  }
0x22: {  	s6 =	sadd.s32 $0x50, s4;
	s7 =	sadd.s32 $0x60, s4;
	[tilespmem:s1+$0xFFFFFFE0] =	vst v6;
	p0 =	slt.u32 s3, $0x1AC0  }
.Ltmp0:
0x23: {  	s4 =	sadd.s32 $0x70, s4;
	v6 =	vadd.s32 s5, v2;
	v7 =	vadd.s32 s6, v2;
	v8 =	vadd.s32 s7, v2;
	[tilespmem:s1+$0xFFFFFFF0] =	vst v5;
	(pc) =	sbr.rel @p0 .LBB2_2-.Ltmp0, $4  }
0x24: {  	v5 =	vcvt.s32.f32 v6;
	v7 =	vcvt.s32.f32 v7;
	v6 =	vadd.s32 s4, v2;
	[tilespmem:s1+$0x0] =	vst v4  }
0x25: {  	v4 =	vcvt.s32.f32 v8;
	v8 =	vcvt.s32.f32 v6;
	[tilespmem:s1+$0x10] =	vst v3;
	s1 =	smov.u32 s0  }
0x26: {  	v6 =	vmul.f32 v5, v1;
	v5 =	vmul.f32 v7, v1  }
0x27: {  	s4 =	sadd.s32 s8, s20;
	s0 =	sadd.s32 $0x40, s0;
	v4 =	vmul.f32 v4, v1;
	v3 =	vmul.f32 v8, v1  }
0x28: {  	s3 =	sadd.s32 $0x40, s4  }
0x29: {  	s5 =	sadd.s32 $0x50, s4;
	v7 =	vadd.s32 s3, v2  }
0x2a: {  	s18 =	sadd.s32 $0x60, s4;
	[tilespmem:s1+$0xFFFFFFE0] =	vst v6;
	v6 =	vadd.s32 s5, v2;
	v7 =	vcvt.s32.f32 v7  }
0x2b: {  	s19 =	sadd.s32 $0x70, s4;
	[tilespmem:s1+$0xFFFFFFF0] =	vst v5;
	v8 =	vadd.s32 s18, v2;
	v5 =	vcvt.s32.f32 v6  }
0x2c: {  	[tilespmem:s1+$0x0] =	vst v4;
	v6 =	vadd.s32 s19, v2;
	v4 =	vcvt.s32.f32 v8;
	v7 =	vmul.f32 v7, v1  }
0x2d: {  	[tilespmem:s1+$0x10] =	vst v3;
	v6 =	vcvt.s32.f32 v6;
	v3 =	vmul.f32 v5, v1  }
0x2e: {  	v4 =	vmul.f32 v4, v1;
	[tilespmem:s0+$0xFFFFFFE0] =	vst v7  }
0x2f: {  	v5 =	vmul.f32 v6, v1;
	[tilespmem:s0+$0xFFFFFFF0] =	vst v3  }
0x30: {  	[tilespmem:s0+$0x0] =	vst v4  }
0x31: {  	s22 =	simm.s32 $0x1;
	[tilespmem:s0+$0x10] =	vst v5  }
0x32: {  	s1 =	simm.s32 $0xBC00;
	s3 =	simm.s32 $0x0;
	_ =	swait.ge [sflag:s22], $0x2800  }
0x33: {  	s10 =	sand.u32 $0x40, s3;
	s23 =	sand.u32 $0x1F80, s3;
	[sflag:s22] =	ssyncset.done $0x0  }
0x34: {  	s13 =	sor.u32 $0x30, s10;
	s0 =	sadd.s32 $0xBC00, s23;
	[sflag:s22] =	ssyncadd.s32 $0xFFFFD800  }
0x35: {  	s11 =	sor.u32 $0x10, s10;
	s12 =	sor.u32 $0x20, s10;
	s24 =	sor.u32 s13, s0;
	v8 =	vld [tilespmem:s1+$0x0]  }
0x36: {  	s25 =	sor.u32 s11, s0;
	s0 =	sor.u32 s12, s0;
	v9 =	vld [tilespmem:s24+$0x0]  }
0x37: {  	v7 =	vld [tilespmem:s0+$0x0];
	_ =	sdelay $0x3  }
0x38: {  	v3 =	vtrunc.f32 v8  }
0x39: {  	v11 =	vtrunc.f32 v9;
	v14 =	vtrunc.f32 v7  }
0x3a: {  	v4 =	vcvt.f32.s32 v3;
	v11 =	vcvt.f32.s32 v11  }
0x3b: {  	v14 =	vcvt.f32.s32 v14  }
0x3c: {  	v5 =	vld [tilespmem:s25+$0x0];
	v3 =	vsub.s32 v4, v0;
	v6 =	vand.u32 $0x7F, v4;
	v13 =	vsub.s32 v11, v0  }
0x3d: {  	v16 =	vand.u32 $0x7F, v11;
	v10 =	vshll.u32 v3, $0x1;
	v3 =	vadd.s32 $0x1, v3  }
0x3e: {  	v15 =	vshll.u32 v13, $0x1;
	v13 =	vadd.s32 $0x1, v13;
	v10 =	vand.u32 $0xFFFFFF00, v10  }
0x3f: {  	v12 =	vand.u32 $0x7F, v3;
	v3 =	vshll.u32 v3, $0x1;
	v15 =	vand.u32 $0xFFFFFF00, v15  }
0x40: {  	v17 =	vshll.u32 v13, $0x1;
	v13 =	vand.u32 $0x7F, v13;
	v6 =	vor.u32 v6, v10  }
0x41: {  	v10 =	vtrunc.f32 v5;
	v15 =	vor.u32 v16, v15;
	v16 =	vand.u32 $0xFFFFFF00, v17  }
0x42: {  	v3 =	vand.u32 $0xFFFFFF00, v3;
	v10 =	vcvt.f32.s32 v10;
	v13 =	vor.u32 v13, v16  }
0x43: {  	s0 =	simm.s32 $0xBC40;
	v18 =	vsub.s32 v14, v0;
	v11 =	vcvt.s32.f32 v11;
	v12 =	vor.u32 v12, v3  }
0x44: {  	s30 =	simm.s32 $0x0;
	v20 =	vadd.s32 $0x1, v18;
	v18 =	vshll.u32 v18, $0x1;
	v3 =	vld [tilespmem:s0+$0x0];
	v17 =	vsub.s32 v10, v0  }
0x45: {  	v18 =	vand.u32 $0xFFFFFF00, v18;
	v16 =	vadd.s32 $0x1, v17;
	v17 =	vshll.u32 v17, $0x1;
	v21 =	vld.idx.msk [tilespmem:v6+s30+$0x0], $0xffff  }
0x46: {  	v22 =	vand.u32 $0x7F, v10;
	v19 =	vshll.u32 v16, $0x1;
	v17 =	vand.u32 $0xFFFFFF00, v17;
	v15 =	vld.idx.msk [tilespmem:v15+s30+$0x0], $0xffff  }
0x47: {  	s9 =	simm.s32 $0x40;
	v16 =	vand.u32 $0x7F, v16;
	v6 =	vand.u32 $0xFFFFFF00, v19;
	v19 =	vshll.u32 v20, $0x1;
	v13 =	vld.idx.msk [tilespmem:v13+s30+$0x0], $0xffff  }
0x48: {  	s4 =	sand.u32 $0x40, s9;
	s26 =	sand.u32 $0x1F80, s9;
	v12 =	vld.idx.msk [tilespmem:v12+s30+$0x0], $0xffff;
	v20 =	vand.u32 $0x7F, v20;
	v19 =	vand.u32 $0xFFFFFF00, v19;
	v23 =	vor.u32 v16, v6  }
0x49: {  	s6 =	sadd.s32 $0xBC00, s26;
	s5 =	sor.u32 $0x30, s4;
	v16 =	vand.u32 $0x7F, v14;
	v6 =	vcvt.s32.f32 v10;
	v10 =	vcvt.s32.f32 v14  }
0x4a: {  	s14 =	sor.u32 s5, s6;
	v14 =	vtrunc.f32 v3;
	v19 =	vor.u32 v20, v19;
	v20 =	vor.u32 v22, v17  }
0x4b: {  	v17 =	vcvt.s32.f32 v4;
	v4 =	vld [tilespmem:s14+$0x0];
	v6 =	vsub.f32 v5, v6;
	v5 =	vsub.f32 v7, v10  }
0x4c: {  	s7 =	sor.u32 $0x10, s4;
	v7 =	vcvt.f32.s32 v14;
	v10 =	vsub.f32 v9, v11;
	v11 =	vsub.f32 v13, v15  }
0x4d: {  	s8 =	sor.u32 $0x20, s4;
	s15 =	sor.u32 s7, s6;
	v22 =	vor.u32 v16, v18;
	v13 =	vsub.f32 v8, v17;
	v12 =	vsub.f32 v12, v21  }
0x4e: {  	s6 =	sor.u32 s8, s6;
	v8 =	vld [tilespmem:s15+$0x0];
	v14 =	vsub.s32 v7, v0;
	v16 =	vand.u32 $0x7F, v7;
	v10 =	vmul.f32 v11, v10  }
0x4f: {  	v9 =	vld [tilespmem:s6+$0x0];
	v11 =	vshll.u32 v14, $0x1;
	v14 =	vadd.s32 $0x1, v14;
	v12 =	vmul.f32 v12, v13  }
0x50: {  	v13 =	vtrunc.f32 v4;
	v11 =	vand.u32 $0xFFFFFF00, v11;
	v18 =	vand.u32 $0x7F, v14  }
0x51: {  	v14 =	vshll.u32 v14, $0x1;
	v13 =	vcvt.f32.s32 v13;
	v10 =	vadd.f32 v10, v15  }
0x52: {  	v24 =	vadd.f32 v12, v21;
	v17 =	vor.u32 v16, v11;
	v12 =	vand.u32 $0xFFFFFF00, v14  }
0x53: {  	v11 =	vtrunc.f32 v8;
	v18 =	vor.u32 v18, v12;
	v12 =	vsub.s32 v13, v0  }
0x54: {  	s28 =	sand.u32 $0x3F00, s30;
	v14 =	vld.idx.msk [tilespmem:v19+s30+$0x0], $0xffff;
	v19 =	vand.u32 $0x7F, v13;
	v15 =	vcvt.f32.s32 v11;
	v11 =	vtrunc.f32 v9  }
0x55: {  	s6 =	sadd.s32 $0x5000, s28;
	v16 =	vcvt.f32.s32 v11;
	v11 =	vld.idx.msk [tilespmem:v23+s30+$0x0], $0xffff;
	v23 =	vshll.u32 v12, $0x1;
	v12 =	vadd.s32 $0x1, v12  }
0x56: {  	s13 =	sor.u32 s13, s6;
	v21 =	vsub.s32 v15, v0;
	v23 =	vand.u32 $0xFFFFFF00, v23;
	v25 =	vshll.u32 v12, $0x1  }
0x57: {  	s11 =	sor.u32 s11, s6;
	s31 =	sor.u32 s10, s6;
	[tilespmem:s13+$0x0] =	vst v10;
	v10 =	vld.idx.msk [tilespmem:v20+s30+$0x0], $0xffff;
	v20 =	vand.u32 $0x7F, v12;
	v19 =	vor.u32 v19, v23;
	v25 =	vand.u32 $0xFFFFFF00, v25  }
0x58: {  	s10 =	sor.u32 s12, s6;
	s12 =	simm.s32 $0x0;
	[tilespmem:s31+$0x0] =	vst v24;
	s13 =	simm.s32 $0xBC80;
	v12 =	vld.idx.msk [tilespmem:v22+s30+$0x0], $0xffff;
	v22 =	vadd.s32 $0x1, v21;
	v23 =	vsub.s32 v16, v0;
	v20 =	vor.u32 v20, v25  }
.LBB2_4:
0x59: {  	v24 =	vld [tilespmem:s13+$0x0];
	v21 =	vshll.u32 v21, $0x1;
	v25 =	vshll.u32 v22, $0x1;
	v26 =	vadd.s32 $0x1, v23  }
0x5a: {  	v23 =	vshll.u32 v23, $0x1;
	v17 =	vld.idx.msk [tilespmem:v17+s30+$0x0], $0xffff;
	v25 =	vand.u32 $0xFFFFFF00, v25;
	v27 =	vshll.u32 v26, $0x1  }
0x5b: {  	v22 =	vand.u32 $0x7F, v22;
	v21 =	vand.u32 $0xFFFFFF00, v21;
	v18 =	vld.idx.msk [tilespmem:v18+s30+$0x0], $0xffff;
	v27 =	vand.u32 $0xFFFFFF00, v27  }
0x5c: {  	v28 =	vand.u32 $0x7F, v15;
	v23 =	vand.u32 $0xFFFFFF00, v23;
	v26 =	vand.u32 $0x7F, v26;
	v19 =	vld.idx.msk [tilespmem:v19+s30+$0x0], $0xffff  }
0x5d: {  	v22 =	vor.u32 v22, v25;
	v25 =	vand.u32 $0x7F, v16;
	v26 =	vor.u32 v26, v27;
	v20 =	vld.idx.msk [tilespmem:v20+s30+$0x0], $0xffff  }
0x5e: {  	v15 =	vcvt.s32.f32 v15;
	v21 =	vor.u32 v28, v21;
	v23 =	vor.u32 v25, v23  }
0x5f: {  	s9 =	sadd.s32 $0x40, s9;
	v11 =	vsub.f32 v11, v10;
	v14 =	vsub.f32 v14, v12;
	v16 =	vcvt.s32.f32 v16  }
0x60: {  	v7 =	vcvt.s32.f32 v7;
	s14 =	sand.u32 $0x40, s9;
	s15 =	sand.u32 $0x1F80, s9;
	p0 =	slt.u32 s9, $0x1AC0;
	v8 =	vsub.f32 v8, v15;
	v25 =	vtrunc.f32 v24  }
0x61: {  	v13 =	vcvt.s32.f32 v13;
	s6 =	sor.u32 $0x10, s14;
	s16 =	sadd.s32 $0xBC00, s15;
	s15 =	sor.u32 $0x30, s14;
	v15 =	vmul.f32 v11, v6;
	v9 =	vsub.f32 v9, v16  }
0x62: {  	s18 =	sor.u32 $0x20, s14;
	s17 =	sor.u32 s6, s16;
	s19 =	sor.u32 s15, s16;
	v16 =	vsub.f32 v3, v7;
	v18 =	vsub.f32 v18, v17;
	v11 =	vld.idx.msk [tilespmem:v22+s30+$0x0], $0xffff;
	v22 =	vmul.f32 v14, v5  }
0x63: {  	v13 =	vsub.f32 v4, v13;
	s16 =	sor.u32 s18, s16;
	v6 =	vmovc v8;
	v3 =	vmovc v24;
	v7 =	vcvt.f32.s32 v25;
	v14 =	vsub.f32 v20, v19;
	v4 =	vld [tilespmem:s19+$0x0]  }
0x64: {  	v10 =	vadd.f32 v15, v10;
	v5 =	vmov v9;
	v8 =	vld [tilespmem:s17+$0x0];
	v12 =	vadd.f32 v22, v12  }
0x65: {  	s12 =	sadd.s32 $0x80, s12;
	v15 =	vsub.s32 v7, v0;
	v20 =	vand.u32 $0x7F, v7;
	v13 =	vmul.f32 v14, v13;
	v9 =	vld [tilespmem:s16+$0x0]  }
0x66: {  	v16 =	vmul.f32 v18, v16;
	v22 =	vshll.u32 v15, $0x1;
	v15 =	vadd.s32 $0x1, v15;
	s16 =	sand.u32 $0x3F00, s12;
	v14 =	vld.idx.msk [tilespmem:v26+s30+$0x0], $0xffff;
	[tilespmem:s11+$0x0] =	vst v10  }
0x67: {  	v18 =	vand.u32 $0xFFFFFF00, v22;
	v22 =	vand.u32 $0x7F, v15;
	s16 =	sadd.s32 $0x5000, s16;
	v19 =	vadd.f32 v13, v19;
	v10 =	vld.idx.msk [tilespmem:v21+s30+$0x0], $0xffff;
	[tilespmem:s10+$0x0] =	vst v12  }
0x68: {  	v16 =	vadd.f32 v16, v17;
	v15 =	vshll.u32 v15, $0x1;
	s11 =	sor.u32 s7, s16;
	s10 =	sor.u32 s8, s16;
	s5 =	sor.u32 s5, s16;
	v13 =	vtrunc.f32 v4;
	v12 =	vld.idx.msk [tilespmem:v23+s30+$0x0], $0xffff  }
0x69: {  	v17 =	vor.u32 v20, v18;
	s7 =	sor.u32 s4, s16;
	s4 =	smov.u32 s14;
	v18 =	vtrunc.f32 v8;
	v13 =	vcvt.f32.s32 v13;
	[tilespmem:s5+$0x0] =	vst v19  }
0x6a: {  	s8 =	smov.u32 s18;
	v19 =	vand.u32 $0xFFFFFF00, v15;
	s5 =	smov.u32 s15;
	v15 =	vcvt.f32.s32 v18;
	v20 =	vtrunc.f32 v9;
	[tilespmem:s7+$0x0] =	vst v16;
	s7 =	smov.u32 s6  }
.Ltmp1:
0x6b: {  	v18 =	vor.u32 v22, v19;
	v16 =	vcvt.f32.s32 v20;
	v19 =	vsub.s32 v13, v0;
	(pc) =	sbr.rel @p0 .LBB2_4-.Ltmp1, $4  }
0x6c: {  	v21 =	vsub.s32 v15, v0;
	v20 =	vshll.u32 v19, $0x1;
	v22 =	vadd.s32 $0x1, v19  }
0x6d: {  	v19 =	vand.u32 $0x7F, v13;
	v20 =	vand.u32 $0xFFFFFF00, v20;
	v23 =	vshll.u32 v22, $0x1  }
0x6e: {  	v19 =	vor.u32 v19, v20;
	v20 =	vand.u32 $0x7F, v22;
	v24 =	vand.u32 $0xFFFFFF00, v23  }
0x6f: {  	s13 =	sadd.s32 $0x40, s13;
	v22 =	vadd.s32 $0x1, v21;
	v23 =	vsub.s32 v16, v0;
	v20 =	vor.u32 v20, v24  }
0x70: {  	v24 =	vshll.u32 v22, $0x1  }
0x71: {  	v21 =	vshll.u32 v21, $0x1;
	v25 =	vadd.s32 $0x1, v23;
	v23 =	vshll.u32 v23, $0x1  }
0x72: {  	v22 =	vand.u32 $0x7F, v22;
	v24 =	vand.u32 $0xFFFFFF00, v24;
	v26 =	vshll.u32 v25, $0x1  }
0x73: {  	v25 =	vand.u32 $0x7F, v25;
	v26 =	vand.u32 $0xFFFFFF00, v26;
	v22 =	vor.u32 v22, v24  }
0x74: {  	v17 =	vld.idx.msk [tilespmem:v17+s30+$0x0], $0xffff;
	v21 =	vand.u32 $0xFFFFFF00, v21;
	v24 =	vand.u32 $0x7F, v15;
	v25 =	vor.u32 v25, v26  }
0x75: {  	v18 =	vld.idx.msk [tilespmem:v18+s30+$0x0], $0xffff;
	v23 =	vand.u32 $0xFFFFFF00, v23;
	v26 =	vand.u32 $0x7F, v16;
	v21 =	vor.u32 v24, v21  }
0x76: {  	v19 =	vld.idx.msk [tilespmem:v19+s30+$0x0], $0xffff;
	v23 =	vor.u32 v26, v23  }
0x77: {  	v20 =	vld.idx.msk [tilespmem:v20+s30+$0x0], $0xffff  }
0x78: {  	v22 =	vld.idx.msk [tilespmem:v22+s30+$0x0], $0xffff  }
0x79: {  	v24 =	vld.idx.msk [tilespmem:v25+s30+$0x0], $0xffff  }
0x7a: {  	v11 =	vsub.f32 v11, v10;
	v13 =	vcvt.s32.f32 v13;
	v7 =	vcvt.s32.f32 v7;
	v21 =	vld.idx.msk [tilespmem:v21+s30+$0x0], $0xffff  }
0x7b: {  	v14 =	vsub.f32 v14, v12;
	v15 =	vcvt.s32.f32 v15;
	v23 =	vld.idx.msk [tilespmem:v23+s30+$0x0], $0xffff  }
0x7c: {  	v6 =	vmul.f32 v11, v6;
	v4 =	vsub.f32 v4, v13;
	v3 =	vsub.f32 v3, v7  }
0x7d: {  	v5 =	vmul.f32 v14, v5;
	v8 =	vsub.f32 v8, v15;
	v11 =	vsub.f32 v20, v19  }
0x7e: {  	v16 =	vcvt.s32.f32 v16;
	v6 =	vadd.f32 v6, v10;
	v7 =	vsub.f32 v18, v17  }
0x7f: {  	s6 =	sadd.s32 $0x80, s12;
	v5 =	vadd.f32 v5, v12;
	v4 =	vmul.f32 v11, v4;
	v10 =	vsub.f32 v22, v21  }
0x80: {  	s6 =	sand.u32 $0x3F00, s6;
	v9 =	vsub.f32 v9, v16;
	v3 =	vmul.f32 v7, v3;
	v7 =	vsub.f32 v24, v23  }
0x81: {  	s6 =	sadd.s32 $0x5000, s6;
	[tilespmem:s11+$0x0] =	vst v6;
	v4 =	vadd.f32 v4, v19;
	v6 =	vmul.f32 v10, v8  }
0x82: {  	s5 =	sor.u32 s5, s6;
	[tilespmem:s10+$0x0] =	vst v5;
	v3 =	vadd.f32 v3, v17;
	v5 =	vmul.f32 v7, v9  }
0x83: {  	s4 =	sor.u32 s4, s6;
	[tilespmem:s5+$0x0] =	vst v4;
	v4 =	vadd.f32 v6, v21  }
0x84: {  	s22 =	sor.u32 s7, s6;
	[tilespmem:s4+$0x0] =	vst v3;
	v3 =	vadd.f32 v5, v23  }
0x85: {  	s23 =	sor.u32 s8, s6;
	[tilespmem:s22+$0x0] =	vst v4  }
0x86: {  	[tilespmem:s23+$0x0] =	vst v3  }
0x87: {  	s24 =	sand.u32 $0x1FC0, s3;
	v3 =	vld [tilespmem:s1+$0x0]  }
0x88: {  	v4 =	vld [tilespmem:s24+$0xBC30];
	_ =	sdelay $0x4  }
0x89: {  	v5 =	vtrunc.f32 v3;
	v10 =	vtrunc.f32 v4  }
0x8a: {  	v5 =	vcvt.f32.s32 v5;
	v10 =	vcvt.f32.s32 v10;
	_ =	sdelay $0x1  }
0x8b: {  	v6 =	vld [tilespmem:s24+$0xBC10];
	v7 =	vsub.s32 v5, v0;
	v8 =	vand.u32 $0x7F, v5;
	v13 =	vsub.s32 v10, v0  }
0x8c: {  	v11 =	vld [tilespmem:s24+$0xBC20];
	v15 =	vand.u32 $0x7F, v10;
	v5 =	vcvt.s32.f32 v5;
	v9 =	vshll.u32 v7, $0x1  }
0x8d: {  	v7 =	vadd.s32 $0x1, v7;
	v14 =	vshll.u32 v13, $0x1;
	v13 =	vadd.s32 $0x1, v13  }
0x8e: {  	v9 =	vand.u32 $0xFFFFFF00, v9;
	v12 =	vand.u32 $0x7F, v7;
	v7 =	vshll.u32 v7, $0x1  }
0x8f: {  	v14 =	vand.u32 $0xFFFFFF00, v14;
	v16 =	vshll.u32 v13, $0x1;
	v13 =	vand.u32 $0x7F, v13  }
0x90: {  	v8 =	vor.u32 v9, v8;
	v9 =	vtrunc.f32 v6;
	v14 =	vor.u32 v14, v15  }
0x91: {  	v15 =	vand.u32 $0xFFFFFF00, v16;
	v16 =	vtrunc.f32 v11;
	v7 =	vand.u32 $0xFFFFFF00, v7  }
0x92: {  	v8 =	vor.u32 $0x80, v8;
	v9 =	vcvt.f32.s32 v9;
	v14 =	vor.u32 $0x80, v14  }
0x93: {  	v13 =	vor.u32 v15, v13;
	v15 =	vcvt.f32.s32 v16;
	v7 =	vor.u32 v7, v12  }
0x94: {  	v18 =	vsub.f32 v3, v5;
	v13 =	vor.u32 $0x80, v13;
	v7 =	vor.u32 $0x80, v7  }
0x95: {  	v12 =	vsub.s32 v9, v0;
	v16 =	vsub.s32 v15, v0;
	v20 =	vand.u32 $0x7F, v9  }
0x96: {  	v21 =	vld [tilespmem:s0+$0x0];
	v22 =	vand.u32 $0x7F, v15;
	v9 =	vcvt.s32.f32 v9;
	v17 =	vadd.s32 $0x1, v12  }
0x97: {  	v3 =	vadd.s32 $0x1, v16;
	v16 =	vshll.u32 v16, $0x1;
	v5 =	vshll.u32 v17, $0x1;
	v19 =	vld.idx.msk [tilespmem:v8+s2+$0x0], $0xffff  }
0x98: {  	v17 =	vand.u32 $0x7F, v17;
	v16 =	vand.u32 $0xFFFFFF00, v16;
	v8 =	vshll.u32 v12, $0x1;
	v14 =	vld.idx.msk [tilespmem:v14+s2+$0x0], $0xffff  }
0x99: {  	v12 =	vshll.u32 v3, $0x1;
	v5 =	vand.u32 $0xFFFFFF00, v5;
	v3 =	vand.u32 $0x7F, v3;
	v13 =	vld.idx.msk [tilespmem:v13+s2+$0x0], $0xffff  }
0x9a: {  	v12 =	vand.u32 $0xFFFFFF00, v12;
	v8 =	vand.u32 $0xFFFFFF00, v8;
	v7 =	vld.idx.msk [tilespmem:v7+s2+$0x0], $0xffff;
	v5 =	vor.u32 v5, v17  }
0x9b: {  	v8 =	vor.u32 v8, v20;
	v3 =	vor.u32 v12, v3;
	v12 =	vor.u32 $0x80, v5  }
0x9c: {  	v5 =	vor.u32 v16, v22;
	v17 =	vor.u32 $0x80, v3;
	v3 =	vcvt.s32.f32 v10  }
0x9d: {  	s0 =	simm.s32 $0x40;
	v10 =	vor.u32 $0x80, v8;
	v8 =	vcvt.s32.f32 v15;
	v15 =	vtrunc.f32 v21  }
0x9e: {  	s25 =	sand.u32 $0x1FC0, s0;
	v20 =	vor.u32 $0x80, v5;
	v4 =	vsub.f32 v4, v3;
	v13 =	vsub.f32 v13, v14  }
0x9f: {  	v5 =	vsub.f32 v6, v9;
	v6 =	vld [tilespmem:s25+$0xBC30];
	v15 =	vcvt.f32.s32 v15;
	v16 =	vsub.f32 v7, v19  }
0xa0: {  	v3 =	vsub.f32 v11, v8;
	v4 =	vmul.f32 v13, v4  }
0xa1: {  	v9 =	vcvt.s32.f32 v15;
	v11 =	vsub.s32 v15, v0;
	v7 =	vld [tilespmem:s25+$0xBC10];
	v13 =	vmul.f32 v16, v18  }
0xa2: {  	v8 =	vld [tilespmem:s25+$0xBC20];
	v15 =	vand.u32 $0x7F, v15;
	v16 =	vshll.u32 v11, $0x1;
	v18 =	vadd.f32 v4, v14  }
0xa3: {  	v4 =	vsub.f32 v21, v9;
	v9 =	vadd.s32 $0x1, v11;
	v19 =	vadd.f32 v13, v19  }
0xa4: {  	v11 =	vand.u32 $0xFFFFFF00, v16;
	v14 =	vtrunc.f32 v6;
	v13 =	vand.u32 $0x7F, v9  }
0xa5: {  	v9 =	vshll.u32 v9, $0x1;
	v11 =	vor.u32 v11, v15;
	v14 =	vcvt.f32.s32 v14  }
0xa6: {  	v9 =	vand.u32 $0xFFFFFF00, v9;
	v21 =	vor.u32 $0x80, v11;
	v11 =	vtrunc.f32 v7  }
0xa7: {  	p0 =	por $0x0, $0x0;
	s1 =	simm.s32 $0x1;
	v9 =	vor.u32 v9, v13;
	v16 =	vcvt.f32.s32 v11;
	v11 =	vtrunc.f32 v8  }
0xa8: {  	s1 =	simm.s32 @!p0 $0x0;
	v24 =	vand.u32 $0x7F, v14;
	v22 =	vor.u32 $0x80, v9;
	v9 =	vsub.s32 v14, v0  }
0xa9: {  	s1 =	sshll.u32 s1, $0x6;
	v15 =	vcvt.f32.s32 v11;
	v11 =	vshll.u32 v9, $0x1;
	v23 =	vadd.s32 $0x1, v9  }
0xaa: {  	s1 =	sadd.s32 $0x0, s1;
	v13 =	vsub.s32 v16, v0;
	v11 =	vand.u32 $0xFFFFFF00, v11;
	v25 =	vshll.u32 v23, $0x1  }
0xab: {  	s28 =	sor.u32 $0x80, s1;
	v9 =	vld.idx.msk [tilespmem:v12+s2+$0x0], $0xffff;
	v23 =	vand.u32 $0x7F, v23;
	v12 =	vor.u32 v11, v24;
	v24 =	vand.u32 $0xFFFFFF00, v25  }
0xac: {  	v10 =	vld.idx.msk [tilespmem:v10+s2+$0x0], $0xffff;
	[tilespmem:s28+$0x5000] =	vst v19;
	v19 =	vand.u32 $0x7F, v16;
	v25 =	vor.u32 $0x80, v12;
	v12 =	vor.u32 v24, v23  }
0xad: {  	v11 =	vld.idx.msk [tilespmem:v17+s2+$0x0], $0xffff;
	v17 =	vsub.s32 v15, v0;
	v23 =	vadd.s32 $0x1, v13;
	v26 =	vor.u32 $0x80, v12  }
0xae: {  	s26 =	sadd.s32 $0x30, s1;
	v24 =	vadd.s32 $0x1, v17;
	v17 =	vshll.u32 v17, $0x1;
	v12 =	vld.idx.msk [tilespmem:v20+s2+$0x0], $0xffff;
	v20 =	vshll.u32 v13, $0x1  }
0xaf: {  	s3 =	sor.u32 $0x80, s26;
	v27 =	vshll.u32 v23, $0x1;
	v28 =	vshll.u32 v24, $0x1;
	v13 =	vld.idx.msk [tilespmem:v21+s2+$0x0], $0xffff;
	v23 =	vand.u32 $0x7F, v23  }
0xb0: {  	[tilespmem:s3+$0x5000] =	vst v18;
	v18 =	vld.idx.msk [tilespmem:v22+s2+$0x0], $0xffff;
	v21 =	vand.u32 $0x7F, v15;
	v29 =	vand.u32 $0x7F, v24;
	v27 =	vand.u32 $0xFFFFFF00, v27  }
0xb1: {  	s31 =	sadd.s32 $0x10, s1;
	s1 =	sadd.s32 $0x20, s1;
	v28 =	vand.u32 $0xFFFFFF00, v28;
	v22 =	vand.u32 $0xFFFFFF00, v20;
	v20 =	vand.u32 $0xFFFFFF00, v17;
	v17 =	vld.idx.msk [tilespmem:v25+s2+$0x0], $0xffff  }
0xb2: {  	s4 =	simm.s32 $0xBC80;
	s1 =	sor.u32 $0x80, s1;
	s3 =	sor.u32 $0x80, s31;
	v22 =	vor.u32 v22, v19;
	v24 =	vor.u32 v27, v23;
	v23 =	vor.u32 v28, v29;
	v19 =	vld.idx.msk [tilespmem:v26+s2+$0x0], $0xffff  }
.LBB2_6:
0xb3: {  	v25 =	vld [tilespmem:s4+$0x0];
	v24 =	vor.u32 $0x80, v24;
	v20 =	vor.u32 v20, v21;
	v21 =	vor.u32 $0x80, v23  }
0xb4: {  	v16 =	vcvt.s32.f32 v16;
	v22 =	vor.u32 $0x80, v22;
	v20 =	vor.u32 $0x80, v20  }
0xb5: {  	v15 =	vcvt.s32.f32 v15;
	v9 =	vsub.f32 v9, v10;
	v11 =	vsub.f32 v11, v12  }
0xb6: {  	v14 =	vcvt.s32.f32 v14;
	v18 =	vsub.f32 v18, v13;
	v7 =	vsub.f32 v7, v16  }
0xb7: {  	v16 =	vmul.f32 v9, v5;
	v23 =	vmul.f32 v11, v3;
	v3 =	vsub.f32 v8, v15  }
0xb8: {  	s0 =	sadd.s32 $0x40, s0;
	p0 =	por !p0, !p0;
	s6 =	simm.s32 $0x1;
	v14 =	vsub.f32 v6, v14;
	v15 =	vsub.f32 v19, v17;
	v5 =	vmovc v7;
	v8 =	vtrunc.f32 v25;
	v9 =	vld.idx.msk [tilespmem:v24+s2+$0x0], $0xffff  }
0xb9: {  	s5 =	sand.u32 $0x1FC0, s0;
	p1 =	slt.u32 s0, $0x1AC0;
	s6 =	simm.s32 @!p0 $0x0;
	v10 =	vadd.f32 v16, v10;
	v12 =	vadd.f32 v23, v12;
	v8 =	vcvt.f32.s32 v8;
	v11 =	vld.idx.msk [tilespmem:v21+s2+$0x0], $0xffff  }
0xba: {  	s30 =	sadd.s32 $0x80, s30;
	s6 =	sshll.u32 s6, $0x6;
	v14 =	vmul.f32 v15, v14;
	v6 =	vld [tilespmem:s5+$0xBC30]  }
0xbb: {  	s6 =	sadd.s32 s6, s30;
	v18 =	vmul.f32 v18, v4;
	v15 =	vcvt.s32.f32 v8;
	v16 =	vsub.s32 v8, v0;
	v7 =	vld [tilespmem:s5+$0xBC10];
	[tilespmem:s3+$0x5000] =	vst v10  }
0xbc: {  	s7 =	sadd.s32 $0x30, s6;
	v19 =	vand.u32 $0x7F, v8;
	s3 =	sadd.s32 $0x10, s6;
	v14 =	vadd.f32 v14, v17;
	v21 =	vshll.u32 v16, $0x1;
	v8 =	vld [tilespmem:s5+$0xBC20];
	s5 =	sadd.s32 $0x20, s6;
	[tilespmem:s1+$0x5000] =	vst v12  }
0xbd: {  	v13 =	vadd.f32 v18, v13;
	v12 =	vadd.s32 $0x1, v16;
	s3 =	sor.u32 $0x80, s3;
	v4 =	vsub.f32 v25, v15;
	v10 =	vld.idx.msk [tilespmem:v22+s2+$0x0], $0xffff;
	s1 =	sor.u32 $0x80, s5;
	s5 =	sor.u32 $0x80, s7  }
0xbe: {  	s6 =	sor.u32 $0x80, s6;
	v15 =	vand.u32 $0xFFFFFF00, v21;
	v16 =	vand.u32 $0x7F, v12;
	v17 =	vshll.u32 v12, $0x1;
	v12 =	vld.idx.msk [tilespmem:v20+s2+$0x0], $0xffff;
	[tilespmem:s5+$0x5000] =	vst v14  }
0xbf: {  	v14 =	vor.u32 v15, v19;
	v15 =	vand.u32 $0xFFFFFF00, v17;
	v17 =	vtrunc.f32 v6;
	[tilespmem:s6+$0x5000] =	vst v13  }
0xc0: {  	v13 =	vor.u32 $0x80, v14;
	v18 =	vtrunc.f32 v7;
	v14 =	vcvt.f32.s32 v17  }
0xc1: {  	v15 =	vor.u32 v15, v16;
	v16 =	vcvt.f32.s32 v18;
	v17 =	vtrunc.f32 v8  }
0xc2: {  	v18 =	vor.u32 $0x80, v15;
	v15 =	vcvt.f32.s32 v17;
	v17 =	vsub.s32 v14, v0  }
0xc3: {  	v19 =	vsub.s32 v16, v0;
	v20 =	vshll.u32 v17, $0x1;
	v17 =	vadd.s32 $0x1, v17  }
0xc4: {  	v21 =	vand.u32 $0x7F, v14;
	v20 =	vand.u32 $0xFFFFFF00, v20;
	v22 =	vshll.u32 v17, $0x1  }
0xc5: {  	v17 =	vand.u32 $0x7F, v17;
	v20 =	vor.u32 v20, v21;
	v21 =	vand.u32 $0xFFFFFF00, v22  }
0xc6: {  	v22 =	vsub.s32 v15, v0;
	v23 =	vor.u32 $0x80, v20;
	v17 =	vor.u32 v21, v17  }
0xc7: {  	v20 =	vadd.s32 $0x1, v19;
	v24 =	vadd.s32 $0x1, v22;
	v25 =	vor.u32 $0x80, v17  }
.Ltmp2:
0xc8: {  	v17 =	vshll.u32 v19, $0x1;
	v19 =	vshll.u32 v20, $0x1;
	v21 =	vshll.u32 v24, $0x1;
	(pc) =	sbr.rel @p1 .LBB2_6-.Ltmp2, $4  }
0xc9: {  	v22 =	vshll.u32 v22, $0x1;
	v19 =	vand.u32 $0xFFFFFF00, v19;
	v26 =	vand.u32 $0xFFFFFF00, v21;
	v13 =	vld.idx.msk [tilespmem:v13+s2+$0x0], $0xffff  }
0xca: {  	v28 =	vand.u32 $0x7F, v20;
	v20 =	vand.u32 $0xFFFFFF00, v22;
	v27 =	vand.u32 $0xFFFFFF00, v17;
	v18 =	vld.idx.msk [tilespmem:v18+s2+$0x0], $0xffff  }
0xcb: {  	v22 =	vand.u32 $0x7F, v16;
	v29 =	vand.u32 $0x7F, v24;
	v21 =	vand.u32 $0x7F, v15;
	v17 =	vld.idx.msk [tilespmem:v23+s2+$0x0], $0xffff  }
0xcc: {  	s4 =	sadd.s32 $0x40, s4;
	v22 =	vor.u32 v27, v22;
	v24 =	vor.u32 v19, v28;
	v23 =	vor.u32 v26, v29;
	v19 =	vld.idx.msk [tilespmem:v25+s2+$0x0], $0xffff  }
0xcd: {  	v24 =	vor.u32 $0x80, v24  }
0xce: {  	v23 =	vor.u32 $0x80, v23  }
0xcf: {  	v20 =	vor.u32 v20, v21;
	v21 =	vor.u32 $0x80, v22  }
0xd0: {  	v20 =	vor.u32 $0x80, v20;
	_ =	sdelay $0x1  }
0xd1: {  	v22 =	vld.idx.msk [tilespmem:v24+s2+$0x0], $0xffff  }
0xd2: {  	v23 =	vld.idx.msk [tilespmem:v23+s2+$0x0], $0xffff  }
0xd3: {  	v21 =	vld.idx.msk [tilespmem:v21+s2+$0x0], $0xffff  }
0xd4: {  	v16 =	vcvt.s32.f32 v16;
	v9 =	vsub.f32 v9, v10;
	v14 =	vcvt.s32.f32 v14;
	v20 =	vld.idx.msk [tilespmem:v20+s2+$0x0], $0xffff  }
0xd5: {  	v15 =	vcvt.s32.f32 v15;
	v11 =	vsub.f32 v11, v12;
	v18 =	vsub.f32 v18, v13  }
0xd6: {  	p0 =	por !p0, !p0;
	s0 =	simm.s32 $0x1;
	v5 =	vmul.f32 v9, v5;
	v6 =	vsub.f32 v6, v14;
	v9 =	vsub.f32 v19, v17  }
0xd7: {  	s0 =	simm.s32 @!p0 $0x0;
	v7 =	vsub.f32 v7, v16;
	v8 =	vsub.f32 v8, v15;
	v3 =	vmul.f32 v11, v3  }
0xd8: {  	s4 =	sadd.s32 $0x80, s30;
	s0 =	sshll.u32 s0, $0x6;
	v5 =	vadd.f32 v5, v10;
	v6 =	vmul.f32 v9, v6;
	v9 =	vsub.f32 v22, v21  }
0xd9: {  	s0 =	sadd.s32 s0, s4;
	v3 =	vadd.f32 v3, v12;
	v4 =	vmul.f32 v18, v4;
	v10 =	vsub.f32 v23, v20  }
0xda: {  	s14 =	sadd.s32 $0x30, s0;
	[tilespmem:s3+$0x5000] =	vst v5;
	v5 =	vadd.f32 v6, v17;
	v6 =	vmul.f32 v9, v7  }
0xdb: {  	s15 =	sor.u32 $0x80, s14;
	[tilespmem:s1+$0x5000] =	vst v3;
	v3 =	vadd.f32 v4, v13;
	v4 =	vmul.f32 v10, v8  }
0xdc: {  	s16 =	sadd.s32 $0x10, s0;
	s4 =	sor.u32 $0x80, s0;
	[tilespmem:s15+$0x5000] =	vst v5;
	v5 =	vadd.f32 v6, v21  }
0xdd: {  	s0 =	sadd.s32 $0x20, s0;
	s17 =	sor.u32 $0x80, s16;
	[tilespmem:s4+$0x5000] =	vst v3;
	v3 =	vadd.f32 v4, v20  }
0xde: {  	s0 =	sor.u32 $0x80, s0;
	[tilespmem:s17+$0x5000] =	vst v5  }
0xdf: {  	[tilespmem:s0+$0x5000] =	vst v3  }
0xe0: {  	s30 =	simm.s32 $0x0;
	s0 =	rddreg [dreg:$0x5]  }
0xe1: {  	[tilespmem:s30], [sflag:$0x1] =	stream.linear.gather [hbm4b:s0+s30], $0x2800, $0x38;
	[tilespmem:$0xD700] =	vst v63  }
0xe2: {  	s19 =	simm.s32 $0x5000;
	s22 =	simm.s32 $0x2;
	s18 =	rddreg [dreg:$0x6]  }
0xe3: {  	[hbm4b:s18+s30] =	stream.linear.scatter [tilespmem:s19], [sflag:$0x3], $0x3600, $0x38;
	[tilespmem:$0xD700] =	vst v63  }
0xe4: {  	s7 =	simm.s32 $0xBC00;
	s23 =	simm.s32 $0x0;
	_ =	swait.ge [sflag:s22], $0x2800  }
0xe5: {  	s1 =	sand.u32 $0x1F80, s23;
	s0 =	sand.u32 $0x40, s23;
	[sflag:s22] =	ssyncset.done $0x0  }
0xe6: {  	s24 =	sadd.s32 $0xBC00, s1;
	s3 =	sor.u32 $0x30, s0;
	[sflag:s22] =	ssyncadd.s32 $0xFFFFD800  }
0xe7: {  	s1 =	sor.u32 $0x20, s0;
	s9 =	sor.u32 s3, s24;
	v8 =	vld [tilespmem:s7+$0x0]  }
0xe8: {  	s8 =	sor.u32 s1, s24;
	v9 =	vld [tilespmem:s9+$0x0]  }
0xe9: {  	v7 =	vld [tilespmem:s8+$0x0];
	_ =	sdelay $0x3  }
0xea: {  	v3 =	vtrunc.f32 v8  }
0xeb: {  	v11 =	vtrunc.f32 v9;
	v14 =	vtrunc.f32 v7  }
0xec: {  	s31 =	sor.u32 $0x10, s0;
	v4 =	vcvt.f32.s32 v3;
	v11 =	vcvt.f32.s32 v11  }
0xed: {  	s10 =	sor.u32 s31, s24;
	v14 =	vcvt.f32.s32 v14  }
0xee: {  	v5 =	vld [tilespmem:s10+$0x0];
	v3 =	vsub.s32 v4, v0;
	v6 =	vand.u32 $0x7F, v4;
	v13 =	vsub.s32 v11, v0  }
0xef: {  	v16 =	vand.u32 $0x7F, v11;
	v10 =	vshll.u32 v3, $0x1;
	v3 =	vadd.s32 $0x1, v3  }
0xf0: {  	v15 =	vshll.u32 v13, $0x1;
	v13 =	vadd.s32 $0x1, v13;
	v10 =	vand.u32 $0xFFFFFF00, v10  }
0xf1: {  	v12 =	vand.u32 $0x7F, v3;
	v3 =	vshll.u32 v3, $0x1;
	v15 =	vand.u32 $0xFFFFFF00, v15  }
0xf2: {  	v17 =	vshll.u32 v13, $0x1;
	v13 =	vand.u32 $0x7F, v13;
	v6 =	vor.u32 v6, v10  }
0xf3: {  	v10 =	vtrunc.f32 v5;
	v15 =	vor.u32 v16, v15;
	v16 =	vand.u32 $0xFFFFFF00, v17  }
0xf4: {  	v3 =	vand.u32 $0xFFFFFF00, v3;
	v10 =	vcvt.f32.s32 v10;
	v13 =	vor.u32 v13, v16  }
0xf5: {  	s5 =	simm.s32 $0xBC40;
	v18 =	vsub.s32 v14, v0;
	v11 =	vcvt.s32.f32 v11;
	v12 =	vor.u32 v12, v3  }
0xf6: {  	v20 =	vadd.s32 $0x1, v18;
	v18 =	vshll.u32 v18, $0x1;
	v3 =	vld [tilespmem:s5+$0x0];
	v17 =	vsub.s32 v10, v0  }
0xf7: {  	v18 =	vand.u32 $0xFFFFFF00, v18;
	v16 =	vadd.s32 $0x1, v17;
	v17 =	vshll.u32 v17, $0x1;
	v21 =	vld.idx.msk [tilespmem:v6+s21+$0x0], $0xffff  }
0xf8: {  	v22 =	vand.u32 $0x7F, v10;
	v19 =	vshll.u32 v16, $0x1;
	v17 =	vand.u32 $0xFFFFFF00, v17;
	v15 =	vld.idx.msk [tilespmem:v15+s21+$0x0], $0xffff  }
0xf9: {  	s15 =	simm.s32 $0x40;
	v16 =	vand.u32 $0x7F, v16;
	v6 =	vand.u32 $0xFFFFFF00, v19;
	v19 =	vshll.u32 v20, $0x1;
	v13 =	vld.idx.msk [tilespmem:v13+s21+$0x0], $0xffff  }
0xfa: {  	s11 =	sand.u32 $0x40, s15;
	s25 =	sand.u32 $0x1F80, s15;
	v12 =	vld.idx.msk [tilespmem:v12+s21+$0x0], $0xffff;
	v20 =	vand.u32 $0x7F, v20;
	v19 =	vand.u32 $0xFFFFFF00, v19;
	v23 =	vor.u32 v16, v6  }
0xfb: {  	s4 =	sadd.s32 $0xBC00, s25;
	s13 =	sor.u32 $0x30, s11;
	v16 =	vand.u32 $0x7F, v14;
	v6 =	vcvt.s32.f32 v10;
	v10 =	vcvt.s32.f32 v14  }
0xfc: {  	s6 =	sor.u32 s13, s4;
	v14 =	vtrunc.f32 v3;
	v19 =	vor.u32 v20, v19;
	v20 =	vor.u32 v22, v17  }
0xfd: {  	v17 =	vcvt.s32.f32 v4;
	v4 =	vld [tilespmem:s6+$0x0];
	v6 =	vsub.f32 v5, v6;
	v5 =	vsub.f32 v7, v10  }
0xfe: {  	s12 =	sor.u32 $0x10, s11;
	v7 =	vcvt.f32.s32 v14;
	v10 =	vsub.f32 v9, v11;
	v11 =	vsub.f32 v13, v15  }
0xff: {  	s14 =	sor.u32 $0x20, s11;
	s16 =	sor.u32 s12, s4;
	v22 =	vor.u32 v16, v18;
	v13 =	vsub.f32 v8, v17;
	v12 =	vsub.f32 v12, v21  }
0x100: {  	s4 =	sor.u32 s14, s4;
	v8 =	vld [tilespmem:s16+$0x0];
	v14 =	vsub.s32 v7, v0;
	v16 =	vand.u32 $0x7F, v7;
	v10 =	vmul.f32 v11, v10  }
0x101: {  	v9 =	vld [tilespmem:s4+$0x0];
	v11 =	vshll.u32 v14, $0x1;
	v14 =	vadd.s32 $0x1, v14;
	v12 =	vmul.f32 v12, v13  }
0x102: {  	v13 =	vtrunc.f32 v4;
	v11 =	vand.u32 $0xFFFFFF00, v11;
	v18 =	vand.u32 $0x7F, v14  }
0x103: {  	v14 =	vshll.u32 v14, $0x1;
	v13 =	vcvt.f32.s32 v13;
	v10 =	vadd.f32 v10, v15  }
0x104: {  	v63 =	vadd.f32 v12, v21;
	v17 =	vor.u32 v16, v11;
	v12 =	vand.u32 $0xFFFFFF00, v14  }
0x105: {  	v11 =	vtrunc.f32 v8;
	v18 =	vor.u32 v18, v12;
	v12 =	vsub.s32 v13, v0  }
0x106: {  	s4 =	sand.u32 $0x3F00, s30;
	v14 =	vld.idx.msk [tilespmem:v19+s21+$0x0], $0xffff;
	v19 =	vand.u32 $0x7F, v13;
	v15 =	vcvt.f32.s32 v11;
	v11 =	vtrunc.f32 v9  }
0x107: {  	s26 =	sadd.s32 $0x8600, s4;
	v16 =	vcvt.f32.s32 v11;
	v11 =	vld.idx.msk [tilespmem:v23+s21+$0x0], $0xffff;
	v23 =	vshll.u32 v12, $0x1;
	v12 =	vadd.s32 $0x1, v12  }
0x108: {  	s28 =	sor.u32 s3, s26;
	v21 =	vsub.s32 v15, v0;
	v23 =	vand.u32 $0xFFFFFF00, v23;
	v25 =	vshll.u32 v12, $0x1  }
0x109: {  	s19 =	simm.s32 $0xBC80;
	s18 =	sor.u32 s0, s26;
	[tilespmem:s28+$0x0] =	vst v10;
	v10 =	vld.idx.msk [tilespmem:v20+s21+$0x0], $0xffff;
	v20 =	vand.u32 $0x7F, v12;
	v19 =	vor.u32 v19, v23;
	v25 =	vand.u32 $0xFFFFFF00, v25  }
0x10a: {  	s17 =	sor.u32 s31, s26;
	s16 =	sor.u32 s1, s26;
	[tilespmem:s18+$0x0] =	vst v63;
	s18 =	simm.s32 $0x0;
	v12 =	vld.idx.msk [tilespmem:v22+s21+$0x0], $0xffff;
	v22 =	vadd.s32 $0x1, v21;
	v23 =	vsub.s32 v16, v0;
	v20 =	vor.u32 v20, v25  }
.LBB2_8:
0x10b: {  	v24 =	vld [tilespmem:s19+$0x0];
	v21 =	vshll.u32 v21, $0x1;
	v25 =	vshll.u32 v22, $0x1;
	v26 =	vadd.s32 $0x1, v23  }
0x10c: {  	v23 =	vshll.u32 v23, $0x1;
	v17 =	vld.idx.msk [tilespmem:v17+s21+$0x0], $0xffff;
	v25 =	vand.u32 $0xFFFFFF00, v25;
	v27 =	vshll.u32 v26, $0x1  }
0x10d: {  	v22 =	vand.u32 $0x7F, v22;
	v21 =	vand.u32 $0xFFFFFF00, v21;
	v18 =	vld.idx.msk [tilespmem:v18+s21+$0x0], $0xffff;
	v27 =	vand.u32 $0xFFFFFF00, v27  }
0x10e: {  	v28 =	vand.u32 $0x7F, v15;
	v23 =	vand.u32 $0xFFFFFF00, v23;
	v26 =	vand.u32 $0x7F, v26;
	v19 =	vld.idx.msk [tilespmem:v19+s21+$0x0], $0xffff  }
0x10f: {  	v22 =	vor.u32 v22, v25;
	v25 =	vand.u32 $0x7F, v16;
	v26 =	vor.u32 v26, v27;
	v20 =	vld.idx.msk [tilespmem:v20+s21+$0x0], $0xffff  }
0x110: {  	v15 =	vcvt.s32.f32 v15;
	v21 =	vor.u32 v28, v21;
	v23 =	vor.u32 v25, v23  }
0x111: {  	s15 =	sadd.s32 $0x40, s15;
	v11 =	vsub.f32 v11, v10;
	v14 =	vsub.f32 v14, v12;
	v16 =	vcvt.s32.f32 v16  }
0x112: {  	v7 =	vcvt.s32.f32 v7;
	s6 =	sand.u32 $0x40, s15;
	s23 =	sand.u32 $0x1F80, s15;
	p0 =	slt.u32 s15, $0x1AC0;
	v8 =	vsub.f32 v8, v15;
	v25 =	vtrunc.f32 v24  }
0x113: {  	v13 =	vcvt.s32.f32 v13;
	s25 =	sor.u32 $0x10, s6;
	s22 =	sadd.s32 $0xBC00, s23;
	s23 =	sor.u32 $0x30, s6;
	v15 =	vmul.f32 v11, v6;
	v9 =	vsub.f32 v9, v16  }
0x114: {  	s26 =	sor.u32 $0x20, s6;
	s24 =	sor.u32 s25, s22;
	s28 =	sor.u32 s23, s22;
	v16 =	vsub.f32 v3, v7;
	v18 =	vsub.f32 v18, v17;
	v11 =	vld.idx.msk [tilespmem:v22+s21+$0x0], $0xffff;
	v22 =	vmul.f32 v14, v5  }
0x115: {  	v13 =	vsub.f32 v4, v13;
	s22 =	sor.u32 s26, s22;
	v6 =	vmovc v8;
	v3 =	vmovc v24;
	v7 =	vcvt.f32.s32 v25;
	v14 =	vsub.f32 v20, v19;
	v4 =	vld [tilespmem:s28+$0x0]  }
0x116: {  	v10 =	vadd.f32 v15, v10;
	v5 =	vmov v9;
	v8 =	vld [tilespmem:s24+$0x0];
	v12 =	vadd.f32 v22, v12  }
0x117: {  	s18 =	sadd.s32 $0x80, s18;
	v15 =	vsub.s32 v7, v0;
	v20 =	vand.u32 $0x7F, v7;
	v13 =	vmul.f32 v14, v13;
	v9 =	vld [tilespmem:s22+$0x0]  }
0x118: {  	v16 =	vmul.f32 v18, v16;
	v22 =	vshll.u32 v15, $0x1;
	v15 =	vadd.s32 $0x1, v15;
	s22 =	sand.u32 $0x3F00, s18;
	v14 =	vld.idx.msk [tilespmem:v26+s21+$0x0], $0xffff;
	[tilespmem:s17+$0x0] =	vst v10  }
0x119: {  	v18 =	vand.u32 $0xFFFFFF00, v22;
	v22 =	vand.u32 $0x7F, v15;
	s22 =	sadd.s32 $0x8600, s22;
	v19 =	vadd.f32 v13, v19;
	v10 =	vld.idx.msk [tilespmem:v21+s21+$0x0], $0xffff;
	[tilespmem:s16+$0x0] =	vst v12  }
0x11a: {  	v16 =	vadd.f32 v16, v17;
	v15 =	vshll.u32 v15, $0x1;
	s17 =	sor.u32 s12, s22;
	s16 =	sor.u32 s14, s22;
	s12 =	sor.u32 s13, s22;
	v13 =	vtrunc.f32 v4;
	v12 =	vld.idx.msk [tilespmem:v23+s21+$0x0], $0xffff  }
0x11b: {  	v17 =	vor.u32 v20, v18;
	s13 =	sor.u32 s11, s22;
	s11 =	smov.u32 s6;
	v18 =	vtrunc.f32 v8;
	v13 =	vcvt.f32.s32 v13;
	[tilespmem:s12+$0x0] =	vst v19;
	s12 =	smov.u32 s25  }
0x11c: {  	s14 =	smov.u32 s26;
	v19 =	vand.u32 $0xFFFFFF00, v15;
	v15 =	vcvt.f32.s32 v18;
	v20 =	vtrunc.f32 v9;
	[tilespmem:s13+$0x0] =	vst v16;
	s13 =	smov.u32 s23  }
.Ltmp3:
0x11d: {  	v18 =	vor.u32 v22, v19;
	v16 =	vcvt.f32.s32 v20;
	v19 =	vsub.s32 v13, v0;
	(pc) =	sbr.rel @p0 .LBB2_8-.Ltmp3, $4  }
0x11e: {  	v21 =	vsub.s32 v15, v0;
	v20 =	vshll.u32 v19, $0x1;
	v22 =	vadd.s32 $0x1, v19  }
0x11f: {  	v19 =	vand.u32 $0x7F, v13;
	v20 =	vand.u32 $0xFFFFFF00, v20;
	v23 =	vshll.u32 v22, $0x1  }
0x120: {  	v19 =	vor.u32 v19, v20;
	v20 =	vand.u32 $0x7F, v22;
	v24 =	vand.u32 $0xFFFFFF00, v23  }
0x121: {  	s19 =	sadd.s32 $0x40, s19;
	v22 =	vadd.s32 $0x1, v21;
	v23 =	vsub.s32 v16, v0;
	v20 =	vor.u32 v20, v24  }
0x122: {  	v24 =	vshll.u32 v22, $0x1  }
0x123: {  	v21 =	vshll.u32 v21, $0x1;
	v25 =	vadd.s32 $0x1, v23;
	v23 =	vshll.u32 v23, $0x1  }
0x124: {  	v22 =	vand.u32 $0x7F, v22;
	v24 =	vand.u32 $0xFFFFFF00, v24;
	v26 =	vshll.u32 v25, $0x1  }
0x125: {  	v25 =	vand.u32 $0x7F, v25;
	v26 =	vand.u32 $0xFFFFFF00, v26;
	v22 =	vor.u32 v22, v24  }
0x126: {  	v17 =	vld.idx.msk [tilespmem:v17+s21+$0x0], $0xffff;
	v21 =	vand.u32 $0xFFFFFF00, v21;
	v24 =	vand.u32 $0x7F, v15;
	v25 =	vor.u32 v25, v26  }
0x127: {  	v18 =	vld.idx.msk [tilespmem:v18+s21+$0x0], $0xffff;
	v23 =	vand.u32 $0xFFFFFF00, v23;
	v26 =	vand.u32 $0x7F, v16;
	v21 =	vor.u32 v24, v21  }
0x128: {  	v19 =	vld.idx.msk [tilespmem:v19+s21+$0x0], $0xffff;
	v23 =	vor.u32 v26, v23  }
0x129: {  	v20 =	vld.idx.msk [tilespmem:v20+s21+$0x0], $0xffff  }
0x12a: {  	v22 =	vld.idx.msk [tilespmem:v22+s21+$0x0], $0xffff  }
0x12b: {  	v24 =	vld.idx.msk [tilespmem:v25+s21+$0x0], $0xffff  }
0x12c: {  	v11 =	vsub.f32 v11, v10;
	v13 =	vcvt.s32.f32 v13;
	v7 =	vcvt.s32.f32 v7;
	v21 =	vld.idx.msk [tilespmem:v21+s21+$0x0], $0xffff  }
0x12d: {  	v14 =	vsub.f32 v14, v12;
	v15 =	vcvt.s32.f32 v15;
	v23 =	vld.idx.msk [tilespmem:v23+s21+$0x0], $0xffff  }
0x12e: {  	v6 =	vmul.f32 v11, v6;
	v4 =	vsub.f32 v4, v13;
	v3 =	vsub.f32 v3, v7  }
0x12f: {  	v5 =	vmul.f32 v14, v5;
	v8 =	vsub.f32 v8, v15;
	v11 =	vsub.f32 v20, v19  }
0x130: {  	v16 =	vcvt.s32.f32 v16;
	v6 =	vadd.f32 v6, v10;
	v7 =	vsub.f32 v18, v17  }
0x131: {  	s6 =	sadd.s32 $0x80, s18;
	v5 =	vadd.f32 v5, v12;
	v4 =	vmul.f32 v11, v4;
	v10 =	vsub.f32 v22, v21  }
0x132: {  	s6 =	sand.u32 $0x3F00, s6;
	v9 =	vsub.f32 v9, v16;
	v3 =	vmul.f32 v7, v3;
	v7 =	vsub.f32 v24, v23  }
0x133: {  	s6 =	sadd.s32 $0x8600, s6;
	[tilespmem:s17+$0x0] =	vst v6;
	v4 =	vadd.f32 v4, v19;
	v6 =	vmul.f32 v10, v8  }
0x134: {  	s13 =	sor.u32 s13, s6;
	[tilespmem:s16+$0x0] =	vst v5;
	v3 =	vadd.f32 v3, v17;
	v5 =	vmul.f32 v7, v9  }
0x135: {  	s11 =	sor.u32 s11, s6;
	[tilespmem:s13+$0x0] =	vst v4;
	v4 =	vadd.f32 v6, v21  }
0x136: {  	s12 =	sor.u32 s12, s6;
	[tilespmem:s11+$0x0] =	vst v3;
	v3 =	vadd.f32 v5, v23  }
0x137: {  	s6 =	sor.u32 s14, s6;
	[tilespmem:s12+$0x0] =	vst v4  }
0x138: {  	[tilespmem:s6+$0x0] =	vst v3  }
0x139: {  	v3 =	vld [tilespmem:s7+$0x0]  }
0x13a: {  	v4 =	vld [tilespmem:s9+$0x0];
	_ =	sdelay $0x4  }
0x13b: {  	v5 =	vtrunc.f32 v3;
	v10 =	vtrunc.f32 v4  }
0x13c: {  	v5 =	vcvt.f32.s32 v5;
	v10 =	vcvt.f32.s32 v10;
	_ =	sdelay $0x1  }
0x13d: {  	v6 =	vld [tilespmem:s10+$0x0];
	v7 =	vsub.s32 v5, v0;
	v8 =	vand.u32 $0x7F, v5;
	v13 =	vsub.s32 v10, v0  }
0x13e: {  	v11 =	vld [tilespmem:s8+$0x0];
	v15 =	vand.u32 $0x7F, v10;
	v5 =	vcvt.s32.f32 v5;
	v9 =	vshll.u32 v7, $0x1  }
0x13f: {  	v7 =	vadd.s32 $0x1, v7;
	v14 =	vshll.u32 v13, $0x1;
	v13 =	vadd.s32 $0x1, v13  }
0x140: {  	v9 =	vand.u32 $0xFFFFFF00, v9;
	v12 =	vand.u32 $0x7F, v7;
	v7 =	vshll.u32 v7, $0x1  }
0x141: {  	v14 =	vand.u32 $0xFFFFFF00, v14;
	v16 =	vshll.u32 v13, $0x1;
	v13 =	vand.u32 $0x7F, v13  }
0x142: {  	v8 =	vor.u32 v9, v8;
	v9 =	vtrunc.f32 v6;
	v14 =	vor.u32 v14, v15  }
0x143: {  	v15 =	vand.u32 $0xFFFFFF00, v16;
	v16 =	vtrunc.f32 v11;
	v7 =	vand.u32 $0xFFFFFF00, v7  }
0x144: {  	v8 =	vor.u32 $0x80, v8;
	v9 =	vcvt.f32.s32 v9;
	v14 =	vor.u32 $0x80, v14  }
0x145: {  	v13 =	vor.u32 v15, v13;
	v15 =	vcvt.f32.s32 v16;
	v7 =	vor.u32 v7, v12  }
0x146: {  	v5 =	vsub.f32 v3, v5;
	v13 =	vor.u32 $0x80, v13;
	v7 =	vor.u32 $0x80, v7  }
0x147: {  	v12 =	vsub.s32 v9, v0;
	v16 =	vsub.s32 v15, v0;
	v20 =	vand.u32 $0x7F, v9  }
0x148: {  	v21 =	vld [tilespmem:s5+$0x0];
	v22 =	vand.u32 $0x7F, v15;
	v9 =	vcvt.s32.f32 v9;
	v17 =	vadd.s32 $0x1, v12  }
0x149: {  	v3 =	vadd.s32 $0x1, v16;
	v16 =	vshll.u32 v16, $0x1;
	v18 =	vshll.u32 v17, $0x1;
	v19 =	vld.idx.msk [tilespmem:v8+s21+$0x0], $0xffff  }
0x14a: {  	v17 =	vand.u32 $0x7F, v17;
	v16 =	vand.u32 $0xFFFFFF00, v16;
	v8 =	vshll.u32 v12, $0x1;
	v14 =	vld.idx.msk [tilespmem:v14+s21+$0x0], $0xffff  }
0x14b: {  	v12 =	vshll.u32 v3, $0x1;
	v18 =	vand.u32 $0xFFFFFF00, v18;
	v3 =	vand.u32 $0x7F, v3;
	v13 =	vld.idx.msk [tilespmem:v13+s21+$0x0], $0xffff  }
0x14c: {  	v16 =	vor.u32 v16, v22;
	v12 =	vand.u32 $0xFFFFFF00, v12;
	v8 =	vand.u32 $0xFFFFFF00, v8;
	v7 =	vld.idx.msk [tilespmem:v7+s21+$0x0], $0xffff  }
0x14d: {  	s10 =	simm.s32 $0x40;
	v17 =	vor.u32 v18, v17;
	v8 =	vor.u32 v8, v20;
	v3 =	vor.u32 v12, v3  }
0x14e: {  	s5 =	sand.u32 $0x40, s10;
	s25 =	sand.u32 $0x1F80, s10;
	v12 =	vor.u32 $0x80, v17;
	v17 =	vor.u32 $0x80, v3;
	v3 =	vcvt.s32.f32 v10  }
0x14f: {  	s6 =	sadd.s32 $0xBC00, s25;
	s8 =	sor.u32 $0x30, s5;
	v10 =	vor.u32 $0x80, v8;
	v8 =	vcvt.s32.f32 v15;
	v15 =	vtrunc.f32 v21  }
0x150: {  	s26 =	sor.u32 s8, s6;
	v15 =	vcvt.f32.s32 v15;
	v18 =	vsub.f32 v4, v3;
	v4 =	vsub.f32 v6, v9  }
0x151: {  	s7 =	sor.u32 $0x10, s5;
	v20 =	vor.u32 $0x80, v16;
	v6 =	vld [tilespmem:s26+$0x0];
	v13 =	vsub.f32 v13, v14;
	v16 =	vsub.f32 v7, v19  }
0x152: {  	s9 =	sor.u32 $0x20, s5;
	s28 =	sor.u32 s7, s6;
	v3 =	vsub.f32 v11, v8;
	v11 =	vcvt.s32.f32 v15  }
0x153: {  	s6 =	sor.u32 s9, s6;
	v7 =	vld [tilespmem:s28+$0x0];
	v9 =	vmul.f32 v13, v18;
	v13 =	vsub.s32 v15, v0;
	v16 =	vmul.f32 v16, v5  }
0x154: {  	v8 =	vld [tilespmem:s6+$0x0];
	v15 =	vand.u32 $0x7F, v15;
	v5 =	vsub.f32 v21, v11;
	v18 =	vshll.u32 v13, $0x1  }
0x155: {  	v22 =	vadd.f32 v9, v14;
	v9 =	vadd.s32 $0x1, v13;
	v19 =	vadd.f32 v16, v19  }
0x156: {  	v11 =	vand.u32 $0xFFFFFF00, v18;
	v14 =	vtrunc.f32 v6;
	v13 =	vand.u32 $0x7F, v9  }
0x157: {  	v9 =	vshll.u32 v9, $0x1;
	v11 =	vor.u32 v11, v15;
	v14 =	vcvt.f32.s32 v14  }
0x158: {  	v9 =	vand.u32 $0xFFFFFF00, v9;
	v18 =	vor.u32 $0x80, v11;
	v11 =	vtrunc.f32 v7  }
0x159: {  	v9 =	vor.u32 v9, v13;
	v16 =	vcvt.f32.s32 v11;
	v11 =	vtrunc.f32 v8  }
0x15a: {  	v24 =	vand.u32 $0x7F, v14;
	v21 =	vor.u32 $0x80, v9;
	v9 =	vsub.s32 v14, v0  }
0x15b: {  	v15 =	vcvt.f32.s32 v11;
	v11 =	vshll.u32 v9, $0x1;
	v23 =	vadd.s32 $0x1, v9  }
0x15c: {  	s4 =	sadd.s32 $0x8680, s4;
	v13 =	vsub.s32 v16, v0;
	v11 =	vand.u32 $0xFFFFFF00, v11;
	v25 =	vshll.u32 v23, $0x1  }
0x15d: {  	s0 =	sor.u32 s0, s4;
	v9 =	vld.idx.msk [tilespmem:v12+s21+$0x0], $0xffff;
	v23 =	vand.u32 $0x7F, v23;
	v12 =	vor.u32 v11, v24;
	v24 =	vand.u32 $0xFFFFFF00, v25  }
0x15e: {  	v10 =	vld.idx.msk [tilespmem:v10+s21+$0x0], $0xffff;
	[tilespmem:s0+$0x0] =	vst v19;
	v19 =	vand.u32 $0x7F, v16;
	v25 =	vor.u32 $0x80, v12;
	v12 =	vor.u32 v24, v23  }
0x15f: {  	v11 =	vld.idx.msk [tilespmem:v17+s21+$0x0], $0xffff;
	v17 =	vsub.s32 v15, v0;
	v23 =	vadd.s32 $0x1, v13;
	v26 =	vor.u32 $0x80, v12  }
0x160: {  	v24 =	vadd.s32 $0x1, v17;
	v17 =	vshll.u32 v17, $0x1;
	v12 =	vld.idx.msk [tilespmem:v20+s21+$0x0], $0xffff;
	v20 =	vshll.u32 v13, $0x1  }
0x161: {  	v27 =	vshll.u32 v23, $0x1;
	v28 =	vshll.u32 v24, $0x1;
	v13 =	vld.idx.msk [tilespmem:v18+s21+$0x0], $0xffff;
	v23 =	vand.u32 $0x7F, v23  }
0x162: {  	s3 =	sor.u32 s3, s4;
	v18 =	vld.idx.msk [tilespmem:v21+s21+$0x0], $0xffff;
	v21 =	vand.u32 $0x7F, v15;
	v29 =	vand.u32 $0x7F, v24;
	v27 =	vand.u32 $0xFFFFFF00, v27  }
0x163: {  	[tilespmem:s3+$0x0] =	vst v22;
	v28 =	vand.u32 $0xFFFFFF00, v28;
	v22 =	vand.u32 $0xFFFFFF00, v20;
	v20 =	vand.u32 $0xFFFFFF00, v17;
	v17 =	vld.idx.msk [tilespmem:v25+s21+$0x0], $0xffff  }
0x164: {  	s3 =	sor.u32 s31, s4;
	s0 =	sor.u32 s1, s4;
	s1 =	simm.s32 $0xBC80;
	v22 =	vor.u32 v22, v19;
	v24 =	vor.u32 v27, v23;
	v23 =	vor.u32 v28, v29;
	v19 =	vld.idx.msk [tilespmem:v26+s21+$0x0], $0xffff  }
.LBB2_10:
0x165: {  	v25 =	vld [tilespmem:s1+$0x0];
	v24 =	vor.u32 $0x80, v24;
	v20 =	vor.u32 v20, v21;
	v21 =	vor.u32 $0x80, v23  }
0x166: {  	v16 =	vcvt.s32.f32 v16;
	v22 =	vor.u32 $0x80, v22;
	v20 =	vor.u32 $0x80, v20  }
0x167: {  	v15 =	vcvt.s32.f32 v15;
	v9 =	vsub.f32 v9, v10;
	v11 =	vsub.f32 v11, v12  }
0x168: {  	s10 =	sadd.s32 $0x40, s10;
	v14 =	vcvt.s32.f32 v14;
	v18 =	vsub.f32 v18, v13;
	v7 =	vsub.f32 v7, v16  }
0x169: {  	s4 =	sand.u32 $0x40, s10;
	s6 =	sand.u32 $0x1F80, s10;
	p0 =	slt.u32 s10, $0x1AC0;
	v16 =	vmul.f32 v9, v4;
	v23 =	vmul.f32 v11, v3;
	v3 =	vsub.f32 v8, v15  }
0x16a: {  	s11 =	sor.u32 $0x10, s4;
	s6 =	sadd.s32 $0xBC00, s6;
	s12 =	sor.u32 $0x30, s4;
	v14 =	vsub.f32 v6, v14;
	v15 =	vsub.f32 v19, v17;
	v4 =	vmovc v7;
	v8 =	vtrunc.f32 v25;
	v9 =	vld.idx.msk [tilespmem:v24+s21+$0x0], $0xffff  }
0x16b: {  	s14 =	sor.u32 $0x20, s4;
	s13 =	sor.u32 s11, s6;
	s15 =	sor.u32 s12, s6;
	v10 =	vadd.f32 v16, v10;
	v12 =	vadd.f32 v23, v12;
	v8 =	vcvt.f32.s32 v8;
	v11 =	vld.idx.msk [tilespmem:v21+s21+$0x0], $0xffff  }
0x16c: {  	s30 =	sadd.s32 $0x80, s30;
	s6 =	sor.u32 s14, s6;
	v14 =	vmul.f32 v15, v14;
	v6 =	vld [tilespmem:s15+$0x0]  }
0x16d: {  	v18 =	vmul.f32 v18, v5;
	v15 =	vcvt.s32.f32 v8;
	v16 =	vsub.s32 v8, v0;
	v7 =	vld [tilespmem:s13+$0x0];
	s13 =	sand.u32 $0x3F00, s30;
	[tilespmem:s3+$0x0] =	vst v10  }
0x16e: {  	v19 =	vand.u32 $0x7F, v8;
	v14 =	vadd.f32 v14, v17;
	v21 =	vshll.u32 v16, $0x1;
	v8 =	vld [tilespmem:s6+$0x0];
	s6 =	sadd.s32 $0x8680, s13;
	[tilespmem:s0+$0x0] =	vst v12  }
0x16f: {  	v13 =	vadd.f32 v18, v13;
	v12 =	vadd.s32 $0x1, v16;
	v5 =	vsub.f32 v25, v15;
	v10 =	vld.idx.msk [tilespmem:v22+s21+$0x0], $0xffff;
	s3 =	sor.u32 s7, s6;
	s0 =	sor.u32 s9, s6;
	s7 =	sor.u32 s8, s6  }
0x170: {  	v15 =	vand.u32 $0xFFFFFF00, v21;
	v16 =	vand.u32 $0x7F, v12;
	v17 =	vshll.u32 v12, $0x1;
	s6 =	sor.u32 s5, s6;
	s5 =	smov.u32 s4;
	v12 =	vld.idx.msk [tilespmem:v20+s21+$0x0], $0xffff;
	[tilespmem:s7+$0x0] =	vst v14;
	s7 =	smov.u32 s11  }
0x171: {  	s8 =	smov.u32 s12;
	s9 =	smov.u32 s14;
	v14 =	vor.u32 v15, v19;
	v15 =	vand.u32 $0xFFFFFF00, v17;
	v17 =	vtrunc.f32 v6;
	[tilespmem:s6+$0x0] =	vst v13  }
0x172: {  	v13 =	vor.u32 $0x80, v14;
	v18 =	vtrunc.f32 v7;
	v14 =	vcvt.f32.s32 v17  }
0x173: {  	v15 =	vor.u32 v15, v16;
	v16 =	vcvt.f32.s32 v18;
	v17 =	vtrunc.f32 v8  }
0x174: {  	v18 =	vor.u32 $0x80, v15;
	v15 =	vcvt.f32.s32 v17;
	v17 =	vsub.s32 v14, v0  }
0x175: {  	v19 =	vsub.s32 v16, v0;
	v20 =	vshll.u32 v17, $0x1;
	v17 =	vadd.s32 $0x1, v17  }
0x176: {  	v21 =	vand.u32 $0x7F, v14;
	v20 =	vand.u32 $0xFFFFFF00, v20;
	v22 =	vshll.u32 v17, $0x1  }
0x177: {  	v17 =	vand.u32 $0x7F, v17;
	v20 =	vor.u32 v20, v21;
	v21 =	vand.u32 $0xFFFFFF00, v22  }
0x178: {  	v22 =	vsub.s32 v15, v0;
	v23 =	vor.u32 $0x80, v20;
	v17 =	vor.u32 v21, v17  }
0x179: {  	v20 =	vadd.s32 $0x1, v19;
	v24 =	vadd.s32 $0x1, v22;
	v25 =	vor.u32 $0x80, v17  }
.Ltmp4:
0x17a: {  	v17 =	vshll.u32 v19, $0x1;
	v19 =	vshll.u32 v20, $0x1;
	v21 =	vshll.u32 v24, $0x1;
	(pc) =	sbr.rel @p0 .LBB2_10-.Ltmp4, $4  }
0x17b: {  	v22 =	vshll.u32 v22, $0x1;
	v19 =	vand.u32 $0xFFFFFF00, v19;
	v26 =	vand.u32 $0xFFFFFF00, v21;
	v13 =	vld.idx.msk [tilespmem:v13+s21+$0x0], $0xffff  }
0x17c: {  	v28 =	vand.u32 $0x7F, v20;
	v20 =	vand.u32 $0xFFFFFF00, v22;
	v27 =	vand.u32 $0xFFFFFF00, v17;
	v18 =	vld.idx.msk [tilespmem:v18+s21+$0x0], $0xffff  }
0x17d: {  	v22 =	vand.u32 $0x7F, v16;
	v29 =	vand.u32 $0x7F, v24;
	v21 =	vand.u32 $0x7F, v15;
	v17 =	vld.idx.msk [tilespmem:v23+s21+$0x0], $0xffff  }
0x17e: {  	s1 =	sadd.s32 $0x40, s1;
	v22 =	vor.u32 v27, v22;
	v24 =	vor.u32 v19, v28;
	v23 =	vor.u32 v26, v29;
	v19 =	vld.idx.msk [tilespmem:v25+s21+$0x0], $0xffff  }
0x17f: {  	v24 =	vor.u32 $0x80, v24  }
0x180: {  	v23 =	vor.u32 $0x80, v23  }
0x181: {  	v20 =	vor.u32 v20, v21;
	v21 =	vor.u32 $0x80, v22  }
0x182: {  	v20 =	vor.u32 $0x80, v20;
	_ =	sdelay $0x1  }
0x183: {  	v22 =	vld.idx.msk [tilespmem:v24+s21+$0x0], $0xffff  }
0x184: {  	v23 =	vld.idx.msk [tilespmem:v23+s21+$0x0], $0xffff  }
0x185: {  	v21 =	vld.idx.msk [tilespmem:v21+s21+$0x0], $0xffff  }
0x186: {  	v16 =	vcvt.s32.f32 v16;
	v9 =	vsub.f32 v9, v10;
	v14 =	vcvt.s32.f32 v14;
	v20 =	vld.idx.msk [tilespmem:v20+s21+$0x0], $0xffff  }
0x187: {  	v15 =	vcvt.s32.f32 v15;
	v11 =	vsub.f32 v11, v12;
	v18 =	vsub.f32 v18, v13  }
0x188: {  	v4 =	vmul.f32 v9, v4;
	v6 =	vsub.f32 v6, v14;
	v9 =	vsub.f32 v19, v17  }
0x189: {  	v7 =	vsub.f32 v7, v16;
	v8 =	vsub.f32 v8, v15;
	v3 =	vmul.f32 v11, v3  }
0x18a: {  	s1 =	sadd.s32 $0x80, s30;
	v4 =	vadd.f32 v4, v10;
	v6 =	vmul.f32 v9, v6;
	v9 =	vsub.f32 v22, v21  }
0x18b: {  	s1 =	sand.u32 $0x3F00, s1;
	v3 =	vadd.f32 v3, v12;
	v5 =	vmul.f32 v18, v5;
	v10 =	vsub.f32 v23, v20  }
0x18c: {  	s1 =	sadd.s32 $0x8680, s1;
	[tilespmem:s3+$0x0] =	vst v4;
	v4 =	vadd.f32 v6, v17;
	v6 =	vmul.f32 v9, v7  }
0x18d: {  	s15 =	sor.u32 s8, s1;
	[tilespmem:s0+$0x0] =	vst v3;
	v3 =	vadd.f32 v5, v13;
	v5 =	vmul.f32 v10, v8  }
0x18e: {  	s16 =	sor.u32 s5, s1;
	[tilespmem:s15+$0x0] =	vst v4;
	v4 =	vadd.f32 v6, v21  }
0x18f: {  	s17 =	sor.u32 s7, s1;
	[tilespmem:s16+$0x0] =	vst v3;
	v3 =	vadd.f32 v5, v20  }
0x190: {  	s1 =	sor.u32 s9, s1;
	[tilespmem:s17+$0x0] =	vst v4  }
0x191: {  	[tilespmem:s1+$0x0] =	vst v3  }
0x192: {  	s30 =	simm.s32 $0x0;
	s0 =	rddreg [dreg:$0x7]  }
0x193: {  	[tilespmem:s21], [sflag:$0x2] =	stream.linear.gather [hbm4b:s0+s30], $0x2800, $0x38;
	[tilespmem:$0xD700] =	vst v63  }
0x194: {  	s19 =	simm.s32 $0x8600;
	s22 =	simm.s32 $0x1;
	s18 =	rddreg [dreg:$0x8]  }
0x195: {  	[hbm4b:s18+s30] =	stream.linear.scatter [tilespmem:s19], [sflag:$0x4], $0x3600, $0x38;
	[tilespmem:$0xD700] =	vst v63  }
0x196: {  	_ =	swait.ge [sflag:s22], $0x2800  }
0x197: {  	[sflag:s22] =	ssyncset.done $0x0  }
0x198: {  	s23 =	simm.s32 $0x3;
	s3 =	simm.s32 $0x0;
	[sflag:s22] =	ssyncadd.s32 $0xFFFFD800  }
0x199: {  	s10 =	sand.u32 $0x40, s3;
	_ =	swait.ge [sflag:s23], $0x3600  }
0x19a: {  	s24 =	sand.u32 $0x1F80, s3;
	s13 =	sor.u32 $0x30, s10;
	[sflag:s23] =	ssyncset.done $0x0  }
0x19b: {  	s1 =	simm.s32 $0xBC00;
	s0 =	sadd.s32 $0xBC00, s24;
	[sflag:s23] =	ssyncadd.s32 $0xFFFFCA00  }
0x19c: {  	s11 =	sor.u32 $0x10, s10;
	s12 =	sor.u32 $0x20, s10;
	s4 =	sor.u32 s13, s0;
	v8 =	vld [tilespmem:s1+$0x0]  }
0x19d: {  	s25 =	sor.u32 s11, s0;
	s0 =	sor.u32 s12, s0;
	v9 =	vld [tilespmem:s4+$0x0]  }
0x19e: {  	v7 =	vld [tilespmem:s0+$0x0];
	_ =	sdelay $0x3  }
0x19f: {  	v3 =	vtrunc.f32 v8  }
0x1a0: {  	v11 =	vtrunc.f32 v9;
	v14 =	vtrunc.f32 v7  }
0x1a1: {  	v4 =	vcvt.f32.s32 v3;
	v11 =	vcvt.f32.s32 v11  }
0x1a2: {  	v14 =	vcvt.f32.s32 v14  }
0x1a3: {  	v5 =	vld [tilespmem:s25+$0x0];
	v3 =	vsub.s32 v4, v0;
	v6 =	vand.u32 $0x7F, v4;
	v13 =	vsub.s32 v11, v0  }
0x1a4: {  	v16 =	vand.u32 $0x7F, v11;
	v10 =	vshll.u32 v3, $0x1;
	v3 =	vadd.s32 $0x1, v3  }
0x1a5: {  	v15 =	vshll.u32 v13, $0x1;
	v13 =	vadd.s32 $0x1, v13;
	v10 =	vand.u32 $0xFFFFFF00, v10  }
0x1a6: {  	v12 =	vand.u32 $0x7F, v3;
	v3 =	vshll.u32 v3, $0x1;
	v15 =	vand.u32 $0xFFFFFF00, v15  }
0x1a7: {  	v17 =	vshll.u32 v13, $0x1;
	v13 =	vand.u32 $0x7F, v13;
	v6 =	vor.u32 v6, v10  }
0x1a8: {  	v10 =	vtrunc.f32 v5;
	v15 =	vor.u32 v16, v15;
	v16 =	vand.u32 $0xFFFFFF00, v17  }
0x1a9: {  	v3 =	vand.u32 $0xFFFFFF00, v3;
	v10 =	vcvt.f32.s32 v10;
	v13 =	vor.u32 v13, v16  }
0x1aa: {  	s0 =	simm.s32 $0xBC40;
	v18 =	vsub.s32 v14, v0;
	v11 =	vcvt.s32.f32 v11;
	v12 =	vor.u32 v12, v3  }
0x1ab: {  	v20 =	vadd.s32 $0x1, v18;
	v18 =	vshll.u32 v18, $0x1;
	v3 =	vld [tilespmem:s0+$0x0];
	v17 =	vsub.s32 v10, v0  }
0x1ac: {  	v18 =	vand.u32 $0xFFFFFF00, v18;
	v16 =	vadd.s32 $0x1, v17;
	v17 =	vshll.u32 v17, $0x1;
	v21 =	vld.idx.msk [tilespmem:v6+s30+$0x0], $0xffff  }
0x1ad: {  	v22 =	vand.u32 $0x7F, v10;
	v19 =	vshll.u32 v16, $0x1;
	v17 =	vand.u32 $0xFFFFFF00, v17;
	v15 =	vld.idx.msk [tilespmem:v15+s30+$0x0], $0xffff  }
0x1ae: {  	s9 =	simm.s32 $0x40;
	v16 =	vand.u32 $0x7F, v16;
	v6 =	vand.u32 $0xFFFFFF00, v19;
	v19 =	vshll.u32 v20, $0x1;
	v13 =	vld.idx.msk [tilespmem:v13+s30+$0x0], $0xffff  }
0x1af: {  	s26 =	sand.u32 $0x1F80, s9;
	s4 =	sand.u32 $0x40, s9;
	v12 =	vld.idx.msk [tilespmem:v12+s30+$0x0], $0xffff;
	v20 =	vand.u32 $0x7F, v20;
	v19 =	vand.u32 $0xFFFFFF00, v19;
	v23 =	vor.u32 v16, v6  }
0x1b0: {  	s6 =	sadd.s32 $0xBC00, s26;
	s5 =	sor.u32 $0x30, s4;
	v16 =	vand.u32 $0x7F, v14;
	v6 =	vcvt.s32.f32 v10;
	v10 =	vcvt.s32.f32 v14  }
0x1b1: {  	s14 =	sor.u32 s5, s6;
	v14 =	vtrunc.f32 v3;
	v19 =	vor.u32 v20, v19;
	v20 =	vor.u32 v22, v17  }
0x1b2: {  	v17 =	vcvt.s32.f32 v4;
	v4 =	vld [tilespmem:s14+$0x0];
	v6 =	vsub.f32 v5, v6;
	v5 =	vsub.f32 v7, v10  }
0x1b3: {  	s7 =	sor.u32 $0x10, s4;
	v7 =	vcvt.f32.s32 v14;
	v10 =	vsub.f32 v9, v11;
	v11 =	vsub.f32 v13, v15  }
0x1b4: {  	s8 =	sor.u32 $0x20, s4;
	s15 =	sor.u32 s7, s6;
	v22 =	vor.u32 v16, v18;
	v13 =	vsub.f32 v8, v17;
	v12 =	vsub.f32 v12, v21  }
0x1b5: {  	s6 =	sor.u32 s8, s6;
	v8 =	vld [tilespmem:s15+$0x0];
	v14 =	vsub.s32 v7, v0;
	v16 =	vand.u32 $0x7F, v7;
	v10 =	vmul.f32 v11, v10  }
0x1b6: {  	v9 =	vld [tilespmem:s6+$0x0];
	v11 =	vshll.u32 v14, $0x1;
	v14 =	vadd.s32 $0x1, v14;
	v12 =	vmul.f32 v12, v13  }
0x1b7: {  	v13 =	vtrunc.f32 v4;
	v11 =	vand.u32 $0xFFFFFF00, v11;
	v18 =	vand.u32 $0x7F, v14  }
0x1b8: {  	v14 =	vshll.u32 v14, $0x1;
	v13 =	vcvt.f32.s32 v13;
	v10 =	vadd.f32 v10, v15  }
0x1b9: {  	v63 =	vadd.f32 v12, v21;
	v17 =	vor.u32 v16, v11;
	v12 =	vand.u32 $0xFFFFFF00, v14  }
0x1ba: {  	v11 =	vtrunc.f32 v8;
	v18 =	vor.u32 v18, v12;
	v12 =	vsub.s32 v13, v0  }
0x1bb: {  	s28 =	sand.u32 $0x3F00, s30;
	v14 =	vld.idx.msk [tilespmem:v19+s30+$0x0], $0xffff;
	v19 =	vand.u32 $0x7F, v13;
	v15 =	vcvt.f32.s32 v11;
	v11 =	vtrunc.f32 v9  }
0x1bc: {  	s6 =	sadd.s32 $0x5000, s28;
	v16 =	vcvt.f32.s32 v11;
	v11 =	vld.idx.msk [tilespmem:v23+s30+$0x0], $0xffff;
	v23 =	vshll.u32 v12, $0x1;
	v12 =	vadd.s32 $0x1, v12  }
0x1bd: {  	s13 =	sor.u32 s13, s6;
	v21 =	vsub.s32 v15, v0;
	v23 =	vand.u32 $0xFFFFFF00, v23;
	v25 =	vshll.u32 v12, $0x1  }
0x1be: {  	s11 =	sor.u32 s11, s6;
	s31 =	sor.u32 s10, s6;
	[tilespmem:s13+$0x0] =	vst v10;
	v10 =	vld.idx.msk [tilespmem:v20+s30+$0x0], $0xffff;
	v20 =	vand.u32 $0x7F, v12;
	v19 =	vor.u32 v19, v23;
	v25 =	vand.u32 $0xFFFFFF00, v25  }
0x1bf: {  	s10 =	sor.u32 s12, s6;
	s12 =	simm.s32 $0x0;
	[tilespmem:s31+$0x0] =	vst v63;
	s13 =	simm.s32 $0xBC80;
	v12 =	vld.idx.msk [tilespmem:v22+s30+$0x0], $0xffff;
	v22 =	vadd.s32 $0x1, v21;
	v23 =	vsub.s32 v16, v0;
	v20 =	vor.u32 v20, v25  }
.LBB2_12:
0x1c0: {  	v24 =	vld [tilespmem:s13+$0x0];
	v21 =	vshll.u32 v21, $0x1;
	v25 =	vshll.u32 v22, $0x1;
	v26 =	vadd.s32 $0x1, v23  }
0x1c1: {  	v23 =	vshll.u32 v23, $0x1;
	v17 =	vld.idx.msk [tilespmem:v17+s30+$0x0], $0xffff;
	v25 =	vand.u32 $0xFFFFFF00, v25;
	v27 =	vshll.u32 v26, $0x1  }
0x1c2: {  	v22 =	vand.u32 $0x7F, v22;
	v21 =	vand.u32 $0xFFFFFF00, v21;
	v18 =	vld.idx.msk [tilespmem:v18+s30+$0x0], $0xffff;
	v27 =	vand.u32 $0xFFFFFF00, v27  }
0x1c3: {  	v28 =	vand.u32 $0x7F, v15;
	v23 =	vand.u32 $0xFFFFFF00, v23;
	v26 =	vand.u32 $0x7F, v26;
	v19 =	vld.idx.msk [tilespmem:v19+s30+$0x0], $0xffff  }
0x1c4: {  	v22 =	vor.u32 v22, v25;
	v25 =	vand.u32 $0x7F, v16;
	v26 =	vor.u32 v26, v27;
	v20 =	vld.idx.msk [tilespmem:v20+s30+$0x0], $0xffff  }
0x1c5: {  	v15 =	vcvt.s32.f32 v15;
	v21 =	vor.u32 v28, v21;
	v23 =	vor.u32 v25, v23  }
0x1c6: {  	s9 =	sadd.s32 $0x40, s9;
	v11 =	vsub.f32 v11, v10;
	v14 =	vsub.f32 v14, v12;
	v16 =	vcvt.s32.f32 v16  }
0x1c7: {  	v7 =	vcvt.s32.f32 v7;
	s6 =	sand.u32 $0x40, s9;
	s15 =	sand.u32 $0x1F80, s9;
	p0 =	slt.u32 s9, $0x1AC0;
	v8 =	vsub.f32 v8, v15;
	v25 =	vtrunc.f32 v24  }
0x1c8: {  	v13 =	vcvt.s32.f32 v13;
	s14 =	sor.u32 $0x10, s6;
	s16 =	sadd.s32 $0xBC00, s15;
	s15 =	sor.u32 $0x30, s6;
	v15 =	vmul.f32 v11, v6;
	v9 =	vsub.f32 v9, v16  }
0x1c9: {  	s18 =	sor.u32 $0x20, s6;
	s17 =	sor.u32 s14, s16;
	s19 =	sor.u32 s15, s16;
	v16 =	vsub.f32 v3, v7;
	v18 =	vsub.f32 v18, v17;
	v11 =	vld.idx.msk [tilespmem:v22+s30+$0x0], $0xffff;
	v22 =	vmul.f32 v14, v5  }
0x1ca: {  	v13 =	vsub.f32 v4, v13;
	s16 =	sor.u32 s18, s16;
	v6 =	vmovc v8;
	v3 =	vmovc v24;
	v7 =	vcvt.f32.s32 v25;
	v14 =	vsub.f32 v20, v19;
	v4 =	vld [tilespmem:s19+$0x0]  }
0x1cb: {  	v10 =	vadd.f32 v15, v10;
	v5 =	vmov v9;
	v8 =	vld [tilespmem:s17+$0x0];
	v12 =	vadd.f32 v22, v12  }
0x1cc: {  	s12 =	sadd.s32 $0x80, s12;
	v15 =	vsub.s32 v7, v0;
	v20 =	vand.u32 $0x7F, v7;
	v13 =	vmul.f32 v14, v13;
	v9 =	vld [tilespmem:s16+$0x0]  }
0x1cd: {  	v16 =	vmul.f32 v18, v16;
	v22 =	vshll.u32 v15, $0x1;
	v15 =	vadd.s32 $0x1, v15;
	s16 =	sand.u32 $0x3F00, s12;
	v14 =	vld.idx.msk [tilespmem:v26+s30+$0x0], $0xffff;
	[tilespmem:s11+$0x0] =	vst v10  }
0x1ce: {  	v18 =	vand.u32 $0xFFFFFF00, v22;
	v22 =	vand.u32 $0x7F, v15;
	s16 =	sadd.s32 $0x5000, s16;
	v19 =	vadd.f32 v13, v19;
	v10 =	vld.idx.msk [tilespmem:v21+s30+$0x0], $0xffff;
	[tilespmem:s10+$0x0] =	vst v12  }
0x1cf: {  	v16 =	vadd.f32 v16, v17;
	v15 =	vshll.u32 v15, $0x1;
	s11 =	sor.u32 s7, s16;
	s10 =	sor.u32 s8, s16;
	s5 =	sor.u32 s5, s16;
	v13 =	vtrunc.f32 v4;
	v12 =	vld.idx.msk [tilespmem:v23+s30+$0x0], $0xffff  }
0x1d0: {  	v17 =	vor.u32 v20, v18;
	s7 =	sor.u32 s4, s16;
	s4 =	smov.u32 s6;
	v18 =	vtrunc.f32 v8;
	v13 =	vcvt.f32.s32 v13;
	[tilespmem:s5+$0x0] =	vst v19  }
0x1d1: {  	s8 =	smov.u32 s18;
	v19 =	vand.u32 $0xFFFFFF00, v15;
	s5 =	smov.u32 s15;
	v15 =	vcvt.f32.s32 v18;
	v20 =	vtrunc.f32 v9;
	[tilespmem:s7+$0x0] =	vst v16;
	s7 =	smov.u32 s14  }
.Ltmp5:
0x1d2: {  	v18 =	vor.u32 v22, v19;
	v16 =	vcvt.f32.s32 v20;
	v19 =	vsub.s32 v13, v0;
	(pc) =	sbr.rel @p0 .LBB2_12-.Ltmp5, $4  }
0x1d3: {  	v21 =	vsub.s32 v15, v0;
	v20 =	vshll.u32 v19, $0x1;
	v22 =	vadd.s32 $0x1, v19  }
0x1d4: {  	v19 =	vand.u32 $0x7F, v13;
	v20 =	vand.u32 $0xFFFFFF00, v20;
	v23 =	vshll.u32 v22, $0x1  }
0x1d5: {  	v19 =	vor.u32 v19, v20;
	v20 =	vand.u32 $0x7F, v22;
	v24 =	vand.u32 $0xFFFFFF00, v23  }
0x1d6: {  	s13 =	sadd.s32 $0x40, s13;
	v22 =	vadd.s32 $0x1, v21;
	v23 =	vsub.s32 v16, v0;
	v20 =	vor.u32 v20, v24  }
0x1d7: {  	v24 =	vshll.u32 v22, $0x1  }
0x1d8: {  	v21 =	vshll.u32 v21, $0x1;
	v25 =	vadd.s32 $0x1, v23;
	v23 =	vshll.u32 v23, $0x1  }
0x1d9: {  	v22 =	vand.u32 $0x7F, v22;
	v24 =	vand.u32 $0xFFFFFF00, v24;
	v26 =	vshll.u32 v25, $0x1  }
0x1da: {  	v25 =	vand.u32 $0x7F, v25;
	v26 =	vand.u32 $0xFFFFFF00, v26;
	v22 =	vor.u32 v22, v24  }
0x1db: {  	v17 =	vld.idx.msk [tilespmem:v17+s30+$0x0], $0xffff;
	v21 =	vand.u32 $0xFFFFFF00, v21;
	v24 =	vand.u32 $0x7F, v15;
	v25 =	vor.u32 v25, v26  }
0x1dc: {  	v18 =	vld.idx.msk [tilespmem:v18+s30+$0x0], $0xffff;
	v23 =	vand.u32 $0xFFFFFF00, v23;
	v26 =	vand.u32 $0x7F, v16;
	v21 =	vor.u32 v24, v21  }
0x1dd: {  	v19 =	vld.idx.msk [tilespmem:v19+s30+$0x0], $0xffff;
	v23 =	vor.u32 v26, v23  }
0x1de: {  	v20 =	vld.idx.msk [tilespmem:v20+s30+$0x0], $0xffff  }
0x1df: {  	v22 =	vld.idx.msk [tilespmem:v22+s30+$0x0], $0xffff  }
0x1e0: {  	v24 =	vld.idx.msk [tilespmem:v25+s30+$0x0], $0xffff  }
0x1e1: {  	v11 =	vsub.f32 v11, v10;
	v13 =	vcvt.s32.f32 v13;
	v7 =	vcvt.s32.f32 v7;
	v21 =	vld.idx.msk [tilespmem:v21+s30+$0x0], $0xffff  }
0x1e2: {  	v14 =	vsub.f32 v14, v12;
	v15 =	vcvt.s32.f32 v15;
	v23 =	vld.idx.msk [tilespmem:v23+s30+$0x0], $0xffff  }
0x1e3: {  	v6 =	vmul.f32 v11, v6;
	v4 =	vsub.f32 v4, v13;
	v3 =	vsub.f32 v3, v7  }
0x1e4: {  	v5 =	vmul.f32 v14, v5;
	v8 =	vsub.f32 v8, v15;
	v11 =	vsub.f32 v20, v19  }
0x1e5: {  	v16 =	vcvt.s32.f32 v16;
	v6 =	vadd.f32 v6, v10;
	v7 =	vsub.f32 v18, v17  }
0x1e6: {  	s6 =	sadd.s32 $0x80, s12;
	v5 =	vadd.f32 v5, v12;
	v4 =	vmul.f32 v11, v4;
	v10 =	vsub.f32 v22, v21  }
0x1e7: {  	s6 =	sand.u32 $0x3F00, s6;
	v9 =	vsub.f32 v9, v16;
	v3 =	vmul.f32 v7, v3;
	v7 =	vsub.f32 v24, v23  }
0x1e8: {  	s6 =	sadd.s32 $0x5000, s6;
	[tilespmem:s11+$0x0] =	vst v6;
	v4 =	vadd.f32 v4, v19;
	v6 =	vmul.f32 v10, v8  }
0x1e9: {  	s5 =	sor.u32 s5, s6;
	[tilespmem:s10+$0x0] =	vst v5;
	v3 =	vadd.f32 v3, v17;
	v5 =	vmul.f32 v7, v9  }
0x1ea: {  	s4 =	sor.u32 s4, s6;
	[tilespmem:s5+$0x0] =	vst v4;
	v4 =	vadd.f32 v6, v21  }
0x1eb: {  	s22 =	sor.u32 s7, s6;
	[tilespmem:s4+$0x0] =	vst v3;
	v3 =	vadd.f32 v5, v23  }
0x1ec: {  	s23 =	sor.u32 s8, s6;
	[tilespmem:s22+$0x0] =	vst v4  }
0x1ed: {  	[tilespmem:s23+$0x0] =	vst v3  }
0x1ee: {  	s24 =	sand.u32 $0x1FC0, s3;
	v3 =	vld [tilespmem:s1+$0x0]  }
0x1ef: {  	v4 =	vld [tilespmem:s24+$0xBC30];
	_ =	sdelay $0x4  }
0x1f0: {  	v5 =	vtrunc.f32 v3;
	v10 =	vtrunc.f32 v4  }
0x1f1: {  	v5 =	vcvt.f32.s32 v5;
	v10 =	vcvt.f32.s32 v10;
	_ =	sdelay $0x1  }
0x1f2: {  	v6 =	vld [tilespmem:s24+$0xBC10];
	v7 =	vsub.s32 v5, v0;
	v8 =	vand.u32 $0x7F, v5;
	v13 =	vsub.s32 v10, v0  }
0x1f3: {  	v11 =	vld [tilespmem:s24+$0xBC20];
	v15 =	vand.u32 $0x7F, v10;
	v5 =	vcvt.s32.f32 v5;
	v9 =	vshll.u32 v7, $0x1  }
0x1f4: {  	v7 =	vadd.s32 $0x1, v7;
	v14 =	vshll.u32 v13, $0x1;
	v13 =	vadd.s32 $0x1, v13  }
0x1f5: {  	v9 =	vand.u32 $0xFFFFFF00, v9;
	v12 =	vand.u32 $0x7F, v7;
	v7 =	vshll.u32 v7, $0x1  }
0x1f6: {  	v14 =	vand.u32 $0xFFFFFF00, v14;
	v16 =	vshll.u32 v13, $0x1;
	v13 =	vand.u32 $0x7F, v13  }
0x1f7: {  	v8 =	vor.u32 v9, v8;
	v9 =	vtrunc.f32 v6;
	v14 =	vor.u32 v14, v15  }
0x1f8: {  	v15 =	vand.u32 $0xFFFFFF00, v16;
	v16 =	vtrunc.f32 v11;
	v7 =	vand.u32 $0xFFFFFF00, v7  }
0x1f9: {  	v8 =	vor.u32 $0x80, v8;
	v9 =	vcvt.f32.s32 v9;
	v14 =	vor.u32 $0x80, v14  }
0x1fa: {  	v13 =	vor.u32 v15, v13;
	v15 =	vcvt.f32.s32 v16;
	v7 =	vor.u32 v7, v12  }
0x1fb: {  	v18 =	vsub.f32 v3, v5;
	v13 =	vor.u32 $0x80, v13;
	v7 =	vor.u32 $0x80, v7  }
0x1fc: {  	v12 =	vsub.s32 v9, v0;
	v16 =	vsub.s32 v15, v0;
	v20 =	vand.u32 $0x7F, v9  }
0x1fd: {  	v21 =	vld [tilespmem:s0+$0x0];
	v22 =	vand.u32 $0x7F, v15;
	v9 =	vcvt.s32.f32 v9;
	v17 =	vadd.s32 $0x1, v12  }
0x1fe: {  	v3 =	vadd.s32 $0x1, v16;
	v16 =	vshll.u32 v16, $0x1;
	v5 =	vshll.u32 v17, $0x1;
	v19 =	vld.idx.msk [tilespmem:v8+s2+$0x0], $0xffff  }
0x1ff: {  	v17 =	vand.u32 $0x7F, v17;
	v16 =	vand.u32 $0xFFFFFF00, v16;
	v8 =	vshll.u32 v12, $0x1;
	v14 =	vld.idx.msk [tilespmem:v14+s2+$0x0], $0xffff  }
0x200: {  	v12 =	vshll.u32 v3, $0x1;
	v5 =	vand.u32 $0xFFFFFF00, v5;
	v3 =	vand.u32 $0x7F, v3;
	v13 =	vld.idx.msk [tilespmem:v13+s2+$0x0], $0xffff  }
0x201: {  	v12 =	vand.u32 $0xFFFFFF00, v12;
	v8 =	vand.u32 $0xFFFFFF00, v8;
	v7 =	vld.idx.msk [tilespmem:v7+s2+$0x0], $0xffff;
	v5 =	vor.u32 v5, v17  }
0x202: {  	v8 =	vor.u32 v8, v20;
	v3 =	vor.u32 v12, v3;
	v12 =	vor.u32 $0x80, v5  }
0x203: {  	v5 =	vor.u32 v16, v22;
	v17 =	vor.u32 $0x80, v3;
	v3 =	vcvt.s32.f32 v10  }
0x204: {  	s0 =	simm.s32 $0x40;
	v10 =	vor.u32 $0x80, v8;
	v8 =	vcvt.s32.f32 v15;
	v15 =	vtrunc.f32 v21  }
0x205: {  	s25 =	sand.u32 $0x1FC0, s0;
	v20 =	vor.u32 $0x80, v5;
	v4 =	vsub.f32 v4, v3;
	v13 =	vsub.f32 v13, v14  }
0x206: {  	v5 =	vsub.f32 v6, v9;
	v6 =	vld [tilespmem:s25+$0xBC30];
	v15 =	vcvt.f32.s32 v15;
	v16 =	vsub.f32 v7, v19  }
0x207: {  	v3 =	vsub.f32 v11, v8;
	v4 =	vmul.f32 v13, v4  }
0x208: {  	v9 =	vcvt.s32.f32 v15;
	v11 =	vsub.s32 v15, v0;
	v7 =	vld [tilespmem:s25+$0xBC10];
	v13 =	vmul.f32 v16, v18  }
0x209: {  	v8 =	vld [tilespmem:s25+$0xBC20];
	v15 =	vand.u32 $0x7F, v15;
	v16 =	vshll.u32 v11, $0x1;
	v18 =	vadd.f32 v4, v14  }
0x20a: {  	v4 =	vsub.f32 v21, v9;
	v9 =	vadd.s32 $0x1, v11;
	v19 =	vadd.f32 v13, v19  }
0x20b: {  	v11 =	vand.u32 $0xFFFFFF00, v16;
	v14 =	vtrunc.f32 v6;
	v13 =	vand.u32 $0x7F, v9  }
0x20c: {  	v9 =	vshll.u32 v9, $0x1;
	v11 =	vor.u32 v11, v15;
	v14 =	vcvt.f32.s32 v14  }
0x20d: {  	v9 =	vand.u32 $0xFFFFFF00, v9;
	v21 =	vor.u32 $0x80, v11;
	v11 =	vtrunc.f32 v7  }
0x20e: {  	p0 =	por $0x0, $0x0;
	s1 =	simm.s32 $0x1;
	v9 =	vor.u32 v9, v13;
	v16 =	vcvt.f32.s32 v11;
	v11 =	vtrunc.f32 v8  }
0x20f: {  	s1 =	simm.s32 @!p0 $0x0;
	v24 =	vand.u32 $0x7F, v14;
	v22 =	vor.u32 $0x80, v9;
	v9 =	vsub.s32 v14, v0  }
0x210: {  	s1 =	sshll.u32 s1, $0x6;
	v15 =	vcvt.f32.s32 v11;
	v11 =	vshll.u32 v9, $0x1;
	v23 =	vadd.s32 $0x1, v9  }
0x211: {  	s1 =	sadd.s32 $0x0, s1;
	v13 =	vsub.s32 v16, v0;
	v11 =	vand.u32 $0xFFFFFF00, v11;
	v25 =	vshll.u32 v23, $0x1  }
0x212: {  	s28 =	sor.u32 $0x80, s1;
	v9 =	vld.idx.msk [tilespmem:v12+s2+$0x0], $0xffff;
	v23 =	vand.u32 $0x7F, v23;
	v12 =	vor.u32 v11, v24;
	v24 =	vand.u32 $0xFFFFFF00, v25  }
0x213: {  	v10 =	vld.idx.msk [tilespmem:v10+s2+$0x0], $0xffff;
	[tilespmem:s28+$0x5000] =	vst v19;
	v19 =	vand.u32 $0x7F, v16;
	v25 =	vor.u32 $0x80, v12;
	v12 =	vor.u32 v24, v23  }
0x214: {  	v11 =	vld.idx.msk [tilespmem:v17+s2+$0x0], $0xffff;
	v17 =	vsub.s32 v15, v0;
	v23 =	vadd.s32 $0x1, v13;
	v26 =	vor.u32 $0x80, v12  }
0x215: {  	s26 =	sadd.s32 $0x30, s1;
	v24 =	vadd.s32 $0x1, v17;
	v17 =	vshll.u32 v17, $0x1;
	v12 =	vld.idx.msk [tilespmem:v20+s2+$0x0], $0xffff;
	v20 =	vshll.u32 v13, $0x1  }
0x216: {  	s3 =	sor.u32 $0x80, s26;
	v27 =	vshll.u32 v23, $0x1;
	v28 =	vshll.u32 v24, $0x1;
	v13 =	vld.idx.msk [tilespmem:v21+s2+$0x0], $0xffff;
	v23 =	vand.u32 $0x7F, v23  }
0x217: {  	[tilespmem:s3+$0x5000] =	vst v18;
	v18 =	vld.idx.msk [tilespmem:v22+s2+$0x0], $0xffff;
	v21 =	vand.u32 $0x7F, v15;
	v29 =	vand.u32 $0x7F, v24;
	v27 =	vand.u32 $0xFFFFFF00, v27  }
0x218: {  	s31 =	sadd.s32 $0x10, s1;
	s1 =	sadd.s32 $0x20, s1;
	v28 =	vand.u32 $0xFFFFFF00, v28;
	v22 =	vand.u32 $0xFFFFFF00, v20;
	v20 =	vand.u32 $0xFFFFFF00, v17;
	v17 =	vld.idx.msk [tilespmem:v25+s2+$0x0], $0xffff  }
0x219: {  	s4 =	simm.s32 $0xBC80;
	s1 =	sor.u32 $0x80, s1;
	s3 =	sor.u32 $0x80, s31;
	v22 =	vor.u32 v22, v19;
	v24 =	vor.u32 v27, v23;
	v23 =	vor.u32 v28, v29;
	v19 =	vld.idx.msk [tilespmem:v26+s2+$0x0], $0xffff  }
.LBB2_14:
0x21a: {  	v25 =	vld [tilespmem:s4+$0x0];
	v24 =	vor.u32 $0x80, v24;
	v20 =	vor.u32 v20, v21;
	v21 =	vor.u32 $0x80, v23  }
0x21b: {  	v16 =	vcvt.s32.f32 v16;
	v22 =	vor.u32 $0x80, v22;
	v20 =	vor.u32 $0x80, v20  }
0x21c: {  	v15 =	vcvt.s32.f32 v15;
	v9 =	vsub.f32 v9, v10;
	v11 =	vsub.f32 v11, v12  }
0x21d: {  	v14 =	vcvt.s32.f32 v14;
	v18 =	vsub.f32 v18, v13;
	v7 =	vsub.f32 v7, v16  }
0x21e: {  	v16 =	vmul.f32 v9, v5;
	v23 =	vmul.f32 v11, v3;
	v3 =	vsub.f32 v8, v15  }
0x21f: {  	s0 =	sadd.s32 $0x40, s0;
	p0 =	por !p0, !p0;
	s6 =	simm.s32 $0x1;
	v14 =	vsub.f32 v6, v14;
	v15 =	vsub.f32 v19, v17;
	v5 =	vmovc v7;
	v8 =	vtrunc.f32 v25;
	v9 =	vld.idx.msk [tilespmem:v24+s2+$0x0], $0xffff  }
0x220: {  	s5 =	sand.u32 $0x1FC0, s0;
	p1 =	slt.u32 s0, $0x1AC0;
	s6 =	simm.s32 @!p0 $0x0;
	v10 =	vadd.f32 v16, v10;
	v12 =	vadd.f32 v23, v12;
	v8 =	vcvt.f32.s32 v8;
	v11 =	vld.idx.msk [tilespmem:v21+s2+$0x0], $0xffff  }
0x221: {  	s30 =	sadd.s32 $0x80, s30;
	s6 =	sshll.u32 s6, $0x6;
	v14 =	vmul.f32 v15, v14;
	v6 =	vld [tilespmem:s5+$0xBC30]  }
0x222: {  	s6 =	sadd.s32 s6, s30;
	v18 =	vmul.f32 v18, v4;
	v15 =	vcvt.s32.f32 v8;
	v16 =	vsub.s32 v8, v0;
	v7 =	vld [tilespmem:s5+$0xBC10];
	[tilespmem:s3+$0x5000] =	vst v10  }
0x223: {  	s7 =	sadd.s32 $0x30, s6;
	v19 =	vand.u32 $0x7F, v8;
	s3 =	sadd.s32 $0x10, s6;
	v14 =	vadd.f32 v14, v17;
	v21 =	vshll.u32 v16, $0x1;
	v8 =	vld [tilespmem:s5+$0xBC20];
	s5 =	sadd.s32 $0x20, s6;
	[tilespmem:s1+$0x5000] =	vst v12  }
0x224: {  	v13 =	vadd.f32 v18, v13;
	v12 =	vadd.s32 $0x1, v16;
	s3 =	sor.u32 $0x80, s3;
	v4 =	vsub.f32 v25, v15;
	v10 =	vld.idx.msk [tilespmem:v22+s2+$0x0], $0xffff;
	s1 =	sor.u32 $0x80, s5;
	s5 =	sor.u32 $0x80, s7  }
0x225: {  	s6 =	sor.u32 $0x80, s6;
	v15 =	vand.u32 $0xFFFFFF00, v21;
	v16 =	vand.u32 $0x7F, v12;
	v17 =	vshll.u32 v12, $0x1;
	v12 =	vld.idx.msk [tilespmem:v20+s2+$0x0], $0xffff;
	[tilespmem:s5+$0x5000] =	vst v14  }
0x226: {  	v14 =	vor.u32 v15, v19;
	v15 =	vand.u32 $0xFFFFFF00, v17;
	v17 =	vtrunc.f32 v6;
	[tilespmem:s6+$0x5000] =	vst v13  }
0x227: {  	v13 =	vor.u32 $0x80, v14;
	v18 =	vtrunc.f32 v7;
	v14 =	vcvt.f32.s32 v17  }
0x228: {  	v15 =	vor.u32 v15, v16;
	v16 =	vcvt.f32.s32 v18;
	v17 =	vtrunc.f32 v8  }
0x229: {  	v18 =	vor.u32 $0x80, v15;
	v15 =	vcvt.f32.s32 v17;
	v17 =	vsub.s32 v14, v0  }
0x22a: {  	v19 =	vsub.s32 v16, v0;
	v20 =	vshll.u32 v17, $0x1;
	v17 =	vadd.s32 $0x1, v17  }
0x22b: {  	v21 =	vand.u32 $0x7F, v14;
	v20 =	vand.u32 $0xFFFFFF00, v20;
	v22 =	vshll.u32 v17, $0x1  }
0x22c: {  	v17 =	vand.u32 $0x7F, v17;
	v20 =	vor.u32 v20, v21;
	v21 =	vand.u32 $0xFFFFFF00, v22  }
0x22d: {  	v22 =	vsub.s32 v15, v0;
	v23 =	vor.u32 $0x80, v20;
	v17 =	vor.u32 v21, v17  }
0x22e: {  	v20 =	vadd.s32 $0x1, v19;
	v24 =	vadd.s32 $0x1, v22;
	v25 =	vor.u32 $0x80, v17  }
.Ltmp6:
0x22f: {  	v17 =	vshll.u32 v19, $0x1;
	v19 =	vshll.u32 v20, $0x1;
	v21 =	vshll.u32 v24, $0x1;
	(pc) =	sbr.rel @p1 .LBB2_14-.Ltmp6, $4  }
0x230: {  	v22 =	vshll.u32 v22, $0x1;
	v19 =	vand.u32 $0xFFFFFF00, v19;
	v26 =	vand.u32 $0xFFFFFF00, v21;
	v13 =	vld.idx.msk [tilespmem:v13+s2+$0x0], $0xffff  }
0x231: {  	v28 =	vand.u32 $0x7F, v20;
	v20 =	vand.u32 $0xFFFFFF00, v22;
	v27 =	vand.u32 $0xFFFFFF00, v17;
	v18 =	vld.idx.msk [tilespmem:v18+s2+$0x0], $0xffff  }
0x232: {  	v22 =	vand.u32 $0x7F, v16;
	v29 =	vand.u32 $0x7F, v24;
	v21 =	vand.u32 $0x7F, v15;
	v17 =	vld.idx.msk [tilespmem:v23+s2+$0x0], $0xffff  }
0x233: {  	s4 =	sadd.s32 $0x40, s4;
	v22 =	vor.u32 v27, v22;
	v24 =	vor.u32 v19, v28;
	v23 =	vor.u32 v26, v29;
	v19 =	vld.idx.msk [tilespmem:v25+s2+$0x0], $0xffff  }
0x234: {  	v24 =	vor.u32 $0x80, v24  }
0x235: {  	v23 =	vor.u32 $0x80, v23  }
0x236: {  	v20 =	vor.u32 v20, v21;
	v21 =	vor.u32 $0x80, v22  }
0x237: {  	v20 =	vor.u32 $0x80, v20;
	_ =	sdelay $0x1  }
0x238: {  	v22 =	vld.idx.msk [tilespmem:v24+s2+$0x0], $0xffff  }
0x239: {  	v23 =	vld.idx.msk [tilespmem:v23+s2+$0x0], $0xffff  }
0x23a: {  	v21 =	vld.idx.msk [tilespmem:v21+s2+$0x0], $0xffff  }
0x23b: {  	v16 =	vcvt.s32.f32 v16;
	v9 =	vsub.f32 v9, v10;
	v14 =	vcvt.s32.f32 v14;
	v20 =	vld.idx.msk [tilespmem:v20+s2+$0x0], $0xffff  }
0x23c: {  	v15 =	vcvt.s32.f32 v15;
	v11 =	vsub.f32 v11, v12;
	v18 =	vsub.f32 v18, v13  }
0x23d: {  	p0 =	por !p0, !p0;
	s0 =	simm.s32 $0x1;
	v5 =	vmul.f32 v9, v5;
	v6 =	vsub.f32 v6, v14;
	v9 =	vsub.f32 v19, v17  }
0x23e: {  	s0 =	simm.s32 @!p0 $0x0;
	v7 =	vsub.f32 v7, v16;
	v8 =	vsub.f32 v8, v15;
	v3 =	vmul.f32 v11, v3  }
0x23f: {  	s4 =	sadd.s32 $0x80, s30;
	s0 =	sshll.u32 s0, $0x6;
	v5 =	vadd.f32 v5, v10;
	v6 =	vmul.f32 v9, v6;
	v9 =	vsub.f32 v22, v21  }
0x240: {  	s0 =	sadd.s32 s0, s4;
	v3 =	vadd.f32 v3, v12;
	v4 =	vmul.f32 v18, v4;
	v10 =	vsub.f32 v23, v20  }
0x241: {  	s13 =	sadd.s32 $0x30, s0;
	[tilespmem:s3+$0x5000] =	vst v5;
	v5 =	vadd.f32 v6, v17;
	v6 =	vmul.f32 v9, v7  }
0x242: {  	s14 =	sor.u32 $0x80, s13;
	[tilespmem:s1+$0x5000] =	vst v3;
	v3 =	vadd.f32 v4, v13;
	v4 =	vmul.f32 v10, v8  }
0x243: {  	s15 =	sadd.s32 $0x10, s0;
	s4 =	sor.u32 $0x80, s0;
	[tilespmem:s14+$0x5000] =	vst v5;
	v5 =	vadd.f32 v6, v21  }
0x244: {  	s0 =	sadd.s32 $0x20, s0;
	s16 =	sor.u32 $0x80, s15;
	[tilespmem:s4+$0x5000] =	vst v3;
	v3 =	vadd.f32 v4, v20  }
0x245: {  	s0 =	sor.u32 $0x80, s0;
	[tilespmem:s16+$0x5000] =	vst v5  }
0x246: {  	[tilespmem:s0+$0x5000] =	vst v3  }
0x247: {  	s30 =	simm.s32 $0x0;
	s0 =	rddreg [dreg:$0x9]  }
0x248: {  	[tilespmem:s30], [sflag:$0x1] =	stream.linear.gather [hbm4b:s0+s30], $0x2800, $0x38;
	[tilespmem:$0xD700] =	vst v63  }
0x249: {  	s18 =	simm.s32 $0x5000;
	s19 =	simm.s32 $0x2;
	s17 =	rddreg [dreg:$0xa]  }
0x24a: {  	[hbm4b:s17+s30] =	stream.linear.scatter [tilespmem:s18], [sflag:$0x3], $0x3600, $0x38;
	[tilespmem:$0xD700] =	vst v63  }
0x24b: {  	_ =	swait.ge [sflag:s19], $0x2800  }
0x24c: {  	[sflag:s19] =	ssyncset.done $0x0  }
0x24d: {  	s22 =	simm.s32 $0x4;
	[sflag:s19] =	ssyncadd.s32 $0xFFFFD800  }
0x24e: {  	s7 =	simm.s32 $0xBC00;
	s23 =	simm.s32 $0x0;
	_ =	swait.ge [sflag:s22], $0x3600  }
0x24f: {  	s1 =	sand.u32 $0x1F80, s23;
	s0 =	sand.u32 $0x40, s23;
	[sflag:s22] =	ssyncset.done $0x0  }
0x250: {  	s24 =	sadd.s32 $0xBC00, s1;
	s3 =	sor.u32 $0x30, s0;
	[sflag:s22] =	ssyncadd.s32 $0xFFFFCA00  }
0x251: {  	s1 =	sor.u32 $0x20, s0;
	s9 =	sor.u32 s3, s24;
	v8 =	vld [tilespmem:s7+$0x0]  }
0x252: {  	s8 =	sor.u32 s1, s24;
	v9 =	vld [tilespmem:s9+$0x0]  }
0x253: {  	v7 =	vld [tilespmem:s8+$0x0];
	_ =	sdelay $0x3  }
0x254: {  	v3 =	vtrunc.f32 v8  }
0x255: {  	v11 =	vtrunc.f32 v9;
	v14 =	vtrunc.f32 v7  }
0x256: {  	s31 =	sor.u32 $0x10, s0;
	v4 =	vcvt.f32.s32 v3;
	v11 =	vcvt.f32.s32 v11  }
0x257: {  	s10 =	sor.u32 s31, s24;
	v14 =	vcvt.f32.s32 v14  }
0x258: {  	v5 =	vld [tilespmem:s10+$0x0];
	v3 =	vsub.s32 v4, v0;
	v6 =	vand.u32 $0x7F, v4;
	v13 =	vsub.s32 v11, v0  }
0x259: {  	v16 =	vand.u32 $0x7F, v11;
	v10 =	vshll.u32 v3, $0x1;
	v3 =	vadd.s32 $0x1, v3  }
0x25a: {  	v15 =	vshll.u32 v13, $0x1;
	v13 =	vadd.s32 $0x1, v13;
	v10 =	vand.u32 $0xFFFFFF00, v10  }
0x25b: {  	v12 =	vand.u32 $0x7F, v3;
	v3 =	vshll.u32 v3, $0x1;
	v15 =	vand.u32 $0xFFFFFF00, v15  }
0x25c: {  	v17 =	vshll.u32 v13, $0x1;
	v13 =	vand.u32 $0x7F, v13;
	v6 =	vor.u32 v6, v10  }
0x25d: {  	v10 =	vtrunc.f32 v5;
	v15 =	vor.u32 v16, v15;
	v16 =	vand.u32 $0xFFFFFF00, v17  }
0x25e: {  	v3 =	vand.u32 $0xFFFFFF00, v3;
	v10 =	vcvt.f32.s32 v10;
	v13 =	vor.u32 v13, v16  }
0x25f: {  	s5 =	simm.s32 $0xBC40;
	v18 =	vsub.s32 v14, v0;
	v11 =	vcvt.s32.f32 v11;
	v12 =	vor.u32 v12, v3  }
0x260: {  	v20 =	vadd.s32 $0x1, v18;
	v18 =	vshll.u32 v18, $0x1;
	v3 =	vld [tilespmem:s5+$0x0];
	v17 =	vsub.s32 v10, v0  }
0x261: {  	v18 =	vand.u32 $0xFFFFFF00, v18;
	v16 =	vadd.s32 $0x1, v17;
	v17 =	vshll.u32 v17, $0x1;
	v21 =	vld.idx.msk [tilespmem:v6+s21+$0x0], $0xffff  }
0x262: {  	v22 =	vand.u32 $0x7F, v10;
	v19 =	vshll.u32 v16, $0x1;
	v17 =	vand.u32 $0xFFFFFF00, v17;
	v15 =	vld.idx.msk [tilespmem:v15+s21+$0x0], $0xffff  }
0x263: {  	s15 =	simm.s32 $0x40;
	v16 =	vand.u32 $0x7F, v16;
	v6 =	vand.u32 $0xFFFFFF00, v19;
	v19 =	vshll.u32 v20, $0x1;
	v13 =	vld.idx.msk [tilespmem:v13+s21+$0x0], $0xffff  }
0x264: {  	s11 =	sand.u32 $0x40, s15;
	s25 =	sand.u32 $0x1F80, s15;
	v12 =	vld.idx.msk [tilespmem:v12+s21+$0x0], $0xffff;
	v20 =	vand.u32 $0x7F, v20;
	v19 =	vand.u32 $0xFFFFFF00, v19;
	v23 =	vor.u32 v16, v6  }
0x265: {  	s13 =	sor.u32 $0x30, s11;
	s4 =	sadd.s32 $0xBC00, s25;
	v16 =	vand.u32 $0x7F, v14;
	v6 =	vcvt.s32.f32 v10;
	v10 =	vcvt.s32.f32 v14  }
0x266: {  	s6 =	sor.u32 s13, s4;
	v14 =	vtrunc.f32 v3;
	v19 =	vor.u32 v20, v19;
	v20 =	vor.u32 v22, v17  }
0x267: {  	v17 =	vcvt.s32.f32 v4;
	v4 =	vld [tilespmem:s6+$0x0];
	v6 =	vsub.f32 v5, v6;
	v5 =	vsub.f32 v7, v10  }
0x268: {  	s12 =	sor.u32 $0x10, s11;
	v7 =	vcvt.f32.s32 v14;
	v10 =	vsub.f32 v9, v11;
	v11 =	vsub.f32 v13, v15  }
0x269: {  	s14 =	sor.u32 $0x20, s11;
	s16 =	sor.u32 s12, s4;
	v22 =	vor.u32 v16, v18;
	v13 =	vsub.f32 v8, v17;
	v12 =	vsub.f32 v12, v21  }
0x26a: {  	s4 =	sor.u32 s14, s4;
	v8 =	vld [tilespmem:s16+$0x0];
	v14 =	vsub.s32 v7, v0;
	v16 =	vand.u32 $0x7F, v7;
	v10 =	vmul.f32 v11, v10  }
0x26b: {  	v9 =	vld [tilespmem:s4+$0x0];
	v11 =	vshll.u32 v14, $0x1;
	v14 =	vadd.s32 $0x1, v14;
	v12 =	vmul.f32 v12, v13  }
0x26c: {  	v13 =	vtrunc.f32 v4;
	v11 =	vand.u32 $0xFFFFFF00, v11;
	v18 =	vand.u32 $0x7F, v14  }
0x26d: {  	v14 =	vshll.u32 v14, $0x1;
	v13 =	vcvt.f32.s32 v13;
	v10 =	vadd.f32 v10, v15  }
0x26e: {  	v63 =	vadd.f32 v12, v21;
	v17 =	vor.u32 v16, v11;
	v12 =	vand.u32 $0xFFFFFF00, v14  }
0x26f: {  	v11 =	vtrunc.f32 v8;
	v18 =	vor.u32 v18, v12;
	v12 =	vsub.s32 v13, v0  }
0x270: {  	s4 =	sand.u32 $0x3F00, s30;
	v14 =	vld.idx.msk [tilespmem:v19+s21+$0x0], $0xffff;
	v19 =	vand.u32 $0x7F, v13;
	v15 =	vcvt.f32.s32 v11;
	v11 =	vtrunc.f32 v9  }
0x271: {  	s26 =	sadd.s32 $0x8600, s4;
	v16 =	vcvt.f32.s32 v11;
	v11 =	vld.idx.msk [tilespmem:v23+s21+$0x0], $0xffff;
	v23 =	vshll.u32 v12, $0x1;
	v12 =	vadd.s32 $0x1, v12  }
0x272: {  	s28 =	sor.u32 s3, s26;
	v21 =	vsub.s32 v15, v0;
	v23 =	vand.u32 $0xFFFFFF00, v23;
	v25 =	vshll.u32 v12, $0x1  }
0x273: {  	s19 =	simm.s32 $0xBC80;
	s18 =	sor.u32 s0, s26;
	[tilespmem:s28+$0x0] =	vst v10;
	v10 =	vld.idx.msk [tilespmem:v20+s21+$0x0], $0xffff;
	v20 =	vand.u32 $0x7F, v12;
	v19 =	vor.u32 v19, v23;
	v25 =	vand.u32 $0xFFFFFF00, v25  }
0x274: {  	s17 =	sor.u32 s31, s26;
	s16 =	sor.u32 s1, s26;
	[tilespmem:s18+$0x0] =	vst v63;
	s18 =	simm.s32 $0x0;
	v12 =	vld.idx.msk [tilespmem:v22+s21+$0x0], $0xffff;
	v22 =	vadd.s32 $0x1, v21;
	v23 =	vsub.s32 v16, v0;
	v20 =	vor.u32 v20, v25  }
.LBB2_16:
0x275: {  	v24 =	vld [tilespmem:s19+$0x0];
	v21 =	vshll.u32 v21, $0x1;
	v25 =	vshll.u32 v22, $0x1;
	v26 =	vadd.s32 $0x1, v23  }
0x276: {  	v23 =	vshll.u32 v23, $0x1;
	v17 =	vld.idx.msk [tilespmem:v17+s21+$0x0], $0xffff;
	v25 =	vand.u32 $0xFFFFFF00, v25;
	v27 =	vshll.u32 v26, $0x1  }
0x277: {  	v22 =	vand.u32 $0x7F, v22;
	v21 =	vand.u32 $0xFFFFFF00, v21;
	v18 =	vld.idx.msk [tilespmem:v18+s21+$0x0], $0xffff;
	v27 =	vand.u32 $0xFFFFFF00, v27  }
0x278: {  	v28 =	vand.u32 $0x7F, v15;
	v23 =	vand.u32 $0xFFFFFF00, v23;
	v26 =	vand.u32 $0x7F, v26;
	v19 =	vld.idx.msk [tilespmem:v19+s21+$0x0], $0xffff  }
0x279: {  	v22 =	vor.u32 v22, v25;
	v25 =	vand.u32 $0x7F, v16;
	v26 =	vor.u32 v26, v27;
	v20 =	vld.idx.msk [tilespmem:v20+s21+$0x0], $0xffff  }
0x27a: {  	v15 =	vcvt.s32.f32 v15;
	v21 =	vor.u32 v28, v21;
	v23 =	vor.u32 v25, v23  }
0x27b: {  	s15 =	sadd.s32 $0x40, s15;
	v11 =	vsub.f32 v11, v10;
	v14 =	vsub.f32 v14, v12;
	v16 =	vcvt.s32.f32 v16  }
0x27c: {  	v7 =	vcvt.s32.f32 v7;
	s6 =	sand.u32 $0x40, s15;
	s22 =	sand.u32 $0x1F80, s15;
	p0 =	slt.u32 s15, $0x1AC0;
	v8 =	vsub.f32 v8, v15;
	v25 =	vtrunc.f32 v24  }
0x27d: {  	v13 =	vcvt.s32.f32 v13;
	s24 =	sor.u32 $0x10, s6;
	s22 =	sadd.s32 $0xBC00, s22;
	s23 =	sor.u32 $0x30, s6;
	v15 =	vmul.f32 v11, v6;
	v9 =	vsub.f32 v9, v16  }
0x27e: {  	s26 =	sor.u32 $0x20, s6;
	s25 =	sor.u32 s24, s22;
	s28 =	sor.u32 s23, s22;
	v16 =	vsub.f32 v3, v7;
	v18 =	vsub.f32 v18, v17;
	v11 =	vld.idx.msk [tilespmem:v22+s21+$0x0], $0xffff;
	v22 =	vmul.f32 v14, v5  }
0x27f: {  	v13 =	vsub.f32 v4, v13;
	s22 =	sor.u32 s26, s22;
	v6 =	vmovc v8;
	v3 =	vmovc v24;
	v7 =	vcvt.f32.s32 v25;
	v14 =	vsub.f32 v20, v19;
	v4 =	vld [tilespmem:s28+$0x0]  }
0x280: {  	v10 =	vadd.f32 v15, v10;
	v5 =	vmov v9;
	v8 =	vld [tilespmem:s25+$0x0];
	v12 =	vadd.f32 v22, v12  }
0x281: {  	s18 =	sadd.s32 $0x80, s18;
	v15 =	vsub.s32 v7, v0;
	v20 =	vand.u32 $0x7F, v7;
	v13 =	vmul.f32 v14, v13;
	v9 =	vld [tilespmem:s22+$0x0]  }
0x282: {  	v16 =	vmul.f32 v18, v16;
	v22 =	vshll.u32 v15, $0x1;
	v15 =	vadd.s32 $0x1, v15;
	s22 =	sand.u32 $0x3F00, s18;
	v14 =	vld.idx.msk [tilespmem:v26+s21+$0x0], $0xffff;
	[tilespmem:s17+$0x0] =	vst v10  }
0x283: {  	v18 =	vand.u32 $0xFFFFFF00, v22;
	v22 =	vand.u32 $0x7F, v15;
	s22 =	sadd.s32 $0x8600, s22;
	v19 =	vadd.f32 v13, v19;
	v10 =	vld.idx.msk [tilespmem:v21+s21+$0x0], $0xffff;
	[tilespmem:s16+$0x0] =	vst v12  }
0x284: {  	v16 =	vadd.f32 v16, v17;
	v15 =	vshll.u32 v15, $0x1;
	s17 =	sor.u32 s12, s22;
	s16 =	sor.u32 s14, s22;
	s12 =	sor.u32 s13, s22;
	v13 =	vtrunc.f32 v4;
	v12 =	vld.idx.msk [tilespmem:v23+s21+$0x0], $0xffff  }
0x285: {  	v17 =	vor.u32 v20, v18;
	s13 =	sor.u32 s11, s22;
	s11 =	smov.u32 s6;
	v18 =	vtrunc.f32 v8;
	v13 =	vcvt.f32.s32 v13;
	[tilespmem:s12+$0x0] =	vst v19;
	s12 =	smov.u32 s24  }
0x286: {  	s14 =	smov.u32 s26;
	v19 =	vand.u32 $0xFFFFFF00, v15;
	v15 =	vcvt.f32.s32 v18;
	v20 =	vtrunc.f32 v9;
	[tilespmem:s13+$0x0] =	vst v16;
	s13 =	smov.u32 s23  }
.Ltmp7:
0x287: {  	v18 =	vor.u32 v22, v19;
	v16 =	vcvt.f32.s32 v20;
	v19 =	vsub.s32 v13, v0;
	(pc) =	sbr.rel @p0 .LBB2_16-.Ltmp7, $4  }
0x288: {  	v21 =	vsub.s32 v15, v0;
	v20 =	vshll.u32 v19, $0x1;
	v22 =	vadd.s32 $0x1, v19  }
0x289: {  	v19 =	vand.u32 $0x7F, v13;
	v20 =	vand.u32 $0xFFFFFF00, v20;
	v23 =	vshll.u32 v22, $0x1  }
0x28a: {  	v19 =	vor.u32 v19, v20;
	v20 =	vand.u32 $0x7F, v22;
	v24 =	vand.u32 $0xFFFFFF00, v23  }
0x28b: {  	s19 =	sadd.s32 $0x40, s19;
	v22 =	vadd.s32 $0x1, v21;
	v23 =	vsub.s32 v16, v0;
	v20 =	vor.u32 v20, v24  }
0x28c: {  	v24 =	vshll.u32 v22, $0x1  }
0x28d: {  	v21 =	vshll.u32 v21, $0x1;
	v25 =	vadd.s32 $0x1, v23;
	v23 =	vshll.u32 v23, $0x1  }
0x28e: {  	v22 =	vand.u32 $0x7F, v22;
	v24 =	vand.u32 $0xFFFFFF00, v24;
	v26 =	vshll.u32 v25, $0x1  }
0x28f: {  	v25 =	vand.u32 $0x7F, v25;
	v26 =	vand.u32 $0xFFFFFF00, v26;
	v22 =	vor.u32 v22, v24  }
0x290: {  	v17 =	vld.idx.msk [tilespmem:v17+s21+$0x0], $0xffff;
	v21 =	vand.u32 $0xFFFFFF00, v21;
	v24 =	vand.u32 $0x7F, v15;
	v25 =	vor.u32 v25, v26  }
0x291: {  	v18 =	vld.idx.msk [tilespmem:v18+s21+$0x0], $0xffff;
	v23 =	vand.u32 $0xFFFFFF00, v23;
	v26 =	vand.u32 $0x7F, v16;
	v21 =	vor.u32 v24, v21  }
0x292: {  	v19 =	vld.idx.msk [tilespmem:v19+s21+$0x0], $0xffff;
	v23 =	vor.u32 v26, v23  }
0x293: {  	v20 =	vld.idx.msk [tilespmem:v20+s21+$0x0], $0xffff  }
0x294: {  	v22 =	vld.idx.msk [tilespmem:v22+s21+$0x0], $0xffff  }
0x295: {  	v24 =	vld.idx.msk [tilespmem:v25+s21+$0x0], $0xffff  }
0x296: {  	v11 =	vsub.f32 v11, v10;
	v13 =	vcvt.s32.f32 v13;
	v7 =	vcvt.s32.f32 v7;
	v21 =	vld.idx.msk [tilespmem:v21+s21+$0x0], $0xffff  }
0x297: {  	v14 =	vsub.f32 v14, v12;
	v15 =	vcvt.s32.f32 v15;
	v23 =	vld.idx.msk [tilespmem:v23+s21+$0x0], $0xffff  }
0x298: {  	v6 =	vmul.f32 v11, v6;
	v4 =	vsub.f32 v4, v13;
	v3 =	vsub.f32 v3, v7  }
0x299: {  	v5 =	vmul.f32 v14, v5;
	v8 =	vsub.f32 v8, v15;
	v11 =	vsub.f32 v20, v19  }
0x29a: {  	v16 =	vcvt.s32.f32 v16;
	v6 =	vadd.f32 v6, v10;
	v7 =	vsub.f32 v18, v17  }
0x29b: {  	s6 =	sadd.s32 $0x80, s18;
	v5 =	vadd.f32 v5, v12;
	v4 =	vmul.f32 v11, v4;
	v10 =	vsub.f32 v22, v21  }
0x29c: {  	s6 =	sand.u32 $0x3F00, s6;
	v9 =	vsub.f32 v9, v16;
	v3 =	vmul.f32 v7, v3;
	v7 =	vsub.f32 v24, v23  }
0x29d: {  	s6 =	sadd.s32 $0x8600, s6;
	[tilespmem:s17+$0x0] =	vst v6;
	v4 =	vadd.f32 v4, v19;
	v6 =	vmul.f32 v10, v8  }
0x29e: {  	s13 =	sor.u32 s13, s6;
	[tilespmem:s16+$0x0] =	vst v5;
	v3 =	vadd.f32 v3, v17;
	v5 =	vmul.f32 v7, v9  }
0x29f: {  	s11 =	sor.u32 s11, s6;
	[tilespmem:s13+$0x0] =	vst v4;
	v4 =	vadd.f32 v6, v21  }
0x2a0: {  	s12 =	sor.u32 s12, s6;
	[tilespmem:s11+$0x0] =	vst v3;
	v3 =	vadd.f32 v5, v23  }
0x2a1: {  	s6 =	sor.u32 s14, s6;
	[tilespmem:s12+$0x0] =	vst v4  }
0x2a2: {  	[tilespmem:s6+$0x0] =	vst v3  }
0x2a3: {  	v3 =	vld [tilespmem:s7+$0x0]  }
0x2a4: {  	v4 =	vld [tilespmem:s9+$0x0];
	_ =	sdelay $0x4  }
0x2a5: {  	v5 =	vtrunc.f32 v3;
	v10 =	vtrunc.f32 v4  }
0x2a6: {  	v5 =	vcvt.f32.s32 v5;
	v10 =	vcvt.f32.s32 v10;
	_ =	sdelay $0x1  }
0x2a7: {  	v6 =	vld [tilespmem:s10+$0x0];
	v7 =	vsub.s32 v5, v0;
	v8 =	vand.u32 $0x7F, v5;
	v13 =	vsub.s32 v10, v0  }
0x2a8: {  	v11 =	vld [tilespmem:s8+$0x0];
	v15 =	vand.u32 $0x7F, v10;
	v5 =	vcvt.s32.f32 v5;
	v9 =	vshll.u32 v7, $0x1  }
0x2a9: {  	v7 =	vadd.s32 $0x1, v7;
	v14 =	vshll.u32 v13, $0x1;
	v13 =	vadd.s32 $0x1, v13  }
0x2aa: {  	v9 =	vand.u32 $0xFFFFFF00, v9;
	v12 =	vand.u32 $0x7F, v7;
	v7 =	vshll.u32 v7, $0x1  }
0x2ab: {  	v14 =	vand.u32 $0xFFFFFF00, v14;
	v16 =	vshll.u32 v13, $0x1;
	v13 =	vand.u32 $0x7F, v13  }
0x2ac: {  	v8 =	vor.u32 v9, v8;
	v9 =	vtrunc.f32 v6;
	v14 =	vor.u32 v14, v15  }
0x2ad: {  	v15 =	vand.u32 $0xFFFFFF00, v16;
	v16 =	vtrunc.f32 v11;
	v7 =	vand.u32 $0xFFFFFF00, v7  }
0x2ae: {  	v8 =	vor.u32 $0x80, v8;
	v9 =	vcvt.f32.s32 v9;
	v14 =	vor.u32 $0x80, v14  }
0x2af: {  	v13 =	vor.u32 v15, v13;
	v15 =	vcvt.f32.s32 v16;
	v7 =	vor.u32 v7, v12  }
0x2b0: {  	v5 =	vsub.f32 v3, v5;
	v13 =	vor.u32 $0x80, v13;
	v7 =	vor.u32 $0x80, v7  }
0x2b1: {  	v12 =	vsub.s32 v9, v0;
	v16 =	vsub.s32 v15, v0;
	v20 =	vand.u32 $0x7F, v9  }
0x2b2: {  	v21 =	vld [tilespmem:s5+$0x0];
	v22 =	vand.u32 $0x7F, v15;
	v9 =	vcvt.s32.f32 v9;
	v17 =	vadd.s32 $0x1, v12  }
0x2b3: {  	v3 =	vadd.s32 $0x1, v16;
	v16 =	vshll.u32 v16, $0x1;
	v18 =	vshll.u32 v17, $0x1;
	v19 =	vld.idx.msk [tilespmem:v8+s21+$0x0], $0xffff  }
0x2b4: {  	v17 =	vand.u32 $0x7F, v17;
	v16 =	vand.u32 $0xFFFFFF00, v16;
	v8 =	vshll.u32 v12, $0x1;
	v14 =	vld.idx.msk [tilespmem:v14+s21+$0x0], $0xffff  }
0x2b5: {  	v12 =	vshll.u32 v3, $0x1;
	v18 =	vand.u32 $0xFFFFFF00, v18;
	v3 =	vand.u32 $0x7F, v3;
	v13 =	vld.idx.msk [tilespmem:v13+s21+$0x0], $0xffff  }
0x2b6: {  	v16 =	vor.u32 v16, v22;
	v12 =	vand.u32 $0xFFFFFF00, v12;
	v8 =	vand.u32 $0xFFFFFF00, v8;
	v7 =	vld.idx.msk [tilespmem:v7+s21+$0x0], $0xffff  }
0x2b7: {  	s10 =	simm.s32 $0x40;
	v17 =	vor.u32 v18, v17;
	v8 =	vor.u32 v8, v20;
	v3 =	vor.u32 v12, v3  }
0x2b8: {  	s5 =	sand.u32 $0x40, s10;
	s25 =	sand.u32 $0x1F80, s10;
	v12 =	vor.u32 $0x80, v17;
	v17 =	vor.u32 $0x80, v3;
	v3 =	vcvt.s32.f32 v10  }
0x2b9: {  	s6 =	sadd.s32 $0xBC00, s25;
	s8 =	sor.u32 $0x30, s5;
	v10 =	vor.u32 $0x80, v8;
	v8 =	vcvt.s32.f32 v15;
	v15 =	vtrunc.f32 v21  }
0x2ba: {  	s26 =	sor.u32 s8, s6;
	v15 =	vcvt.f32.s32 v15;
	v18 =	vsub.f32 v4, v3;
	v4 =	vsub.f32 v6, v9  }
0x2bb: {  	s7 =	sor.u32 $0x10, s5;
	v20 =	vor.u32 $0x80, v16;
	v6 =	vld [tilespmem:s26+$0x0];
	v13 =	vsub.f32 v13, v14;
	v16 =	vsub.f32 v7, v19  }
0x2bc: {  	s9 =	sor.u32 $0x20, s5;
	s28 =	sor.u32 s7, s6;
	v3 =	vsub.f32 v11, v8;
	v11 =	vcvt.s32.f32 v15  }
0x2bd: {  	s6 =	sor.u32 s9, s6;
	v7 =	vld [tilespmem:s28+$0x0];
	v9 =	vmul.f32 v13, v18;
	v13 =	vsub.s32 v15, v0;
	v16 =	vmul.f32 v16, v5  }
0x2be: {  	v8 =	vld [tilespmem:s6+$0x0];
	v15 =	vand.u32 $0x7F, v15;
	v5 =	vsub.f32 v21, v11;
	v18 =	vshll.u32 v13, $0x1  }
0x2bf: {  	v22 =	vadd.f32 v9, v14;
	v9 =	vadd.s32 $0x1, v13;
	v19 =	vadd.f32 v16, v19  }
0x2c0: {  	v11 =	vand.u32 $0xFFFFFF00, v18;
	v14 =	vtrunc.f32 v6;
	v13 =	vand.u32 $0x7F, v9  }
0x2c1: {  	v9 =	vshll.u32 v9, $0x1;
	v11 =	vor.u32 v11, v15;
	v14 =	vcvt.f32.s32 v14  }
0x2c2: {  	v9 =	vand.u32 $0xFFFFFF00, v9;
	v18 =	vor.u32 $0x80, v11;
	v11 =	vtrunc.f32 v7  }
0x2c3: {  	v9 =	vor.u32 v9, v13;
	v16 =	vcvt.f32.s32 v11;
	v11 =	vtrunc.f32 v8  }
0x2c4: {  	v24 =	vand.u32 $0x7F, v14;
	v21 =	vor.u32 $0x80, v9;
	v9 =	vsub.s32 v14, v0  }
0x2c5: {  	v15 =	vcvt.f32.s32 v11;
	v11 =	vshll.u32 v9, $0x1;
	v23 =	vadd.s32 $0x1, v9  }
0x2c6: {  	s4 =	sadd.s32 $0x8680, s4;
	v13 =	vsub.s32 v16, v0;
	v11 =	vand.u32 $0xFFFFFF00, v11;
	v25 =	vshll.u32 v23, $0x1  }
0x2c7: {  	s0 =	sor.u32 s0, s4;
	v9 =	vld.idx.msk [tilespmem:v12+s21+$0x0], $0xffff;
	v23 =	vand.u32 $0x7F, v23;
	v12 =	vor.u32 v11, v24;
	v24 =	vand.u32 $0xFFFFFF00, v25  }
0x2c8: {  	v10 =	vld.idx.msk [tilespmem:v10+s21+$0x0], $0xffff;
	[tilespmem:s0+$0x0] =	vst v19;
	v19 =	vand.u32 $0x7F, v16;
	v25 =	vor.u32 $0x80, v12;
	v12 =	vor.u32 v24, v23  }
0x2c9: {  	v11 =	vld.idx.msk [tilespmem:v17+s21+$0x0], $0xffff;
	v17 =	vsub.s32 v15, v0;
	v23 =	vadd.s32 $0x1, v13;
	v26 =	vor.u32 $0x80, v12  }
0x2ca: {  	v24 =	vadd.s32 $0x1, v17;
	v17 =	vshll.u32 v17, $0x1;
	v12 =	vld.idx.msk [tilespmem:v20+s21+$0x0], $0xffff;
	v20 =	vshll.u32 v13, $0x1  }
0x2cb: {  	v27 =	vshll.u32 v23, $0x1;
	v28 =	vshll.u32 v24, $0x1;
	v13 =	vld.idx.msk [tilespmem:v18+s21+$0x0], $0xffff;
	v23 =	vand.u32 $0x7F, v23  }
0x2cc: {  	s3 =	sor.u32 s3, s4;
	v18 =	vld.idx.msk [tilespmem:v21+s21+$0x0], $0xffff;
	v21 =	vand.u32 $0x7F, v15;
	v29 =	vand.u32 $0x7F, v24;
	v27 =	vand.u32 $0xFFFFFF00, v27  }
0x2cd: {  	[tilespmem:s3+$0x0] =	vst v22;
	v28 =	vand.u32 $0xFFFFFF00, v28;
	v22 =	vand.u32 $0xFFFFFF00, v20;
	v20 =	vand.u32 $0xFFFFFF00, v17;
	v17 =	vld.idx.msk [tilespmem:v25+s21+$0x0], $0xffff  }
0x2ce: {  	s3 =	sor.u32 s31, s4;
	s0 =	sor.u32 s1, s4;
	s1 =	simm.s32 $0xBC80;
	v22 =	vor.u32 v22, v19;
	v24 =	vor.u32 v27, v23;
	v23 =	vor.u32 v28, v29;
	v19 =	vld.idx.msk [tilespmem:v26+s21+$0x0], $0xffff  }
.LBB2_18:
0x2cf: {  	v25 =	vld [tilespmem:s1+$0x0];
	v24 =	vor.u32 $0x80, v24;
	v20 =	vor.u32 v20, v21;
	v21 =	vor.u32 $0x80, v23  }
0x2d0: {  	v16 =	vcvt.s32.f32 v16;
	v22 =	vor.u32 $0x80, v22;
	v20 =	vor.u32 $0x80, v20  }
0x2d1: {  	v15 =	vcvt.s32.f32 v15;
	v9 =	vsub.f32 v9, v10;
	v11 =	vsub.f32 v11, v12  }
0x2d2: {  	s10 =	sadd.s32 $0x40, s10;
	v14 =	vcvt.s32.f32 v14;
	v18 =	vsub.f32 v18, v13;
	v7 =	vsub.f32 v7, v16  }
0x2d3: {  	s4 =	sand.u32 $0x40, s10;
	s6 =	sand.u32 $0x1F80, s10;
	p0 =	slt.u32 s10, $0x1AC0;
	v16 =	vmul.f32 v9, v4;
	v23 =	vmul.f32 v11, v3;
	v3 =	vsub.f32 v8, v15  }
0x2d4: {  	s11 =	sor.u32 $0x10, s4;
	s6 =	sadd.s32 $0xBC00, s6;
	s12 =	sor.u32 $0x30, s4;
	v14 =	vsub.f32 v6, v14;
	v15 =	vsub.f32 v19, v17;
	v4 =	vmovc v7;
	v8 =	vtrunc.f32 v25;
	v9 =	vld.idx.msk [tilespmem:v24+s21+$0x0], $0xffff  }
0x2d5: {  	s14 =	sor.u32 $0x20, s4;
	s13 =	sor.u32 s11, s6;
	s15 =	sor.u32 s12, s6;
	v10 =	vadd.f32 v16, v10;
	v12 =	vadd.f32 v23, v12;
	v8 =	vcvt.f32.s32 v8;
	v11 =	vld.idx.msk [tilespmem:v21+s21+$0x0], $0xffff  }
0x2d6: {  	s30 =	sadd.s32 $0x80, s30;
	s6 =	sor.u32 s14, s6;
	v14 =	vmul.f32 v15, v14;
	v6 =	vld [tilespmem:s15+$0x0]  }
0x2d7: {  	v18 =	vmul.f32 v18, v5;
	v15 =	vcvt.s32.f32 v8;
	v16 =	vsub.s32 v8, v0;
	v7 =	vld [tilespmem:s13+$0x0];
	s13 =	sand.u32 $0x3F00, s30;
	[tilespmem:s3+$0x0] =	vst v10  }
0x2d8: {  	v19 =	vand.u32 $0x7F, v8;
	v14 =	vadd.f32 v14, v17;
	v21 =	vshll.u32 v16, $0x1;
	v8 =	vld [tilespmem:s6+$0x0];
	s6 =	sadd.s32 $0x8680, s13;
	[tilespmem:s0+$0x0] =	vst v12  }
0x2d9: {  	v13 =	vadd.f32 v18, v13;
	v12 =	vadd.s32 $0x1, v16;
	v5 =	vsub.f32 v25, v15;
	v10 =	vld.idx.msk [tilespmem:v22+s21+$0x0], $0xffff;
	s3 =	sor.u32 s7, s6;
	s0 =	sor.u32 s9, s6;
	s7 =	sor.u32 s8, s6  }
0x2da: {  	v15 =	vand.u32 $0xFFFFFF00, v21;
	v16 =	vand.u32 $0x7F, v12;
	v17 =	vshll.u32 v12, $0x1;
	s6 =	sor.u32 s5, s6;
	s5 =	smov.u32 s4;
	v12 =	vld.idx.msk [tilespmem:v20+s21+$0x0], $0xffff;
	[tilespmem:s7+$0x0] =	vst v14;
	s7 =	smov.u32 s11  }
0x2db: {  	s8 =	smov.u32 s12;
	s9 =	smov.u32 s14;
	v14 =	vor.u32 v15, v19;
	v15 =	vand.u32 $0xFFFFFF00, v17;
	v17 =	vtrunc.f32 v6;
	[tilespmem:s6+$0x0] =	vst v13  }
0x2dc: {  	v13 =	vor.u32 $0x80, v14;
	v18 =	vtrunc.f32 v7;
	v14 =	vcvt.f32.s32 v17  }
0x2dd: {  	v15 =	vor.u32 v15, v16;
	v16 =	vcvt.f32.s32 v18;
	v17 =	vtrunc.f32 v8  }
0x2de: {  	v18 =	vor.u32 $0x80, v15;
	v15 =	vcvt.f32.s32 v17;
	v17 =	vsub.s32 v14, v0  }
0x2df: {  	v19 =	vsub.s32 v16, v0;
	v20 =	vshll.u32 v17, $0x1;
	v17 =	vadd.s32 $0x1, v17  }
0x2e0: {  	v21 =	vand.u32 $0x7F, v14;
	v20 =	vand.u32 $0xFFFFFF00, v20;
	v22 =	vshll.u32 v17, $0x1  }
0x2e1: {  	v17 =	vand.u32 $0x7F, v17;
	v20 =	vor.u32 v20, v21;
	v21 =	vand.u32 $0xFFFFFF00, v22  }
0x2e2: {  	v22 =	vsub.s32 v15, v0;
	v23 =	vor.u32 $0x80, v20;
	v17 =	vor.u32 v21, v17  }
0x2e3: {  	v20 =	vadd.s32 $0x1, v19;
	v24 =	vadd.s32 $0x1, v22;
	v25 =	vor.u32 $0x80, v17  }
.Ltmp8:
0x2e4: {  	v17 =	vshll.u32 v19, $0x1;
	v19 =	vshll.u32 v20, $0x1;
	v21 =	vshll.u32 v24, $0x1;
	(pc) =	sbr.rel @p0 .LBB2_18-.Ltmp8, $4  }
0x2e5: {  	v22 =	vshll.u32 v22, $0x1;
	v19 =	vand.u32 $0xFFFFFF00, v19;
	v26 =	vand.u32 $0xFFFFFF00, v21;
	v13 =	vld.idx.msk [tilespmem:v13+s21+$0x0], $0xffff  }
0x2e6: {  	v28 =	vand.u32 $0x7F, v20;
	v20 =	vand.u32 $0xFFFFFF00, v22;
	v27 =	vand.u32 $0xFFFFFF00, v17;
	v18 =	vld.idx.msk [tilespmem:v18+s21+$0x0], $0xffff  }
0x2e7: {  	v22 =	vand.u32 $0x7F, v16;
	v29 =	vand.u32 $0x7F, v24;
	v21 =	vand.u32 $0x7F, v15;
	v17 =	vld.idx.msk [tilespmem:v23+s21+$0x0], $0xffff  }
0x2e8: {  	s1 =	sadd.s32 $0x40, s1;
	v22 =	vor.u32 v27, v22;
	v24 =	vor.u32 v19, v28;
	v23 =	vor.u32 v26, v29;
	v19 =	vld.idx.msk [tilespmem:v25+s21+$0x0], $0xffff  }
0x2e9: {  	v24 =	vor.u32 $0x80, v24  }
0x2ea: {  	v23 =	vor.u32 $0x80, v23  }
0x2eb: {  	v20 =	vor.u32 v20, v21;
	v21 =	vor.u32 $0x80, v22  }
0x2ec: {  	v20 =	vor.u32 $0x80, v20;
	_ =	sdelay $0x1  }
0x2ed: {  	v22 =	vld.idx.msk [tilespmem:v24+s21+$0x0], $0xffff  }
0x2ee: {  	v23 =	vld.idx.msk [tilespmem:v23+s21+$0x0], $0xffff  }
0x2ef: {  	v21 =	vld.idx.msk [tilespmem:v21+s21+$0x0], $0xffff  }
0x2f0: {  	v16 =	vcvt.s32.f32 v16;
	v9 =	vsub.f32 v9, v10;
	v14 =	vcvt.s32.f32 v14;
	v20 =	vld.idx.msk [tilespmem:v20+s21+$0x0], $0xffff  }
0x2f1: {  	v15 =	vcvt.s32.f32 v15;
	v11 =	vsub.f32 v11, v12;
	v18 =	vsub.f32 v18, v13  }
0x2f2: {  	v4 =	vmul.f32 v9, v4;
	v6 =	vsub.f32 v6, v14;
	v9 =	vsub.f32 v19, v17  }
0x2f3: {  	v7 =	vsub.f32 v7, v16;
	v8 =	vsub.f32 v8, v15;
	v3 =	vmul.f32 v11, v3  }
0x2f4: {  	s1 =	sadd.s32 $0x80, s30;
	v4 =	vadd.f32 v4, v10;
	v6 =	vmul.f32 v9, v6;
	v9 =	vsub.f32 v22, v21  }
0x2f5: {  	s1 =	sand.u32 $0x3F00, s1;
	v3 =	vadd.f32 v3, v12;
	v5 =	vmul.f32 v18, v5;
	v10 =	vsub.f32 v23, v20  }
0x2f6: {  	s1 =	sadd.s32 $0x8680, s1;
	[tilespmem:s3+$0x0] =	vst v4;
	v4 =	vadd.f32 v6, v17;
	v6 =	vmul.f32 v9, v7  }
0x2f7: {  	s15 =	sor.u32 s8, s1;
	[tilespmem:s0+$0x0] =	vst v3;
	v3 =	vadd.f32 v5, v13;
	v5 =	vmul.f32 v10, v8  }
0x2f8: {  	s16 =	sor.u32 s5, s1;
	[tilespmem:s15+$0x0] =	vst v4;
	v4 =	vadd.f32 v6, v21  }
0x2f9: {  	s17 =	sor.u32 s7, s1;
	[tilespmem:s16+$0x0] =	vst v3;
	v3 =	vadd.f32 v5, v20  }
0x2fa: {  	s1 =	sor.u32 s9, s1;
	[tilespmem:s17+$0x0] =	vst v4  }
0x2fb: {  	[tilespmem:s1+$0x0] =	vst v3  }
0x2fc: {  	s30 =	simm.s32 $0x0;
	s0 =	rddreg [dreg:$0xb]  }
0x2fd: {  	[tilespmem:s21], [sflag:$0x2] =	stream.linear.gather [hbm4b:s0+s30], $0x2800, $0x38;
	[tilespmem:$0xD700] =	vst v63  }
0x2fe: {  	s19 =	simm.s32 $0x8600;
	s22 =	simm.s32 $0x1;
	s18 =	rddreg [dreg:$0xc]  }
0x2ff: {  	[hbm4b:s18+s30] =	stream.linear.scatter [tilespmem:s19], [sflag:$0x4], $0x3600, $0x38;
	[tilespmem:$0xD700] =	vst v63  }
0x300: {  	_ =	swait.ge [sflag:s22], $0x2800  }
0x301: {  	[sflag:s22] =	ssyncset.done $0x0  }
0x302: {  	s23 =	simm.s32 $0x3;
	s3 =	simm.s32 $0x0;
	[sflag:s22] =	ssyncadd.s32 $0xFFFFD800  }
0x303: {  	s10 =	sand.u32 $0x40, s3;
	_ =	swait.ge [sflag:s23], $0x3600  }
0x304: {  	s24 =	sand.u32 $0x1F80, s3;
	s13 =	sor.u32 $0x30, s10;
	[sflag:s23] =	ssyncset.done $0x0  }
0x305: {  	s1 =	simm.s32 $0xBC00;
	s0 =	sadd.s32 $0xBC00, s24;
	[sflag:s23] =	ssyncadd.s32 $0xFFFFCA00  }
0x306: {  	s11 =	sor.u32 $0x10, s10;
	s12 =	sor.u32 $0x20, s10;
	s4 =	sor.u32 s13, s0;
	v8 =	vld [tilespmem:s1+$0x0]  }
0x307: {  	s25 =	sor.u32 s11, s0;
	s0 =	sor.u32 s12, s0;
	v9 =	vld [tilespmem:s4+$0x0]  }
0x308: {  	v7 =	vld [tilespmem:s0+$0x0];
	_ =	sdelay $0x3  }
0x309: {  	v3 =	vtrunc.f32 v8  }
0x30a: {  	v11 =	vtrunc.f32 v9;
	v14 =	vtrunc.f32 v7  }
0x30b: {  	v4 =	vcvt.f32.s32 v3;
	v11 =	vcvt.f32.s32 v11  }
0x30c: {  	v14 =	vcvt.f32.s32 v14  }
0x30d: {  	v5 =	vld [tilespmem:s25+$0x0];
	v3 =	vsub.s32 v4, v0;
	v6 =	vand.u32 $0x7F, v4;
	v13 =	vsub.s32 v11, v0  }
0x30e: {  	v16 =	vand.u32 $0x7F, v11;
	v10 =	vshll.u32 v3, $0x1;
	v3 =	vadd.s32 $0x1, v3  }
0x30f: {  	v15 =	vshll.u32 v13, $0x1;
	v13 =	vadd.s32 $0x1, v13;
	v10 =	vand.u32 $0xFFFFFF00, v10  }
0x310: {  	v12 =	vand.u32 $0x7F, v3;
	v3 =	vshll.u32 v3, $0x1;
	v15 =	vand.u32 $0xFFFFFF00, v15  }
0x311: {  	v17 =	vshll.u32 v13, $0x1;
	v13 =	vand.u32 $0x7F, v13;
	v6 =	vor.u32 v6, v10  }
0x312: {  	v10 =	vtrunc.f32 v5;
	v15 =	vor.u32 v16, v15;
	v16 =	vand.u32 $0xFFFFFF00, v17  }
0x313: {  	v3 =	vand.u32 $0xFFFFFF00, v3;
	v10 =	vcvt.f32.s32 v10;
	v13 =	vor.u32 v13, v16  }
0x314: {  	s0 =	simm.s32 $0xBC40;
	v18 =	vsub.s32 v14, v0;
	v11 =	vcvt.s32.f32 v11;
	v12 =	vor.u32 v12, v3  }
0x315: {  	v20 =	vadd.s32 $0x1, v18;
	v18 =	vshll.u32 v18, $0x1;
	v3 =	vld [tilespmem:s0+$0x0];
	v17 =	vsub.s32 v10, v0  }
0x316: {  	v18 =	vand.u32 $0xFFFFFF00, v18;
	v16 =	vadd.s32 $0x1, v17;
	v17 =	vshll.u32 v17, $0x1;
	v21 =	vld.idx.msk [tilespmem:v6+s30+$0x0], $0xffff  }
0x317: {  	v22 =	vand.u32 $0x7F, v10;
	v19 =	vshll.u32 v16, $0x1;
	v17 =	vand.u32 $0xFFFFFF00, v17;
	v15 =	vld.idx.msk [tilespmem:v15+s30+$0x0], $0xffff  }
0x318: {  	s9 =	simm.s32 $0x40;
	v16 =	vand.u32 $0x7F, v16;
	v6 =	vand.u32 $0xFFFFFF00, v19;
	v19 =	vshll.u32 v20, $0x1;
	v13 =	vld.idx.msk [tilespmem:v13+s30+$0x0], $0xffff  }
0x319: {  	s26 =	sand.u32 $0x1F80, s9;
	s4 =	sand.u32 $0x40, s9;
	v12 =	vld.idx.msk [tilespmem:v12+s30+$0x0], $0xffff;
	v20 =	vand.u32 $0x7F, v20;
	v19 =	vand.u32 $0xFFFFFF00, v19;
	v23 =	vor.u32 v16, v6  }
0x31a: {  	s6 =	sadd.s32 $0xBC00, s26;
	s5 =	sor.u32 $0x30, s4;
	v16 =	vand.u32 $0x7F, v14;
	v6 =	vcvt.s32.f32 v10;
	v10 =	vcvt.s32.f32 v14  }
0x31b: {  	s14 =	sor.u32 s5, s6;
	v14 =	vtrunc.f32 v3;
	v19 =	vor.u32 v20, v19;
	v20 =	vor.u32 v22, v17  }
0x31c: {  	v17 =	vcvt.s32.f32 v4;
	v4 =	vld [tilespmem:s14+$0x0];
	v6 =	vsub.f32 v5, v6;
	v5 =	vsub.f32 v7, v10  }
0x31d: {  	s7 =	sor.u32 $0x10, s4;
	v7 =	vcvt.f32.s32 v14;
	v10 =	vsub.f32 v9, v11;
	v11 =	vsub.f32 v13, v15  }
0x31e: {  	s8 =	sor.u32 $0x20, s4;
	s15 =	sor.u32 s7, s6;
	v22 =	vor.u32 v16, v18;
	v13 =	vsub.f32 v8, v17;
	v12 =	vsub.f32 v12, v21  }
0x31f: {  	s6 =	sor.u32 s8, s6;
	v8 =	vld [tilespmem:s15+$0x0];
	v14 =	vsub.s32 v7, v0;
	v16 =	vand.u32 $0x7F, v7;
	v10 =	vmul.f32 v11, v10  }
0x320: {  	v9 =	vld [tilespmem:s6+$0x0];
	v11 =	vshll.u32 v14, $0x1;
	v14 =	vadd.s32 $0x1, v14;
	v12 =	vmul.f32 v12, v13  }
0x321: {  	v13 =	vtrunc.f32 v4;
	v11 =	vand.u32 $0xFFFFFF00, v11;
	v18 =	vand.u32 $0x7F, v14  }
0x322: {  	v14 =	vshll.u32 v14, $0x1;
	v13 =	vcvt.f32.s32 v13;
	v10 =	vadd.f32 v10, v15  }
0x323: {  	v63 =	vadd.f32 v12, v21;
	v17 =	vor.u32 v16, v11;
	v12 =	vand.u32 $0xFFFFFF00, v14  }
0x324: {  	v11 =	vtrunc.f32 v8;
	v18 =	vor.u32 v18, v12;
	v12 =	vsub.s32 v13, v0  }
0x325: {  	s28 =	sand.u32 $0x3F00, s30;
	v14 =	vld.idx.msk [tilespmem:v19+s30+$0x0], $0xffff;
	v19 =	vand.u32 $0x7F, v13;
	v15 =	vcvt.f32.s32 v11;
	v11 =	vtrunc.f32 v9  }
0x326: {  	s6 =	sadd.s32 $0x5000, s28;
	v16 =	vcvt.f32.s32 v11;
	v11 =	vld.idx.msk [tilespmem:v23+s30+$0x0], $0xffff;
	v23 =	vshll.u32 v12, $0x1;
	v12 =	vadd.s32 $0x1, v12  }
0x327: {  	s13 =	sor.u32 s13, s6;
	v21 =	vsub.s32 v15, v0;
	v23 =	vand.u32 $0xFFFFFF00, v23;
	v25 =	vshll.u32 v12, $0x1  }
0x328: {  	s11 =	sor.u32 s11, s6;
	s31 =	sor.u32 s10, s6;
	[tilespmem:s13+$0x0] =	vst v10;
	v10 =	vld.idx.msk [tilespmem:v20+s30+$0x0], $0xffff;
	v20 =	vand.u32 $0x7F, v12;
	v19 =	vor.u32 v19, v23;
	v25 =	vand.u32 $0xFFFFFF00, v25  }
0x329: {  	s10 =	sor.u32 s12, s6;
	s12 =	simm.s32 $0x0;
	[tilespmem:s31+$0x0] =	vst v63;
	s13 =	simm.s32 $0xBC80;
	v12 =	vld.idx.msk [tilespmem:v22+s30+$0x0], $0xffff;
	v22 =	vadd.s32 $0x1, v21;
	v23 =	vsub.s32 v16, v0;
	v20 =	vor.u32 v20, v25  }
.LBB2_20:
0x32a: {  	v24 =	vld [tilespmem:s13+$0x0];
	v21 =	vshll.u32 v21, $0x1;
	v25 =	vshll.u32 v22, $0x1;
	v26 =	vadd.s32 $0x1, v23  }
0x32b: {  	v23 =	vshll.u32 v23, $0x1;
	v17 =	vld.idx.msk [tilespmem:v17+s30+$0x0], $0xffff;
	v25 =	vand.u32 $0xFFFFFF00, v25;
	v27 =	vshll.u32 v26, $0x1  }
0x32c: {  	v22 =	vand.u32 $0x7F, v22;
	v21 =	vand.u32 $0xFFFFFF00, v21;
	v18 =	vld.idx.msk [tilespmem:v18+s30+$0x0], $0xffff;
	v27 =	vand.u32 $0xFFFFFF00, v27  }
0x32d: {  	v28 =	vand.u32 $0x7F, v15;
	v23 =	vand.u32 $0xFFFFFF00, v23;
	v26 =	vand.u32 $0x7F, v26;
	v19 =	vld.idx.msk [tilespmem:v19+s30+$0x0], $0xffff  }
0x32e: {  	v22 =	vor.u32 v22, v25;
	v25 =	vand.u32 $0x7F, v16;
	v26 =	vor.u32 v26, v27;
	v20 =	vld.idx.msk [tilespmem:v20+s30+$0x0], $0xffff  }
0x32f: {  	v15 =	vcvt.s32.f32 v15;
	v21 =	vor.u32 v28, v21;
	v23 =	vor.u32 v25, v23  }
0x330: {  	s9 =	sadd.s32 $0x40, s9;
	v11 =	vsub.f32 v11, v10;
	v14 =	vsub.f32 v14, v12;
	v16 =	vcvt.s32.f32 v16  }
0x331: {  	v7 =	vcvt.s32.f32 v7;
	s6 =	sand.u32 $0x40, s9;
	s15 =	sand.u32 $0x1F80, s9;
	p0 =	slt.u32 s9, $0x1AC0;
	v8 =	vsub.f32 v8, v15;
	v25 =	vtrunc.f32 v24  }
0x332: {  	v13 =	vcvt.s32.f32 v13;
	s14 =	sor.u32 $0x10, s6;
	s16 =	sadd.s32 $0xBC00, s15;
	s15 =	sor.u32 $0x30, s6;
	v15 =	vmul.f32 v11, v6;
	v9 =	vsub.f32 v9, v16  }
0x333: {  	s18 =	sor.u32 $0x20, s6;
	s17 =	sor.u32 s14, s16;
	s19 =	sor.u32 s15, s16;
	v16 =	vsub.f32 v3, v7;
	v18 =	vsub.f32 v18, v17;
	v11 =	vld.idx.msk [tilespmem:v22+s30+$0x0], $0xffff;
	v22 =	vmul.f32 v14, v5  }
0x334: {  	v13 =	vsub.f32 v4, v13;
	s16 =	sor.u32 s18, s16;
	v6 =	vmovc v8;
	v3 =	vmovc v24;
	v7 =	vcvt.f32.s32 v25;
	v14 =	vsub.f32 v20, v19;
	v4 =	vld [tilespmem:s19+$0x0]  }
0x335: {  	v10 =	vadd.f32 v15, v10;
	v5 =	vmov v9;
	v8 =	vld [tilespmem:s17+$0x0];
	v12 =	vadd.f32 v22, v12  }
0x336: {  	s12 =	sadd.s32 $0x80, s12;
	v15 =	vsub.s32 v7, v0;
	v20 =	vand.u32 $0x7F, v7;
	v13 =	vmul.f32 v14, v13;
	v9 =	vld [tilespmem:s16+$0x0]  }
0x337: {  	v16 =	vmul.f32 v18, v16;
	v22 =	vshll.u32 v15, $0x1;
	v15 =	vadd.s32 $0x1, v15;
	s16 =	sand.u32 $0x3F00, s12;
	v14 =	vld.idx.msk [tilespmem:v26+s30+$0x0], $0xffff;
	[tilespmem:s11+$0x0] =	vst v10  }
0x338: {  	v18 =	vand.u32 $0xFFFFFF00, v22;
	v22 =	vand.u32 $0x7F, v15;
	s16 =	sadd.s32 $0x5000, s16;
	v19 =	vadd.f32 v13, v19;
	v10 =	vld.idx.msk [tilespmem:v21+s30+$0x0], $0xffff;
	[tilespmem:s10+$0x0] =	vst v12  }
0x339: {  	v16 =	vadd.f32 v16, v17;
	v15 =	vshll.u32 v15, $0x1;
	s11 =	sor.u32 s7, s16;
	s10 =	sor.u32 s8, s16;
	s5 =	sor.u32 s5, s16;
	v13 =	vtrunc.f32 v4;
	v12 =	vld.idx.msk [tilespmem:v23+s30+$0x0], $0xffff  }
0x33a: {  	v17 =	vor.u32 v20, v18;
	s7 =	sor.u32 s4, s16;
	s4 =	smov.u32 s6;
	v18 =	vtrunc.f32 v8;
	v13 =	vcvt.f32.s32 v13;
	[tilespmem:s5+$0x0] =	vst v19  }
0x33b: {  	s8 =	smov.u32 s18;
	v19 =	vand.u32 $0xFFFFFF00, v15;
	s5 =	smov.u32 s15;
	v15 =	vcvt.f32.s32 v18;
	v20 =	vtrunc.f32 v9;
	[tilespmem:s7+$0x0] =	vst v16;
	s7 =	smov.u32 s14  }
.Ltmp9:
0x33c: {  	v18 =	vor.u32 v22, v19;
	v16 =	vcvt.f32.s32 v20;
	v19 =	vsub.s32 v13, v0;
	(pc) =	sbr.rel @p0 .LBB2_20-.Ltmp9, $4  }
0x33d: {  	v21 =	vsub.s32 v15, v0;
	v20 =	vshll.u32 v19, $0x1;
	v22 =	vadd.s32 $0x1, v19  }
0x33e: {  	v19 =	vand.u32 $0x7F, v13;
	v20 =	vand.u32 $0xFFFFFF00, v20;
	v23 =	vshll.u32 v22, $0x1  }
0x33f: {  	v19 =	vor.u32 v19, v20;
	v20 =	vand.u32 $0x7F, v22;
	v24 =	vand.u32 $0xFFFFFF00, v23  }
0x340: {  	s13 =	sadd.s32 $0x40, s13;
	v22 =	vadd.s32 $0x1, v21;
	v23 =	vsub.s32 v16, v0;
	v20 =	vor.u32 v20, v24  }
0x341: {  	v24 =	vshll.u32 v22, $0x1  }
0x342: {  	v21 =	vshll.u32 v21, $0x1;
	v25 =	vadd.s32 $0x1, v23;
	v23 =	vshll.u32 v23, $0x1  }
0x343: {  	v22 =	vand.u32 $0x7F, v22;
	v24 =	vand.u32 $0xFFFFFF00, v24;
	v26 =	vshll.u32 v25, $0x1  }
0x344: {  	v25 =	vand.u32 $0x7F, v25;
	v26 =	vand.u32 $0xFFFFFF00, v26;
	v22 =	vor.u32 v22, v24  }
0x345: {  	v17 =	vld.idx.msk [tilespmem:v17+s30+$0x0], $0xffff;
	v21 =	vand.u32 $0xFFFFFF00, v21;
	v24 =	vand.u32 $0x7F, v15;
	v25 =	vor.u32 v25, v26  }
0x346: {  	v18 =	vld.idx.msk [tilespmem:v18+s30+$0x0], $0xffff;
	v23 =	vand.u32 $0xFFFFFF00, v23;
	v26 =	vand.u32 $0x7F, v16;
	v21 =	vor.u32 v24, v21  }
0x347: {  	v19 =	vld.idx.msk [tilespmem:v19+s30+$0x0], $0xffff;
	v23 =	vor.u32 v26, v23  }
0x348: {  	v20 =	vld.idx.msk [tilespmem:v20+s30+$0x0], $0xffff  }
0x349: {  	v22 =	vld.idx.msk [tilespmem:v22+s30+$0x0], $0xffff  }
0x34a: {  	v24 =	vld.idx.msk [tilespmem:v25+s30+$0x0], $0xffff  }
0x34b: {  	v11 =	vsub.f32 v11, v10;
	v13 =	vcvt.s32.f32 v13;
	v7 =	vcvt.s32.f32 v7;
	v21 =	vld.idx.msk [tilespmem:v21+s30+$0x0], $0xffff  }
0x34c: {  	v14 =	vsub.f32 v14, v12;
	v15 =	vcvt.s32.f32 v15;
	v23 =	vld.idx.msk [tilespmem:v23+s30+$0x0], $0xffff  }
0x34d: {  	v6 =	vmul.f32 v11, v6;
	v4 =	vsub.f32 v4, v13;
	v3 =	vsub.f32 v3, v7  }
0x34e: {  	v5 =	vmul.f32 v14, v5;
	v8 =	vsub.f32 v8, v15;
	v11 =	vsub.f32 v20, v19  }
0x34f: {  	v16 =	vcvt.s32.f32 v16;
	v6 =	vadd.f32 v6, v10;
	v7 =	vsub.f32 v18, v17  }
0x350: {  	s6 =	sadd.s32 $0x80, s12;
	v5 =	vadd.f32 v5, v12;
	v4 =	vmul.f32 v11, v4;
	v10 =	vsub.f32 v22, v21  }
0x351: {  	s6 =	sand.u32 $0x3F00, s6;
	v9 =	vsub.f32 v9, v16;
	v3 =	vmul.f32 v7, v3;
	v7 =	vsub.f32 v24, v23  }
0x352: {  	s6 =	sadd.s32 $0x5000, s6;
	[tilespmem:s11+$0x0] =	vst v6;
	v4 =	vadd.f32 v4, v19;
	v6 =	vmul.f32 v10, v8  }
0x353: {  	s5 =	sor.u32 s5, s6;
	[tilespmem:s10+$0x0] =	vst v5;
	v3 =	vadd.f32 v3, v17;
	v5 =	vmul.f32 v7, v9  }
0x354: {  	s4 =	sor.u32 s4, s6;
	[tilespmem:s5+$0x0] =	vst v4;
	v4 =	vadd.f32 v6, v21  }
0x355: {  	s22 =	sor.u32 s7, s6;
	[tilespmem:s4+$0x0] =	vst v3;
	v3 =	vadd.f32 v5, v23  }
0x356: {  	s23 =	sor.u32 s8, s6;
	[tilespmem:s22+$0x0] =	vst v4  }
0x357: {  	[tilespmem:s23+$0x0] =	vst v3  }
0x358: {  	s24 =	sand.u32 $0x1FC0, s3;
	v3 =	vld [tilespmem:s1+$0x0]  }
0x359: {  	v4 =	vld [tilespmem:s24+$0xBC30];
	_ =	sdelay $0x4  }
0x35a: {  	v5 =	vtrunc.f32 v3;
	v10 =	vtrunc.f32 v4  }
0x35b: {  	v5 =	vcvt.f32.s32 v5;
	v10 =	vcvt.f32.s32 v10;
	_ =	sdelay $0x1  }
0x35c: {  	v6 =	vld [tilespmem:s24+$0xBC10];
	v7 =	vsub.s32 v5, v0;
	v8 =	vand.u32 $0x7F, v5;
	v13 =	vsub.s32 v10, v0  }
0x35d: {  	v11 =	vld [tilespmem:s24+$0xBC20];
	v15 =	vand.u32 $0x7F, v10;
	v5 =	vcvt.s32.f32 v5;
	v9 =	vshll.u32 v7, $0x1  }
0x35e: {  	v7 =	vadd.s32 $0x1, v7;
	v14 =	vshll.u32 v13, $0x1;
	v13 =	vadd.s32 $0x1, v13  }
0x35f: {  	v9 =	vand.u32 $0xFFFFFF00, v9;
	v12 =	vand.u32 $0x7F, v7;
	v7 =	vshll.u32 v7, $0x1  }
0x360: {  	v14 =	vand.u32 $0xFFFFFF00, v14;
	v16 =	vshll.u32 v13, $0x1;
	v13 =	vand.u32 $0x7F, v13  }
0x361: {  	v8 =	vor.u32 v9, v8;
	v9 =	vtrunc.f32 v6;
	v14 =	vor.u32 v14, v15  }
0x362: {  	v15 =	vand.u32 $0xFFFFFF00, v16;
	v16 =	vtrunc.f32 v11;
	v7 =	vand.u32 $0xFFFFFF00, v7  }
0x363: {  	v8 =	vor.u32 $0x80, v8;
	v9 =	vcvt.f32.s32 v9;
	v14 =	vor.u32 $0x80, v14  }
0x364: {  	v13 =	vor.u32 v15, v13;
	v15 =	vcvt.f32.s32 v16;
	v7 =	vor.u32 v7, v12  }
0x365: {  	v18 =	vsub.f32 v3, v5;
	v13 =	vor.u32 $0x80, v13;
	v7 =	vor.u32 $0x80, v7  }
0x366: {  	v12 =	vsub.s32 v9, v0;
	v16 =	vsub.s32 v15, v0;
	v20 =	vand.u32 $0x7F, v9  }
0x367: {  	v21 =	vld [tilespmem:s0+$0x0];
	v22 =	vand.u32 $0x7F, v15;
	v9 =	vcvt.s32.f32 v9;
	v17 =	vadd.s32 $0x1, v12  }
0x368: {  	v3 =	vadd.s32 $0x1, v16;
	v16 =	vshll.u32 v16, $0x1;
	v5 =	vshll.u32 v17, $0x1;
	v19 =	vld.idx.msk [tilespmem:v8+s2+$0x0], $0xffff  }
0x369: {  	v17 =	vand.u32 $0x7F, v17;
	v16 =	vand.u32 $0xFFFFFF00, v16;
	v8 =	vshll.u32 v12, $0x1;
	v14 =	vld.idx.msk [tilespmem:v14+s2+$0x0], $0xffff  }
0x36a: {  	v12 =	vshll.u32 v3, $0x1;
	v5 =	vand.u32 $0xFFFFFF00, v5;
	v3 =	vand.u32 $0x7F, v3;
	v13 =	vld.idx.msk [tilespmem:v13+s2+$0x0], $0xffff  }
0x36b: {  	v12 =	vand.u32 $0xFFFFFF00, v12;
	v8 =	vand.u32 $0xFFFFFF00, v8;
	v7 =	vld.idx.msk [tilespmem:v7+s2+$0x0], $0xffff;
	v5 =	vor.u32 v5, v17  }
0x36c: {  	v8 =	vor.u32 v8, v20;
	v3 =	vor.u32 v12, v3;
	v12 =	vor.u32 $0x80, v5  }
0x36d: {  	v5 =	vor.u32 v16, v22;
	v17 =	vor.u32 $0x80, v3;
	v3 =	vcvt.s32.f32 v10  }
0x36e: {  	s0 =	simm.s32 $0x40;
	v10 =	vor.u32 $0x80, v8;
	v8 =	vcvt.s32.f32 v15;
	v15 =	vtrunc.f32 v21  }
0x36f: {  	s25 =	sand.u32 $0x1FC0, s0;
	v20 =	vor.u32 $0x80, v5;
	v4 =	vsub.f32 v4, v3;
	v13 =	vsub.f32 v13, v14  }
0x370: {  	v5 =	vsub.f32 v6, v9;
	v6 =	vld [tilespmem:s25+$0xBC30];
	v15 =	vcvt.f32.s32 v15;
	v16 =	vsub.f32 v7, v19  }
0x371: {  	v3 =	vsub.f32 v11, v8;
	v4 =	vmul.f32 v13, v4  }
0x372: {  	v9 =	vcvt.s32.f32 v15;
	v11 =	vsub.s32 v15, v0;
	v7 =	vld [tilespmem:s25+$0xBC10];
	v13 =	vmul.f32 v16, v18  }
0x373: {  	v8 =	vld [tilespmem:s25+$0xBC20];
	v15 =	vand.u32 $0x7F, v15;
	v16 =	vshll.u32 v11, $0x1;
	v18 =	vadd.f32 v4, v14  }
0x374: {  	v4 =	vsub.f32 v21, v9;
	v9 =	vadd.s32 $0x1, v11;
	v19 =	vadd.f32 v13, v19  }
0x375: {  	v11 =	vand.u32 $0xFFFFFF00, v16;
	v14 =	vtrunc.f32 v6;
	v13 =	vand.u32 $0x7F, v9  }
0x376: {  	v9 =	vshll.u32 v9, $0x1;
	v11 =	vor.u32 v11, v15;
	v14 =	vcvt.f32.s32 v14  }
0x377: {  	v9 =	vand.u32 $0xFFFFFF00, v9;
	v21 =	vor.u32 $0x80, v11;
	v11 =	vtrunc.f32 v7  }
0x378: {  	p0 =	por $0x0, $0x0;
	s1 =	simm.s32 $0x1;
	v9 =	vor.u32 v9, v13;
	v16 =	vcvt.f32.s32 v11;
	v11 =	vtrunc.f32 v8  }
0x379: {  	s1 =	simm.s32 @!p0 $0x0;
	v24 =	vand.u32 $0x7F, v14;
	v22 =	vor.u32 $0x80, v9;
	v9 =	vsub.s32 v14, v0  }
0x37a: {  	s1 =	sshll.u32 s1, $0x6;
	v15 =	vcvt.f32.s32 v11;
	v11 =	vshll.u32 v9, $0x1;
	v23 =	vadd.s32 $0x1, v9  }
0x37b: {  	s1 =	sadd.s32 $0x0, s1;
	v13 =	vsub.s32 v16, v0;
	v11 =	vand.u32 $0xFFFFFF00, v11;
	v25 =	vshll.u32 v23, $0x1  }
0x37c: {  	s28 =	sor.u32 $0x80, s1;
	v9 =	vld.idx.msk [tilespmem:v12+s2+$0x0], $0xffff;
	v23 =	vand.u32 $0x7F, v23;
	v12 =	vor.u32 v11, v24;
	v24 =	vand.u32 $0xFFFFFF00, v25  }
0x37d: {  	v10 =	vld.idx.msk [tilespmem:v10+s2+$0x0], $0xffff;
	[tilespmem:s28+$0x5000] =	vst v19;
	v19 =	vand.u32 $0x7F, v16;
	v25 =	vor.u32 $0x80, v12;
	v12 =	vor.u32 v24, v23  }
0x37e: {  	v11 =	vld.idx.msk [tilespmem:v17+s2+$0x0], $0xffff;
	v17 =	vsub.s32 v15, v0;
	v23 =	vadd.s32 $0x1, v13;
	v26 =	vor.u32 $0x80, v12  }
0x37f: {  	s26 =	sadd.s32 $0x30, s1;
	v24 =	vadd.s32 $0x1, v17;
	v17 =	vshll.u32 v17, $0x1;
	v12 =	vld.idx.msk [tilespmem:v20+s2+$0x0], $0xffff;
	v20 =	vshll.u32 v13, $0x1  }
0x380: {  	s3 =	sor.u32 $0x80, s26;
	v27 =	vshll.u32 v23, $0x1;
	v28 =	vshll.u32 v24, $0x1;
	v13 =	vld.idx.msk [tilespmem:v21+s2+$0x0], $0xffff;
	v23 =	vand.u32 $0x7F, v23  }
0x381: {  	[tilespmem:s3+$0x5000] =	vst v18;
	v18 =	vld.idx.msk [tilespmem:v22+s2+$0x0], $0xffff;
	v21 =	vand.u32 $0x7F, v15;
	v29 =	vand.u32 $0x7F, v24;
	v27 =	vand.u32 $0xFFFFFF00, v27  }
0x382: {  	s31 =	sadd.s32 $0x10, s1;
	s1 =	sadd.s32 $0x20, s1;
	v28 =	vand.u32 $0xFFFFFF00, v28;
	v22 =	vand.u32 $0xFFFFFF00, v20;
	v20 =	vand.u32 $0xFFFFFF00, v17;
	v17 =	vld.idx.msk [tilespmem:v25+s2+$0x0], $0xffff  }
0x383: {  	s4 =	simm.s32 $0xBC80;
	s1 =	sor.u32 $0x80, s1;
	s3 =	sor.u32 $0x80, s31;
	v22 =	vor.u32 v22, v19;
	v24 =	vor.u32 v27, v23;
	v23 =	vor.u32 v28, v29;
	v19 =	vld.idx.msk [tilespmem:v26+s2+$0x0], $0xffff  }
.LBB2_22:
0x384: {  	v25 =	vld [tilespmem:s4+$0x0];
	v24 =	vor.u32 $0x80, v24;
	v20 =	vor.u32 v20, v21;
	v21 =	vor.u32 $0x80, v23  }
0x385: {  	v16 =	vcvt.s32.f32 v16;
	v22 =	vor.u32 $0x80, v22;
	v20 =	vor.u32 $0x80, v20  }
0x386: {  	v15 =	vcvt.s32.f32 v15;
	v9 =	vsub.f32 v9, v10;
	v11 =	vsub.f32 v11, v12  }
0x387: {  	v14 =	vcvt.s32.f32 v14;
	v18 =	vsub.f32 v18, v13;
	v7 =	vsub.f32 v7, v16  }
0x388: {  	v16 =	vmul.f32 v9, v5;
	v23 =	vmul.f32 v11, v3;
	v3 =	vsub.f32 v8, v15  }
0x389: {  	s0 =	sadd.s32 $0x40, s0;
	p0 =	por !p0, !p0;
	s6 =	simm.s32 $0x1;
	v14 =	vsub.f32 v6, v14;
	v15 =	vsub.f32 v19, v17;
	v5 =	vmovc v7;
	v8 =	vtrunc.f32 v25;
	v9 =	vld.idx.msk [tilespmem:v24+s2+$0x0], $0xffff  }
0x38a: {  	s5 =	sand.u32 $0x1FC0, s0;
	p1 =	slt.u32 s0, $0x1AC0;
	s6 =	simm.s32 @!p0 $0x0;
	v10 =	vadd.f32 v16, v10;
	v12 =	vadd.f32 v23, v12;
	v8 =	vcvt.f32.s32 v8;
	v11 =	vld.idx.msk [tilespmem:v21+s2+$0x0], $0xffff  }
0x38b: {  	s30 =	sadd.s32 $0x80, s30;
	s6 =	sshll.u32 s6, $0x6;
	v14 =	vmul.f32 v15, v14;
	v6 =	vld [tilespmem:s5+$0xBC30]  }
0x38c: {  	s6 =	sadd.s32 s6, s30;
	v18 =	vmul.f32 v18, v4;
	v15 =	vcvt.s32.f32 v8;
	v16 =	vsub.s32 v8, v0;
	v7 =	vld [tilespmem:s5+$0xBC10];
	[tilespmem:s3+$0x5000] =	vst v10  }
0x38d: {  	s7 =	sadd.s32 $0x30, s6;
	v19 =	vand.u32 $0x7F, v8;
	s3 =	sadd.s32 $0x10, s6;
	v14 =	vadd.f32 v14, v17;
	v21 =	vshll.u32 v16, $0x1;
	v8 =	vld [tilespmem:s5+$0xBC20];
	s5 =	sadd.s32 $0x20, s6;
	[tilespmem:s1+$0x5000] =	vst v12  }
0x38e: {  	v13 =	vadd.f32 v18, v13;
	v12 =	vadd.s32 $0x1, v16;
	s3 =	sor.u32 $0x80, s3;
	v4 =	vsub.f32 v25, v15;
	v10 =	vld.idx.msk [tilespmem:v22+s2+$0x0], $0xffff;
	s1 =	sor.u32 $0x80, s5;
	s5 =	sor.u32 $0x80, s7  }
0x38f: {  	s6 =	sor.u32 $0x80, s6;
	v15 =	vand.u32 $0xFFFFFF00, v21;
	v16 =	vand.u32 $0x7F, v12;
	v17 =	vshll.u32 v12, $0x1;
	v12 =	vld.idx.msk [tilespmem:v20+s2+$0x0], $0xffff;
	[tilespmem:s5+$0x5000] =	vst v14  }
0x390: {  	v14 =	vor.u32 v15, v19;
	v15 =	vand.u32 $0xFFFFFF00, v17;
	v17 =	vtrunc.f32 v6;
	[tilespmem:s6+$0x5000] =	vst v13  }
0x391: {  	v13 =	vor.u32 $0x80, v14;
	v18 =	vtrunc.f32 v7;
	v14 =	vcvt.f32.s32 v17  }
0x392: {  	v15 =	vor.u32 v15, v16;
	v16 =	vcvt.f32.s32 v18;
	v17 =	vtrunc.f32 v8  }
0x393: {  	v18 =	vor.u32 $0x80, v15;
	v15 =	vcvt.f32.s32 v17;
	v17 =	vsub.s32 v14, v0  }
0x394: {  	v19 =	vsub.s32 v16, v0;
	v20 =	vshll.u32 v17, $0x1;
	v17 =	vadd.s32 $0x1, v17  }
0x395: {  	v21 =	vand.u32 $0x7F, v14;
	v20 =	vand.u32 $0xFFFFFF00, v20;
	v22 =	vshll.u32 v17, $0x1  }
0x396: {  	v17 =	vand.u32 $0x7F, v17;
	v20 =	vor.u32 v20, v21;
	v21 =	vand.u32 $0xFFFFFF00, v22  }
0x397: {  	v22 =	vsub.s32 v15, v0;
	v23 =	vor.u32 $0x80, v20;
	v17 =	vor.u32 v21, v17  }
0x398: {  	v20 =	vadd.s32 $0x1, v19;
	v24 =	vadd.s32 $0x1, v22;
	v25 =	vor.u32 $0x80, v17  }
.Ltmp10:
0x399: {  	v17 =	vshll.u32 v19, $0x1;
	v19 =	vshll.u32 v20, $0x1;
	v21 =	vshll.u32 v24, $0x1;
	(pc) =	sbr.rel @p1 .LBB2_22-.Ltmp10, $4  }
0x39a: {  	v22 =	vshll.u32 v22, $0x1;
	v19 =	vand.u32 $0xFFFFFF00, v19;
	v26 =	vand.u32 $0xFFFFFF00, v21;
	v13 =	vld.idx.msk [tilespmem:v13+s2+$0x0], $0xffff  }
0x39b: {  	v28 =	vand.u32 $0x7F, v20;
	v20 =	vand.u32 $0xFFFFFF00, v22;
	v27 =	vand.u32 $0xFFFFFF00, v17;
	v18 =	vld.idx.msk [tilespmem:v18+s2+$0x0], $0xffff  }
0x39c: {  	v22 =	vand.u32 $0x7F, v16;
	v29 =	vand.u32 $0x7F, v24;
	v21 =	vand.u32 $0x7F, v15;
	v17 =	vld.idx.msk [tilespmem:v23+s2+$0x0], $0xffff  }
0x39d: {  	s4 =	sadd.s32 $0x40, s4;
	v22 =	vor.u32 v27, v22;
	v24 =	vor.u32 v19, v28;
	v23 =	vor.u32 v26, v29;
	v19 =	vld.idx.msk [tilespmem:v25+s2+$0x0], $0xffff  }
0x39e: {  	v24 =	vor.u32 $0x80, v24  }
0x39f: {  	v23 =	vor.u32 $0x80, v23  }
0x3a0: {  	v20 =	vor.u32 v20, v21;
	v21 =	vor.u32 $0x80, v22  }
0x3a1: {  	v20 =	vor.u32 $0x80, v20;
	_ =	sdelay $0x1  }
0x3a2: {  	v22 =	vld.idx.msk [tilespmem:v24+s2+$0x0], $0xffff  }
0x3a3: {  	v23 =	vld.idx.msk [tilespmem:v23+s2+$0x0], $0xffff  }
0x3a4: {  	v21 =	vld.idx.msk [tilespmem:v21+s2+$0x0], $0xffff  }
0x3a5: {  	v16 =	vcvt.s32.f32 v16;
	v9 =	vsub.f32 v9, v10;
	v14 =	vcvt.s32.f32 v14;
	v20 =	vld.idx.msk [tilespmem:v20+s2+$0x0], $0xffff  }
0x3a6: {  	v15 =	vcvt.s32.f32 v15;
	v11 =	vsub.f32 v11, v12;
	v18 =	vsub.f32 v18, v13  }
0x3a7: {  	p0 =	por !p0, !p0;
	s0 =	simm.s32 $0x1;
	v5 =	vmul.f32 v9, v5;
	v6 =	vsub.f32 v6, v14;
	v9 =	vsub.f32 v19, v17  }
0x3a8: {  	s0 =	simm.s32 @!p0 $0x0;
	v7 =	vsub.f32 v7, v16;
	v8 =	vsub.f32 v8, v15;
	v3 =	vmul.f32 v11, v3  }
0x3a9: {  	s4 =	sadd.s32 $0x80, s30;
	s0 =	sshll.u32 s0, $0x6;
	v5 =	vadd.f32 v5, v10;
	v6 =	vmul.f32 v9, v6;
	v9 =	vsub.f32 v22, v21  }
0x3aa: {  	s0 =	sadd.s32 s0, s4;
	v3 =	vadd.f32 v3, v12;
	v4 =	vmul.f32 v18, v4;
	v10 =	vsub.f32 v23, v20  }
0x3ab: {  	s13 =	sadd.s32 $0x30, s0;
	[tilespmem:s3+$0x5000] =	vst v5;
	v5 =	vadd.f32 v6, v17;
	v6 =	vmul.f32 v9, v7  }
0x3ac: {  	s14 =	sor.u32 $0x80, s13;
	[tilespmem:s1+$0x5000] =	vst v3;
	v3 =	vadd.f32 v4, v13;
	v4 =	vmul.f32 v10, v8  }
0x3ad: {  	s15 =	sadd.s32 $0x10, s0;
	s4 =	sor.u32 $0x80, s0;
	[tilespmem:s14+$0x5000] =	vst v5;
	v5 =	vadd.f32 v6, v21  }
0x3ae: {  	s0 =	sadd.s32 $0x20, s0;
	s16 =	sor.u32 $0x80, s15;
	[tilespmem:s4+$0x5000] =	vst v3;
	v3 =	vadd.f32 v4, v20  }
0x3af: {  	s0 =	sor.u32 $0x80, s0;
	[tilespmem:s16+$0x5000] =	vst v5  }
0x3b0: {  	[tilespmem:s0+$0x5000] =	vst v3  }
0x3b1: {  	s30 =	simm.s32 $0x0;
	s0 =	rddreg [dreg:$0xd]  }
0x3b2: {  	[tilespmem:s30], [sflag:$0x1] =	stream.linear.gather [hbm4b:s0+s30], $0x2800, $0x38;
	[tilespmem:$0xD700] =	vst v63  }
0x3b3: {  	s18 =	simm.s32 $0x5000;
	s19 =	simm.s32 $0x2;
	s17 =	rddreg [dreg:$0xe]  }
0x3b4: {  	[hbm4b:s17+s30] =	stream.linear.scatter [tilespmem:s18], [sflag:$0x3], $0x3600, $0x38;
	[tilespmem:$0xD700] =	vst v63  }
0x3b5: {  	_ =	swait.ge [sflag:s19], $0x2800  }
0x3b6: {  	[sflag:s19] =	ssyncset.done $0x0  }
0x3b7: {  	s22 =	simm.s32 $0x4;
	[sflag:s19] =	ssyncadd.s32 $0xFFFFD800  }
0x3b8: {  	s7 =	simm.s32 $0xBC00;
	s23 =	simm.s32 $0x0;
	_ =	swait.ge [sflag:s22], $0x3600  }
0x3b9: {  	s1 =	sand.u32 $0x1F80, s23;
	s0 =	sand.u32 $0x40, s23;
	[sflag:s22] =	ssyncset.done $0x0  }
0x3ba: {  	s24 =	sadd.s32 $0xBC00, s1;
	s3 =	sor.u32 $0x30, s0;
	[sflag:s22] =	ssyncadd.s32 $0xFFFFCA00  }
0x3bb: {  	s1 =	sor.u32 $0x20, s0;
	s9 =	sor.u32 s3, s24;
	v8 =	vld [tilespmem:s7+$0x0]  }
0x3bc: {  	s8 =	sor.u32 s1, s24;
	v9 =	vld [tilespmem:s9+$0x0]  }
0x3bd: {  	v7 =	vld [tilespmem:s8+$0x0];
	_ =	sdelay $0x3  }
0x3be: {  	v3 =	vtrunc.f32 v8  }
0x3bf: {  	v11 =	vtrunc.f32 v9;
	v14 =	vtrunc.f32 v7  }
0x3c0: {  	s31 =	sor.u32 $0x10, s0;
	v4 =	vcvt.f32.s32 v3;
	v11 =	vcvt.f32.s32 v11  }
0x3c1: {  	s10 =	sor.u32 s31, s24;
	v14 =	vcvt.f32.s32 v14  }
0x3c2: {  	v5 =	vld [tilespmem:s10+$0x0];
	v3 =	vsub.s32 v4, v0;
	v6 =	vand.u32 $0x7F, v4;
	v13 =	vsub.s32 v11, v0  }
0x3c3: {  	v16 =	vand.u32 $0x7F, v11;
	v10 =	vshll.u32 v3, $0x1;
	v3 =	vadd.s32 $0x1, v3  }
0x3c4: {  	v15 =	vshll.u32 v13, $0x1;
	v13 =	vadd.s32 $0x1, v13;
	v10 =	vand.u32 $0xFFFFFF00, v10  }
0x3c5: {  	v12 =	vand.u32 $0x7F, v3;
	v3 =	vshll.u32 v3, $0x1;
	v15 =	vand.u32 $0xFFFFFF00, v15  }
0x3c6: {  	v17 =	vshll.u32 v13, $0x1;
	v13 =	vand.u32 $0x7F, v13;
	v6 =	vor.u32 v6, v10  }
0x3c7: {  	v10 =	vtrunc.f32 v5;
	v15 =	vor.u32 v16, v15;
	v16 =	vand.u32 $0xFFFFFF00, v17  }
0x3c8: {  	v3 =	vand.u32 $0xFFFFFF00, v3;
	v10 =	vcvt.f32.s32 v10;
	v13 =	vor.u32 v13, v16  }
0x3c9: {  	s5 =	simm.s32 $0xBC40;
	v18 =	vsub.s32 v14, v0;
	v11 =	vcvt.s32.f32 v11;
	v12 =	vor.u32 v12, v3  }
0x3ca: {  	v20 =	vadd.s32 $0x1, v18;
	v18 =	vshll.u32 v18, $0x1;
	v3 =	vld [tilespmem:s5+$0x0];
	v17 =	vsub.s32 v10, v0  }
0x3cb: {  	v18 =	vand.u32 $0xFFFFFF00, v18;
	v16 =	vadd.s32 $0x1, v17;
	v17 =	vshll.u32 v17, $0x1;
	v21 =	vld.idx.msk [tilespmem:v6+s21+$0x0], $0xffff  }
0x3cc: {  	v22 =	vand.u32 $0x7F, v10;
	v19 =	vshll.u32 v16, $0x1;
	v17 =	vand.u32 $0xFFFFFF00, v17;
	v15 =	vld.idx.msk [tilespmem:v15+s21+$0x0], $0xffff  }
0x3cd: {  	s15 =	simm.s32 $0x40;
	v16 =	vand.u32 $0x7F, v16;
	v6 =	vand.u32 $0xFFFFFF00, v19;
	v19 =	vshll.u32 v20, $0x1;
	v13 =	vld.idx.msk [tilespmem:v13+s21+$0x0], $0xffff  }
0x3ce: {  	s11 =	sand.u32 $0x40, s15;
	s25 =	sand.u32 $0x1F80, s15;
	v12 =	vld.idx.msk [tilespmem:v12+s21+$0x0], $0xffff;
	v20 =	vand.u32 $0x7F, v20;
	v19 =	vand.u32 $0xFFFFFF00, v19;
	v23 =	vor.u32 v16, v6  }
0x3cf: {  	s13 =	sor.u32 $0x30, s11;
	s4 =	sadd.s32 $0xBC00, s25;
	v16 =	vand.u32 $0x7F, v14;
	v6 =	vcvt.s32.f32 v10;
	v10 =	vcvt.s32.f32 v14  }
0x3d0: {  	s6 =	sor.u32 s13, s4;
	v14 =	vtrunc.f32 v3;
	v19 =	vor.u32 v20, v19;
	v20 =	vor.u32 v22, v17  }
0x3d1: {  	v17 =	vcvt.s32.f32 v4;
	v4 =	vld [tilespmem:s6+$0x0];
	v6 =	vsub.f32 v5, v6;
	v5 =	vsub.f32 v7, v10  }
0x3d2: {  	s12 =	sor.u32 $0x10, s11;
	v7 =	vcvt.f32.s32 v14;
	v10 =	vsub.f32 v9, v11;
	v11 =	vsub.f32 v13, v15  }
0x3d3: {  	s14 =	sor.u32 $0x20, s11;
	s16 =	sor.u32 s12, s4;
	v22 =	vor.u32 v16, v18;
	v13 =	vsub.f32 v8, v17;
	v12 =	vsub.f32 v12, v21  }
0x3d4: {  	s4 =	sor.u32 s14, s4;
	v8 =	vld [tilespmem:s16+$0x0];
	v14 =	vsub.s32 v7, v0;
	v16 =	vand.u32 $0x7F, v7;
	v10 =	vmul.f32 v11, v10  }
0x3d5: {  	v9 =	vld [tilespmem:s4+$0x0];
	v11 =	vshll.u32 v14, $0x1;
	v14 =	vadd.s32 $0x1, v14;
	v12 =	vmul.f32 v12, v13  }
0x3d6: {  	v13 =	vtrunc.f32 v4;
	v11 =	vand.u32 $0xFFFFFF00, v11;
	v18 =	vand.u32 $0x7F, v14  }
0x3d7: {  	v14 =	vshll.u32 v14, $0x1;
	v13 =	vcvt.f32.s32 v13;
	v10 =	vadd.f32 v10, v15  }
0x3d8: {  	v63 =	vadd.f32 v12, v21;
	v17 =	vor.u32 v16, v11;
	v12 =	vand.u32 $0xFFFFFF00, v14  }
0x3d9: {  	v11 =	vtrunc.f32 v8;
	v18 =	vor.u32 v18, v12;
	v12 =	vsub.s32 v13, v0  }
0x3da: {  	s4 =	sand.u32 $0x3F00, s30;
	v14 =	vld.idx.msk [tilespmem:v19+s21+$0x0], $0xffff;
	v19 =	vand.u32 $0x7F, v13;
	v15 =	vcvt.f32.s32 v11;
	v11 =	vtrunc.f32 v9  }
0x3db: {  	s26 =	sadd.s32 $0x8600, s4;
	v16 =	vcvt.f32.s32 v11;
	v11 =	vld.idx.msk [tilespmem:v23+s21+$0x0], $0xffff;
	v23 =	vshll.u32 v12, $0x1;
	v12 =	vadd.s32 $0x1, v12  }
0x3dc: {  	s28 =	sor.u32 s3, s26;
	v21 =	vsub.s32 v15, v0;
	v23 =	vand.u32 $0xFFFFFF00, v23;
	v25 =	vshll.u32 v12, $0x1  }
0x3dd: {  	s19 =	simm.s32 $0xBC80;
	s18 =	sor.u32 s0, s26;
	[tilespmem:s28+$0x0] =	vst v10;
	v10 =	vld.idx.msk [tilespmem:v20+s21+$0x0], $0xffff;
	v20 =	vand.u32 $0x7F, v12;
	v19 =	vor.u32 v19, v23;
	v25 =	vand.u32 $0xFFFFFF00, v25  }
0x3de: {  	s17 =	sor.u32 s31, s26;
	s16 =	sor.u32 s1, s26;
	[tilespmem:s18+$0x0] =	vst v63;
	s18 =	simm.s32 $0x0;
	v12 =	vld.idx.msk [tilespmem:v22+s21+$0x0], $0xffff;
	v22 =	vadd.s32 $0x1, v21;
	v23 =	vsub.s32 v16, v0;
	v20 =	vor.u32 v20, v25  }
.LBB2_24:
0x3df: {  	v24 =	vld [tilespmem:s19+$0x0];
	v21 =	vshll.u32 v21, $0x1;
	v25 =	vshll.u32 v22, $0x1;
	v26 =	vadd.s32 $0x1, v23  }
0x3e0: {  	v23 =	vshll.u32 v23, $0x1;
	v17 =	vld.idx.msk [tilespmem:v17+s21+$0x0], $0xffff;
	v25 =	vand.u32 $0xFFFFFF00, v25;
	v27 =	vshll.u32 v26, $0x1  }
0x3e1: {  	v22 =	vand.u32 $0x7F, v22;
	v21 =	vand.u32 $0xFFFFFF00, v21;
	v18 =	vld.idx.msk [tilespmem:v18+s21+$0x0], $0xffff;
	v27 =	vand.u32 $0xFFFFFF00, v27  }
0x3e2: {  	v28 =	vand.u32 $0x7F, v15;
	v23 =	vand.u32 $0xFFFFFF00, v23;
	v26 =	vand.u32 $0x7F, v26;
	v19 =	vld.idx.msk [tilespmem:v19+s21+$0x0], $0xffff  }
0x3e3: {  	v22 =	vor.u32 v22, v25;
	v25 =	vand.u32 $0x7F, v16;
	v26 =	vor.u32 v26, v27;
	v20 =	vld.idx.msk [tilespmem:v20+s21+$0x0], $0xffff  }
0x3e4: {  	v15 =	vcvt.s32.f32 v15;
	v21 =	vor.u32 v28, v21;
	v23 =	vor.u32 v25, v23  }
0x3e5: {  	s15 =	sadd.s32 $0x40, s15;
	v11 =	vsub.f32 v11, v10;
	v14 =	vsub.f32 v14, v12;
	v16 =	vcvt.s32.f32 v16  }
0x3e6: {  	v7 =	vcvt.s32.f32 v7;
	s6 =	sand.u32 $0x40, s15;
	s22 =	sand.u32 $0x1F80, s15;
	p0 =	slt.u32 s15, $0x1AC0;
	v8 =	vsub.f32 v8, v15;
	v25 =	vtrunc.f32 v24  }
0x3e7: {  	v13 =	vcvt.s32.f32 v13;
	s24 =	sor.u32 $0x10, s6;
	s22 =	sadd.s32 $0xBC00, s22;
	s23 =	sor.u32 $0x30, s6;
	v15 =	vmul.f32 v11, v6;
	v9 =	vsub.f32 v9, v16  }
0x3e8: {  	s26 =	sor.u32 $0x20, s6;
	s25 =	sor.u32 s24, s22;
	s28 =	sor.u32 s23, s22;
	v16 =	vsub.f32 v3, v7;
	v18 =	vsub.f32 v18, v17;
	v11 =	vld.idx.msk [tilespmem:v22+s21+$0x0], $0xffff;
	v22 =	vmul.f32 v14, v5  }
0x3e9: {  	v13 =	vsub.f32 v4, v13;
	s22 =	sor.u32 s26, s22;
	v6 =	vmovc v8;
	v3 =	vmovc v24;
	v7 =	vcvt.f32.s32 v25;
	v14 =	vsub.f32 v20, v19;
	v4 =	vld [tilespmem:s28+$0x0]  }
0x3ea: {  	v10 =	vadd.f32 v15, v10;
	v5 =	vmov v9;
	v8 =	vld [tilespmem:s25+$0x0];
	v12 =	vadd.f32 v22, v12  }
0x3eb: {  	s18 =	sadd.s32 $0x80, s18;
	v15 =	vsub.s32 v7, v0;
	v20 =	vand.u32 $0x7F, v7;
	v13 =	vmul.f32 v14, v13;
	v9 =	vld [tilespmem:s22+$0x0]  }
0x3ec: {  	v16 =	vmul.f32 v18, v16;
	v22 =	vshll.u32 v15, $0x1;
	v15 =	vadd.s32 $0x1, v15;
	s22 =	sand.u32 $0x3F00, s18;
	v14 =	vld.idx.msk [tilespmem:v26+s21+$0x0], $0xffff;
	[tilespmem:s17+$0x0] =	vst v10  }
0x3ed: {  	v18 =	vand.u32 $0xFFFFFF00, v22;
	v22 =	vand.u32 $0x7F, v15;
	s22 =	sadd.s32 $0x8600, s22;
	v19 =	vadd.f32 v13, v19;
	v10 =	vld.idx.msk [tilespmem:v21+s21+$0x0], $0xffff;
	[tilespmem:s16+$0x0] =	vst v12  }
0x3ee: {  	v16 =	vadd.f32 v16, v17;
	v15 =	vshll.u32 v15, $0x1;
	s17 =	sor.u32 s12, s22;
	s16 =	sor.u32 s14, s22;
	s12 =	sor.u32 s13, s22;
	v13 =	vtrunc.f32 v4;
	v12 =	vld.idx.msk [tilespmem:v23+s21+$0x0], $0xffff  }
0x3ef: {  	v17 =	vor.u32 v20, v18;
	s13 =	sor.u32 s11, s22;
	s11 =	smov.u32 s6;
	v18 =	vtrunc.f32 v8;
	v13 =	vcvt.f32.s32 v13;
	[tilespmem:s12+$0x0] =	vst v19;
	s12 =	smov.u32 s24  }
0x3f0: {  	s14 =	smov.u32 s26;
	v19 =	vand.u32 $0xFFFFFF00, v15;
	v15 =	vcvt.f32.s32 v18;
	v20 =	vtrunc.f32 v9;
	[tilespmem:s13+$0x0] =	vst v16;
	s13 =	smov.u32 s23  }
.Ltmp11:
0x3f1: {  	v18 =	vor.u32 v22, v19;
	v16 =	vcvt.f32.s32 v20;
	v19 =	vsub.s32 v13, v0;
	(pc) =	sbr.rel @p0 .LBB2_24-.Ltmp11, $4  }
0x3f2: {  	v21 =	vsub.s32 v15, v0;
	v20 =	vshll.u32 v19, $0x1;
	v22 =	vadd.s32 $0x1, v19  }
0x3f3: {  	v19 =	vand.u32 $0x7F, v13;
	v20 =	vand.u32 $0xFFFFFF00, v20;
	v23 =	vshll.u32 v22, $0x1  }
0x3f4: {  	v19 =	vor.u32 v19, v20;
	v20 =	vand.u32 $0x7F, v22;
	v24 =	vand.u32 $0xFFFFFF00, v23  }
0x3f5: {  	s19 =	sadd.s32 $0x40, s19;
	v22 =	vadd.s32 $0x1, v21;
	v23 =	vsub.s32 v16, v0;
	v20 =	vor.u32 v20, v24  }
0x3f6: {  	v24 =	vshll.u32 v22, $0x1  }
0x3f7: {  	v21 =	vshll.u32 v21, $0x1;
	v25 =	vadd.s32 $0x1, v23;
	v23 =	vshll.u32 v23, $0x1  }
0x3f8: {  	v22 =	vand.u32 $0x7F, v22;
	v24 =	vand.u32 $0xFFFFFF00, v24;
	v26 =	vshll.u32 v25, $0x1  }
0x3f9: {  	v25 =	vand.u32 $0x7F, v25;
	v26 =	vand.u32 $0xFFFFFF00, v26;
	v22 =	vor.u32 v22, v24  }
0x3fa: {  	v17 =	vld.idx.msk [tilespmem:v17+s21+$0x0], $0xffff;
	v21 =	vand.u32 $0xFFFFFF00, v21;
	v24 =	vand.u32 $0x7F, v15;
	v25 =	vor.u32 v25, v26  }
0x3fb: {  	v18 =	vld.idx.msk [tilespmem:v18+s21+$0x0], $0xffff;
	v23 =	vand.u32 $0xFFFFFF00, v23;
	v26 =	vand.u32 $0x7F, v16;
	v21 =	vor.u32 v24, v21  }
0x3fc: {  	v19 =	vld.idx.msk [tilespmem:v19+s21+$0x0], $0xffff;
	v23 =	vor.u32 v26, v23  }
0x3fd: {  	v20 =	vld.idx.msk [tilespmem:v20+s21+$0x0], $0xffff  }
0x3fe: {  	v22 =	vld.idx.msk [tilespmem:v22+s21+$0x0], $0xffff  }
0x3ff: {  	v24 =	vld.idx.msk [tilespmem:v25+s21+$0x0], $0xffff  }
0x400: {  	v11 =	vsub.f32 v11, v10;
	v13 =	vcvt.s32.f32 v13;
	v7 =	vcvt.s32.f32 v7;
	v21 =	vld.idx.msk [tilespmem:v21+s21+$0x0], $0xffff  }
0x401: {  	v14 =	vsub.f32 v14, v12;
	v15 =	vcvt.s32.f32 v15;
	v23 =	vld.idx.msk [tilespmem:v23+s21+$0x0], $0xffff  }
0x402: {  	v6 =	vmul.f32 v11, v6;
	v4 =	vsub.f32 v4, v13;
	v3 =	vsub.f32 v3, v7  }
0x403: {  	v5 =	vmul.f32 v14, v5;
	v8 =	vsub.f32 v8, v15;
	v11 =	vsub.f32 v20, v19  }
0x404: {  	v16 =	vcvt.s32.f32 v16;
	v6 =	vadd.f32 v6, v10;
	v7 =	vsub.f32 v18, v17  }
0x405: {  	s6 =	sadd.s32 $0x80, s18;
	v5 =	vadd.f32 v5, v12;
	v4 =	vmul.f32 v11, v4;
	v10 =	vsub.f32 v22, v21  }
0x406: {  	s6 =	sand.u32 $0x3F00, s6;
	v9 =	vsub.f32 v9, v16;
	v3 =	vmul.f32 v7, v3;
	v7 =	vsub.f32 v24, v23  }
0x407: {  	s6 =	sadd.s32 $0x8600, s6;
	[tilespmem:s17+$0x0] =	vst v6;
	v4 =	vadd.f32 v4, v19;
	v6 =	vmul.f32 v10, v8  }
0x408: {  	s13 =	sor.u32 s13, s6;
	[tilespmem:s16+$0x0] =	vst v5;
	v3 =	vadd.f32 v3, v17;
	v5 =	vmul.f32 v7, v9  }
0x409: {  	s11 =	sor.u32 s11, s6;
	[tilespmem:s13+$0x0] =	vst v4;
	v4 =	vadd.f32 v6, v21  }
0x40a: {  	s12 =	sor.u32 s12, s6;
	[tilespmem:s11+$0x0] =	vst v3;
	v3 =	vadd.f32 v5, v23  }
0x40b: {  	s6 =	sor.u32 s14, s6;
	[tilespmem:s12+$0x0] =	vst v4  }
0x40c: {  	[tilespmem:s6+$0x0] =	vst v3  }
0x40d: {  	v3 =	vld [tilespmem:s7+$0x0]  }
0x40e: {  	v4 =	vld [tilespmem:s9+$0x0];
	_ =	sdelay $0x4  }
0x40f: {  	v5 =	vtrunc.f32 v3;
	v10 =	vtrunc.f32 v4  }
0x410: {  	v5 =	vcvt.f32.s32 v5;
	v10 =	vcvt.f32.s32 v10;
	_ =	sdelay $0x1  }
0x411: {  	v6 =	vld [tilespmem:s10+$0x0];
	v7 =	vsub.s32 v5, v0;
	v8 =	vand.u32 $0x7F, v5;
	v13 =	vsub.s32 v10, v0  }
0x412: {  	v11 =	vld [tilespmem:s8+$0x0];
	v15 =	vand.u32 $0x7F, v10;
	v5 =	vcvt.s32.f32 v5;
	v9 =	vshll.u32 v7, $0x1  }
0x413: {  	v7 =	vadd.s32 $0x1, v7;
	v14 =	vshll.u32 v13, $0x1;
	v13 =	vadd.s32 $0x1, v13  }
0x414: {  	v9 =	vand.u32 $0xFFFFFF00, v9;
	v12 =	vand.u32 $0x7F, v7;
	v7 =	vshll.u32 v7, $0x1  }
0x415: {  	v14 =	vand.u32 $0xFFFFFF00, v14;
	v16 =	vshll.u32 v13, $0x1;
	v13 =	vand.u32 $0x7F, v13  }
0x416: {  	v8 =	vor.u32 v9, v8;
	v9 =	vtrunc.f32 v6;
	v14 =	vor.u32 v14, v15  }
0x417: {  	v15 =	vand.u32 $0xFFFFFF00, v16;
	v16 =	vtrunc.f32 v11;
	v7 =	vand.u32 $0xFFFFFF00, v7  }
0x418: {  	v8 =	vor.u32 $0x80, v8;
	v9 =	vcvt.f32.s32 v9;
	v14 =	vor.u32 $0x80, v14  }
0x419: {  	v13 =	vor.u32 v15, v13;
	v15 =	vcvt.f32.s32 v16;
	v7 =	vor.u32 v7, v12  }
0x41a: {  	v5 =	vsub.f32 v3, v5;
	v13 =	vor.u32 $0x80, v13;
	v7 =	vor.u32 $0x80, v7  }
0x41b: {  	v12 =	vsub.s32 v9, v0;
	v16 =	vsub.s32 v15, v0;
	v20 =	vand.u32 $0x7F, v9  }
0x41c: {  	v21 =	vld [tilespmem:s5+$0x0];
	v22 =	vand.u32 $0x7F, v15;
	v9 =	vcvt.s32.f32 v9;
	v17 =	vadd.s32 $0x1, v12  }
0x41d: {  	v3 =	vadd.s32 $0x1, v16;
	v16 =	vshll.u32 v16, $0x1;
	v18 =	vshll.u32 v17, $0x1;
	v19 =	vld.idx.msk [tilespmem:v8+s21+$0x0], $0xffff  }
0x41e: {  	v17 =	vand.u32 $0x7F, v17;
	v16 =	vand.u32 $0xFFFFFF00, v16;
	v8 =	vshll.u32 v12, $0x1;
	v14 =	vld.idx.msk [tilespmem:v14+s21+$0x0], $0xffff  }
0x41f: {  	v12 =	vshll.u32 v3, $0x1;
	v18 =	vand.u32 $0xFFFFFF00, v18;
	v3 =	vand.u32 $0x7F, v3;
	v13 =	vld.idx.msk [tilespmem:v13+s21+$0x0], $0xffff  }
0x420: {  	v16 =	vor.u32 v16, v22;
	v12 =	vand.u32 $0xFFFFFF00, v12;
	v8 =	vand.u32 $0xFFFFFF00, v8;
	v7 =	vld.idx.msk [tilespmem:v7+s21+$0x0], $0xffff  }
0x421: {  	s10 =	simm.s32 $0x40;
	v17 =	vor.u32 v18, v17;
	v8 =	vor.u32 v8, v20;
	v3 =	vor.u32 v12, v3  }
0x422: {  	s5 =	sand.u32 $0x40, s10;
	s25 =	sand.u32 $0x1F80, s10;
	v12 =	vor.u32 $0x80, v17;
	v17 =	vor.u32 $0x80, v3;
	v3 =	vcvt.s32.f32 v10  }
0x423: {  	s6 =	sadd.s32 $0xBC00, s25;
	s8 =	sor.u32 $0x30, s5;
	v10 =	vor.u32 $0x80, v8;
	v8 =	vcvt.s32.f32 v15;
	v15 =	vtrunc.f32 v21  }
0x424: {  	s26 =	sor.u32 s8, s6;
	v15 =	vcvt.f32.s32 v15;
	v18 =	vsub.f32 v4, v3;
	v4 =	vsub.f32 v6, v9  }
0x425: {  	s7 =	sor.u32 $0x10, s5;
	v20 =	vor.u32 $0x80, v16;
	v6 =	vld [tilespmem:s26+$0x0];
	v13 =	vsub.f32 v13, v14;
	v16 =	vsub.f32 v7, v19  }
0x426: {  	s9 =	sor.u32 $0x20, s5;
	s28 =	sor.u32 s7, s6;
	v3 =	vsub.f32 v11, v8;
	v11 =	vcvt.s32.f32 v15  }
0x427: {  	s6 =	sor.u32 s9, s6;
	v7 =	vld [tilespmem:s28+$0x0];
	v9 =	vmul.f32 v13, v18;
	v13 =	vsub.s32 v15, v0;
	v16 =	vmul.f32 v16, v5  }
0x428: {  	v8 =	vld [tilespmem:s6+$0x0];
	v15 =	vand.u32 $0x7F, v15;
	v5 =	vsub.f32 v21, v11;
	v18 =	vshll.u32 v13, $0x1  }
0x429: {  	v22 =	vadd.f32 v9, v14;
	v9 =	vadd.s32 $0x1, v13;
	v19 =	vadd.f32 v16, v19  }
0x42a: {  	v11 =	vand.u32 $0xFFFFFF00, v18;
	v14 =	vtrunc.f32 v6;
	v13 =	vand.u32 $0x7F, v9  }
0x42b: {  	v9 =	vshll.u32 v9, $0x1;
	v11 =	vor.u32 v11, v15;
	v14 =	vcvt.f32.s32 v14  }
0x42c: {  	v9 =	vand.u32 $0xFFFFFF00, v9;
	v18 =	vor.u32 $0x80, v11;
	v11 =	vtrunc.f32 v7  }
0x42d: {  	v9 =	vor.u32 v9, v13;
	v16 =	vcvt.f32.s32 v11;
	v11 =	vtrunc.f32 v8  }
0x42e: {  	v24 =	vand.u32 $0x7F, v14;
	v21 =	vor.u32 $0x80, v9;
	v9 =	vsub.s32 v14, v0  }
0x42f: {  	v15 =	vcvt.f32.s32 v11;
	v11 =	vshll.u32 v9, $0x1;
	v23 =	vadd.s32 $0x1, v9  }
0x430: {  	s4 =	sadd.s32 $0x8680, s4;
	v13 =	vsub.s32 v16, v0;
	v11 =	vand.u32 $0xFFFFFF00, v11;
	v25 =	vshll.u32 v23, $0x1  }
0x431: {  	s0 =	sor.u32 s0, s4;
	v9 =	vld.idx.msk [tilespmem:v12+s21+$0x0], $0xffff;
	v23 =	vand.u32 $0x7F, v23;
	v12 =	vor.u32 v11, v24;
	v24 =	vand.u32 $0xFFFFFF00, v25  }
0x432: {  	v10 =	vld.idx.msk [tilespmem:v10+s21+$0x0], $0xffff;
	[tilespmem:s0+$0x0] =	vst v19;
	v19 =	vand.u32 $0x7F, v16;
	v25 =	vor.u32 $0x80, v12;
	v12 =	vor.u32 v24, v23  }
0x433: {  	v11 =	vld.idx.msk [tilespmem:v17+s21+$0x0], $0xffff;
	v17 =	vsub.s32 v15, v0;
	v23 =	vadd.s32 $0x1, v13;
	v26 =	vor.u32 $0x80, v12  }
0x434: {  	v24 =	vadd.s32 $0x1, v17;
	v17 =	vshll.u32 v17, $0x1;
	v12 =	vld.idx.msk [tilespmem:v20+s21+$0x0], $0xffff;
	v20 =	vshll.u32 v13, $0x1  }
0x435: {  	v27 =	vshll.u32 v23, $0x1;
	v28 =	vshll.u32 v24, $0x1;
	v13 =	vld.idx.msk [tilespmem:v18+s21+$0x0], $0xffff;
	v23 =	vand.u32 $0x7F, v23  }
0x436: {  	s3 =	sor.u32 s3, s4;
	v18 =	vld.idx.msk [tilespmem:v21+s21+$0x0], $0xffff;
	v21 =	vand.u32 $0x7F, v15;
	v29 =	vand.u32 $0x7F, v24;
	v27 =	vand.u32 $0xFFFFFF00, v27  }
0x437: {  	[tilespmem:s3+$0x0] =	vst v22;
	v28 =	vand.u32 $0xFFFFFF00, v28;
	v22 =	vand.u32 $0xFFFFFF00, v20;
	v20 =	vand.u32 $0xFFFFFF00, v17;
	v17 =	vld.idx.msk [tilespmem:v25+s21+$0x0], $0xffff  }
0x438: {  	s3 =	sor.u32 s31, s4;
	s0 =	sor.u32 s1, s4;
	s1 =	simm.s32 $0xBC80;
	v22 =	vor.u32 v22, v19;
	v24 =	vor.u32 v27, v23;
	v23 =	vor.u32 v28, v29;
	v19 =	vld.idx.msk [tilespmem:v26+s21+$0x0], $0xffff  }
.LBB2_26:
0x439: {  	v25 =	vld [tilespmem:s1+$0x0];
	v24 =	vor.u32 $0x80, v24;
	v20 =	vor.u32 v20, v21;
	v21 =	vor.u32 $0x80, v23  }
0x43a: {  	v16 =	vcvt.s32.f32 v16;
	v22 =	vor.u32 $0x80, v22;
	v20 =	vor.u32 $0x80, v20  }
0x43b: {  	v15 =	vcvt.s32.f32 v15;
	v9 =	vsub.f32 v9, v10;
	v11 =	vsub.f32 v11, v12  }
0x43c: {  	s10 =	sadd.s32 $0x40, s10;
	v14 =	vcvt.s32.f32 v14;
	v18 =	vsub.f32 v18, v13;
	v7 =	vsub.f32 v7, v16  }
0x43d: {  	s4 =	sand.u32 $0x40, s10;
	s6 =	sand.u32 $0x1F80, s10;
	p0 =	slt.u32 s10, $0x1AC0;
	v16 =	vmul.f32 v9, v4;
	v23 =	vmul.f32 v11, v3;
	v3 =	vsub.f32 v8, v15  }
0x43e: {  	s11 =	sor.u32 $0x10, s4;
	s6 =	sadd.s32 $0xBC00, s6;
	s12 =	sor.u32 $0x30, s4;
	v14 =	vsub.f32 v6, v14;
	v15 =	vsub.f32 v19, v17;
	v4 =	vmovc v7;
	v8 =	vtrunc.f32 v25;
	v9 =	vld.idx.msk [tilespmem:v24+s21+$0x0], $0xffff  }
0x43f: {  	s14 =	sor.u32 $0x20, s4;
	s13 =	sor.u32 s11, s6;
	s15 =	sor.u32 s12, s6;
	v10 =	vadd.f32 v16, v10;
	v12 =	vadd.f32 v23, v12;
	v8 =	vcvt.f32.s32 v8;
	v11 =	vld.idx.msk [tilespmem:v21+s21+$0x0], $0xffff  }
0x440: {  	s30 =	sadd.s32 $0x80, s30;
	s6 =	sor.u32 s14, s6;
	v14 =	vmul.f32 v15, v14;
	v6 =	vld [tilespmem:s15+$0x0]  }
0x441: {  	v18 =	vmul.f32 v18, v5;
	v15 =	vcvt.s32.f32 v8;
	v16 =	vsub.s32 v8, v0;
	v7 =	vld [tilespmem:s13+$0x0];
	s13 =	sand.u32 $0x3F00, s30;
	[tilespmem:s3+$0x0] =	vst v10  }
0x442: {  	v19 =	vand.u32 $0x7F, v8;
	v14 =	vadd.f32 v14, v17;
	v21 =	vshll.u32 v16, $0x1;
	v8 =	vld [tilespmem:s6+$0x0];
	s6 =	sadd.s32 $0x8680, s13;
	[tilespmem:s0+$0x0] =	vst v12  }
0x443: {  	v13 =	vadd.f32 v18, v13;
	v12 =	vadd.s32 $0x1, v16;
	v5 =	vsub.f32 v25, v15;
	v10 =	vld.idx.msk [tilespmem:v22+s21+$0x0], $0xffff;
	s3 =	sor.u32 s7, s6;
	s0 =	sor.u32 s9, s6;
	s7 =	sor.u32 s8, s6  }
0x444: {  	v15 =	vand.u32 $0xFFFFFF00, v21;
	v16 =	vand.u32 $0x7F, v12;
	v17 =	vshll.u32 v12, $0x1;
	s6 =	sor.u32 s5, s6;
	s5 =	smov.u32 s4;
	v12 =	vld.idx.msk [tilespmem:v20+s21+$0x0], $0xffff;
	[tilespmem:s7+$0x0] =	vst v14;
	s7 =	smov.u32 s11  }
0x445: {  	s8 =	smov.u32 s12;
	s9 =	smov.u32 s14;
	v14 =	vor.u32 v15, v19;
	v15 =	vand.u32 $0xFFFFFF00, v17;
	v17 =	vtrunc.f32 v6;
	[tilespmem:s6+$0x0] =	vst v13  }
0x446: {  	v13 =	vor.u32 $0x80, v14;
	v18 =	vtrunc.f32 v7;
	v14 =	vcvt.f32.s32 v17  }
0x447: {  	v15 =	vor.u32 v15, v16;
	v16 =	vcvt.f32.s32 v18;
	v17 =	vtrunc.f32 v8  }
0x448: {  	v18 =	vor.u32 $0x80, v15;
	v15 =	vcvt.f32.s32 v17;
	v17 =	vsub.s32 v14, v0  }
0x449: {  	v19 =	vsub.s32 v16, v0;
	v20 =	vshll.u32 v17, $0x1;
	v17 =	vadd.s32 $0x1, v17  }
0x44a: {  	v21 =	vand.u32 $0x7F, v14;
	v20 =	vand.u32 $0xFFFFFF00, v20;
	v22 =	vshll.u32 v17, $0x1  }
0x44b: {  	v17 =	vand.u32 $0x7F, v17;
	v20 =	vor.u32 v20, v21;
	v21 =	vand.u32 $0xFFFFFF00, v22  }
0x44c: {  	v22 =	vsub.s32 v15, v0;
	v23 =	vor.u32 $0x80, v20;
	v17 =	vor.u32 v21, v17  }
0x44d: {  	v20 =	vadd.s32 $0x1, v19;
	v24 =	vadd.s32 $0x1, v22;
	v25 =	vor.u32 $0x80, v17  }
.Ltmp12:
0x44e: {  	v17 =	vshll.u32 v19, $0x1;
	v19 =	vshll.u32 v20, $0x1;
	v21 =	vshll.u32 v24, $0x1;
	(pc) =	sbr.rel @p0 .LBB2_26-.Ltmp12, $4  }
0x44f: {  	v22 =	vshll.u32 v22, $0x1;
	v19 =	vand.u32 $0xFFFFFF00, v19;
	v26 =	vand.u32 $0xFFFFFF00, v21;
	v13 =	vld.idx.msk [tilespmem:v13+s21+$0x0], $0xffff  }
0x450: {  	v28 =	vand.u32 $0x7F, v20;
	v20 =	vand.u32 $0xFFFFFF00, v22;
	v27 =	vand.u32 $0xFFFFFF00, v17;
	v18 =	vld.idx.msk [tilespmem:v18+s21+$0x0], $0xffff  }
0x451: {  	v22 =	vand.u32 $0x7F, v16;
	v29 =	vand.u32 $0x7F, v24;
	v21 =	vand.u32 $0x7F, v15;
	v17 =	vld.idx.msk [tilespmem:v23+s21+$0x0], $0xffff  }
0x452: {  	s1 =	sadd.s32 $0x40, s1;
	v22 =	vor.u32 v27, v22;
	v24 =	vor.u32 v19, v28;
	v23 =	vor.u32 v26, v29;
	v19 =	vld.idx.msk [tilespmem:v25+s21+$0x0], $0xffff  }
0x453: {  	v24 =	vor.u32 $0x80, v24  }
0x454: {  	v23 =	vor.u32 $0x80, v23  }
0x455: {  	v20 =	vor.u32 v20, v21;
	v21 =	vor.u32 $0x80, v22  }
0x456: {  	v20 =	vor.u32 $0x80, v20;
	_ =	sdelay $0x1  }
0x457: {  	v22 =	vld.idx.msk [tilespmem:v24+s21+$0x0], $0xffff  }
0x458: {  	v23 =	vld.idx.msk [tilespmem:v23+s21+$0x0], $0xffff  }
0x459: {  	v21 =	vld.idx.msk [tilespmem:v21+s21+$0x0], $0xffff  }
0x45a: {  	v16 =	vcvt.s32.f32 v16;
	v9 =	vsub.f32 v9, v10;
	v14 =	vcvt.s32.f32 v14;
	v20 =	vld.idx.msk [tilespmem:v20+s21+$0x0], $0xffff  }
0x45b: {  	v15 =	vcvt.s32.f32 v15;
	v11 =	vsub.f32 v11, v12;
	v18 =	vsub.f32 v18, v13  }
0x45c: {  	v4 =	vmul.f32 v9, v4;
	v6 =	vsub.f32 v6, v14;
	v9 =	vsub.f32 v19, v17  }
0x45d: {  	v7 =	vsub.f32 v7, v16;
	v8 =	vsub.f32 v8, v15;
	v3 =	vmul.f32 v11, v3  }
0x45e: {  	s1 =	sadd.s32 $0x80, s30;
	v4 =	vadd.f32 v4, v10;
	v6 =	vmul.f32 v9, v6;
	v9 =	vsub.f32 v22, v21  }
0x45f: {  	s1 =	sand.u32 $0x3F00, s1;
	v3 =	vadd.f32 v3, v12;
	v5 =	vmul.f32 v18, v5;
	v10 =	vsub.f32 v23, v20  }
0x460: {  	s1 =	sadd.s32 $0x8680, s1;
	[tilespmem:s3+$0x0] =	vst v4;
	v4 =	vadd.f32 v6, v17;
	v6 =	vmul.f32 v9, v7  }
0x461: {  	s15 =	sor.u32 s8, s1;
	[tilespmem:s0+$0x0] =	vst v3;
	v3 =	vadd.f32 v5, v13;
	v5 =	vmul.f32 v10, v8  }
0x462: {  	s16 =	sor.u32 s5, s1;
	[tilespmem:s15+$0x0] =	vst v4;
	v4 =	vadd.f32 v6, v21  }
0x463: {  	s17 =	sor.u32 s7, s1;
	[tilespmem:s16+$0x0] =	vst v3;
	v3 =	vadd.f32 v5, v20  }
0x464: {  	s1 =	sor.u32 s9, s1;
	[tilespmem:s17+$0x0] =	vst v4  }
0x465: {  	[tilespmem:s1+$0x0] =	vst v3  }
0x466: {  	s30 =	simm.s32 $0x0;
	s0 =	rddreg [dreg:$0xf]  }
0x467: {  	[tilespmem:s21], [sflag:$0x2] =	stream.linear.gather [hbm4b:s0+s30], $0x2800, $0x38;
	[tilespmem:$0xD700] =	vst v63  }
0x468: {  	s19 =	simm.s32 $0x8600;
	s22 =	simm.s32 $0x1;
	s18 =	rddreg [dreg:$0x10]  }
0x469: {  	[hbm4b:s18+s30] =	stream.linear.scatter [tilespmem:s19], [sflag:$0x4], $0x3600, $0x38;
	[tilespmem:$0xD700] =	vst v63  }
0x46a: {  	_ =	swait.ge [sflag:s22], $0x2800  }
0x46b: {  	[sflag:s22] =	ssyncset.done $0x0  }
0x46c: {  	s23 =	simm.s32 $0x3;
	s3 =	simm.s32 $0x0;
	[sflag:s22] =	ssyncadd.s32 $0xFFFFD800  }
0x46d: {  	s10 =	sand.u32 $0x40, s3;
	_ =	swait.ge [sflag:s23], $0x3600  }
0x46e: {  	s24 =	sand.u32 $0x1F80, s3;
	s13 =	sor.u32 $0x30, s10;
	[sflag:s23] =	ssyncset.done $0x0  }
0x46f: {  	s1 =	simm.s32 $0xBC00;
	s0 =	sadd.s32 $0xBC00, s24;
	[sflag:s23] =	ssyncadd.s32 $0xFFFFCA00  }
0x470: {  	s11 =	sor.u32 $0x10, s10;
	s12 =	sor.u32 $0x20, s10;
	s4 =	sor.u32 s13, s0;
	v8 =	vld [tilespmem:s1+$0x0]  }
0x471: {  	s25 =	sor.u32 s11, s0;
	s0 =	sor.u32 s12, s0;
	v9 =	vld [tilespmem:s4+$0x0]  }
0x472: {  	v7 =	vld [tilespmem:s0+$0x0];
	_ =	sdelay $0x3  }
0x473: {  	v3 =	vtrunc.f32 v8  }
0x474: {  	v11 =	vtrunc.f32 v9;
	v14 =	vtrunc.f32 v7  }
0x475: {  	v4 =	vcvt.f32.s32 v3;
	v11 =	vcvt.f32.s32 v11  }
0x476: {  	v14 =	vcvt.f32.s32 v14  }
0x477: {  	v5 =	vld [tilespmem:s25+$0x0];
	v3 =	vsub.s32 v4, v0;
	v6 =	vand.u32 $0x7F, v4;
	v13 =	vsub.s32 v11, v0  }
0x478: {  	v16 =	vand.u32 $0x7F, v11;
	v10 =	vshll.u32 v3, $0x1;
	v3 =	vadd.s32 $0x1, v3  }
0x479: {  	v15 =	vshll.u32 v13, $0x1;
	v13 =	vadd.s32 $0x1, v13;
	v10 =	vand.u32 $0xFFFFFF00, v10  }
0x47a: {  	v12 =	vand.u32 $0x7F, v3;
	v3 =	vshll.u32 v3, $0x1;
	v15 =	vand.u32 $0xFFFFFF00, v15  }
0x47b: {  	v17 =	vshll.u32 v13, $0x1;
	v13 =	vand.u32 $0x7F, v13;
	v6 =	vor.u32 v6, v10  }
0x47c: {  	v10 =	vtrunc.f32 v5;
	v15 =	vor.u32 v16, v15;
	v16 =	vand.u32 $0xFFFFFF00, v17  }
0x47d: {  	v3 =	vand.u32 $0xFFFFFF00, v3;
	v10 =	vcvt.f32.s32 v10;
	v13 =	vor.u32 v13, v16  }
0x47e: {  	s0 =	simm.s32 $0xBC40;
	v18 =	vsub.s32 v14, v0;
	v11 =	vcvt.s32.f32 v11;
	v12 =	vor.u32 v12, v3  }
0x47f: {  	v20 =	vadd.s32 $0x1, v18;
	v18 =	vshll.u32 v18, $0x1;
	v3 =	vld [tilespmem:s0+$0x0];
	v17 =	vsub.s32 v10, v0  }
0x480: {  	v18 =	vand.u32 $0xFFFFFF00, v18;
	v16 =	vadd.s32 $0x1, v17;
	v17 =	vshll.u32 v17, $0x1;
	v21 =	vld.idx.msk [tilespmem:v6+s30+$0x0], $0xffff  }
0x481: {  	v22 =	vand.u32 $0x7F, v10;
	v19 =	vshll.u32 v16, $0x1;
	v17 =	vand.u32 $0xFFFFFF00, v17;
	v15 =	vld.idx.msk [tilespmem:v15+s30+$0x0], $0xffff  }
0x482: {  	s9 =	simm.s32 $0x40;
	v16 =	vand.u32 $0x7F, v16;
	v6 =	vand.u32 $0xFFFFFF00, v19;
	v19 =	vshll.u32 v20, $0x1;
	v13 =	vld.idx.msk [tilespmem:v13+s30+$0x0], $0xffff  }
0x483: {  	s26 =	sand.u32 $0x1F80, s9;
	s4 =	sand.u32 $0x40, s9;
	v12 =	vld.idx.msk [tilespmem:v12+s30+$0x0], $0xffff;
	v20 =	vand.u32 $0x7F, v20;
	v19 =	vand.u32 $0xFFFFFF00, v19;
	v23 =	vor.u32 v16, v6  }
0x484: {  	s6 =	sadd.s32 $0xBC00, s26;
	s5 =	sor.u32 $0x30, s4;
	v16 =	vand.u32 $0x7F, v14;
	v6 =	vcvt.s32.f32 v10;
	v10 =	vcvt.s32.f32 v14  }
0x485: {  	s14 =	sor.u32 s5, s6;
	v14 =	vtrunc.f32 v3;
	v19 =	vor.u32 v20, v19;
	v20 =	vor.u32 v22, v17  }
0x486: {  	v17 =	vcvt.s32.f32 v4;
	v4 =	vld [tilespmem:s14+$0x0];
	v6 =	vsub.f32 v5, v6;
	v5 =	vsub.f32 v7, v10  }
0x487: {  	s7 =	sor.u32 $0x10, s4;
	v7 =	vcvt.f32.s32 v14;
	v10 =	vsub.f32 v9, v11;
	v11 =	vsub.f32 v13, v15  }
0x488: {  	s8 =	sor.u32 $0x20, s4;
	s15 =	sor.u32 s7, s6;
	v22 =	vor.u32 v16, v18;
	v13 =	vsub.f32 v8, v17;
	v12 =	vsub.f32 v12, v21  }
0x489: {  	s6 =	sor.u32 s8, s6;
	v8 =	vld [tilespmem:s15+$0x0];
	v14 =	vsub.s32 v7, v0;
	v16 =	vand.u32 $0x7F, v7;
	v10 =	vmul.f32 v11, v10  }
0x48a: {  	v9 =	vld [tilespmem:s6+$0x0];
	v11 =	vshll.u32 v14, $0x1;
	v14 =	vadd.s32 $0x1, v14;
	v12 =	vmul.f32 v12, v13  }
0x48b: {  	v13 =	vtrunc.f32 v4;
	v11 =	vand.u32 $0xFFFFFF00, v11;
	v18 =	vand.u32 $0x7F, v14  }
0x48c: {  	v14 =	vshll.u32 v14, $0x1;
	v13 =	vcvt.f32.s32 v13;
	v10 =	vadd.f32 v10, v15  }
0x48d: {  	v63 =	vadd.f32 v12, v21;
	v17 =	vor.u32 v16, v11;
	v12 =	vand.u32 $0xFFFFFF00, v14  }
0x48e: {  	v11 =	vtrunc.f32 v8;
	v18 =	vor.u32 v18, v12;
	v12 =	vsub.s32 v13, v0  }
0x48f: {  	s28 =	sand.u32 $0x3F00, s30;
	v14 =	vld.idx.msk [tilespmem:v19+s30+$0x0], $0xffff;
	v19 =	vand.u32 $0x7F, v13;
	v15 =	vcvt.f32.s32 v11;
	v11 =	vtrunc.f32 v9  }
0x490: {  	s6 =	sadd.s32 $0x5000, s28;
	v16 =	vcvt.f32.s32 v11;
	v11 =	vld.idx.msk [tilespmem:v23+s30+$0x0], $0xffff;
	v23 =	vshll.u32 v12, $0x1;
	v12 =	vadd.s32 $0x1, v12  }
0x491: {  	s13 =	sor.u32 s13, s6;
	v21 =	vsub.s32 v15, v0;
	v23 =	vand.u32 $0xFFFFFF00, v23;
	v25 =	vshll.u32 v12, $0x1  }
0x492: {  	s11 =	sor.u32 s11, s6;
	s31 =	sor.u32 s10, s6;
	[tilespmem:s13+$0x0] =	vst v10;
	v10 =	vld.idx.msk [tilespmem:v20+s30+$0x0], $0xffff;
	v20 =	vand.u32 $0x7F, v12;
	v19 =	vor.u32 v19, v23;
	v25 =	vand.u32 $0xFFFFFF00, v25  }
0x493: {  	s10 =	sor.u32 s12, s6;
	s12 =	simm.s32 $0x0;
	[tilespmem:s31+$0x0] =	vst v63;
	s13 =	simm.s32 $0xBC80;
	v12 =	vld.idx.msk [tilespmem:v22+s30+$0x0], $0xffff;
	v22 =	vadd.s32 $0x1, v21;
	v23 =	vsub.s32 v16, v0;
	v20 =	vor.u32 v20, v25  }
.LBB2_28:
0x494: {  	v24 =	vld [tilespmem:s13+$0x0];
	v21 =	vshll.u32 v21, $0x1;
	v25 =	vshll.u32 v22, $0x1;
	v26 =	vadd.s32 $0x1, v23  }
0x495: {  	v23 =	vshll.u32 v23, $0x1;
	v17 =	vld.idx.msk [tilespmem:v17+s30+$0x0], $0xffff;
	v25 =	vand.u32 $0xFFFFFF00, v25;
	v27 =	vshll.u32 v26, $0x1  }
0x496: {  	v22 =	vand.u32 $0x7F, v22;
	v21 =	vand.u32 $0xFFFFFF00, v21;
	v18 =	vld.idx.msk [tilespmem:v18+s30+$0x0], $0xffff;
	v27 =	vand.u32 $0xFFFFFF00, v27  }
0x497: {  	v28 =	vand.u32 $0x7F, v15;
	v23 =	vand.u32 $0xFFFFFF00, v23;
	v26 =	vand.u32 $0x7F, v26;
	v19 =	vld.idx.msk [tilespmem:v19+s30+$0x0], $0xffff  }
0x498: {  	v22 =	vor.u32 v22, v25;
	v25 =	vand.u32 $0x7F, v16;
	v26 =	vor.u32 v26, v27;
	v20 =	vld.idx.msk [tilespmem:v20+s30+$0x0], $0xffff  }
0x499: {  	v15 =	vcvt.s32.f32 v15;
	v21 =	vor.u32 v28, v21;
	v23 =	vor.u32 v25, v23  }
0x49a: {  	s9 =	sadd.s32 $0x40, s9;
	v11 =	vsub.f32 v11, v10;
	v14 =	vsub.f32 v14, v12;
	v16 =	vcvt.s32.f32 v16  }
0x49b: {  	v7 =	vcvt.s32.f32 v7;
	s6 =	sand.u32 $0x40, s9;
	s15 =	sand.u32 $0x1F80, s9;
	p0 =	slt.u32 s9, $0x1AC0;
	v8 =	vsub.f32 v8, v15;
	v25 =	vtrunc.f32 v24  }
0x49c: {  	v13 =	vcvt.s32.f32 v13;
	s14 =	sor.u32 $0x10, s6;
	s16 =	sadd.s32 $0xBC00, s15;
	s15 =	sor.u32 $0x30, s6;
	v15 =	vmul.f32 v11, v6;
	v9 =	vsub.f32 v9, v16  }
0x49d: {  	s18 =	sor.u32 $0x20, s6;
	s17 =	sor.u32 s14, s16;
	s19 =	sor.u32 s15, s16;
	v16 =	vsub.f32 v3, v7;
	v18 =	vsub.f32 v18, v17;
	v11 =	vld.idx.msk [tilespmem:v22+s30+$0x0], $0xffff;
	v22 =	vmul.f32 v14, v5  }
0x49e: {  	v13 =	vsub.f32 v4, v13;
	s16 =	sor.u32 s18, s16;
	v6 =	vmovc v8;
	v3 =	vmovc v24;
	v7 =	vcvt.f32.s32 v25;
	v14 =	vsub.f32 v20, v19;
	v4 =	vld [tilespmem:s19+$0x0]  }
0x49f: {  	v10 =	vadd.f32 v15, v10;
	v5 =	vmov v9;
	v8 =	vld [tilespmem:s17+$0x0];
	v12 =	vadd.f32 v22, v12  }
0x4a0: {  	s12 =	sadd.s32 $0x80, s12;
	v15 =	vsub.s32 v7, v0;
	v20 =	vand.u32 $0x7F, v7;
	v13 =	vmul.f32 v14, v13;
	v9 =	vld [tilespmem:s16+$0x0]  }
0x4a1: {  	v16 =	vmul.f32 v18, v16;
	v22 =	vshll.u32 v15, $0x1;
	v15 =	vadd.s32 $0x1, v15;
	s16 =	sand.u32 $0x3F00, s12;
	v14 =	vld.idx.msk [tilespmem:v26+s30+$0x0], $0xffff;
	[tilespmem:s11+$0x0] =	vst v10  }
0x4a2: {  	v18 =	vand.u32 $0xFFFFFF00, v22;
	v22 =	vand.u32 $0x7F, v15;
	s16 =	sadd.s32 $0x5000, s16;
	v19 =	vadd.f32 v13, v19;
	v10 =	vld.idx.msk [tilespmem:v21+s30+$0x0], $0xffff;
	[tilespmem:s10+$0x0] =	vst v12  }
0x4a3: {  	v16 =	vadd.f32 v16, v17;
	v15 =	vshll.u32 v15, $0x1;
	s11 =	sor.u32 s7, s16;
	s10 =	sor.u32 s8, s16;
	s5 =	sor.u32 s5, s16;
	v13 =	vtrunc.f32 v4;
	v12 =	vld.idx.msk [tilespmem:v23+s30+$0x0], $0xffff  }
0x4a4: {  	v17 =	vor.u32 v20, v18;
	s7 =	sor.u32 s4, s16;
	s4 =	smov.u32 s6;
	v18 =	vtrunc.f32 v8;
	v13 =	vcvt.f32.s32 v13;
	[tilespmem:s5+$0x0] =	vst v19  }
0x4a5: {  	s8 =	smov.u32 s18;
	v19 =	vand.u32 $0xFFFFFF00, v15;
	s5 =	smov.u32 s15;
	v15 =	vcvt.f32.s32 v18;
	v20 =	vtrunc.f32 v9;
	[tilespmem:s7+$0x0] =	vst v16;
	s7 =	smov.u32 s14  }
.Ltmp13:
0x4a6: {  	v18 =	vor.u32 v22, v19;
	v16 =	vcvt.f32.s32 v20;
	v19 =	vsub.s32 v13, v0;
	(pc) =	sbr.rel @p0 .LBB2_28-.Ltmp13, $4  }
0x4a7: {  	v21 =	vsub.s32 v15, v0;
	v20 =	vshll.u32 v19, $0x1;
	v22 =	vadd.s32 $0x1, v19  }
0x4a8: {  	v19 =	vand.u32 $0x7F, v13;
	v20 =	vand.u32 $0xFFFFFF00, v20;
	v23 =	vshll.u32 v22, $0x1  }
0x4a9: {  	v19 =	vor.u32 v19, v20;
	v20 =	vand.u32 $0x7F, v22;
	v24 =	vand.u32 $0xFFFFFF00, v23  }
0x4aa: {  	s13 =	sadd.s32 $0x40, s13;
	v22 =	vadd.s32 $0x1, v21;
	v23 =	vsub.s32 v16, v0;
	v20 =	vor.u32 v20, v24  }
0x4ab: {  	v24 =	vshll.u32 v22, $0x1  }
0x4ac: {  	v21 =	vshll.u32 v21, $0x1;
	v25 =	vadd.s32 $0x1, v23;
	v23 =	vshll.u32 v23, $0x1  }
0x4ad: {  	v22 =	vand.u32 $0x7F, v22;
	v24 =	vand.u32 $0xFFFFFF00, v24;
	v26 =	vshll.u32 v25, $0x1  }
0x4ae: {  	v25 =	vand.u32 $0x7F, v25;
	v26 =	vand.u32 $0xFFFFFF00, v26;
	v22 =	vor.u32 v22, v24  }
0x4af: {  	v17 =	vld.idx.msk [tilespmem:v17+s30+$0x0], $0xffff;
	v21 =	vand.u32 $0xFFFFFF00, v21;
	v24 =	vand.u32 $0x7F, v15;
	v25 =	vor.u32 v25, v26  }
0x4b0: {  	v18 =	vld.idx.msk [tilespmem:v18+s30+$0x0], $0xffff;
	v23 =	vand.u32 $0xFFFFFF00, v23;
	v26 =	vand.u32 $0x7F, v16;
	v21 =	vor.u32 v24, v21  }
0x4b1: {  	v19 =	vld.idx.msk [tilespmem:v19+s30+$0x0], $0xffff;
	v23 =	vor.u32 v26, v23  }
0x4b2: {  	v20 =	vld.idx.msk [tilespmem:v20+s30+$0x0], $0xffff  }
0x4b3: {  	v22 =	vld.idx.msk [tilespmem:v22+s30+$0x0], $0xffff  }
0x4b4: {  	v24 =	vld.idx.msk [tilespmem:v25+s30+$0x0], $0xffff  }
0x4b5: {  	v11 =	vsub.f32 v11, v10;
	v13 =	vcvt.s32.f32 v13;
	v7 =	vcvt.s32.f32 v7;
	v21 =	vld.idx.msk [tilespmem:v21+s30+$0x0], $0xffff  }
0x4b6: {  	v14 =	vsub.f32 v14, v12;
	v15 =	vcvt.s32.f32 v15;
	v23 =	vld.idx.msk [tilespmem:v23+s30+$0x0], $0xffff  }
0x4b7: {  	v6 =	vmul.f32 v11, v6;
	v4 =	vsub.f32 v4, v13;
	v3 =	vsub.f32 v3, v7  }
0x4b8: {  	v5 =	vmul.f32 v14, v5;
	v8 =	vsub.f32 v8, v15;
	v11 =	vsub.f32 v20, v19  }
0x4b9: {  	v16 =	vcvt.s32.f32 v16;
	v6 =	vadd.f32 v6, v10;
	v7 =	vsub.f32 v18, v17  }
0x4ba: {  	s6 =	sadd.s32 $0x80, s12;
	v5 =	vadd.f32 v5, v12;
	v4 =	vmul.f32 v11, v4;
	v10 =	vsub.f32 v22, v21  }
0x4bb: {  	s6 =	sand.u32 $0x3F00, s6;
	v9 =	vsub.f32 v9, v16;
	v3 =	vmul.f32 v7, v3;
	v7 =	vsub.f32 v24, v23  }
0x4bc: {  	s6 =	sadd.s32 $0x5000, s6;
	[tilespmem:s11+$0x0] =	vst v6;
	v4 =	vadd.f32 v4, v19;
	v6 =	vmul.f32 v10, v8  }
0x4bd: {  	s5 =	sor.u32 s5, s6;
	[tilespmem:s10+$0x0] =	vst v5;
	v3 =	vadd.f32 v3, v17;
	v5 =	vmul.f32 v7, v9  }
0x4be: {  	s4 =	sor.u32 s4, s6;
	[tilespmem:s5+$0x0] =	vst v4;
	v4 =	vadd.f32 v6, v21  }
0x4bf: {  	s22 =	sor.u32 s7, s6;
	[tilespmem:s4+$0x0] =	vst v3;
	v3 =	vadd.f32 v5, v23  }
0x4c0: {  	s23 =	sor.u32 s8, s6;
	[tilespmem:s22+$0x0] =	vst v4  }
0x4c1: {  	[tilespmem:s23+$0x0] =	vst v3  }
0x4c2: {  	s24 =	sand.u32 $0x1FC0, s3;
	v3 =	vld [tilespmem:s1+$0x0]  }
0x4c3: {  	v4 =	vld [tilespmem:s24+$0xBC30];
	_ =	sdelay $0x4  }
0x4c4: {  	v5 =	vtrunc.f32 v3;
	v10 =	vtrunc.f32 v4  }
0x4c5: {  	v5 =	vcvt.f32.s32 v5;
	v10 =	vcvt.f32.s32 v10;
	_ =	sdelay $0x1  }
0x4c6: {  	v6 =	vld [tilespmem:s24+$0xBC10];
	v7 =	vsub.s32 v5, v0;
	v8 =	vand.u32 $0x7F, v5;
	v13 =	vsub.s32 v10, v0  }
0x4c7: {  	v11 =	vld [tilespmem:s24+$0xBC20];
	v15 =	vand.u32 $0x7F, v10;
	v5 =	vcvt.s32.f32 v5;
	v9 =	vshll.u32 v7, $0x1  }
0x4c8: {  	v7 =	vadd.s32 $0x1, v7;
	v14 =	vshll.u32 v13, $0x1;
	v13 =	vadd.s32 $0x1, v13  }
0x4c9: {  	v9 =	vand.u32 $0xFFFFFF00, v9;
	v12 =	vand.u32 $0x7F, v7;
	v7 =	vshll.u32 v7, $0x1  }
0x4ca: {  	v14 =	vand.u32 $0xFFFFFF00, v14;
	v16 =	vshll.u32 v13, $0x1;
	v13 =	vand.u32 $0x7F, v13  }
0x4cb: {  	v8 =	vor.u32 v9, v8;
	v9 =	vtrunc.f32 v6;
	v14 =	vor.u32 v14, v15  }
0x4cc: {  	v15 =	vand.u32 $0xFFFFFF00, v16;
	v16 =	vtrunc.f32 v11;
	v7 =	vand.u32 $0xFFFFFF00, v7  }
0x4cd: {  	v8 =	vor.u32 $0x80, v8;
	v9 =	vcvt.f32.s32 v9;
	v14 =	vor.u32 $0x80, v14  }
0x4ce: {  	v13 =	vor.u32 v15, v13;
	v15 =	vcvt.f32.s32 v16;
	v7 =	vor.u32 v7, v12  }
0x4cf: {  	v18 =	vsub.f32 v3, v5;
	v13 =	vor.u32 $0x80, v13;
	v7 =	vor.u32 $0x80, v7  }
0x4d0: {  	v12 =	vsub.s32 v9, v0;
	v16 =	vsub.s32 v15, v0;
	v20 =	vand.u32 $0x7F, v9  }
0x4d1: {  	v21 =	vld [tilespmem:s0+$0x0];
	v22 =	vand.u32 $0x7F, v15;
	v9 =	vcvt.s32.f32 v9;
	v17 =	vadd.s32 $0x1, v12  }
0x4d2: {  	v3 =	vadd.s32 $0x1, v16;
	v16 =	vshll.u32 v16, $0x1;
	v5 =	vshll.u32 v17, $0x1;
	v19 =	vld.idx.msk [tilespmem:v8+s2+$0x0], $0xffff  }
0x4d3: {  	v17 =	vand.u32 $0x7F, v17;
	v16 =	vand.u32 $0xFFFFFF00, v16;
	v8 =	vshll.u32 v12, $0x1;
	v14 =	vld.idx.msk [tilespmem:v14+s2+$0x0], $0xffff  }
0x4d4: {  	v12 =	vshll.u32 v3, $0x1;
	v5 =	vand.u32 $0xFFFFFF00, v5;
	v3 =	vand.u32 $0x7F, v3;
	v13 =	vld.idx.msk [tilespmem:v13+s2+$0x0], $0xffff  }
0x4d5: {  	v12 =	vand.u32 $0xFFFFFF00, v12;
	v8 =	vand.u32 $0xFFFFFF00, v8;
	v7 =	vld.idx.msk [tilespmem:v7+s2+$0x0], $0xffff;
	v5 =	vor.u32 v5, v17  }
0x4d6: {  	v8 =	vor.u32 v8, v20;
	v3 =	vor.u32 v12, v3;
	v12 =	vor.u32 $0x80, v5  }
0x4d7: {  	v5 =	vor.u32 v16, v22;
	v17 =	vor.u32 $0x80, v3;
	v3 =	vcvt.s32.f32 v10  }
0x4d8: {  	s0 =	simm.s32 $0x40;
	v10 =	vor.u32 $0x80, v8;
	v8 =	vcvt.s32.f32 v15;
	v15 =	vtrunc.f32 v21  }
0x4d9: {  	s25 =	sand.u32 $0x1FC0, s0;
	v20 =	vor.u32 $0x80, v5;
	v4 =	vsub.f32 v4, v3;
	v13 =	vsub.f32 v13, v14  }
0x4da: {  	v5 =	vsub.f32 v6, v9;
	v6 =	vld [tilespmem:s25+$0xBC30];
	v15 =	vcvt.f32.s32 v15;
	v16 =	vsub.f32 v7, v19  }
0x4db: {  	v3 =	vsub.f32 v11, v8;
	v4 =	vmul.f32 v13, v4  }
0x4dc: {  	v9 =	vcvt.s32.f32 v15;
	v11 =	vsub.s32 v15, v0;
	v7 =	vld [tilespmem:s25+$0xBC10];
	v13 =	vmul.f32 v16, v18  }
0x4dd: {  	v8 =	vld [tilespmem:s25+$0xBC20];
	v15 =	vand.u32 $0x7F, v15;
	v16 =	vshll.u32 v11, $0x1;
	v18 =	vadd.f32 v4, v14  }
0x4de: {  	v4 =	vsub.f32 v21, v9;
	v9 =	vadd.s32 $0x1, v11;
	v19 =	vadd.f32 v13, v19  }
0x4df: {  	v11 =	vand.u32 $0xFFFFFF00, v16;
	v14 =	vtrunc.f32 v6;
	v13 =	vand.u32 $0x7F, v9  }
0x4e0: {  	v9 =	vshll.u32 v9, $0x1;
	v11 =	vor.u32 v11, v15;
	v14 =	vcvt.f32.s32 v14  }
0x4e1: {  	v9 =	vand.u32 $0xFFFFFF00, v9;
	v21 =	vor.u32 $0x80, v11;
	v11 =	vtrunc.f32 v7  }
0x4e2: {  	p0 =	por $0x0, $0x0;
	s1 =	simm.s32 $0x1;
	v9 =	vor.u32 v9, v13;
	v16 =	vcvt.f32.s32 v11;
	v11 =	vtrunc.f32 v8  }
0x4e3: {  	s1 =	simm.s32 @!p0 $0x0;
	v24 =	vand.u32 $0x7F, v14;
	v22 =	vor.u32 $0x80, v9;
	v9 =	vsub.s32 v14, v0  }
0x4e4: {  	s1 =	sshll.u32 s1, $0x6;
	v15 =	vcvt.f32.s32 v11;
	v11 =	vshll.u32 v9, $0x1;
	v23 =	vadd.s32 $0x1, v9  }
0x4e5: {  	s1 =	sadd.s32 $0x0, s1;
	v13 =	vsub.s32 v16, v0;
	v11 =	vand.u32 $0xFFFFFF00, v11;
	v25 =	vshll.u32 v23, $0x1  }
0x4e6: {  	s28 =	sor.u32 $0x80, s1;
	v9 =	vld.idx.msk [tilespmem:v12+s2+$0x0], $0xffff;
	v23 =	vand.u32 $0x7F, v23;
	v12 =	vor.u32 v11, v24;
	v24 =	vand.u32 $0xFFFFFF00, v25  }
0x4e7: {  	v10 =	vld.idx.msk [tilespmem:v10+s2+$0x0], $0xffff;
	[tilespmem:s28+$0x5000] =	vst v19;
	v19 =	vand.u32 $0x7F, v16;
	v25 =	vor.u32 $0x80, v12;
	v12 =	vor.u32 v24, v23  }
0x4e8: {  	v11 =	vld.idx.msk [tilespmem:v17+s2+$0x0], $0xffff;
	v17 =	vsub.s32 v15, v0;
	v23 =	vadd.s32 $0x1, v13;
	v26 =	vor.u32 $0x80, v12  }
0x4e9: {  	s26 =	sadd.s32 $0x30, s1;
	v24 =	vadd.s32 $0x1, v17;
	v17 =	vshll.u32 v17, $0x1;
	v12 =	vld.idx.msk [tilespmem:v20+s2+$0x0], $0xffff;
	v20 =	vshll.u32 v13, $0x1  }
0x4ea: {  	s3 =	sor.u32 $0x80, s26;
	v27 =	vshll.u32 v23, $0x1;
	v28 =	vshll.u32 v24, $0x1;
	v13 =	vld.idx.msk [tilespmem:v21+s2+$0x0], $0xffff;
	v23 =	vand.u32 $0x7F, v23  }
0x4eb: {  	[tilespmem:s3+$0x5000] =	vst v18;
	v18 =	vld.idx.msk [tilespmem:v22+s2+$0x0], $0xffff;
	v21 =	vand.u32 $0x7F, v15;
	v29 =	vand.u32 $0x7F, v24;
	v27 =	vand.u32 $0xFFFFFF00, v27  }
0x4ec: {  	s31 =	sadd.s32 $0x10, s1;
	s1 =	sadd.s32 $0x20, s1;
	v28 =	vand.u32 $0xFFFFFF00, v28;
	v22 =	vand.u32 $0xFFFFFF00, v20;
	v20 =	vand.u32 $0xFFFFFF00, v17;
	v17 =	vld.idx.msk [tilespmem:v25+s2+$0x0], $0xffff  }
0x4ed: {  	s4 =	simm.s32 $0xBC80;
	s1 =	sor.u32 $0x80, s1;
	s3 =	sor.u32 $0x80, s31;
	v22 =	vor.u32 v22, v19;
	v24 =	vor.u32 v27, v23;
	v23 =	vor.u32 v28, v29;
	v19 =	vld.idx.msk [tilespmem:v26+s2+$0x0], $0xffff  }
.LBB2_30:
0x4ee: {  	v25 =	vld [tilespmem:s4+$0x0];
	v24 =	vor.u32 $0x80, v24;
	v20 =	vor.u32 v20, v21;
	v21 =	vor.u32 $0x80, v23  }
0x4ef: {  	v16 =	vcvt.s32.f32 v16;
	v22 =	vor.u32 $0x80, v22;
	v20 =	vor.u32 $0x80, v20  }
0x4f0: {  	v15 =	vcvt.s32.f32 v15;
	v9 =	vsub.f32 v9, v10;
	v11 =	vsub.f32 v11, v12  }
0x4f1: {  	v14 =	vcvt.s32.f32 v14;
	v18 =	vsub.f32 v18, v13;
	v7 =	vsub.f32 v7, v16  }
0x4f2: {  	v16 =	vmul.f32 v9, v5;
	v23 =	vmul.f32 v11, v3;
	v3 =	vsub.f32 v8, v15  }
0x4f3: {  	s0 =	sadd.s32 $0x40, s0;
	p0 =	por !p0, !p0;
	s6 =	simm.s32 $0x1;
	v14 =	vsub.f32 v6, v14;
	v15 =	vsub.f32 v19, v17;
	v5 =	vmovc v7;
	v8 =	vtrunc.f32 v25;
	v9 =	vld.idx.msk [tilespmem:v24+s2+$0x0], $0xffff  }
0x4f4: {  	s5 =	sand.u32 $0x1FC0, s0;
	p1 =	slt.u32 s0, $0x1AC0;
	s6 =	simm.s32 @!p0 $0x0;
	v10 =	vadd.f32 v16, v10;
	v12 =	vadd.f32 v23, v12;
	v8 =	vcvt.f32.s32 v8;
	v11 =	vld.idx.msk [tilespmem:v21+s2+$0x0], $0xffff  }
0x4f5: {  	s30 =	sadd.s32 $0x80, s30;
	s6 =	sshll.u32 s6, $0x6;
	v14 =	vmul.f32 v15, v14;
	v6 =	vld [tilespmem:s5+$0xBC30]  }
0x4f6: {  	s6 =	sadd.s32 s6, s30;
	v18 =	vmul.f32 v18, v4;
	v15 =	vcvt.s32.f32 v8;
	v16 =	vsub.s32 v8, v0;
	v7 =	vld [tilespmem:s5+$0xBC10];
	[tilespmem:s3+$0x5000] =	vst v10  }
0x4f7: {  	s7 =	sadd.s32 $0x30, s6;
	v19 =	vand.u32 $0x7F, v8;
	s3 =	sadd.s32 $0x10, s6;
	v14 =	vadd.f32 v14, v17;
	v21 =	vshll.u32 v16, $0x1;
	v8 =	vld [tilespmem:s5+$0xBC20];
	s5 =	sadd.s32 $0x20, s6;
	[tilespmem:s1+$0x5000] =	vst v12  }
0x4f8: {  	v13 =	vadd.f32 v18, v13;
	v12 =	vadd.s32 $0x1, v16;
	s3 =	sor.u32 $0x80, s3;
	v4 =	vsub.f32 v25, v15;
	v10 =	vld.idx.msk [tilespmem:v22+s2+$0x0], $0xffff;
	s1 =	sor.u32 $0x80, s5;
	s5 =	sor.u32 $0x80, s7  }
0x4f9: {  	s6 =	sor.u32 $0x80, s6;
	v15 =	vand.u32 $0xFFFFFF00, v21;
	v16 =	vand.u32 $0x7F, v12;
	v17 =	vshll.u32 v12, $0x1;
	v12 =	vld.idx.msk [tilespmem:v20+s2+$0x0], $0xffff;
	[tilespmem:s5+$0x5000] =	vst v14  }
0x4fa: {  	v14 =	vor.u32 v15, v19;
	v15 =	vand.u32 $0xFFFFFF00, v17;
	v17 =	vtrunc.f32 v6;
	[tilespmem:s6+$0x5000] =	vst v13  }
0x4fb: {  	v13 =	vor.u32 $0x80, v14;
	v18 =	vtrunc.f32 v7;
	v14 =	vcvt.f32.s32 v17  }
0x4fc: {  	v15 =	vor.u32 v15, v16;
	v16 =	vcvt.f32.s32 v18;
	v17 =	vtrunc.f32 v8  }
0x4fd: {  	v18 =	vor.u32 $0x80, v15;
	v15 =	vcvt.f32.s32 v17;
	v17 =	vsub.s32 v14, v0  }
0x4fe: {  	v19 =	vsub.s32 v16, v0;
	v20 =	vshll.u32 v17, $0x1;
	v17 =	vadd.s32 $0x1, v17  }
0x4ff: {  	v21 =	vand.u32 $0x7F, v14;
	v20 =	vand.u32 $0xFFFFFF00, v20;
	v22 =	vshll.u32 v17, $0x1  }
0x500: {  	v17 =	vand.u32 $0x7F, v17;
	v20 =	vor.u32 v20, v21;
	v21 =	vand.u32 $0xFFFFFF00, v22  }
0x501: {  	v22 =	vsub.s32 v15, v0;
	v23 =	vor.u32 $0x80, v20;
	v17 =	vor.u32 v21, v17  }
0x502: {  	v20 =	vadd.s32 $0x1, v19;
	v24 =	vadd.s32 $0x1, v22;
	v25 =	vor.u32 $0x80, v17  }
.Ltmp14:
0x503: {  	v17 =	vshll.u32 v19, $0x1;
	v19 =	vshll.u32 v20, $0x1;
	v21 =	vshll.u32 v24, $0x1;
	(pc) =	sbr.rel @p1 .LBB2_30-.Ltmp14, $4  }
0x504: {  	v22 =	vshll.u32 v22, $0x1;
	v19 =	vand.u32 $0xFFFFFF00, v19;
	v26 =	vand.u32 $0xFFFFFF00, v21;
	v13 =	vld.idx.msk [tilespmem:v13+s2+$0x0], $0xffff  }
0x505: {  	v28 =	vand.u32 $0x7F, v20;
	v20 =	vand.u32 $0xFFFFFF00, v22;
	v27 =	vand.u32 $0xFFFFFF00, v17;
	v18 =	vld.idx.msk [tilespmem:v18+s2+$0x0], $0xffff  }
0x506: {  	v22 =	vand.u32 $0x7F, v16;
	v29 =	vand.u32 $0x7F, v24;
	v21 =	vand.u32 $0x7F, v15;
	v17 =	vld.idx.msk [tilespmem:v23+s2+$0x0], $0xffff  }
0x507: {  	s4 =	sadd.s32 $0x40, s4;
	v22 =	vor.u32 v27, v22;
	v24 =	vor.u32 v19, v28;
	v23 =	vor.u32 v26, v29;
	v19 =	vld.idx.msk [tilespmem:v25+s2+$0x0], $0xffff  }
0x508: {  	v24 =	vor.u32 $0x80, v24  }
0x509: {  	v23 =	vor.u32 $0x80, v23  }
0x50a: {  	v20 =	vor.u32 v20, v21;
	v21 =	vor.u32 $0x80, v22  }
0x50b: {  	v20 =	vor.u32 $0x80, v20;
	_ =	sdelay $0x1  }
0x50c: {  	v22 =	vld.idx.msk [tilespmem:v24+s2+$0x0], $0xffff  }
0x50d: {  	v23 =	vld.idx.msk [tilespmem:v23+s2+$0x0], $0xffff  }
0x50e: {  	v21 =	vld.idx.msk [tilespmem:v21+s2+$0x0], $0xffff  }
0x50f: {  	v16 =	vcvt.s32.f32 v16;
	v9 =	vsub.f32 v9, v10;
	v14 =	vcvt.s32.f32 v14;
	v20 =	vld.idx.msk [tilespmem:v20+s2+$0x0], $0xffff  }
0x510: {  	v15 =	vcvt.s32.f32 v15;
	v11 =	vsub.f32 v11, v12;
	v18 =	vsub.f32 v18, v13  }
0x511: {  	p0 =	por !p0, !p0;
	s0 =	simm.s32 $0x1;
	v5 =	vmul.f32 v9, v5;
	v6 =	vsub.f32 v6, v14;
	v9 =	vsub.f32 v19, v17  }
0x512: {  	s0 =	simm.s32 @!p0 $0x0;
	v7 =	vsub.f32 v7, v16;
	v8 =	vsub.f32 v8, v15;
	v3 =	vmul.f32 v11, v3  }
0x513: {  	s4 =	sadd.s32 $0x80, s30;
	s0 =	sshll.u32 s0, $0x6;
	v5 =	vadd.f32 v5, v10;
	v6 =	vmul.f32 v9, v6;
	v9 =	vsub.f32 v22, v21  }
0x514: {  	s0 =	sadd.s32 s0, s4;
	v3 =	vadd.f32 v3, v12;
	v4 =	vmul.f32 v18, v4;
	v10 =	vsub.f32 v23, v20  }
0x515: {  	s14 =	sadd.s32 $0x30, s0;
	[tilespmem:s3+$0x5000] =	vst v5;
	v5 =	vadd.f32 v6, v17;
	v6 =	vmul.f32 v9, v7  }
0x516: {  	s15 =	sor.u32 $0x80, s14;
	[tilespmem:s1+$0x5000] =	vst v3;
	v3 =	vadd.f32 v4, v13;
	v4 =	vmul.f32 v10, v8  }
0x517: {  	s16 =	sadd.s32 $0x10, s0;
	s4 =	sor.u32 $0x80, s0;
	[tilespmem:s15+$0x5000] =	vst v5;
	v5 =	vadd.f32 v6, v21  }
0x518: {  	s0 =	sadd.s32 $0x20, s0;
	s17 =	sor.u32 $0x80, s16;
	[tilespmem:s4+$0x5000] =	vst v3;
	v3 =	vadd.f32 v4, v20  }
0x519: {  	s0 =	sor.u32 $0x80, s0;
	[tilespmem:s17+$0x5000] =	vst v5  }
0x51a: {  	s30 =	simm.s32 $0x0;
	[tilespmem:s0+$0x5000] =	vst v3  }
0x51b: {  	s18 =	simm.s32 $0x5000;
	s19 =	simm.s32 $0x2;
	s0 =	rddreg [dreg:$0x11]  }
0x51c: {  	[hbm4b:s0+s30] =	stream.linear.scatter [tilespmem:s18], [sflag:$0x3], $0x3600, $0x38;
	[tilespmem:$0xD700] =	vst v63  }
0x51d: {  	_ =	swait.ge [sflag:s19], $0x2800  }
0x51e: {  	[sflag:s19] =	ssyncset.done $0x0  }
0x51f: {  	s22 =	simm.s32 $0x4;
	[sflag:s19] =	ssyncadd.s32 $0xFFFFD800  }
0x520: {  	s7 =	simm.s32 $0xBC00;
	s23 =	simm.s32 $0x0;
	_ =	swait.ge [sflag:s22], $0x3600  }
0x521: {  	s1 =	sand.u32 $0x1F80, s23;
	s0 =	sand.u32 $0x40, s23;
	[sflag:s22] =	ssyncset.done $0x0  }
0x522: {  	s24 =	sadd.s32 $0xBC00, s1;
	s3 =	sor.u32 $0x30, s0;
	[sflag:s22] =	ssyncadd.s32 $0xFFFFCA00  }
0x523: {  	s1 =	sor.u32 $0x20, s0;
	s9 =	sor.u32 s3, s24;
	v8 =	vld [tilespmem:s7+$0x0]  }
0x524: {  	s8 =	sor.u32 s1, s24;
	v9 =	vld [tilespmem:s9+$0x0]  }
0x525: {  	v7 =	vld [tilespmem:s8+$0x0];
	_ =	sdelay $0x3  }
0x526: {  	v3 =	vtrunc.f32 v8  }
0x527: {  	v11 =	vtrunc.f32 v9;
	v14 =	vtrunc.f32 v7  }
0x528: {  	s31 =	sor.u32 $0x10, s0;
	v4 =	vcvt.f32.s32 v3;
	v11 =	vcvt.f32.s32 v11  }
0x529: {  	s10 =	sor.u32 s31, s24;
	v14 =	vcvt.f32.s32 v14  }
0x52a: {  	v5 =	vld [tilespmem:s10+$0x0];
	v3 =	vsub.s32 v4, v0;
	v6 =	vand.u32 $0x7F, v4;
	v13 =	vsub.s32 v11, v0  }
0x52b: {  	v16 =	vand.u32 $0x7F, v11;
	v10 =	vshll.u32 v3, $0x1;
	v3 =	vadd.s32 $0x1, v3  }
0x52c: {  	v15 =	vshll.u32 v13, $0x1;
	v13 =	vadd.s32 $0x1, v13;
	v10 =	vand.u32 $0xFFFFFF00, v10  }
0x52d: {  	v12 =	vand.u32 $0x7F, v3;
	v3 =	vshll.u32 v3, $0x1;
	v15 =	vand.u32 $0xFFFFFF00, v15  }
0x52e: {  	v17 =	vshll.u32 v13, $0x1;
	v13 =	vand.u32 $0x7F, v13;
	v6 =	vor.u32 v6, v10  }
0x52f: {  	v10 =	vtrunc.f32 v5;
	v15 =	vor.u32 v16, v15;
	v16 =	vand.u32 $0xFFFFFF00, v17  }
0x530: {  	v3 =	vand.u32 $0xFFFFFF00, v3;
	v10 =	vcvt.f32.s32 v10;
	v13 =	vor.u32 v13, v16  }
0x531: {  	s5 =	simm.s32 $0xBC40;
	v18 =	vsub.s32 v14, v0;
	v11 =	vcvt.s32.f32 v11;
	v12 =	vor.u32 v12, v3  }
0x532: {  	v20 =	vadd.s32 $0x1, v18;
	v18 =	vshll.u32 v18, $0x1;
	v3 =	vld [tilespmem:s5+$0x0];
	v17 =	vsub.s32 v10, v0  }
0x533: {  	v18 =	vand.u32 $0xFFFFFF00, v18;
	v16 =	vadd.s32 $0x1, v17;
	v17 =	vshll.u32 v17, $0x1;
	v21 =	vld.idx.msk [tilespmem:v6+s21+$0x0], $0xffff  }
0x534: {  	v22 =	vand.u32 $0x7F, v10;
	v19 =	vshll.u32 v16, $0x1;
	v17 =	vand.u32 $0xFFFFFF00, v17;
	v15 =	vld.idx.msk [tilespmem:v15+s21+$0x0], $0xffff  }
0x535: {  	s15 =	simm.s32 $0x40;
	v16 =	vand.u32 $0x7F, v16;
	v6 =	vand.u32 $0xFFFFFF00, v19;
	v19 =	vshll.u32 v20, $0x1;
	v13 =	vld.idx.msk [tilespmem:v13+s21+$0x0], $0xffff  }
0x536: {  	s11 =	sand.u32 $0x40, s15;
	s25 =	sand.u32 $0x1F80, s15;
	v12 =	vld.idx.msk [tilespmem:v12+s21+$0x0], $0xffff;
	v20 =	vand.u32 $0x7F, v20;
	v19 =	vand.u32 $0xFFFFFF00, v19;
	v23 =	vor.u32 v16, v6  }
0x537: {  	s4 =	sadd.s32 $0xBC00, s25;
	s13 =	sor.u32 $0x30, s11;
	v16 =	vand.u32 $0x7F, v14;
	v6 =	vcvt.s32.f32 v10;
	v10 =	vcvt.s32.f32 v14  }
0x538: {  	s6 =	sor.u32 s13, s4;
	v14 =	vtrunc.f32 v3;
	v19 =	vor.u32 v20, v19;
	v20 =	vor.u32 v22, v17  }
0x539: {  	v17 =	vcvt.s32.f32 v4;
	v4 =	vld [tilespmem:s6+$0x0];
	v6 =	vsub.f32 v5, v6;
	v5 =	vsub.f32 v7, v10  }
0x53a: {  	s12 =	sor.u32 $0x10, s11;
	v7 =	vcvt.f32.s32 v14;
	v10 =	vsub.f32 v9, v11;
	v11 =	vsub.f32 v13, v15  }
0x53b: {  	s14 =	sor.u32 $0x20, s11;
	s16 =	sor.u32 s12, s4;
	v22 =	vor.u32 v16, v18;
	v13 =	vsub.f32 v8, v17;
	v12 =	vsub.f32 v12, v21  }
0x53c: {  	s4 =	sor.u32 s14, s4;
	v8 =	vld [tilespmem:s16+$0x0];
	v14 =	vsub.s32 v7, v0;
	v16 =	vand.u32 $0x7F, v7;
	v10 =	vmul.f32 v11, v10  }
0x53d: {  	v9 =	vld [tilespmem:s4+$0x0];
	v11 =	vshll.u32 v14, $0x1;
	v14 =	vadd.s32 $0x1, v14;
	v12 =	vmul.f32 v12, v13  }
0x53e: {  	v13 =	vtrunc.f32 v4;
	v11 =	vand.u32 $0xFFFFFF00, v11;
	v18 =	vand.u32 $0x7F, v14  }
0x53f: {  	v14 =	vshll.u32 v14, $0x1;
	v13 =	vcvt.f32.s32 v13;
	v10 =	vadd.f32 v10, v15  }
0x540: {  	v63 =	vadd.f32 v12, v21;
	v17 =	vor.u32 v16, v11;
	v12 =	vand.u32 $0xFFFFFF00, v14  }
0x541: {  	v11 =	vtrunc.f32 v8;
	v18 =	vor.u32 v18, v12;
	v12 =	vsub.s32 v13, v0  }
0x542: {  	s4 =	sand.u32 $0x3F00, s30;
	v14 =	vld.idx.msk [tilespmem:v19+s21+$0x0], $0xffff;
	v19 =	vand.u32 $0x7F, v13;
	v15 =	vcvt.f32.s32 v11;
	v11 =	vtrunc.f32 v9  }
0x543: {  	s26 =	sadd.s32 $0x8600, s4;
	v16 =	vcvt.f32.s32 v11;
	v11 =	vld.idx.msk [tilespmem:v23+s21+$0x0], $0xffff;
	v23 =	vshll.u32 v12, $0x1;
	v12 =	vadd.s32 $0x1, v12  }
0x544: {  	s28 =	sor.u32 s3, s26;
	v21 =	vsub.s32 v15, v0;
	v23 =	vand.u32 $0xFFFFFF00, v23;
	v25 =	vshll.u32 v12, $0x1  }
0x545: {  	s19 =	simm.s32 $0xBC80;
	s18 =	sor.u32 s0, s26;
	[tilespmem:s28+$0x0] =	vst v10;
	v10 =	vld.idx.msk [tilespmem:v20+s21+$0x0], $0xffff;
	v20 =	vand.u32 $0x7F, v12;
	v19 =	vor.u32 v19, v23;
	v25 =	vand.u32 $0xFFFFFF00, v25  }
0x546: {  	s17 =	sor.u32 s31, s26;
	s16 =	sor.u32 s1, s26;
	[tilespmem:s18+$0x0] =	vst v63;
	s18 =	simm.s32 $0x0;
	v12 =	vld.idx.msk [tilespmem:v22+s21+$0x0], $0xffff;
	v22 =	vadd.s32 $0x1, v21;
	v23 =	vsub.s32 v16, v0;
	v20 =	vor.u32 v20, v25  }
.LBB2_32:
0x547: {  	v24 =	vld [tilespmem:s19+$0x0];
	v21 =	vshll.u32 v21, $0x1;
	v25 =	vshll.u32 v22, $0x1;
	v26 =	vadd.s32 $0x1, v23  }
0x548: {  	v23 =	vshll.u32 v23, $0x1;
	v17 =	vld.idx.msk [tilespmem:v17+s21+$0x0], $0xffff;
	v25 =	vand.u32 $0xFFFFFF00, v25;
	v27 =	vshll.u32 v26, $0x1  }
0x549: {  	v22 =	vand.u32 $0x7F, v22;
	v21 =	vand.u32 $0xFFFFFF00, v21;
	v18 =	vld.idx.msk [tilespmem:v18+s21+$0x0], $0xffff;
	v27 =	vand.u32 $0xFFFFFF00, v27  }
0x54a: {  	v28 =	vand.u32 $0x7F, v15;
	v23 =	vand.u32 $0xFFFFFF00, v23;
	v26 =	vand.u32 $0x7F, v26;
	v19 =	vld.idx.msk [tilespmem:v19+s21+$0x0], $0xffff  }
0x54b: {  	v22 =	vor.u32 v22, v25;
	v25 =	vand.u32 $0x7F, v16;
	v26 =	vor.u32 v26, v27;
	v20 =	vld.idx.msk [tilespmem:v20+s21+$0x0], $0xffff  }
0x54c: {  	v15 =	vcvt.s32.f32 v15;
	v21 =	vor.u32 v28, v21;
	v23 =	vor.u32 v25, v23  }
0x54d: {  	s15 =	sadd.s32 $0x40, s15;
	v11 =	vsub.f32 v11, v10;
	v14 =	vsub.f32 v14, v12;
	v16 =	vcvt.s32.f32 v16  }
0x54e: {  	v7 =	vcvt.s32.f32 v7;
	s6 =	sand.u32 $0x40, s15;
	s22 =	sand.u32 $0x1F80, s15;
	p0 =	slt.u32 s15, $0x1AC0;
	v8 =	vsub.f32 v8, v15;
	v25 =	vtrunc.f32 v24  }
0x54f: {  	v13 =	vcvt.s32.f32 v13;
	s24 =	sor.u32 $0x10, s6;
	s22 =	sadd.s32 $0xBC00, s22;
	s23 =	sor.u32 $0x30, s6;
	v15 =	vmul.f32 v11, v6;
	v9 =	vsub.f32 v9, v16  }
0x550: {  	s26 =	sor.u32 $0x20, s6;
	s25 =	sor.u32 s24, s22;
	s28 =	sor.u32 s23, s22;
	v16 =	vsub.f32 v3, v7;
	v18 =	vsub.f32 v18, v17;
	v11 =	vld.idx.msk [tilespmem:v22+s21+$0x0], $0xffff;
	v22 =	vmul.f32 v14, v5  }
0x551: {  	v13 =	vsub.f32 v4, v13;
	s22 =	sor.u32 s26, s22;
	v6 =	vmovc v8;
	v3 =	vmovc v24;
	v7 =	vcvt.f32.s32 v25;
	v14 =	vsub.f32 v20, v19;
	v4 =	vld [tilespmem:s28+$0x0]  }
0x552: {  	v10 =	vadd.f32 v15, v10;
	v5 =	vmov v9;
	v8 =	vld [tilespmem:s25+$0x0];
	v12 =	vadd.f32 v22, v12  }
0x553: {  	s18 =	sadd.s32 $0x80, s18;
	v15 =	vsub.s32 v7, v0;
	v20 =	vand.u32 $0x7F, v7;
	v13 =	vmul.f32 v14, v13;
	v9 =	vld [tilespmem:s22+$0x0]  }
0x554: {  	v16 =	vmul.f32 v18, v16;
	v22 =	vshll.u32 v15, $0x1;
	v15 =	vadd.s32 $0x1, v15;
	s22 =	sand.u32 $0x3F00, s18;
	v14 =	vld.idx.msk [tilespmem:v26+s21+$0x0], $0xffff;
	[tilespmem:s17+$0x0] =	vst v10  }
0x555: {  	v18 =	vand.u32 $0xFFFFFF00, v22;
	v22 =	vand.u32 $0x7F, v15;
	s22 =	sadd.s32 $0x8600, s22;
	v19 =	vadd.f32 v13, v19;
	v10 =	vld.idx.msk [tilespmem:v21+s21+$0x0], $0xffff;
	[tilespmem:s16+$0x0] =	vst v12  }
0x556: {  	v16 =	vadd.f32 v16, v17;
	v15 =	vshll.u32 v15, $0x1;
	s17 =	sor.u32 s12, s22;
	s16 =	sor.u32 s14, s22;
	s12 =	sor.u32 s13, s22;
	v13 =	vtrunc.f32 v4;
	v12 =	vld.idx.msk [tilespmem:v23+s21+$0x0], $0xffff  }
0x557: {  	v17 =	vor.u32 v20, v18;
	s13 =	sor.u32 s11, s22;
	s11 =	smov.u32 s6;
	v18 =	vtrunc.f32 v8;
	v13 =	vcvt.f32.s32 v13;
	[tilespmem:s12+$0x0] =	vst v19;
	s12 =	smov.u32 s24  }
0x558: {  	s14 =	smov.u32 s26;
	v19 =	vand.u32 $0xFFFFFF00, v15;
	v15 =	vcvt.f32.s32 v18;
	v20 =	vtrunc.f32 v9;
	[tilespmem:s13+$0x0] =	vst v16;
	s13 =	smov.u32 s23  }
.Ltmp15:
0x559: {  	v18 =	vor.u32 v22, v19;
	v16 =	vcvt.f32.s32 v20;
	v19 =	vsub.s32 v13, v0;
	(pc) =	sbr.rel @p0 .LBB2_32-.Ltmp15, $4  }
0x55a: {  	v21 =	vsub.s32 v15, v0;
	v20 =	vshll.u32 v19, $0x1;
	v22 =	vadd.s32 $0x1, v19  }
0x55b: {  	v19 =	vand.u32 $0x7F, v13;
	v20 =	vand.u32 $0xFFFFFF00, v20;
	v23 =	vshll.u32 v22, $0x1  }
0x55c: {  	v19 =	vor.u32 v19, v20;
	v20 =	vand.u32 $0x7F, v22;
	v24 =	vand.u32 $0xFFFFFF00, v23  }
0x55d: {  	s19 =	sadd.s32 $0x40, s19;
	v22 =	vadd.s32 $0x1, v21;
	v23 =	vsub.s32 v16, v0;
	v20 =	vor.u32 v20, v24  }
0x55e: {  	v24 =	vshll.u32 v22, $0x1  }
0x55f: {  	v21 =	vshll.u32 v21, $0x1;
	v25 =	vadd.s32 $0x1, v23;
	v23 =	vshll.u32 v23, $0x1  }
0x560: {  	v22 =	vand.u32 $0x7F, v22;
	v24 =	vand.u32 $0xFFFFFF00, v24;
	v26 =	vshll.u32 v25, $0x1  }
0x561: {  	v25 =	vand.u32 $0x7F, v25;
	v26 =	vand.u32 $0xFFFFFF00, v26;
	v22 =	vor.u32 v22, v24  }
0x562: {  	v17 =	vld.idx.msk [tilespmem:v17+s21+$0x0], $0xffff;
	v21 =	vand.u32 $0xFFFFFF00, v21;
	v24 =	vand.u32 $0x7F, v15;
	v25 =	vor.u32 v25, v26  }
0x563: {  	v18 =	vld.idx.msk [tilespmem:v18+s21+$0x0], $0xffff;
	v23 =	vand.u32 $0xFFFFFF00, v23;
	v26 =	vand.u32 $0x7F, v16;
	v21 =	vor.u32 v24, v21  }
0x564: {  	v19 =	vld.idx.msk [tilespmem:v19+s21+$0x0], $0xffff;
	v23 =	vor.u32 v26, v23  }
0x565: {  	v20 =	vld.idx.msk [tilespmem:v20+s21+$0x0], $0xffff  }
0x566: {  	v22 =	vld.idx.msk [tilespmem:v22+s21+$0x0], $0xffff  }
0x567: {  	v24 =	vld.idx.msk [tilespmem:v25+s21+$0x0], $0xffff  }
0x568: {  	v11 =	vsub.f32 v11, v10;
	v13 =	vcvt.s32.f32 v13;
	v7 =	vcvt.s32.f32 v7;
	v21 =	vld.idx.msk [tilespmem:v21+s21+$0x0], $0xffff  }
0x569: {  	v14 =	vsub.f32 v14, v12;
	v15 =	vcvt.s32.f32 v15;
	v23 =	vld.idx.msk [tilespmem:v23+s21+$0x0], $0xffff  }
0x56a: {  	v6 =	vmul.f32 v11, v6;
	v4 =	vsub.f32 v4, v13;
	v3 =	vsub.f32 v3, v7  }
0x56b: {  	v5 =	vmul.f32 v14, v5;
	v8 =	vsub.f32 v8, v15;
	v11 =	vsub.f32 v20, v19  }
0x56c: {  	v16 =	vcvt.s32.f32 v16;
	v6 =	vadd.f32 v6, v10;
	v7 =	vsub.f32 v18, v17  }
0x56d: {  	s6 =	sadd.s32 $0x80, s18;
	v5 =	vadd.f32 v5, v12;
	v4 =	vmul.f32 v11, v4;
	v10 =	vsub.f32 v22, v21  }
0x56e: {  	s6 =	sand.u32 $0x3F00, s6;
	v9 =	vsub.f32 v9, v16;
	v3 =	vmul.f32 v7, v3;
	v7 =	vsub.f32 v24, v23  }
0x56f: {  	s6 =	sadd.s32 $0x8600, s6;
	[tilespmem:s17+$0x0] =	vst v6;
	v4 =	vadd.f32 v4, v19;
	v6 =	vmul.f32 v10, v8  }
0x570: {  	s13 =	sor.u32 s13, s6;
	[tilespmem:s16+$0x0] =	vst v5;
	v3 =	vadd.f32 v3, v17;
	v5 =	vmul.f32 v7, v9  }
0x571: {  	s11 =	sor.u32 s11, s6;
	[tilespmem:s13+$0x0] =	vst v4;
	v4 =	vadd.f32 v6, v21  }
0x572: {  	s12 =	sor.u32 s12, s6;
	[tilespmem:s11+$0x0] =	vst v3;
	v3 =	vadd.f32 v5, v23  }
0x573: {  	s6 =	sor.u32 s14, s6;
	[tilespmem:s12+$0x0] =	vst v4  }
0x574: {  	[tilespmem:s6+$0x0] =	vst v3  }
0x575: {  	v3 =	vld [tilespmem:s7+$0x0]  }
0x576: {  	v4 =	vld [tilespmem:s9+$0x0];
	_ =	sdelay $0x4  }
0x577: {  	v5 =	vtrunc.f32 v3;
	v10 =	vtrunc.f32 v4  }
0x578: {  	v5 =	vcvt.f32.s32 v5;
	v10 =	vcvt.f32.s32 v10;
	_ =	sdelay $0x1  }
0x579: {  	v6 =	vld [tilespmem:s10+$0x0];
	v7 =	vsub.s32 v5, v0;
	v8 =	vand.u32 $0x7F, v5;
	v13 =	vsub.s32 v10, v0  }
0x57a: {  	v11 =	vld [tilespmem:s8+$0x0];
	v15 =	vand.u32 $0x7F, v10;
	v5 =	vcvt.s32.f32 v5;
	v9 =	vshll.u32 v7, $0x1  }
0x57b: {  	v7 =	vadd.s32 $0x1, v7;
	v14 =	vshll.u32 v13, $0x1;
	v13 =	vadd.s32 $0x1, v13  }
0x57c: {  	v9 =	vand.u32 $0xFFFFFF00, v9;
	v12 =	vand.u32 $0x7F, v7;
	v7 =	vshll.u32 v7, $0x1  }
0x57d: {  	v14 =	vand.u32 $0xFFFFFF00, v14;
	v16 =	vshll.u32 v13, $0x1;
	v13 =	vand.u32 $0x7F, v13  }
0x57e: {  	v8 =	vor.u32 v9, v8;
	v9 =	vtrunc.f32 v6;
	v14 =	vor.u32 v14, v15  }
0x57f: {  	v15 =	vand.u32 $0xFFFFFF00, v16;
	v16 =	vtrunc.f32 v11;
	v7 =	vand.u32 $0xFFFFFF00, v7  }
0x580: {  	v8 =	vor.u32 $0x80, v8;
	v9 =	vcvt.f32.s32 v9;
	v14 =	vor.u32 $0x80, v14  }
0x581: {  	v13 =	vor.u32 v15, v13;
	v15 =	vcvt.f32.s32 v16;
	v7 =	vor.u32 v7, v12  }
0x582: {  	v5 =	vsub.f32 v3, v5;
	v13 =	vor.u32 $0x80, v13;
	v7 =	vor.u32 $0x80, v7  }
0x583: {  	v12 =	vsub.s32 v9, v0;
	v16 =	vsub.s32 v15, v0;
	v20 =	vand.u32 $0x7F, v9  }
0x584: {  	v21 =	vld [tilespmem:s5+$0x0];
	v22 =	vand.u32 $0x7F, v15;
	v9 =	vcvt.s32.f32 v9;
	v17 =	vadd.s32 $0x1, v12  }
0x585: {  	v3 =	vadd.s32 $0x1, v16;
	v16 =	vshll.u32 v16, $0x1;
	v18 =	vshll.u32 v17, $0x1;
	v19 =	vld.idx.msk [tilespmem:v8+s21+$0x0], $0xffff  }
0x586: {  	v17 =	vand.u32 $0x7F, v17;
	v16 =	vand.u32 $0xFFFFFF00, v16;
	v8 =	vshll.u32 v12, $0x1;
	v14 =	vld.idx.msk [tilespmem:v14+s21+$0x0], $0xffff  }
0x587: {  	v12 =	vshll.u32 v3, $0x1;
	v18 =	vand.u32 $0xFFFFFF00, v18;
	v3 =	vand.u32 $0x7F, v3;
	v13 =	vld.idx.msk [tilespmem:v13+s21+$0x0], $0xffff  }
0x588: {  	v16 =	vor.u32 v16, v22;
	v12 =	vand.u32 $0xFFFFFF00, v12;
	v8 =	vand.u32 $0xFFFFFF00, v8;
	v7 =	vld.idx.msk [tilespmem:v7+s21+$0x0], $0xffff  }
0x589: {  	s10 =	simm.s32 $0x40;
	v17 =	vor.u32 v18, v17;
	v8 =	vor.u32 v8, v20;
	v3 =	vor.u32 v12, v3  }
0x58a: {  	s5 =	sand.u32 $0x40, s10;
	s25 =	sand.u32 $0x1F80, s10;
	v12 =	vor.u32 $0x80, v17;
	v17 =	vor.u32 $0x80, v3;
	v3 =	vcvt.s32.f32 v10  }
0x58b: {  	s6 =	sadd.s32 $0xBC00, s25;
	s8 =	sor.u32 $0x30, s5;
	v10 =	vor.u32 $0x80, v8;
	v8 =	vcvt.s32.f32 v15;
	v15 =	vtrunc.f32 v21  }
0x58c: {  	s26 =	sor.u32 s8, s6;
	v15 =	vcvt.f32.s32 v15;
	v18 =	vsub.f32 v4, v3;
	v4 =	vsub.f32 v6, v9  }
0x58d: {  	s7 =	sor.u32 $0x10, s5;
	v20 =	vor.u32 $0x80, v16;
	v6 =	vld [tilespmem:s26+$0x0];
	v13 =	vsub.f32 v13, v14;
	v16 =	vsub.f32 v7, v19  }
0x58e: {  	s9 =	sor.u32 $0x20, s5;
	s28 =	sor.u32 s7, s6;
	v3 =	vsub.f32 v11, v8;
	v11 =	vcvt.s32.f32 v15  }
0x58f: {  	s6 =	sor.u32 s9, s6;
	v7 =	vld [tilespmem:s28+$0x0];
	v9 =	vmul.f32 v13, v18;
	v13 =	vsub.s32 v15, v0;
	v16 =	vmul.f32 v16, v5  }
0x590: {  	v8 =	vld [tilespmem:s6+$0x0];
	v15 =	vand.u32 $0x7F, v15;
	v5 =	vsub.f32 v21, v11;
	v18 =	vshll.u32 v13, $0x1  }
0x591: {  	v22 =	vadd.f32 v9, v14;
	v9 =	vadd.s32 $0x1, v13;
	v19 =	vadd.f32 v16, v19  }
0x592: {  	v11 =	vand.u32 $0xFFFFFF00, v18;
	v14 =	vtrunc.f32 v6;
	v13 =	vand.u32 $0x7F, v9  }
0x593: {  	v9 =	vshll.u32 v9, $0x1;
	v11 =	vor.u32 v11, v15;
	v14 =	vcvt.f32.s32 v14  }
0x594: {  	v9 =	vand.u32 $0xFFFFFF00, v9;
	v18 =	vor.u32 $0x80, v11;
	v11 =	vtrunc.f32 v7  }
0x595: {  	v9 =	vor.u32 v9, v13;
	v16 =	vcvt.f32.s32 v11;
	v11 =	vtrunc.f32 v8  }
0x596: {  	v24 =	vand.u32 $0x7F, v14;
	v21 =	vor.u32 $0x80, v9;
	v9 =	vsub.s32 v14, v0  }
0x597: {  	v15 =	vcvt.f32.s32 v11;
	v11 =	vshll.u32 v9, $0x1;
	v23 =	vadd.s32 $0x1, v9  }
0x598: {  	s4 =	sadd.s32 $0x8680, s4;
	v13 =	vsub.s32 v16, v0;
	v11 =	vand.u32 $0xFFFFFF00, v11;
	v25 =	vshll.u32 v23, $0x1  }
0x599: {  	s0 =	sor.u32 s0, s4;
	v9 =	vld.idx.msk [tilespmem:v12+s21+$0x0], $0xffff;
	v23 =	vand.u32 $0x7F, v23;
	v12 =	vor.u32 v11, v24;
	v24 =	vand.u32 $0xFFFFFF00, v25  }
0x59a: {  	v10 =	vld.idx.msk [tilespmem:v10+s21+$0x0], $0xffff;
	[tilespmem:s0+$0x0] =	vst v19;
	v19 =	vand.u32 $0x7F, v16;
	v25 =	vor.u32 $0x80, v12;
	v12 =	vor.u32 v24, v23  }
0x59b: {  	v11 =	vld.idx.msk [tilespmem:v17+s21+$0x0], $0xffff;
	v17 =	vsub.s32 v15, v0;
	v23 =	vadd.s32 $0x1, v13;
	v26 =	vor.u32 $0x80, v12  }
0x59c: {  	v24 =	vadd.s32 $0x1, v17;
	v17 =	vshll.u32 v17, $0x1;
	v12 =	vld.idx.msk [tilespmem:v20+s21+$0x0], $0xffff;
	v20 =	vshll.u32 v13, $0x1  }
0x59d: {  	v27 =	vshll.u32 v23, $0x1;
	v28 =	vshll.u32 v24, $0x1;
	v13 =	vld.idx.msk [tilespmem:v18+s21+$0x0], $0xffff;
	v23 =	vand.u32 $0x7F, v23  }
0x59e: {  	s3 =	sor.u32 s3, s4;
	v18 =	vld.idx.msk [tilespmem:v21+s21+$0x0], $0xffff;
	v21 =	vand.u32 $0x7F, v15;
	v29 =	vand.u32 $0x7F, v24;
	v27 =	vand.u32 $0xFFFFFF00, v27  }
0x59f: {  	[tilespmem:s3+$0x0] =	vst v22;
	v28 =	vand.u32 $0xFFFFFF00, v28;
	v22 =	vand.u32 $0xFFFFFF00, v20;
	v20 =	vand.u32 $0xFFFFFF00, v17;
	v17 =	vld.idx.msk [tilespmem:v25+s21+$0x0], $0xffff  }
0x5a0: {  	s3 =	sor.u32 s31, s4;
	s0 =	sor.u32 s1, s4;
	s1 =	simm.s32 $0xBC80;
	v22 =	vor.u32 v22, v19;
	v24 =	vor.u32 v27, v23;
	v23 =	vor.u32 v28, v29;
	v19 =	vld.idx.msk [tilespmem:v26+s21+$0x0], $0xffff  }
.LBB2_34:
0x5a1: {  	v25 =	vld [tilespmem:s1+$0x0];
	v24 =	vor.u32 $0x80, v24;
	v20 =	vor.u32 v20, v21;
	v21 =	vor.u32 $0x80, v23  }
0x5a2: {  	v16 =	vcvt.s32.f32 v16;
	v22 =	vor.u32 $0x80, v22;
	v20 =	vor.u32 $0x80, v20  }
0x5a3: {  	v15 =	vcvt.s32.f32 v15;
	v9 =	vsub.f32 v9, v10;
	v11 =	vsub.f32 v11, v12  }
0x5a4: {  	s10 =	sadd.s32 $0x40, s10;
	v14 =	vcvt.s32.f32 v14;
	v18 =	vsub.f32 v18, v13;
	v7 =	vsub.f32 v7, v16  }
0x5a5: {  	s4 =	sand.u32 $0x40, s10;
	s6 =	sand.u32 $0x1F80, s10;
	p0 =	slt.u32 s10, $0x1AC0;
	v16 =	vmul.f32 v9, v4;
	v23 =	vmul.f32 v11, v3;
	v3 =	vsub.f32 v8, v15  }
0x5a6: {  	s11 =	sor.u32 $0x10, s4;
	s6 =	sadd.s32 $0xBC00, s6;
	s12 =	sor.u32 $0x30, s4;
	v14 =	vsub.f32 v6, v14;
	v15 =	vsub.f32 v19, v17;
	v4 =	vmovc v7;
	v8 =	vtrunc.f32 v25;
	v9 =	vld.idx.msk [tilespmem:v24+s21+$0x0], $0xffff  }
0x5a7: {  	s14 =	sor.u32 $0x20, s4;
	s13 =	sor.u32 s11, s6;
	s15 =	sor.u32 s12, s6;
	v10 =	vadd.f32 v16, v10;
	v12 =	vadd.f32 v23, v12;
	v8 =	vcvt.f32.s32 v8;
	v11 =	vld.idx.msk [tilespmem:v21+s21+$0x0], $0xffff  }
0x5a8: {  	s30 =	sadd.s32 $0x80, s30;
	s6 =	sor.u32 s14, s6;
	v14 =	vmul.f32 v15, v14;
	v6 =	vld [tilespmem:s15+$0x0]  }
0x5a9: {  	v18 =	vmul.f32 v18, v5;
	v15 =	vcvt.s32.f32 v8;
	v16 =	vsub.s32 v8, v0;
	v7 =	vld [tilespmem:s13+$0x0];
	s13 =	sand.u32 $0x3F00, s30;
	[tilespmem:s3+$0x0] =	vst v10  }
0x5aa: {  	v19 =	vand.u32 $0x7F, v8;
	v14 =	vadd.f32 v14, v17;
	v21 =	vshll.u32 v16, $0x1;
	v8 =	vld [tilespmem:s6+$0x0];
	s6 =	sadd.s32 $0x8680, s13;
	[tilespmem:s0+$0x0] =	vst v12  }
0x5ab: {  	v13 =	vadd.f32 v18, v13;
	v12 =	vadd.s32 $0x1, v16;
	v5 =	vsub.f32 v25, v15;
	v10 =	vld.idx.msk [tilespmem:v22+s21+$0x0], $0xffff;
	s3 =	sor.u32 s7, s6;
	s0 =	sor.u32 s9, s6;
	s7 =	sor.u32 s8, s6  }
0x5ac: {  	v15 =	vand.u32 $0xFFFFFF00, v21;
	v16 =	vand.u32 $0x7F, v12;
	v17 =	vshll.u32 v12, $0x1;
	s6 =	sor.u32 s5, s6;
	s5 =	smov.u32 s4;
	v12 =	vld.idx.msk [tilespmem:v20+s21+$0x0], $0xffff;
	[tilespmem:s7+$0x0] =	vst v14;
	s7 =	smov.u32 s11  }
0x5ad: {  	s8 =	smov.u32 s12;
	s9 =	smov.u32 s14;
	v14 =	vor.u32 v15, v19;
	v15 =	vand.u32 $0xFFFFFF00, v17;
	v17 =	vtrunc.f32 v6;
	[tilespmem:s6+$0x0] =	vst v13  }
0x5ae: {  	v13 =	vor.u32 $0x80, v14;
	v18 =	vtrunc.f32 v7;
	v14 =	vcvt.f32.s32 v17  }
0x5af: {  	v15 =	vor.u32 v15, v16;
	v16 =	vcvt.f32.s32 v18;
	v17 =	vtrunc.f32 v8  }
0x5b0: {  	v18 =	vor.u32 $0x80, v15;
	v15 =	vcvt.f32.s32 v17;
	v17 =	vsub.s32 v14, v0  }
0x5b1: {  	v19 =	vsub.s32 v16, v0;
	v20 =	vshll.u32 v17, $0x1;
	v17 =	vadd.s32 $0x1, v17  }
0x5b2: {  	v21 =	vand.u32 $0x7F, v14;
	v20 =	vand.u32 $0xFFFFFF00, v20;
	v22 =	vshll.u32 v17, $0x1  }
0x5b3: {  	v17 =	vand.u32 $0x7F, v17;
	v20 =	vor.u32 v20, v21;
	v21 =	vand.u32 $0xFFFFFF00, v22  }
0x5b4: {  	v22 =	vsub.s32 v15, v0;
	v23 =	vor.u32 $0x80, v20;
	v17 =	vor.u32 v21, v17  }
0x5b5: {  	v20 =	vadd.s32 $0x1, v19;
	v24 =	vadd.s32 $0x1, v22;
	v25 =	vor.u32 $0x80, v17  }
.Ltmp16:
0x5b6: {  	v17 =	vshll.u32 v19, $0x1;
	v19 =	vshll.u32 v20, $0x1;
	v21 =	vshll.u32 v24, $0x1;
	(pc) =	sbr.rel @p0 .LBB2_34-.Ltmp16, $4  }
0x5b7: {  	v22 =	vshll.u32 v22, $0x1;
	v19 =	vand.u32 $0xFFFFFF00, v19;
	v26 =	vand.u32 $0xFFFFFF00, v21;
	v13 =	vld.idx.msk [tilespmem:v13+s21+$0x0], $0xffff  }
0x5b8: {  	v28 =	vand.u32 $0x7F, v20;
	v20 =	vand.u32 $0xFFFFFF00, v22;
	v27 =	vand.u32 $0xFFFFFF00, v17;
	v18 =	vld.idx.msk [tilespmem:v18+s21+$0x0], $0xffff  }
0x5b9: {  	v22 =	vand.u32 $0x7F, v16;
	v29 =	vand.u32 $0x7F, v24;
	v21 =	vand.u32 $0x7F, v15;
	v17 =	vld.idx.msk [tilespmem:v23+s21+$0x0], $0xffff  }
0x5ba: {  	s1 =	sadd.s32 $0x40, s1;
	v22 =	vor.u32 v27, v22;
	v24 =	vor.u32 v19, v28;
	v23 =	vor.u32 v26, v29;
	v19 =	vld.idx.msk [tilespmem:v25+s21+$0x0], $0xffff  }
0x5bb: {  	v24 =	vor.u32 $0x80, v24  }
0x5bc: {  	v23 =	vor.u32 $0x80, v23  }
0x5bd: {  	v20 =	vor.u32 v20, v21;
	v55 =	vor.u32 $0x80, v22  }
0x5be: {  	v20 =	vor.u32 $0x80, v20;
	_ =	sdelay $0x1  }
0x5bf: {  	v56 =	vld.idx.msk [tilespmem:v24+s21+$0x0], $0xffff  }
0x5c0: {  	v23 =	vld.idx.msk [tilespmem:v23+s21+$0x0], $0xffff  }
0x5c1: {  	v21 =	vld.idx.msk [tilespmem:v55+s21+$0x0], $0xffff  }
0x5c2: {  	v16 =	vcvt.s32.f32 v16;
	v14 =	vcvt.s32.f32 v14;
	v11 =	vsub.f32 v11, v12;
	v20 =	vld.idx.msk [tilespmem:v20+s21+$0x0], $0xffff  }
0x5c3: {  	v9 =	vsub.f32 v9, v10;
	v15 =	vcvt.s32.f32 v15;
	v18 =	vsub.f32 v18, v13  }
0x5c4: {  	v6 =	vsub.f32 v6, v14;
	v7 =	vsub.f32 v7, v16;
	v3 =	vmul.f32 v11, v3  }
0x5c5: {  	v4 =	vmul.f32 v9, v4;
	v8 =	vsub.f32 v8, v15;
	v57 =	vsub.f32 v19, v17  }
0x5c6: {  	s1 =	sadd.s32 $0x80, s30;
	v3 =	vadd.f32 v3, v12;
	v5 =	vmul.f32 v18, v5;
	v58 =	vsub.f32 v56, v21  }
0x5c7: {  	s1 =	sand.u32 $0x3F00, s1;
	v4 =	vadd.f32 v4, v10;
	v6 =	vmul.f32 v57, v6;
	v59 =	vsub.f32 v23, v20  }
0x5c8: {  	s1 =	sadd.s32 $0x8680, s1;
	[tilespmem:s0+$0x0] =	vst v3;
	v3 =	vadd.f32 v5, v13;
	v61 =	vmul.f32 v58, v7  }
0x5c9: {  	s24 =	sor.u32 s5, s1;
	[tilespmem:s3+$0x0] =	vst v4;
	v60 =	vadd.f32 v6, v17;
	v62 =	vmul.f32 v59, v8  }
0x5ca: {  	s23 =	sor.u32 s8, s1;
	[tilespmem:s24+$0x0] =	vst v3;
	v63 =	vadd.f32 v61, v21  }
0x5cb: {  	s25 =	sor.u32 s7, s1;
	[tilespmem:s23+$0x0] =	vst v60;
	v3 =	vadd.f32 v62, v20  }
0x5cc: {  	s1 =	sor.u32 s9, s1;
	[tilespmem:s25+$0x0] =	vst v63  }
0x5cd: {  	[tilespmem:s1+$0x0] =	vst v3  }
0x5ce: {  	s26 =	simm.s32 $0x8600;
	s28 =	simm.s32 $0x3;
	s0 =	rddreg [dreg:$0x12]  }
0x5cf: {  	[hbm4b:s0+s2] =	stream.linear.scatter [tilespmem:s26], [sflag:$0x4], $0x3600, $0x38;
	[tilespmem:$0xD700] =	vst v63  }
0x5d0: {  	_ =	swait.ge [sflag:s28], $0x3600  }
0x5d1: {  	[sflag:s28] =	ssyncset.done $0x0  }
0x5d2: {  	s30 =	simm.s32 $0x4;
	[sflag:s28] =	ssyncadd.s32 $0xFFFFCA00  }
0x5d3: {  	_ =	swait.ge [sflag:s30], $0x3600  }
0x5d4: {  	s29 =	sadd.s32 $0x1, s29;
	s31 =	rddreg [dreg:$0x13]  }
0x5d5: {  	p0 =	sne.s32 s29, s31  }
.Ltmp17:
0x5d6: {  	_ = 	snop;
	(pc) =	sbr.rel @p0 .LBB2_1-.Ltmp17, $3  }
0x5d7: {  	_ =	sdelay $0x1  }
0x5d8: {  	[sflag:s30] =	ssyncset.done $0x0  }
0x5d9: {  	[sflag:s30] =	ssyncadd.s32 $0xFFFFCA00  }
0x5da: {  	_ =	sfence.sel $0x180000  }
0x5db: {  	[bflag:$0x0] =	sbarrier.arrive $0xFFFF  }
0x5dc: {  	_ =	strace $0x90000047  }
0x5dd: {  	s0 =	stileid.u32;
	[bflag:$0x2] =	sbarrier.arrive $0xFFFF  }
0x5de: {  	p0 =	sne.s32 s0, $0x0;
	s0 =	rddreg [dreg:$0x2]  }
0x5df: {  	s0 =	sadd.s32 @!p0 $0x100000, s0  }
0x5e0: {  	[sflag:s0] =	ssyncadd.tile.s32 @!p0 $0x1;
	_ =	shalt  }
.Lfunc_end2:
_tile_overlayer_lowered:
.L_overlay_start_2:
0x5e1: {  	(tag) =	ssettag $0x2  }
0x5e2: {  	s0 =	rddreg [dreg:$0x0];
	s2 =	stileid.u32  }
0x5e3: {  	s1 =	rddreg [dreg:$0x1];
	p0 =	sne.s32 s2, $0x0  }
0x5e4: {  	s3 =	rddreg [dreg:$0x2];
	[bflag:$0x3] =	sbarrier.arrive $0xFFFF;
	s2 =	simm.s32 @!p0 $0x1C05  }
0x5e5: {  	[timem:s3], [sflag:s2] =	dma.local @!p0 [hbm:s0], s1  }
0x5e6: {  	s0 =	simm.s32 @!p0 $0x5  }
0x5e7: {  	_ =	swait.ge @!p0 [sflag:s0], s1  }
0x5e8: {  	s1 =	ssub.s32 @!p0 $0x0, s1;
	[sflag:s0] =	ssyncset.done @!p0 $0x0  }
0x5e9: {  	[sflag:s0] =	ssyncadd.s32 @!p0 s1  }
0x5ea: {  	[bflag:$0x3] =	sbarrier.arrive $0xFFFF  }
0x5eb: {  	_ =	shalt  }

</sc_bundles>
